<compile_context>
chip_gen: v7x
topology: tpu7x:2x2x1
jax: 0.10.2.dev20260603
libtpu: 0.0.44.dev20260713+nightly
codegen_flags: <defaults>
</compile_context>

<pallas_src>
import jax
import jax.numpy as jnp
from jax import lax
from jax.experimental import pallas as pl
from jax.experimental.pallas import tpu as pltpu
from jax.experimental.pallas import tpu_sc as plsc

VOCAB = 100000
EMBED = 64
NUM_POS = 200
BATCH = 4096
SEQ = 200

NC = 2
NS = 16
NW = NC * NS

BW = BATCH // NW
DT = EMBED // 8
BT = BATCH // 128


def _body(idst_hbm, pos_hbm, table_hbm, out_hbm,
          idst_v, pos_v, rowsb, trb, gsems, ssems):
    wid = lax.axis_index("s") * NC + lax.axis_index("c")
    b0 = wid * BW

    pltpu.sync_copy(idst_hbm.at[:, pl.ds(b0, BW)], idst_v)
    pltpu.sync_copy(pos_hbm, pos_v)

    iota = lax.iota(jnp.int32, 16)
    dt_vecs = [(dg * 16 + iota) >> 3 for dg in range(4)]
    di_vecs = [(dg * 16 + iota) & 7 for dg in range(4)]

    def start_gather(s, rb):
        return pltpu.async_copy(
            table_hbm.at[idst_v.at[s]], rowsb[rb], gsems[rb])

    def wait_gather(s, rb):
        pltpu.make_async_copy(
            table_hbm.at[idst_v.at[s]], rowsb[rb], gsems[rb]).wait()

    def store(s, tb):
        return pltpu.make_async_copy(
            trb[tb].at[:, :, pl.ds(0, 128)], out_hbm.at[s, :, wid], ssems[tb])

    def transpose_add(s, rb, tb):
        rows = rowsb[rb]
        tr = trb[tb]
        p = [pos_v[s, pl.ds(dg * 16, 16)] for dg in range(4)]

        def jstep(j, _):
            jv = jnp.full((16,), j, jnp.int32)
            for dg in range(4):
                v = rows[j, pl.ds(dg * 16, 16)] + p[dg]
                plsc.store_scatter(tr, [dt_vecs[dg], di_vecs[dg], jv], v)
            return ()

        lax.fori_loop(0, BW, jstep, (), unroll=8)

    def process(s, rb, tb, do_wait_s, do_gather):
        wait_gather(s, rb)
        if do_gather:
            start_gather(s + 1, 1 - rb)
        if do_wait_s:
            store(s - 2, tb).wait()
        transpose_add(s, rb, tb)
        store(s, tb).start()

    start_gather(0, 0)
    process(0, 0, 0, False, True)
    process(1, 1, 1, False, True)

    def pair(t, _):
        s = 2 * t + 2
        process(s, 0,0, True, True)
        process(s + 1, 1, 1, True, True)
        return ()

    lax.fori_loop(0, (SEQ - 4) // 2, pair, ())

    process(SEQ - 2, 0, 0, True, True)
    process(SEQ - 1, 1, 1, True, False)
    store(SEQ - 2, 0).wait()
    store(SEQ - 1, 1).wait()


@jax.jit
def _run(idst, token_table, pos_table):
    kern = pl.kernel(
        _body,
        out_type=jax.ShapeDtypeStruct((SEQ, DT, BT, 8, 128), jnp.float32),
        mesh=plsc.VectorSubcoreMesh(core_axis_name="c", subcore_axis_name="s"),
        scratch_types=[
            pltpu.VMEM((SEQ, BW), jnp.int32),
            pltpu.VMEM((NUM_POS, EMBED), jnp.float32),
            [pltpu.VMEM((BW, EMBED), jnp.float32) for _ in range(2)],
            [pltpu.VMEM((DT, 8, 129), jnp.float32) for _ in range(2)],
            [pltpu.SemaphoreType.DMA for _ in range(2)],
            [pltpu.SemaphoreType.DMA for _ in range(2)],
        ],
        compiler_params=pltpu.CompilerParams(
            use_tc_tiling_on_sc=False, needs_layout_passes=False),
    )
    o = kern(idst, pos_table, token_table)
    return o.transpose((2, 4, 0, 1, 3)).reshape(BATCH, SEQ, EMBED)


def kernel(input_ids, token_table, pos_table):
    return _run(input_ids.astype(jnp.int32).T, token_table, pos_table)

# --- scband reference (transcript-rebuilt; emitter-appended) ---
"""Pipeline reference for scband-clipembeddings-12790412607497 (READ-ONLY COPY).

The authoritative reference and input builder live on the scoring server;
editing this copy changes nothing except your own understanding.
"""

import jax, jax.numpy as jnp
import numpy as np

VOCAB = 100000
EMBED = 64
NUM_POS = 200
BATCH = 4096
SEQ = 200

def setup_inputs(seed: int = 0) -> dict:
    key = jax.random.key(seed)
    k1, k2, k3 = jax.random.split(key, 3)
    input_ids = jax.random.randint(k1, (BATCH, SEQ), 0, VOCAB, dtype=jnp.int64 if jax.config.jax_enable_x64 else jnp.int32)
    token_table = jax.random.normal(k2, (VOCAB, EMBED), dtype=jnp.float32) * 0.02
    pos_table = jax.random.normal(k3, (NUM_POS, EMBED), dtype=jnp.float32) * 0.02
    return {"input_ids": input_ids, "token_table": token_table, "pos_table": pos_table}

def reference(input_ids, token_table, pos_table):
    # positions = arange(seq_len), broadcast over batch
    seq_len = input_ids.shape[1]
    positions = jnp.arange(seq_len)[None, :]  # [1, S]
    tok = jnp.take(token_table, input_ids, axis=0)      # [B, S, D]
    pos = jnp.take(pos_table, positions, axis=0)         # [1, S, D]
    return tok + pos

if __name__ == "__main__":
    import jax
    _d = setup_inputs()
    print(jax.jit(kernel)(*tuple(_d.values())))

</pallas_src>

<mosaic_0001>
#map = affine_map<(d0, d1) -> (0, 0)>
#map1 = affine_map<(d0, d1) -> (0, 0, 0, 0, 0)>
module attributes {stable_mosaic.version = 14 : i64} {
  func.func @_body(%arg0: i32, %arg1: i32, %arg2: memref<200x4096xi32, #tpu.memory_space<hbm>>, %arg3: memref<200x64xf32, #tpu.memory_space<hbm>>, %arg4: memref<100000x64xf32, #tpu.memory_space<hbm>>, %arg5: memref<200x8x32x8x128xf32, #tpu.memory_space<hbm>>, %arg6: memref<200x128xi32, #tpu.memory_space<vmem>>, %arg7: memref<200x64xf32, #tpu.memory_space<vmem>>, %arg8: memref<128x64xf32, #tpu.memory_space<vmem>>, %arg9: memref<128x64xf32, #tpu.memory_space<vmem>>, %arg10: memref<8x8x129xf32, #tpu.memory_space<vmem>>, %arg11: memref<8x8x129xf32, #tpu.memory_space<vmem>>, %arg12: memref<!tpu.dma_semaphore, #tpu.memory_space<semaphore_mem>>, %arg13: memref<!tpu.dma_semaphore, #tpu.memory_space<semaphore_mem>>, %arg14: memref<!tpu.dma_semaphore, #tpu.memory_space<semaphore_mem>>, %arg15: memref<!tpu.dma_semaphore, #tpu.memory_space<semaphore_mem>>) attributes {dimension_semantics = [#tpu.dimension_semantics<core_parallel>, #tpu.dimension_semantics<subcore_parallel>], iteration_bounds = array<i64: 2, 16>, scalar_prefetch = 0 : i64, scratch_operands = 10 : i64, tpu.core_type = #tpu.core_type<sc_vector_subcore>, window_params = [{transform_indices = #map}, {transform_indices = #map}, {transform_indices = #map}, {transform_indices = #map1}]} {
    %mul3A = arith.constant 2 : i32
    %mul3A_0 = arith.muli %arg1, %mul3A : i32
    %add3A = arith.addi %mul3A_0, %arg0 : i32
    %mul3A_1 = arith.constant 128 : i32
    %mul3A_2 = arith.muli %add3A, %mul3A_1 : i32
    "tpu.region"() ({
      %run_scoped3A = tpu.sem_alloc : memref<!tpu.dma_semaphore, #tpu.memory_space<semaphore_mem>>
      %dma_start3A_342 = arith.constant 0 : i32
      %dma_start3A_343 = tpu.memref_slice %arg2[%dma_start3A_342, %mul3A_2] : memref<200x4096xi32, #tpu.memory_space<hbm>> -> memref<200x128xi32, #tpu.memory_space<hbm>>
      %dma_start3A_344 = arith.constant 0 : i32
      %dma_start3A_345 = tpu.memref_slice %arg2[%dma_start3A_344, %mul3A_2] : memref<200x4096xi32, #tpu.memory_space<hbm>> -> memref<200x128xi32, #tpu.memory_space<hbm>>
      tpu.enqueue_dma source(%dma_start3A_345 : memref<200x128xi32, #tpu.memory_space<hbm>>) target(%arg6 : memref<200x128xi32, #tpu.memory_space<vmem>>) target_semaphore(%run_scoped3A : memref<!tpu.dma_semaphore, #tpu.memory_space<semaphore_mem>>)
      %dma_wait3A_346 = arith.constant 0 : i32
      %dma_wait3A_347 = tpu.memref_slice %arg2[%dma_wait3A_346, %mul3A_2] : memref<200x4096xi32, #tpu.memory_space<hbm>> -> memref<200x128xi32, #tpu.memory_space<hbm>>
      %dma_wait3A_348 = arith.constant 0 : i32
      %dma_wait3A_349 = tpu.memref_slice %arg2[%dma_wait3A_348, %mul3A_2] : memref<200x4096xi32, #tpu.memory_space<hbm>> -> memref<200x128xi32, #tpu.memory_space<hbm>>
      tpu.wait_dma2 semaphore(%run_scoped3A : memref<!tpu.dma_semaphore, #tpu.memory_space<semaphore_mem>>) src(%dma_wait3A_349 : memref<200x128xi32, #tpu.memory_space<hbm>>) dst(%arg6 : memref<200x128xi32, #tpu.memory_space<vmem>>)
      tpu.yield
    }) : () -> ()
    "tpu.region"() ({
      %run_scoped3A = tpu.sem_alloc : memref<!tpu.dma_semaphore, #tpu.memory_space<semaphore_mem>>
      tpu.enqueue_dma source(%arg3 : memref<200x64xf32, #tpu.memory_space<hbm>>) target(%arg7 : memref<200x64xf32, #tpu.memory_space<vmem>>) target_semaphore(%run_scoped3A : memref<!tpu.dma_semaphore, #tpu.memory_space<semaphore_mem>>)
      tpu.wait_dma2 semaphore(%run_scoped3A : memref<!tpu.dma_semaphore, #tpu.memory_space<semaphore_mem>>) src(%arg3 : memref<200x64xf32, #tpu.memory_space<hbm>>) dst(%arg7 : memref<200x64xf32, #tpu.memory_space<vmem>>)
      tpu.yield
    }) : () -> ()
    %iota3A = tpu.iota {dimensions = array<i32: 0>} : vector<16xi32>
    %add3A_3 = arith.constant 0 : i32
    %add3A_4 = vector.broadcast %add3A_3 : i32 to vector<16xi32>
    %add3A_5 = arith.addi %add3A_4, %iota3A : vector<16xi32>
    %shift_right_arithmetic3A = arith.constant 3 : i32
    %shift_right_arithmetic3A_6 = vector.broadcast %shift_right_arithmetic3A : i32 to vector<16xi32>
    %shift_right_arithmetic3A_7 = arith.shrsi %add3A_5, %shift_right_arithmetic3A_6 : vector<16xi32>
    %add3A_8 = arith.constant 16 : i32
    %add3A_9 = vector.broadcast %add3A_8 : i32 to vector<16xi32>
    %add3A_10 = arith.addi %add3A_9, %iota3A : vector<16xi32>
    %shift_right_arithmetic3A_11 = arith.constant 3 : i32
    %shift_right_arithmetic3A_12 = vector.broadcast %shift_right_arithmetic3A_11 : i32 to vector<16xi32>
    %shift_right_arithmetic3A_13 = arith.shrsi %add3A_10, %shift_right_arithmetic3A_12 : vector<16xi32>
    %add3A_14 = arith.constant 32 : i32
    %add3A_15 = vector.broadcast %add3A_14 : i32 to vector<16xi32>
    %add3A_16 = arith.addi %add3A_15, %iota3A : vector<16xi32>
    %shift_right_arithmetic3A_17 = arith.constant 3 : i32
    %shift_right_arithmetic3A_18 = vector.broadcast %shift_right_arithmetic3A_17 : i32 to vector<16xi32>
    %shift_right_arithmetic3A_19 = arith.shrsi %add3A_16, %shift_right_arithmetic3A_18 : vector<16xi32>
    %add3A_20 = arith.constant 48 : i32
    %add3A_21 = vector.broadcast %add3A_20 : i32 to vector<16xi32>
    %add3A_22 = arith.addi %add3A_21, %iota3A : vector<16xi32>
    %shift_right_arithmetic3A_23 = arith.constant 3 : i32
    %shift_right_arithmetic3A_24 = vector.broadcast %shift_right_arithmetic3A_23 : i32 to vector<16xi32>
    %shift_right_arithmetic3A_25 = arith.shrsi %add3A_22, %shift_right_arithmetic3A_24 : vector<16xi32>
    %add3A_26 = arith.constant 0 : i32
    %add3A_27 = vector.broadcast %add3A_26 : i32 to vector<16xi32>
    %add3A_28 = arith.addi %add3A_27, %iota3A : vector<16xi32>
    %and3A = arith.constant 7 : i32
    %and3A_29 = vector.broadcast %and3A : i32 to vector<16xi32>
    %and3A_30 = arith.andi %add3A_28, %and3A_29 : vector<16xi32>
    %add3A_31 = arith.constant 16 : i32
    %add3A_32 = vector.broadcast %add3A_31 : i32 to vector<16xi32>
    %add3A_33 = arith.addi %add3A_32, %iota3A : vector<16xi32>
    %and3A_34 = arith.constant 7 : i32
    %and3A_35 = vector.broadcast %and3A_34 : i32 to vector<16xi32>
    %and3A_36 = arith.andi %add3A_33, %and3A_35 : vector<16xi32>
    %add3A_37 = arith.constant 32 : i32
    %add3A_38 = vector.broadcast %add3A_37 : i32 to vector<16xi32>
    %add3A_39 = arith.addi %add3A_38, %iota3A : vector<16xi32>
    %and3A_40 = arith.constant 7 : i32
    %and3A_41 = vector.broadcast %and3A_40 : i32 to vector<16xi32>
    %and3A_42 = arith.andi %add3A_39, %and3A_41 : vector<16xi32>
    %add3A_43 = arith.constant 48 : i32
    %add3A_44 = vector.broadcast %add3A_43 : i32 to vector<16xi32>
    %add3A_45 = arith.addi %add3A_44, %iota3A : vector<16xi32>
    %and3A_46 = arith.constant 7 : i32
    %and3A_47 = vector.broadcast %and3A_46 : i32 to vector<16xi32>
    %and3A_48 = arith.andi %add3A_45, %and3A_47 : vector<16xi32>
    %dma_start3A = arith.constant 0 : i32
    %dma_start3A_49 = arith.constant 0 : i32
    %dma_start3A_50 = tpu.memref_slice %arg6[%dma_start3A, %dma_start3A_49] : memref<200x128xi32, #tpu.memory_space<vmem>> -> memref<1x128xi32, #tpu.memory_space<vmem>>
    %dma_start3A_51 = tpu.memref_squeeze %dma_start3A_50 : memref<1x128xi32, #tpu.memory_space<vmem>> -> memref<128xi32, #tpu.memory_space<vmem>>
    %dma_start3A_52 = arith.constant 0 : i32
    %dma_start3A_53 = arith.constant 0 : i32
    %dma_start3A_54 = tpu.memref_slice %arg4[%dma_start3A_52, %dma_start3A_53] : memref<100000x64xf32, #tpu.memory_space<hbm>> -> memref<100000x64xf32, #tpu.memory_space<hbm>>
    tpu.enqueue_indirect_dma source(%dma_start3A_54 : memref<100000x64xf32, #tpu.memory_space<hbm>>) target(%arg8 : memref<128x64xf32, #tpu.memory_space<vmem>>) offsets(%dma_start3A_51 : memref<128xi32, #tpu.memory_space<vmem>>) semaphore(%arg12 : memref<!tpu.dma_semaphore, #tpu.memory_space<semaphore_mem>>)
    %dma_wait3A = arith.constant 0 : i32
    %dma_wait3A_55 = arith.constant 0 : i32
    %dma_wait3A_56 = tpu.memref_slice %arg6[%dma_wait3A, %dma_wait3A_55] : memref<200x128xi32, #tpu.memory_space<vmem>> -> memref<1x128xi32, #tpu.memory_space<vmem>>
    %dma_wait3A_57 = tpu.memref_squeeze %dma_wait3A_56 : memref<1x128xi32, #tpu.memory_space<vmem>> -> memref<128xi32, #tpu.memory_space<vmem>>
    %dma_wait3A_58 = arith.constant 0 : i32
    %dma_wait3A_59 = arith.constant 0 : i32
    %dma_wait3A_60 = tpu.memref_slice %arg4[%dma_wait3A_58, %dma_wait3A_59] : memref<100000x64xf32, #tpu.memory_space<hbm>> -> memref<100000x64xf32, #tpu.memory_space<hbm>>
    tpu.wait_indirect_dma semaphore(%arg12 : memref<!tpu.dma_semaphore, #tpu.memory_space<semaphore_mem>>) src(%dma_wait3A_60 : memref<100000x64xf32, #tpu.memory_space<hbm>>) dst(%arg8 : memref<128x64xf32, #tpu.memory_space<vmem>>)
    %dma_start3A_61 = arith.constant 1 : i32
    %dma_start3A_62 = arith.constant 0 : i32
    %dma_start3A_63 = tpu.memref_slice %arg6[%dma_start3A_61, %dma_start3A_62] : memref<200x128xi32, #tpu.memory_space<vmem>> -> memref<1x128xi32, #tpu.memory_space<vmem>>
    %dma_start3A_64 = tpu.memref_squeeze %dma_start3A_63 : memref<1x128xi32, #tpu.memory_space<vmem>> -> memref<128xi32, #tpu.memory_space<vmem>>
    %dma_start3A_65 = arith.constant 0 : i32
    %dma_start3A_66 = arith.constant 0 : i32
    %dma_start3A_67 = tpu.memref_slice %arg4[%dma_start3A_65, %dma_start3A_66] : memref<100000x64xf32, #tpu.memory_space<hbm>> -> memref<100000x64xf32, #tpu.memory_space<hbm>>
    tpu.enqueue_indirect_dma source(%dma_start3A_67 : memref<100000x64xf32, #tpu.memory_space<hbm>>) target(%arg9 : memref<128x64xf32, #tpu.memory_space<vmem>>) offsets(%dma_start3A_64 : memref<128xi32, #tpu.memory_space<vmem>>) semaphore(%arg13 : memref<!tpu.dma_semaphore, #tpu.memory_space<semaphore_mem>>)
    %get3A = arith.constant 0 : i32
    %get3A_68 = arith.index_cast %get3A : i32 to index
    %get3A_69 = arith.constant 0 : index
    %get3A_70 = tpu.vector_load %arg7[%get3A_68, %get3A_69] {strides = array<i32>} : memref<200x64xf32, #tpu.memory_space<vmem>>, vector<16xf32>,
    %get3A_71 = arith.constant 0 : i32
    %get3A_72 = arith.index_cast %get3A_71 : i32 to index
    %get3A_73 = arith.constant 16 : index
    %get3A_74 = tpu.vector_load %arg7[%get3A_72, %get3A_73] {strides = array<i32>} : memref<200x64xf32, #tpu.memory_space<vmem>>, vector<16xf32>,
    %get3A_75 = arith.constant 0 : i32
    %get3A_76 = arith.index_cast %get3A_75 : i32 to index
    %get3A_77 = arith.constant 32 : index
    %get3A_78 = tpu.vector_load %arg7[%get3A_76, %get3A_77] {strides = array<i32>} : memref<200x64xf32, #tpu.memory_space<vmem>>, vector<16xf32>,
    %get3A_79 = arith.constant 0 : i32
    %get3A_80 = arith.index_cast %get3A_79 : i32 to index
    %get3A_81 = arith.constant 48 : index
    %get3A_82 = tpu.vector_load %arg7[%get3A_80, %get3A_81] {strides = array<i32>} : memref<200x64xf32, #tpu.memory_space<vmem>>, vector<16xf32>,
    %scan3A = arith.constant 0 : i32
    %scan3A_83 = arith.constant 128 : i32
    %scan3A_84 = arith.addi %scan3A, %scan3A_83 : i32
    %scan3A_85 = arith.constant 8 : i32
    scf.for %scan3A_342 = %scan3A to %scan3A_84 step %scan3A_85  : i32 {
      %broadcast_in_dim3A = vector.broadcast %scan3A_342 : i32 to vector<16xi32>
      %get3A_343 = arith.index_cast %scan3A_342 : i32 to index
      %get3A_344 = arith.constant 0 : index
      %get3A_345 = tpu.vector_load %arg8[%get3A_343, %get3A_344] {strides = array<i32>} : memref<128x64xf32, #tpu.memory_space<vmem>>, vector<16xf32>,
      %add3A_346 = arith.addf %get3A_345, %get3A_70 : vector<16xf32>
      tpu.vector_store_idx %arg10[%shift_right_arithmetic3A_7, %and3A_30, %broadcast_in_dim3A], %add3A_346 : memref<8x8x129xf32, #tpu.memory_space<vmem>>[vector<16xi32>, vector<16xi32>, vector<16xi32>], vector<16xf32>,
      %get3A_347 = arith.index_cast %scan3A_342 : i32 to index
      %get3A_348 = arith.constant 16 : index
      %get3A_349 = tpu.vector_load %arg8[%get3A_347, %get3A_348] {strides = array<i32>} : memref<128x64xf32, #tpu.memory_space<vmem>>, vector<16xf32>,
      %add3A_350 = arith.addf %get3A_349, %get3A_74 : vector<16xf32>
      tpu.vector_store_idx %arg10[%shift_right_arithmetic3A_13, %and3A_36, %broadcast_in_dim3A], %add3A_350 : memref<8x8x129xf32, #tpu.memory_space<vmem>>[vector<16xi32>, vector<16xi32>, vector<16xi32>], vector<16xf32>,
      %get3A_351 = arith.index_cast %scan3A_342 : i32 to index
      %get3A_352 = arith.constant 32 : index
      %get3A_353 = tpu.vector_load %arg8[%get3A_351, %get3A_352] {strides = array<i32>} : memref<128x64xf32, #tpu.memory_space<vmem>>, vector<16xf32>,
      %add3A_354 = arith.addf %get3A_353, %get3A_78 : vector<16xf32>
      tpu.vector_store_idx %arg10[%shift_right_arithmetic3A_19, %and3A_42, %broadcast_in_dim3A], %add3A_354 : memref<8x8x129xf32, #tpu.memory_space<vmem>>[vector<16xi32>, vector<16xi32>, vector<16xi32>], vector<16xf32>,
      %get3A_355 = arith.index_cast %scan3A_342 : i32 to index
      %get3A_356 = arith.constant 48 : index
      %get3A_357 = tpu.vector_load %arg8[%get3A_355, %get3A_356] {strides = array<i32>} : memref<128x64xf32, #tpu.memory_space<vmem>>, vector<16xf32>,
      %add3A_358 = arith.addf %get3A_357, %get3A_82 : vector<16xf32>
      tpu.vector_store_idx %arg10[%shift_right_arithmetic3A_25, %and3A_48, %broadcast_in_dim3A], %add3A_358 : memref<8x8x129xf32, #tpu.memory_space<vmem>>[vector<16xi32>, vector<16xi32>, vector<16xi32>], vector<16xf32>,
      %scan3A_359 = arith.constant 1 : i32
      %scan3A_360 = arith.addi %scan3A_342, %scan3A_359 : i32
      %broadcast_in_dim3A_361 = vector.broadcast %scan3A_360 : i32 to vector<16xi32>
      %get3A_362 = arith.index_cast %scan3A_360 : i32 to index
      %get3A_363 = arith.constant 0 : index
      %get3A_364 = tpu.vector_load %arg8[%get3A_362, %get3A_363] {strides = array<i32>} : memref<128x64xf32, #tpu.memory_space<vmem>>, vector<16xf32>,
      %add3A_365 = arith.addf %get3A_364, %get3A_70 : vector<16xf32>
      tpu.vector_store_idx %arg10[%shift_right_arithmetic3A_7, %and3A_30, %broadcast_in_dim3A_361], %add3A_365 : memref<8x8x129xf32, #tpu.memory_space<vmem>>[vector<16xi32>, vector<16xi32>, vector<16xi32>], vector<16xf32>,
      %get3A_366 = arith.index_cast %scan3A_360 : i32 to index
      %get3A_367 = arith.constant 16 : index
      %get3A_368 = tpu.vector_load %arg8[%get3A_366, %get3A_367] {strides = array<i32>} : memref<128x64xf32, #tpu.memory_space<vmem>>, vector<16xf32>,
      %add3A_369 = arith.addf %get3A_368, %get3A_74 : vector<16xf32>
      tpu.vector_store_idx %arg10[%shift_right_arithmetic3A_13, %and3A_36, %broadcast_in_dim3A_361], %add3A_369 : memref<8x8x129xf32, #tpu.memory_space<vmem>>[vector<16xi32>, vector<16xi32>, vector<16xi32>], vector<16xf32>,
      %get3A_370 = arith.index_cast %scan3A_360 : i32 to index
      %get3A_371 = arith.constant 32 : index
      %get3A_372 = tpu.vector_load %arg8[%get3A_370, %get3A_371] {strides = array<i32>} : memref<128x64xf32, #tpu.memory_space<vmem>>, vector<16xf32>,
      %add3A_373 = arith.addf %get3A_372, %get3A_78 : vector<16xf32>
      tpu.vector_store_idx %arg10[%shift_right_arithmetic3A_19, %and3A_42, %broadcast_in_dim3A_361], %add3A_373 : memref<8x8x129xf32, #tpu.memory_space<vmem>>[vector<16xi32>, vector<16xi32>, vector<16xi32>], vector<16xf32>,
      %get3A_374 = arith.index_cast %scan3A_360 : i32 to index
      %get3A_375 = arith.constant 48 : index
      %get3A_376 = tpu.vector_load %arg8[%get3A_374, %get3A_375] {strides = array<i32>} : memref<128x64xf32, #tpu.memory_space<vmem>>, vector<16xf32>,
      %add3A_377 = arith.addf %get3A_376, %get3A_82 : vector<16xf32>
      tpu.vector_store_idx %arg10[%shift_right_arithmetic3A_25, %and3A_48, %broadcast_in_dim3A_361], %add3A_377 : memref<8x8x129xf32, #tpu.memory_space<vmem>>[vector<16xi32>, vector<16xi32>, vector<16xi32>], vector<16xf32>,
      %scan3A_378 = arith.constant 2 : i32
      %scan3A_379 = arith.addi %scan3A_342, %scan3A_378 : i32
      %broadcast_in_dim3A_380 = vector.broadcast %scan3A_379 : i32 to vector<16xi32>
      %get3A_381 = arith.index_cast %scan3A_379 : i32 to index
      %get3A_382 = arith.constant 0 : index
      %get3A_383 = tpu.vector_load %arg8[%get3A_381, %get3A_382] {strides = array<i32>} : memref<128x64xf32, #tpu.memory_space<vmem>>, vector<16xf32>,
      %add3A_384 = arith.addf %get3A_383, %get3A_70 : vector<16xf32>
      tpu.vector_store_idx %arg10[%shift_right_arithmetic3A_7, %and3A_30, %broadcast_in_dim3A_380], %add3A_384 : memref<8x8x129xf32, #tpu.memory_space<vmem>>[vector<16xi32>, vector<16xi32>, vector<16xi32>], vector<16xf32>,
      %get3A_385 = arith.index_cast %scan3A_379 : i32 to index
      %get3A_386 = arith.constant 16 : index
      %get3A_387 = tpu.vector_load %arg8[%get3A_385, %get3A_386] {strides = array<i32>} : memref<128x64xf32, #tpu.memory_space<vmem>>, vector<16xf32>,
      %add3A_388 = arith.addf %get3A_387, %get3A_74 : vector<16xf32>
      tpu.vector_store_idx %arg10[%shift_right_arithmetic3A_13, %and3A_36, %broadcast_in_dim3A_380], %add3A_388 : memref<8x8x129xf32, #tpu.memory_space<vmem>>[vector<16xi32>, vector<16xi32>, vector<16xi32>], vector<16xf32>,
      %get3A_389 = arith.index_cast %scan3A_379 : i32 to index
      %get3A_390 = arith.constant 32 : index
      %get3A_391 = tpu.vector_load %arg8[%get3A_389, %get3A_390] {strides = array<i32>} : memref<128x64xf32, #tpu.memory_space<vmem>>, vector<16xf32>,
      %add3A_392 = arith.addf %get3A_391, %get3A_78 : vector<16xf32>
      tpu.vector_store_idx %arg10[%shift_right_arithmetic3A_19, %and3A_42, %broadcast_in_dim3A_380], %add3A_392 : memref<8x8x129xf32, #tpu.memory_space<vmem>>[vector<16xi32>, vector<16xi32>, vector<16xi32>], vector<16xf32>,
      %get3A_393 = arith.index_cast %scan3A_379 : i32 to index
      %get3A_394 = arith.constant 48 : index
      %get3A_395 = tpu.vector_load %arg8[%get3A_393, %get3A_394] {strides = array<i32>} : memref<128x64xf32, #tpu.memory_space<vmem>>, vector<16xf32>,
      %add3A_396 = arith.addf %get3A_395, %get3A_82 : vector<16xf32>
      tpu.vector_store_idx %arg10[%shift_right_arithmetic3A_25, %and3A_48, %broadcast_in_dim3A_380], %add3A_396 : memref<8x8x129xf32, #tpu.memory_space<vmem>>[vector<16xi32>, vector<16xi32>, vector<16xi32>], vector<16xf32>,
      %scan3A_397 = arith.constant 3 : i32
      %scan3A_398 = arith.addi %scan3A_342, %scan3A_397 : i32
      %broadcast_in_dim3A_399 = vector.broadcast %scan3A_398 : i32 to vector<16xi32>
      %get3A_400 = arith.index_cast %scan3A_398 : i32 to index
      %get3A_401 = arith.constant 0 : index
      %get3A_402 = tpu.vector_load %arg8[%get3A_400, %get3A_401] {strides = array<i32>} : memref<128x64xf32, #tpu.memory_space<vmem>>, vector<16xf32>,
      %add3A_403 = arith.addf %get3A_402, %get3A_70 : vector<16xf32>
      tpu.vector_store_idx %arg10[%shift_right_arithmetic3A_7, %and3A_30, %broadcast_in_dim3A_399], %add3A_403 : memref<8x8x129xf32, #tpu.memory_space<vmem>>[vector<16xi32>, vector<16xi32>, vector<16xi32>], vector<16xf32>,
      %get3A_404 = arith.index_cast %scan3A_398 : i32 to index
      %get3A_405 = arith.constant 16 : index
      %get3A_406 = tpu.vector_load %arg8[%get3A_404, %get3A_405] {strides = array<i32>} : memref<128x64xf32, #tpu.memory_space<vmem>>, vector<16xf32>,
      %add3A_407 = arith.addf %get3A_406, %get3A_74 : vector<16xf32>
      tpu.vector_store_idx %arg10[%shift_right_arithmetic3A_13, %and3A_36, %broadcast_in_dim3A_399], %add3A_407 : memref<8x8x129xf32, #tpu.memory_space<vmem>>[vector<16xi32>, vector<16xi32>, vector<16xi32>], vector<16xf32>,
      %get3A_408 = arith.index_cast %scan3A_398 : i32 to index
      %get3A_409 = arith.constant 32 : index
      %get3A_410 = tpu.vector_load %arg8[%get3A_408, %get3A_409] {strides = array<i32>} : memref<128x64xf32, #tpu.memory_space<vmem>>, vector<16xf32>,
      %add3A_411 = arith.addf %get3A_410, %get3A_78 : vector<16xf32>
      tpu.vector_store_idx %arg10[%shift_right_arithmetic3A_19, %and3A_42, %broadcast_in_dim3A_399], %add3A_411 : memref<8x8x129xf32, #tpu.memory_space<vmem>>[vector<16xi32>, vector<16xi32>, vector<16xi32>], vector<16xf32>,
      %get3A_412 = arith.index_cast %scan3A_398 : i32 to index
      %get3A_413 = arith.constant 48 : index
      %get3A_414 = tpu.vector_load %arg8[%get3A_412, %get3A_413] {strides = array<i32>} : memref<128x64xf32, #tpu.memory_space<vmem>>, vector<16xf32>,
      %add3A_415 = arith.addf %get3A_414, %get3A_82 : vector<16xf32>
      tpu.vector_store_idx %arg10[%shift_right_arithmetic3A_25, %and3A_48, %broadcast_in_dim3A_399], %add3A_415 : memref<8x8x129xf32, #tpu.memory_space<vmem>>[vector<16xi32>, vector<16xi32>, vector<16xi32>], vector<16xf32>,
      %scan3A_416 = arith.constant 4 : i32
      %scan3A_417 = arith.addi %scan3A_342, %scan3A_416 : i32
      %broadcast_in_dim3A_418 = vector.broadcast %scan3A_417 : i32 to vector<16xi32>
      %get3A_419 = arith.index_cast %scan3A_417 : i32 to index
      %get3A_420 = arith.constant 0 : index
      %get3A_421 = tpu.vector_load %arg8[%get3A_419, %get3A_420] {strides = array<i32>} : memref<128x64xf32, #tpu.memory_space<vmem>>, vector<16xf32>,
      %add3A_422 = arith.addf %get3A_421, %get3A_70 : vector<16xf32>
      tpu.vector_store_idx %arg10[%shift_right_arithmetic3A_7, %and3A_30, %broadcast_in_dim3A_418], %add3A_422 : memref<8x8x129xf32, #tpu.memory_space<vmem>>[vector<16xi32>, vector<16xi32>, vector<16xi32>], vector<16xf32>,
      %get3A_423 = arith.index_cast %scan3A_417 : i32 to index
      %get3A_424 = arith.constant 16 : index
      %get3A_425 = tpu.vector_load %arg8[%get3A_423, %get3A_424] {strides = array<i32>} : memref<128x64xf32, #tpu.memory_space<vmem>>, vector<16xf32>,
      %add3A_426 = arith.addf %get3A_425, %get3A_74 : vector<16xf32>
      tpu.vector_store_idx %arg10[%shift_right_arithmetic3A_13, %and3A_36, %broadcast_in_dim3A_418], %add3A_426 : memref<8x8x129xf32, #tpu.memory_space<vmem>>[vector<16xi32>, vector<16xi32>, vector<16xi32>], vector<16xf32>,
      %get3A_427 = arith.index_cast %scan3A_417 : i32 to index
      %get3A_428 = arith.constant 32 : index
      %get3A_429 = tpu.vector_load %arg8[%get3A_427, %get3A_428] {strides = array<i32>} : memref<128x64xf32, #tpu.memory_space<vmem>>, vector<16xf32>,
      %add3A_430 = arith.addf %get3A_429, %get3A_78 : vector<16xf32>
      tpu.vector_store_idx %arg10[%shift_right_arithmetic3A_19, %and3A_42, %broadcast_in_dim3A_418], %add3A_430 : memref<8x8x129xf32, #tpu.memory_space<vmem>>[vector<16xi32>, vector<16xi32>, vector<16xi32>], vector<16xf32>,
      %get3A_431 = arith.index_cast %scan3A_417 : i32 to index
      %get3A_432 = arith.constant 48 : index
      %get3A_433 = tpu.vector_load %arg8[%get3A_431, %get3A_432] {strides = array<i32>} : memref<128x64xf32, #tpu.memory_space<vmem>>, vector<16xf32>,
      %add3A_434 = arith.addf %get3A_433, %get3A_82 : vector<16xf32>
      tpu.vector_store_idx %arg10[%shift_right_arithmetic3A_25, %and3A_48, %broadcast_in_dim3A_418], %add3A_434 : memref<8x8x129xf32, #tpu.memory_space<vmem>>[vector<16xi32>, vector<16xi32>, vector<16xi32>], vector<16xf32>,
      %scan3A_435 = arith.constant 5 : i32
      %scan3A_436 = arith.addi %scan3A_342, %scan3A_435 : i32
      %broadcast_in_dim3A_437 = vector.broadcast %scan3A_436 : i32 to vector<16xi32>
      %get3A_438 = arith.index_cast %scan3A_436 : i32 to index
      %get3A_439 = arith.constant 0 : index
      %get3A_440 = tpu.vector_load %arg8[%get3A_438, %get3A_439] {strides = array<i32>} : memref<128x64xf32, #tpu.memory_space<vmem>>, vector<16xf32>,
      %add3A_441 = arith.addf %get3A_440, %get3A_70 : vector<16xf32>
      tpu.vector_store_idx %arg10[%shift_right_arithmetic3A_7, %and3A_30, %broadcast_in_dim3A_437], %add3A_441 : memref<8x8x129xf32, #tpu.memory_space<vmem>>[vector<16xi32>, vector<16xi32>, vector<16xi32>], vector<16xf32>,
      %get3A_442 = arith.index_cast %scan3A_436 : i32 to index
      %get3A_443 = arith.constant 16 : index
      %get3A_444 = tpu.vector_load %arg8[%get3A_442, %get3A_443] {strides = array<i32>} : memref<128x64xf32, #tpu.memory_space<vmem>>, vector<16xf32>,
      %add3A_445 = arith.addf %get3A_444, %get3A_74 : vector<16xf32>
      tpu.vector_store_idx %arg10[%shift_right_arithmetic3A_13, %and3A_36, %broadcast_in_dim3A_437], %add3A_445 : memref<8x8x129xf32, #tpu.memory_space<vmem>>[vector<16xi32>, vector<16xi32>, vector<16xi32>], vector<16xf32>,
      %get3A_446 = arith.index_cast %scan3A_436 : i32 to index
      %get3A_447 = arith.constant 32 : index
      %get3A_448 = tpu.vector_load %arg8[%get3A_446, %get3A_447] {strides = array<i32>} : memref<128x64xf32, #tpu.memory_space<vmem>>, vector<16xf32>,
      %add3A_449 = arith.addf %get3A_448, %get3A_78 : vector<16xf32>
      tpu.vector_store_idx %arg10[%shift_right_arithmetic3A_19, %and3A_42, %broadcast_in_dim3A_437], %add3A_449 : memref<8x8x129xf32, #tpu.memory_space<vmem>>[vector<16xi32>, vector<16xi32>, vector<16xi32>], vector<16xf32>,
      %get3A_450 = arith.index_cast %scan3A_436 : i32 to index
      %get3A_451 = arith.constant 48 : index
      %get3A_452 = tpu.vector_load %arg8[%get3A_450, %get3A_451] {strides = array<i32>} : memref<128x64xf32, #tpu.memory_space<vmem>>, vector<16xf32>,
      %add3A_453 = arith.addf %get3A_452, %get3A_82 : vector<16xf32>
      tpu.vector_store_idx %arg10[%shift_right_arithmetic3A_25, %and3A_48, %broadcast_in_dim3A_437], %add3A_453 : memref<8x8x129xf32, #tpu.memory_space<vmem>>[vector<16xi32>, vector<16xi32>, vector<16xi32>], vector<16xf32>,
      %scan3A_454 = arith.constant 6 : i32
      %scan3A_455 = arith.addi %scan3A_342, %scan3A_454 : i32
      %broadcast_in_dim3A_456 = vector.broadcast %scan3A_455 : i32 to vector<16xi32>
      %get3A_457 = arith.index_cast %scan3A_455 : i32 to index
      %get3A_458 = arith.constant 0 : index
      %get3A_459 = tpu.vector_load %arg8[%get3A_457, %get3A_458] {strides = array<i32>} : memref<128x64xf32, #tpu.memory_space<vmem>>, vector<16xf32>,
      %add3A_460 = arith.addf %get3A_459, %get3A_70 : vector<16xf32>
      tpu.vector_store_idx %arg10[%shift_right_arithmetic3A_7, %and3A_30, %broadcast_in_dim3A_456], %add3A_460 : memref<8x8x129xf32, #tpu.memory_space<vmem>>[vector<16xi32>, vector<16xi32>, vector<16xi32>], vector<16xf32>,
      %get3A_461 = arith.index_cast %scan3A_455 : i32 to index
      %get3A_462 = arith.constant 16 : index
      %get3A_463 = tpu.vector_load %arg8[%get3A_461, %get3A_462] {strides = array<i32>} : memref<128x64xf32, #tpu.memory_space<vmem>>, vector<16xf32>,
      %add3A_464 = arith.addf %get3A_463, %get3A_74 : vector<16xf32>
      tpu.vector_store_idx %arg10[%shift_right_arithmetic3A_13, %and3A_36, %broadcast_in_dim3A_456], %add3A_464 : memref<8x8x129xf32, #tpu.memory_space<vmem>>[vector<16xi32>, vector<16xi32>, vector<16xi32>], vector<16xf32>,
      %get3A_465 = arith.index_cast %scan3A_455 : i32 to index
      %get3A_466 = arith.constant 32 : index
      %get3A_467 = tpu.vector_load %arg8[%get3A_465, %get3A_466] {strides = array<i32>} : memref<128x64xf32, #tpu.memory_space<vmem>>, vector<16xf32>,
      %add3A_468 = arith.addf %get3A_467, %get3A_78 : vector<16xf32>
      tpu.vector_store_idx %arg10[%shift_right_arithmetic3A_19, %and3A_42, %broadcast_in_dim3A_456], %add3A_468 : memref<8x8x129xf32, #tpu.memory_space<vmem>>[vector<16xi32>, vector<16xi32>, vector<16xi32>], vector<16xf32>,
      %get3A_469 = arith.index_cast %scan3A_455 : i32 to index
      %get3A_470 = arith.constant 48 : index
      %get3A_471 = tpu.vector_load %arg8[%get3A_469, %get3A_470] {strides = array<i32>} : memref<128x64xf32, #tpu.memory_space<vmem>>, vector<16xf32>,
      %add3A_472 = arith.addf %get3A_471, %get3A_82 : vector<16xf32>
      tpu.vector_store_idx %arg10[%shift_right_arithmetic3A_25, %and3A_48, %broadcast_in_dim3A_456], %add3A_472 : memref<8x8x129xf32, #tpu.memory_space<vmem>>[vector<16xi32>, vector<16xi32>, vector<16xi32>], vector<16xf32>,
      %scan3A_473 = arith.constant 7 : i32
      %scan3A_474 = arith.addi %scan3A_342, %scan3A_473 : i32
      %broadcast_in_dim3A_475 = vector.broadcast %scan3A_474 : i32 to vector<16xi32>
      %get3A_476 = arith.index_cast %scan3A_474 : i32 to index
      %get3A_477 = arith.constant 0 : index
      %get3A_478 = tpu.vector_load %arg8[%get3A_476, %get3A_477] {strides = array<i32>} : memref<128x64xf32, #tpu.memory_space<vmem>>, vector<16xf32>,
      %add3A_479 = arith.addf %get3A_478, %get3A_70 : vector<16xf32>
      tpu.vector_store_idx %arg10[%shift_right_arithmetic3A_7, %and3A_30, %broadcast_in_dim3A_475], %add3A_479 : memref<8x8x129xf32, #tpu.memory_space<vmem>>[vector<16xi32>, vector<16xi32>, vector<16xi32>], vector<16xf32>,
      %get3A_480 = arith.index_cast %scan3A_474 : i32 to index
      %get3A_481 = arith.constant 16 : index
      %get3A_482 = tpu.vector_load %arg8[%get3A_480, %get3A_481] {strides = array<i32>} : memref<128x64xf32, #tpu.memory_space<vmem>>, vector<16xf32>,
      %add3A_483 = arith.addf %get3A_482, %get3A_74 : vector<16xf32>
      tpu.vector_store_idx %arg10[%shift_right_arithmetic3A_13, %and3A_36, %broadcast_in_dim3A_475], %add3A_483 : memref<8x8x129xf32, #tpu.memory_space<vmem>>[vector<16xi32>, vector<16xi32>, vector<16xi32>], vector<16xf32>,
      %get3A_484 = arith.index_cast %scan3A_474 : i32 to index
      %get3A_485 = arith.constant 32 : index
      %get3A_486 = tpu.vector_load %arg8[%get3A_484, %get3A_485] {strides = array<i32>} : memref<128x64xf32, #tpu.memory_space<vmem>>, vector<16xf32>,
      %add3A_487 = arith.addf %get3A_486, %get3A_78 : vector<16xf32>
      tpu.vector_store_idx %arg10[%shift_right_arithmetic3A_19, %and3A_42, %broadcast_in_dim3A_475], %add3A_487 : memref<8x8x129xf32, #tpu.memory_space<vmem>>[vector<16xi32>, vector<16xi32>, vector<16xi32>], vector<16xf32>,
      %get3A_488 = arith.index_cast %scan3A_474 : i32 to index
      %get3A_489 = arith.constant 48 : index
      %get3A_490 = tpu.vector_load %arg8[%get3A_488, %get3A_489] {strides = array<i32>} : memref<128x64xf32, #tpu.memory_space<vmem>>, vector<16xf32>,
      %add3A_491 = arith.addf %get3A_490, %get3A_82 : vector<16xf32>
      tpu.vector_store_idx %arg10[%shift_right_arithmetic3A_25, %and3A_48, %broadcast_in_dim3A_475], %add3A_491 : memref<8x8x129xf32, #tpu.memory_space<vmem>>[vector<16xi32>, vector<16xi32>, vector<16xi32>], vector<16xf32>,
    }
    %scan3A_86 = arith.constant 128 : i32
    %dma_start3A_87 = arith.constant 0 : i32
    %dma_start3A_88 = arith.constant 0 : i32
    %dma_start3A_89 = arith.constant 0 : i32
    %dma_start3A_90 = arith.constant 0 : i32
    %dma_start3A_91 = tpu.memref_slice %arg10[%dma_start3A_88, %dma_start3A_89, %dma_start3A_90] : memref<8x8x129xf32, #tpu.memory_space<vmem>> -> memref<8x8x128xf32, #tpu.memory_space<vmem>>
    %dma_start3A_92 = arith.constant 0 : i32
    %dma_start3A_93 = arith.constant 0 : i32
    %dma_start3A_94 = arith.constant 0 : i32
    %dma_start3A_95 = tpu.memref_slice %arg5[%dma_start3A_87, %dma_start3A_92, %add3A, %dma_start3A_93, %dma_start3A_94] : memref<200x8x32x8x128xf32, #tpu.memory_space<hbm>> -> memref<1x8x1x8x128xf32, #tpu.memory_space<hbm>>
    %dma_start3A_96 = tpu.memref_squeeze %dma_start3A_95 : memref<1x8x1x8x128xf32, #tpu.memory_space<hbm>> -> memref<8x8x128xf32, #tpu.memory_space<hbm>>
    %dma_start3A_97 = arith.constant 0 : i32
    %dma_start3A_98 = arith.constant 0 : i32
    %dma_start3A_99 = arith.constant 0 : i32
    %dma_start3A_100 = tpu.memref_slice %arg5[%dma_start3A_87, %dma_start3A_97, %add3A, %dma_start3A_98, %dma_start3A_99] : memref<200x8x32x8x128xf32, #tpu.memory_space<hbm>> -> memref<1x8x1x8x128xf32, #tpu.memory_space<hbm>>
    %dma_start3A_101 = tpu.memref_squeeze %dma_start3A_100 : memref<1x8x1x8x128xf32, #tpu.memory_space<hbm>> -> memref<8x8x128xf32, #tpu.memory_space<hbm>>
    %dma_start3A_102 = arith.constant 0 : i32
    %dma_start3A_103 = arith.constant 0 : i32
    %dma_start3A_104 = arith.constant 0 : i32
    %dma_start3A_105 = tpu.memref_slice %arg10[%dma_start3A_102, %dma_start3A_103, %dma_start3A_104] : memref<8x8x129xf32, #tpu.memory_space<vmem>> -> memref<8x8x128xf32, #tpu.memory_space<vmem>>
    tpu.enqueue_dma source(%dma_start3A_105 : memref<8x8x128xf32, #tpu.memory_space<vmem>>) target(%dma_start3A_101 : memref<8x8x128xf32, #tpu.memory_space<hbm>>) target_semaphore(%arg14 : memref<!tpu.dma_semaphore, #tpu.memory_space<semaphore_mem>>)
    %dma_wait3A_106 = arith.constant 1 : i32
    %dma_wait3A_107 = arith.constant 0 : i32
    %dma_wait3A_108 = tpu.memref_slice %arg6[%dma_wait3A_106, %dma_wait3A_107] : memref<200x128xi32, #tpu.memory_space<vmem>> -> memref<1x128xi32, #tpu.memory_space<vmem>>
    %dma_wait3A_109 = tpu.memref_squeeze %dma_wait3A_108 : memref<1x128xi32, #tpu.memory_space<vmem>> -> memref<128xi32, #tpu.memory_space<vmem>>
    %dma_wait3A_110 = arith.constant 0 : i32
    %dma_wait3A_111 = arith.constant 0 : i32
    %dma_wait3A_112 = tpu.memref_slice %arg4[%dma_wait3A_110, %dma_wait3A_111] : memref<100000x64xf32, #tpu.memory_space<hbm>> -> memref<100000x64xf32, #tpu.memory_space<hbm>>
    tpu.wait_indirect_dma semaphore(%arg13 : memref<!tpu.dma_semaphore, #tpu.memory_space<semaphore_mem>>) src(%dma_wait3A_112 : memref<100000x64xf32, #tpu.memory_space<hbm>>) dst(%arg9 : memref<128x64xf32, #tpu.memory_space<vmem>>)
    %dma_start3A_113 = arith.constant 2 : i32
    %dma_start3A_114 = arith.constant 0 : i32
    %dma_start3A_115 = tpu.memref_slice %arg6[%dma_start3A_113, %dma_start3A_114] : memref<200x128xi32, #tpu.memory_space<vmem>> -> memref<1x128xi32, #tpu.memory_space<vmem>>
    %dma_start3A_116 = tpu.memref_squeeze %dma_start3A_115 : memref<1x128xi32, #tpu.memory_space<vmem>> -> memref<128xi32, #tpu.memory_space<vmem>>
    %dma_start3A_117 = arith.constant 0 : i32
    %dma_start3A_118 = arith.constant 0 : i32
    %dma_start3A_119 = tpu.memref_slice %arg4[%dma_start3A_117, %dma_start3A_118] : memref<100000x64xf32, #tpu.memory_space<hbm>> -> memref<100000x64xf32, #tpu.memory_space<hbm>>
    tpu.enqueue_indirect_dma source(%dma_start3A_119 : memref<100000x64xf32, #tpu.memory_space<hbm>>) target(%arg8 : memref<128x64xf32, #tpu.memory_space<vmem>>) offsets(%dma_start3A_116 : memref<128xi32, #tpu.memory_space<vmem>>) semaphore(%arg12 : memref<!tpu.dma_semaphore, #tpu.memory_space<semaphore_mem>>)
    %get3A_120 = arith.constant 1 : i32
    %get3A_121 = arith.index_cast %get3A_120 : i32 to index
    %get3A_122 = arith.constant 0 : index
    %get3A_123 = tpu.vector_load %arg7[%get3A_121, %get3A_122] {strides = array<i32>} : memref<200x64xf32, #tpu.memory_space<vmem>>, vector<16xf32>,
    %get3A_124 = arith.constant 1 : i32
    %get3A_125 = arith.index_cast %get3A_124 : i32 to index
    %get3A_126 = arith.constant 16 : index
    %get3A_127 = tpu.vector_load %arg7[%get3A_125, %get3A_126] {strides = array<i32>} : memref<200x64xf32, #tpu.memory_space<vmem>>, vector<16xf32>,
    %get3A_128 = arith.constant 1 : i32
    %get3A_129 = arith.index_cast %get3A_128 : i32 to index
    %get3A_130 = arith.constant 32 : index
    %get3A_131 = tpu.vector_load %arg7[%get3A_129, %get3A_130] {strides = array<i32>} : memref<200x64xf32, #tpu.memory_space<vmem>>, vector<16xf32>,
    %get3A_132 = arith.constant 1 : i32
    %get3A_133 = arith.index_cast %get3A_132 : i32 to index
    %get3A_134 = arith.constant 48 : index
    %get3A_135 = tpu.vector_load %arg7[%get3A_133, %get3A_134] {strides = array<i32>} : memref<200x64xf32, #tpu.memory_space<vmem>>, vector<16xf32>,
    %scan3A_136 = arith.constant 0 : i32
    %scan3A_137 = arith.constant 128 : i32
    %scan3A_138 = arith.addi %scan3A_136, %scan3A_137 : i32
    %scan3A_139 = arith.constant 8 : i32
    scf.for %scan3A_342 = %scan3A_136 to %scan3A_138 step %scan3A_139  : i32 {
      %broadcast_in_dim3A = vector.broadcast %scan3A_342 : i32 to vector<16xi32>
      %get3A_343 = arith.index_cast %scan3A_342 : i32 to index
      %get3A_344 = arith.constant 0 : index
      %get3A_345 = tpu.vector_load %arg9[%get3A_343, %get3A_344] {strides = array<i32>} : memref<128x64xf32, #tpu.memory_space<vmem>>, vector<16xf32>,
      %add3A_346 = arith.addf %get3A_345, %get3A_123 : vector<16xf32>
      tpu.vector_store_idx %arg11[%shift_right_arithmetic3A_7, %and3A_30, %broadcast_in_dim3A], %add3A_346 : memref<8x8x129xf32, #tpu.memory_space<vmem>>[vector<16xi32>, vector<16xi32>, vector<16xi32>], vector<16xf32>,
      %get3A_347 = arith.index_cast %scan3A_342 : i32 to index
      %get3A_348 = arith.constant 16 : index
      %get3A_349 = tpu.vector_load %arg9[%get3A_347, %get3A_348] {strides = array<i32>} : memref<128x64xf32, #tpu.memory_space<vmem>>, vector<16xf32>,
      %add3A_350 = arith.addf %get3A_349, %get3A_127 : vector<16xf32>
      tpu.vector_store_idx %arg11[%shift_right_arithmetic3A_13, %and3A_36, %broadcast_in_dim3A], %add3A_350 : memref<8x8x129xf32, #tpu.memory_space<vmem>>[vector<16xi32>, vector<16xi32>, vector<16xi32>], vector<16xf32>,
      %get3A_351 = arith.index_cast %scan3A_342 : i32 to index
      %get3A_352 = arith.constant 32 : index
      %get3A_353 = tpu.vector_load %arg9[%get3A_351, %get3A_352] {strides = array<i32>} : memref<128x64xf32, #tpu.memory_space<vmem>>, vector<16xf32>,
      %add3A_354 = arith.addf %get3A_353, %get3A_131 : vector<16xf32>
      tpu.vector_store_idx %arg11[%shift_right_arithmetic3A_19, %and3A_42, %broadcast_in_dim3A], %add3A_354 : memref<8x8x129xf32, #tpu.memory_space<vmem>>[vector<16xi32>, vector<16xi32>, vector<16xi32>], vector<16xf32>,
      %get3A_355 = arith.index_cast %scan3A_342 : i32 to index
      %get3A_356 = arith.constant 48 : index
      %get3A_357 = tpu.vector_load %arg9[%get3A_355, %get3A_356] {strides = array<i32>} : memref<128x64xf32, #tpu.memory_space<vmem>>, vector<16xf32>,
      %add3A_358 = arith.addf %get3A_357, %get3A_135 : vector<16xf32>
      tpu.vector_store_idx %arg11[%shift_right_arithmetic3A_25, %and3A_48, %broadcast_in_dim3A], %add3A_358 : memref<8x8x129xf32, #tpu.memory_space<vmem>>[vector<16xi32>, vector<16xi32>, vector<16xi32>], vector<16xf32>,
      %scan3A_359 = arith.constant 1 : i32
      %scan3A_360 = arith.addi %scan3A_342, %scan3A_359 : i32
      %broadcast_in_dim3A_361 = vector.broadcast %scan3A_360 : i32 to vector<16xi32>
      %get3A_362 = arith.index_cast %scan3A_360 : i32 to index
      %get3A_363 = arith.constant 0 : index
      %get3A_364 = tpu.vector_load %arg9[%get3A_362, %get3A_363] {strides = array<i32>} : memref<128x64xf32, #tpu.memory_space<vmem>>, vector<16xf32>,
      %add3A_365 = arith.addf %get3A_364, %get3A_123 : vector<16xf32>
      tpu.vector_store_idx %arg11[%shift_right_arithmetic3A_7, %and3A_30, %broadcast_in_dim3A_361], %add3A_365 : memref<8x8x129xf32, #tpu.memory_space<vmem>>[vector<16xi32>, vector<16xi32>, vector<16xi32>], vector<16xf32>,
      %get3A_366 = arith.index_cast %scan3A_360 : i32 to index
      %get3A_367 = arith.constant 16 : index
      %get3A_368 = tpu.vector_load %arg9[%get3A_366, %get3A_367] {strides = array<i32>} : memref<128x64xf32, #tpu.memory_space<vmem>>, vector<16xf32>,
      %add3A_369 = arith.addf %get3A_368, %get3A_127 : vector<16xf32>
      tpu.vector_store_idx %arg11[%shift_right_arithmetic3A_13, %and3A_36, %broadcast_in_dim3A_361], %add3A_369 : memref<8x8x129xf32, #tpu.memory_space<vmem>>[vector<16xi32>, vector<16xi32>, vector<16xi32>], vector<16xf32>,
      %get3A_370 = arith.index_cast %scan3A_360 : i32 to index
      %get3A_371 = arith.constant 32 : index
      %get3A_372 = tpu.vector_load %arg9[%get3A_370, %get3A_371] {strides = array<i32>} : memref<128x64xf32, #tpu.memory_space<vmem>>, vector<16xf32>,
      %add3A_373 = arith.addf %get3A_372, %get3A_131 : vector<16xf32>
      tpu.vector_store_idx %arg11[%shift_right_arithmetic3A_19, %and3A_42, %broadcast_in_dim3A_361], %add3A_373 : memref<8x8x129xf32, #tpu.memory_space<vmem>>[vector<16xi32>, vector<16xi32>, vector<16xi32>], vector<16xf32>,
      %get3A_374 = arith.index_cast %scan3A_360 : i32 to index
      %get3A_375 = arith.constant 48 : index
      %get3A_376 = tpu.vector_load %arg9[%get3A_374, %get3A_375] {strides = array<i32>} : memref<128x64xf32, #tpu.memory_space<vmem>>, vector<16xf32>,
      %add3A_377 = arith.addf %get3A_376, %get3A_135 : vector<16xf32>
      tpu.vector_store_idx %arg11[%shift_right_arithmetic3A_25, %and3A_48, %broadcast_in_dim3A_361], %add3A_377 : memref<8x8x129xf32, #tpu.memory_space<vmem>>[vector<16xi32>, vector<16xi32>, vector<16xi32>], vector<16xf32>,
      %scan3A_378 = arith.constant 2 : i32
      %scan3A_379 = arith.addi %scan3A_342, %scan3A_378 : i32
      %broadcast_in_dim3A_380 = vector.broadcast %scan3A_379 : i32 to vector<16xi32>
      %get3A_381 = arith.index_cast %scan3A_379 : i32 to index
      %get3A_382 = arith.constant 0 : index
      %get3A_383 = tpu.vector_load %arg9[%get3A_381, %get3A_382] {strides = array<i32>} : memref<128x64xf32, #tpu.memory_space<vmem>>, vector<16xf32>,
      %add3A_384 = arith.addf %get3A_383, %get3A_123 : vector<16xf32>
      tpu.vector_store_idx %arg11[%shift_right_arithmetic3A_7, %and3A_30, %broadcast_in_dim3A_380], %add3A_384 : memref<8x8x129xf32, #tpu.memory_space<vmem>>[vector<16xi32>, vector<16xi32>, vector<16xi32>], vector<16xf32>,
      %get3A_385 = arith.index_cast %scan3A_379 : i32 to index
      %get3A_386 = arith.constant 16 : index
      %get3A_387 = tpu.vector_load %arg9[%get3A_385, %get3A_386] {strides = array<i32>} : memref<128x64xf32, #tpu.memory_space<vmem>>, vector<16xf32>,
      %add3A_388 = arith.addf %get3A_387, %get3A_127 : vector<16xf32>
      tpu.vector_store_idx %arg11[%shift_right_arithmetic3A_13, %and3A_36, %broadcast_in_dim3A_380], %add3A_388 : memref<8x8x129xf32, #tpu.memory_space<vmem>>[vector<16xi32>, vector<16xi32>, vector<16xi32>], vector<16xf32>,
      %get3A_389 = arith.index_cast %scan3A_379 : i32 to index
      %get3A_390 = arith.constant 32 : index
      %get3A_391 = tpu.vector_load %arg9[%get3A_389, %get3A_390] {strides = array<i32>} : memref<128x64xf32, #tpu.memory_space<vmem>>, vector<16xf32>,
      %add3A_392 = arith.addf %get3A_391, %get3A_131 : vector<16xf32>
      tpu.vector_store_idx %arg11[%shift_right_arithmetic3A_19, %and3A_42, %broadcast_in_dim3A_380], %add3A_392 : memref<8x8x129xf32, #tpu.memory_space<vmem>>[vector<16xi32>, vector<16xi32>, vector<16xi32>], vector<16xf32>,
      %get3A_393 = arith.index_cast %scan3A_379 : i32 to index
      %get3A_394 = arith.constant 48 : index
      %get3A_395 = tpu.vector_load %arg9[%get3A_393, %get3A_394] {strides = array<i32>} : memref<128x64xf32, #tpu.memory_space<vmem>>, vector<16xf32>,
      %add3A_396 = arith.addf %get3A_395, %get3A_135 : vector<16xf32>
      tpu.vector_store_idx %arg11[%shift_right_arithmetic3A_25, %and3A_48, %broadcast_in_dim3A_380], %add3A_396 : memref<8x8x129xf32, #tpu.memory_space<vmem>>[vector<16xi32>, vector<16xi32>, vector<16xi32>], vector<16xf32>,
      %scan3A_397 = arith.constant 3 : i32
      %scan3A_398 = arith.addi %scan3A_342, %scan3A_397 : i32
      %broadcast_in_dim3A_399 = vector.broadcast %scan3A_398 : i32 to vector<16xi32>
      %get3A_400 = arith.index_cast %scan3A_398 : i32 to index
      %get3A_401 = arith.constant 0 : index
      %get3A_402 = tpu.vector_load %arg9[%get3A_400, %get3A_401] {strides = array<i32>} : memref<128x64xf32, #tpu.memory_space<vmem>>, vector<16xf32>,
      %add3A_403 = arith.addf %get3A_402, %get3A_123 : vector<16xf32>
      tpu.vector_store_idx %arg11[%shift_right_arithmetic3A_7, %and3A_30, %broadcast_in_dim3A_399], %add3A_403 : memref<8x8x129xf32, #tpu.memory_space<vmem>>[vector<16xi32>, vector<16xi32>, vector<16xi32>], vector<16xf32>,
      %get3A_404 = arith.index_cast %scan3A_398 : i32 to index
      %get3A_405 = arith.constant 16 : index
      %get3A_406 = tpu.vector_load %arg9[%get3A_404, %get3A_405] {strides = array<i32>} : memref<128x64xf32, #tpu.memory_space<vmem>>, vector<16xf32>,
      %add3A_407 = arith.addf %get3A_406, %get3A_127 : vector<16xf32>
      tpu.vector_store_idx %arg11[%shift_right_arithmetic3A_13, %and3A_36, %broadcast_in_dim3A_399], %add3A_407 : memref<8x8x129xf32, #tpu.memory_space<vmem>>[vector<16xi32>, vector<16xi32>, vector<16xi32>], vector<16xf32>,
      %get3A_408 = arith.index_cast %scan3A_398 : i32 to index
      %get3A_409 = arith.constant 32 : index
      %get3A_410 = tpu.vector_load %arg9[%get3A_408, %get3A_409] {strides = array<i32>} : memref<128x64xf32, #tpu.memory_space<vmem>>, vector<16xf32>,
      %add3A_411 = arith.addf %get3A_410, %get3A_131 : vector<16xf32>
      tpu.vector_store_idx %arg11[%shift_right_arithmetic3A_19, %and3A_42, %broadcast_in_dim3A_399], %add3A_411 : memref<8x8x129xf32, #tpu.memory_space<vmem>>[vector<16xi32>, vector<16xi32>, vector<16xi32>], vector<16xf32>,
      %get3A_412 = arith.index_cast %scan3A_398 : i32 to index
      %get3A_413 = arith.constant 48 : index
      %get3A_414 = tpu.vector_load %arg9[%get3A_412, %get3A_413] {strides = array<i32>} : memref<128x64xf32, #tpu.memory_space<vmem>>, vector<16xf32>,
      %add3A_415 = arith.addf %get3A_414, %get3A_135 : vector<16xf32>
      tpu.vector_store_idx %arg11[%shift_right_arithmetic3A_25, %and3A_48, %broadcast_in_dim3A_399], %add3A_415 : memref<8x8x129xf32, #tpu.memory_space<vmem>>[vector<16xi32>, vector<16xi32>, vector<16xi32>], vector<16xf32>,
      %scan3A_416 = arith.constant 4 : i32
      %scan3A_417 = arith.addi %scan3A_342, %scan3A_416 : i32
      %broadcast_in_dim3A_418 = vector.broadcast %scan3A_417 : i32 to vector<16xi32>
      %get3A_419 = arith.index_cast %scan3A_417 : i32 to index
      %get3A_420 = arith.constant 0 : index
      %get3A_421 = tpu.vector_load %arg9[%get3A_419, %get3A_420] {strides = array<i32>} : memref<128x64xf32, #tpu.memory_space<vmem>>, vector<16xf32>,
      %add3A_422 = arith.addf %get3A_421, %get3A_123 : vector<16xf32>
      tpu.vector_store_idx %arg11[%shift_right_arithmetic3A_7, %and3A_30, %broadcast_in_dim3A_418], %add3A_422 : memref<8x8x129xf32, #tpu.memory_space<vmem>>[vector<16xi32>, vector<16xi32>, vector<16xi32>], vector<16xf32>,
      %get3A_423 = arith.index_cast %scan3A_417 : i32 to index
      %get3A_424 = arith.constant 16 : index
      %get3A_425 = tpu.vector_load %arg9[%get3A_423, %get3A_424] {strides = array<i32>} : memref<128x64xf32, #tpu.memory_space<vmem>>, vector<16xf32>,
      %add3A_426 = arith.addf %get3A_425, %get3A_127 : vector<16xf32>
      tpu.vector_store_idx %arg11[%shift_right_arithmetic3A_13, %and3A_36, %broadcast_in_dim3A_418], %add3A_426 : memref<8x8x129xf32, #tpu.memory_space<vmem>>[vector<16xi32>, vector<16xi32>, vector<16xi32>], vector<16xf32>,
      %get3A_427 = arith.index_cast %scan3A_417 : i32 to index
      %get3A_428 = arith.constant 32 : index
      %get3A_429 = tpu.vector_load %arg9[%get3A_427, %get3A_428] {strides = array<i32>} : memref<128x64xf32, #tpu.memory_space<vmem>>, vector<16xf32>,
      %add3A_430 = arith.addf %get3A_429, %get3A_131 : vector<16xf32>
      tpu.vector_store_idx %arg11[%shift_right_arithmetic3A_19, %and3A_42, %broadcast_in_dim3A_418], %add3A_430 : memref<8x8x129xf32, #tpu.memory_space<vmem>>[vector<16xi32>, vector<16xi32>, vector<16xi32>], vector<16xf32>,
      %get3A_431 = arith.index_cast %scan3A_417 : i32 to index
      %get3A_432 = arith.constant 48 : index
      %get3A_433 = tpu.vector_load %arg9[%get3A_431, %get3A_432] {strides = array<i32>} : memref<128x64xf32, #tpu.memory_space<vmem>>, vector<16xf32>,
      %add3A_434 = arith.addf %get3A_433, %get3A_135 : vector<16xf32>
      tpu.vector_store_idx %arg11[%shift_right_arithmetic3A_25, %and3A_48, %broadcast_in_dim3A_418], %add3A_434 : memref<8x8x129xf32, #tpu.memory_space<vmem>>[vector<16xi32>, vector<16xi32>, vector<16xi32>], vector<16xf32>,
      %scan3A_435 = arith.constant 5 : i32
      %scan3A_436 = arith.addi %scan3A_342, %scan3A_435 : i32
      %broadcast_in_dim3A_437 = vector.broadcast %scan3A_436 : i32 to vector<16xi32>
      %get3A_438 = arith.index_cast %scan3A_436 : i32 to index
      %get3A_439 = arith.constant 0 : index
      %get3A_440 = tpu.vector_load %arg9[%get3A_438, %get3A_439] {strides = array<i32>} : memref<128x64xf32, #tpu.memory_space<vmem>>, vector<16xf32>,
      %add3A_441 = arith.addf %get3A_440, %get3A_123 : vector<16xf32>
      tpu.vector_store_idx %arg11[%shift_right_arithmetic3A_7, %and3A_30, %broadcast_in_dim3A_437], %add3A_441 : memref<8x8x129xf32, #tpu.memory_space<vmem>>[vector<16xi32>, vector<16xi32>, vector<16xi32>], vector<16xf32>,
      %get3A_442 = arith.index_cast %scan3A_436 : i32 to index
      %get3A_443 = arith.constant 16 : index
      %get3A_444 = tpu.vector_load %arg9[%get3A_442, %get3A_443] {strides = array<i32>} : memref<128x64xf32, #tpu.memory_space<vmem>>, vector<16xf32>,
      %add3A_445 = arith.addf %get3A_444, %get3A_127 : vector<16xf32>
      tpu.vector_store_idx %arg11[%shift_right_arithmetic3A_13, %and3A_36, %broadcast_in_dim3A_437], %add3A_445 : memref<8x8x129xf32, #tpu.memory_space<vmem>>[vector<16xi32>, vector<16xi32>, vector<16xi32>], vector<16xf32>,
      %get3A_446 = arith.index_cast %scan3A_436 : i32 to index
      %get3A_447 = arith.constant 32 : index
      %get3A_448 = tpu.vector_load %arg9[%get3A_446, %get3A_447] {strides = array<i32>} : memref<128x64xf32, #tpu.memory_space<vmem>>, vector<16xf32>,
      %add3A_449 = arith.addf %get3A_448, %get3A_131 : vector<16xf32>
      tpu.vector_store_idx %arg11[%shift_right_arithmetic3A_19, %and3A_42, %broadcast_in_dim3A_437], %add3A_449 : memref<8x8x129xf32, #tpu.memory_space<vmem>>[vector<16xi32>, vector<16xi32>, vector<16xi32>], vector<16xf32>,
      %get3A_450 = arith.index_cast %scan3A_436 : i32 to index
      %get3A_451 = arith.constant 48 : index
      %get3A_452 = tpu.vector_load %arg9[%get3A_450, %get3A_451] {strides = array<i32>} : memref<128x64xf32, #tpu.memory_space<vmem>>, vector<16xf32>,
      %add3A_453 = arith.addf %get3A_452, %get3A_135 : vector<16xf32>
      tpu.vector_store_idx %arg11[%shift_right_arithmetic3A_25, %and3A_48, %broadcast_in_dim3A_437], %add3A_453 : memref<8x8x129xf32, #tpu.memory_space<vmem>>[vector<16xi32>, vector<16xi32>, vector<16xi32>], vector<16xf32>,
      %scan3A_454 = arith.constant 6 : i32
      %scan3A_455 = arith.addi %scan3A_342, %scan3A_454 : i32
      %broadcast_in_dim3A_456 = vector.broadcast %scan3A_455 : i32 to vector<16xi32>
      %get3A_457 = arith.index_cast %scan3A_455 : i32 to index
      %get3A_458 = arith.constant 0 : index
      %get3A_459 = tpu.vector_load %arg9[%get3A_457, %get3A_458] {strides = array<i32>} : memref<128x64xf32, #tpu.memory_space<vmem>>, vector<16xf32>,
      %add3A_460 = arith.addf %get3A_459, %get3A_123 : vector<16xf32>
      tpu.vector_store_idx %arg11[%shift_right_arithmetic3A_7, %and3A_30, %broadcast_in_dim3A_456], %add3A_460 : memref<8x8x129xf32, #tpu.memory_space<vmem>>[vector<16xi32>, vector<16xi32>, vector<16xi32>], vector<16xf32>,
      %get3A_461 = arith.index_cast %scan3A_455 : i32 to index
      %get3A_462 = arith.constant 16 : index
      %get3A_463 = tpu.vector_load %arg9[%get3A_461, %get3A_462] {strides = array<i32>} : memref<128x64xf32, #tpu.memory_space<vmem>>, vector<16xf32>,
      %add3A_464 = arith.addf %get3A_463, %get3A_127 : vector<16xf32>
      tpu.vector_store_idx %arg11[%shift_right_arithmetic3A_13, %and3A_36, %broadcast_in_dim3A_456], %add3A_464 : memref<8x8x129xf32, #tpu.memory_space<vmem>>[vector<16xi32>, vector<16xi32>, vector<16xi32>], vector<16xf32>,
      %get3A_465 = arith.index_cast %scan3A_455 : i32 to index
      %get3A_466 = arith.constant 32 : index
      %get3A_467 = tpu.vector_load %arg9[%get3A_465, %get3A_466] {strides = array<i32>} : memref<128x64xf32, #tpu.memory_space<vmem>>, vector<16xf32>,
      %add3A_468 = arith.addf %get3A_467, %get3A_131 : vector<16xf32>
      tpu.vector_store_idx %arg11[%shift_right_arithmetic3A_19, %and3A_42, %broadcast_in_dim3A_456], %add3A_468 : memref<8x8x129xf32, #tpu.memory_space<vmem>>[vector<16xi32>, vector<16xi32>, vector<16xi32>], vector<16xf32>,
      %get3A_469 = arith.index_cast %scan3A_455 : i32 to index
      %get3A_470 = arith.constant 48 : index
      %get3A_471 = tpu.vector_load %arg9[%get3A_469, %get3A_470] {strides = array<i32>} : memref<128x64xf32, #tpu.memory_space<vmem>>, vector<16xf32>,
      %add3A_472 = arith.addf %get3A_471, %get3A_135 : vector<16xf32>
      tpu.vector_store_idx %arg11[%shift_right_arithmetic3A_25, %and3A_48, %broadcast_in_dim3A_456], %add3A_472 : memref<8x8x129xf32, #tpu.memory_space<vmem>>[vector<16xi32>, vector<16xi32>, vector<16xi32>], vector<16xf32>,
      %scan3A_473 = arith.constant 7 : i32
      %scan3A_474 = arith.addi %scan3A_342, %scan3A_473 : i32
      %broadcast_in_dim3A_475 = vector.broadcast %scan3A_474 : i32 to vector<16xi32>
      %get3A_476 = arith.index_cast %scan3A_474 : i32 to index
      %get3A_477 = arith.constant 0 : index
      %get3A_478 = tpu.vector_load %arg9[%get3A_476, %get3A_477] {strides = array<i32>} : memref<128x64xf32, #tpu.memory_space<vmem>>, vector<16xf32>,
      %add3A_479 = arith.addf %get3A_478, %get3A_123 : vector<16xf32>
      tpu.vector_store_idx %arg11[%shift_right_arithmetic3A_7, %and3A_30, %broadcast_in_dim3A_475], %add3A_479 : memref<8x8x129xf32, #tpu.memory_space<vmem>>[vector<16xi32>, vector<16xi32>, vector<16xi32>], vector<16xf32>,
      %get3A_480 = arith.index_cast %scan3A_474 : i32 to index
      %get3A_481 = arith.constant 16 : index
      %get3A_482 = tpu.vector_load %arg9[%get3A_480, %get3A_481] {strides = array<i32>} : memref<128x64xf32, #tpu.memory_space<vmem>>, vector<16xf32>,
      %add3A_483 = arith.addf %get3A_482, %get3A_127 : vector<16xf32>
      tpu.vector_store_idx %arg11[%shift_right_arithmetic3A_13, %and3A_36, %broadcast_in_dim3A_475], %add3A_483 : memref<8x8x129xf32, #tpu.memory_space<vmem>>[vector<16xi32>, vector<16xi32>, vector<16xi32>], vector<16xf32>,
      %get3A_484 = arith.index_cast %scan3A_474 : i32 to index
      %get3A_485 = arith.constant 32 : index
      %get3A_486 = tpu.vector_load %arg9[%get3A_484, %get3A_485] {strides = array<i32>} : memref<128x64xf32, #tpu.memory_space<vmem>>, vector<16xf32>,
      %add3A_487 = arith.addf %get3A_486, %get3A_131 : vector<16xf32>
      tpu.vector_store_idx %arg11[%shift_right_arithmetic3A_19, %and3A_42, %broadcast_in_dim3A_475], %add3A_487 : memref<8x8x129xf32, #tpu.memory_space<vmem>>[vector<16xi32>, vector<16xi32>, vector<16xi32>], vector<16xf32>,
      %get3A_488 = arith.index_cast %scan3A_474 : i32 to index
      %get3A_489 = arith.constant 48 : index
      %get3A_490 = tpu.vector_load %arg9[%get3A_488, %get3A_489] {strides = array<i32>} : memref<128x64xf32, #tpu.memory_space<vmem>>, vector<16xf32>,
      %add3A_491 = arith.addf %get3A_490, %get3A_135 : vector<16xf32>
      tpu.vector_store_idx %arg11[%shift_right_arithmetic3A_25, %and3A_48, %broadcast_in_dim3A_475], %add3A_491 : memref<8x8x129xf32, #tpu.memory_space<vmem>>[vector<16xi32>, vector<16xi32>, vector<16xi32>], vector<16xf32>,
    }
    %scan3A_140 = arith.constant 128 : i32
    %dma_start3A_141 = arith.constant 1 : i32
    %dma_start3A_142 = arith.constant 0 : i32
    %dma_start3A_143 = arith.constant 0 : i32
    %dma_start3A_144 = arith.constant 0 : i32
    %dma_start3A_145 = tpu.memref_slice %arg11[%dma_start3A_142, %dma_start3A_143, %dma_start3A_144] : memref<8x8x129xf32, #tpu.memory_space<vmem>> -> memref<8x8x128xf32, #tpu.memory_space<vmem>>
    %dma_start3A_146 = arith.constant 0 : i32
    %dma_start3A_147 = arith.constant 0 : i32
    %dma_start3A_148 = arith.constant 0 : i32
    %dma_start3A_149 = tpu.memref_slice %arg5[%dma_start3A_141, %dma_start3A_146, %add3A, %dma_start3A_147, %dma_start3A_148] : memref<200x8x32x8x128xf32, #tpu.memory_space<hbm>> -> memref<1x8x1x8x128xf32, #tpu.memory_space<hbm>>
    %dma_start3A_150 = tpu.memref_squeeze %dma_start3A_149 : memref<1x8x1x8x128xf32, #tpu.memory_space<hbm>> -> memref<8x8x128xf32, #tpu.memory_space<hbm>>
    %dma_start3A_151 = arith.constant 0 : i32
    %dma_start3A_152 = arith.constant 0 : i32
    %dma_start3A_153 = arith.constant 0 : i32
    %dma_start3A_154 = tpu.memref_slice %arg5[%dma_start3A_141, %dma_start3A_151, %add3A, %dma_start3A_152, %dma_start3A_153] : memref<200x8x32x8x128xf32, #tpu.memory_space<hbm>> -> memref<1x8x1x8x128xf32, #tpu.memory_space<hbm>>
    %dma_start3A_155 = tpu.memref_squeeze %dma_start3A_154 : memref<1x8x1x8x128xf32, #tpu.memory_space<hbm>> -> memref<8x8x128xf32, #tpu.memory_space<hbm>>
    %dma_start3A_156 = arith.constant 0 : i32
    %dma_start3A_157 = arith.constant 0 : i32
    %dma_start3A_158 = arith.constant 0 : i32
    %dma_start3A_159 = tpu.memref_slice %arg11[%dma_start3A_156, %dma_start3A_157, %dma_start3A_158] : memref<8x8x129xf32, #tpu.memory_space<vmem>> -> memref<8x8x128xf32, #tpu.memory_space<vmem>>
    tpu.enqueue_dma source(%dma_start3A_159 : memref<8x8x128xf32, #tpu.memory_space<vmem>>) target(%dma_start3A_155 : memref<8x8x128xf32, #tpu.memory_space<hbm>>) target_semaphore(%arg15 : memref<!tpu.dma_semaphore, #tpu.memory_space<semaphore_mem>>)
    %scan3A_160 = arith.constant 0 : i32
    %scan3A_161 = arith.constant 98 : i32
    %scan3A_162 = arith.addi %scan3A_160, %scan3A_161 : i32
    %scan3A_163 = arith.constant 1 : i32
    scf.for %scan3A_342 = %scan3A_160 to %scan3A_162 step %scan3A_163  : i32 {
      %mul3A_343 = arith.constant 2 : i32
      %mul3A_344 = arith.muli %mul3A_343, %scan3A_342 : i32
      %add3A_345 = arith.constant 2 : i32
      %add3A_346 = arith.addi %mul3A_344, %add3A_345 : i32
      %dma_wait3A_347 = arith.constant 0 : i32
      %dma_wait3A_348 = tpu.memref_slice %arg6[%add3A_346, %dma_wait3A_347] : memref<200x128xi32, #tpu.memory_space<vmem>> -> memref<1x128xi32, #tpu.memory_space<vmem>>
      %dma_wait3A_349 = tpu.memref_squeeze %dma_wait3A_348 : memref<1x128xi32, #tpu.memory_space<vmem>> -> memref<128xi32, #tpu.memory_space<vmem>>
      %dma_wait3A_350 = arith.constant 0 : i32
      %dma_wait3A_351 = arith.constant 0 : i32
      %dma_wait3A_352 = tpu.memref_slice %arg4[%dma_wait3A_350, %dma_wait3A_351] : memref<100000x64xf32, #tpu.memory_space<hbm>> -> memref<100000x64xf32, #tpu.memory_space<hbm>>
      tpu.wait_indirect_dma semaphore(%arg12 : memref<!tpu.dma_semaphore, #tpu.memory_space<semaphore_mem>>) src(%dma_wait3A_352 : memref<100000x64xf32, #tpu.memory_space<hbm>>) dst(%arg8 : memref<128x64xf32, #tpu.memory_space<vmem>>)
      %add3A_353 = arith.constant 1 : i32
      %add3A_354 = arith.addi %add3A_346, %add3A_353 : i32
      %dma_start3A_355 = arith.constant 0 : i32
      %dma_start3A_356 = tpu.memref_slice %arg6[%add3A_354, %dma_start3A_355] : memref<200x128xi32, #tpu.memory_space<vmem>> -> memref<1x128xi32, #tpu.memory_space<vmem>>
      %dma_start3A_357 = tpu.memref_squeeze %dma_start3A_356 : memref<1x128xi32, #tpu.memory_space<vmem>> -> memref<128xi32, #tpu.memory_space<vmem>>
      %dma_start3A_358 = arith.constant 0 : i32
      %dma_start3A_359 = arith.constant 0 : i32
      %dma_start3A_360 = tpu.memref_slice %arg4[%dma_start3A_358, %dma_start3A_359] : memref<100000x64xf32, #tpu.memory_space<hbm>> -> memref<100000x64xf32, #tpu.memory_space<hbm>>
      tpu.enqueue_indirect_dma source(%dma_start3A_360 : memref<100000x64xf32, #tpu.memory_space<hbm>>) target(%arg9 : memref<128x64xf32, #tpu.memory_space<vmem>>) offsets(%dma_start3A_357 : memref<128xi32, #tpu.memory_space<vmem>>) semaphore(%arg13 : memref<!tpu.dma_semaphore, #tpu.memory_space<semaphore_mem>>)
      %sub3A = arith.constant 2 : i32
      %sub3A_361 = arith.subi %add3A_346, %sub3A : i32
      %dma_wait3A_362 = arith.constant 0 : i32
      %dma_wait3A_363 = arith.constant 0 : i32
      %dma_wait3A_364 = arith.constant 0 : i32
      %dma_wait3A_365 = tpu.memref_slice %arg10[%dma_wait3A_362, %dma_wait3A_363, %dma_wait3A_364] : memref<8x8x129xf32, #tpu.memory_space<vmem>> -> memref<8x8x128xf32, #tpu.memory_space<vmem>>
      %dma_wait3A_366 = arith.constant 0 : i32
      %dma_wait3A_367 = arith.constant 0 : i32
      %dma_wait3A_368 = arith.constant 0 : i32
      %dma_wait3A_369 = tpu.memref_slice %arg5[%sub3A_361, %dma_wait3A_366, %add3A, %dma_wait3A_367, %dma_wait3A_368] : memref<200x8x32x8x128xf32, #tpu.memory_space<hbm>> -> memref<1x8x1x8x128xf32, #tpu.memory_space<hbm>>
      %dma_wait3A_370 = tpu.memref_squeeze %dma_wait3A_369 : memref<1x8x1x8x128xf32, #tpu.memory_space<hbm>> -> memref<8x8x128xf32, #tpu.memory_space<hbm>>
      %dma_wait3A_371 = arith.constant 0 : i32
      %dma_wait3A_372 = arith.constant 0 : i32
      %dma_wait3A_373 = arith.constant 0 : i32
      %dma_wait3A_374 = tpu.memref_slice %arg5[%sub3A_361, %dma_wait3A_371, %add3A, %dma_wait3A_372, %dma_wait3A_373] : memref<200x8x32x8x128xf32, #tpu.memory_space<hbm>> -> memref<1x8x1x8x128xf32, #tpu.memory_space<hbm>>
      %dma_wait3A_375 = tpu.memref_squeeze %dma_wait3A_374 : memref<1x8x1x8x128xf32, #tpu.memory_space<hbm>> -> memref<8x8x128xf32, #tpu.memory_space<hbm>>
      %dma_wait3A_376 = arith.constant 0 : i32
      %dma_wait3A_377 = arith.constant 0 : i32
      %dma_wait3A_378 = arith.constant 0 : i32
      %dma_wait3A_379 = tpu.memref_slice %arg10[%dma_wait3A_376, %dma_wait3A_377, %dma_wait3A_378] : memref<8x8x129xf32, #tpu.memory_space<vmem>> -> memref<8x8x128xf32, #tpu.memory_space<vmem>>
      tpu.wait_dma2 semaphore(%arg14 : memref<!tpu.dma_semaphore, #tpu.memory_space<semaphore_mem>>) src(%dma_wait3A_379 : memref<8x8x128xf32, #tpu.memory_space<vmem>>) dst(%dma_wait3A_375 : memref<8x8x128xf32, #tpu.memory_space<hbm>>)
      %get3A_380 = arith.index_cast %add3A_346 : i32 to index
      %get3A_381 = arith.constant 0 : index
      %get3A_382 = tpu.vector_load %arg7[%get3A_380, %get3A_381] {strides = array<i32>} : memref<200x64xf32, #tpu.memory_space<vmem>>, vector<16xf32>,
      %get3A_383 = arith.index_cast %add3A_346 : i32 to index
      %get3A_384 = arith.constant 16 : index
      %get3A_385 = tpu.vector_load %arg7[%get3A_383, %get3A_384] {strides = array<i32>} : memref<200x64xf32, #tpu.memory_space<vmem>>, vector<16xf32>,
      %get3A_386 = arith.index_cast %add3A_346 : i32 to index
      %get3A_387 = arith.constant 32 : index
      %get3A_388 = tpu.vector_load %arg7[%get3A_386, %get3A_387] {strides = array<i32>} : memref<200x64xf32, #tpu.memory_space<vmem>>, vector<16xf32>,
      %get3A_389 = arith.index_cast %add3A_346 : i32 to index
      %get3A_390 = arith.constant 48 : index
      %get3A_391 = tpu.vector_load %arg7[%get3A_389, %get3A_390] {strides = array<i32>} : memref<200x64xf32, #tpu.memory_space<vmem>>, vector<16xf32>,
      %scan3A_392 = arith.constant 0 : i32
      %scan3A_393 = arith.constant 128 : i32
      %scan3A_394 = arith.addi %scan3A_392, %scan3A_393 : i32
      %scan3A_395 = arith.constant 8 : i32
      scf.for %scan3A_486 = %scan3A_392 to %scan3A_394 step %scan3A_395  : i32 {
        %broadcast_in_dim3A = vector.broadcast %scan3A_486 : i32 to vector<16xi32>
        %get3A_487 = arith.index_cast %scan3A_486 : i32 to index
        %get3A_488 = arith.constant 0 : index
        %get3A_489 = tpu.vector_load %arg8[%get3A_487, %get3A_488] {strides = array<i32>} : memref<128x64xf32, #tpu.memory_space<vmem>>, vector<16xf32>,
        %add3A_490 = arith.addf %get3A_489, %get3A_382 : vector<16xf32>
        tpu.vector_store_idx %arg10[%shift_right_arithmetic3A_7, %and3A_30, %broadcast_in_dim3A], %add3A_490 : memref<8x8x129xf32, #tpu.memory_space<vmem>>[vector<16xi32>, vector<16xi32>, vector<16xi32>], vector<16xf32>,
        %get3A_491 = arith.index_cast %scan3A_486 : i32 to index
        %get3A_492 = arith.constant 16 : index
        %get3A_493 = tpu.vector_load %arg8[%get3A_491, %get3A_492] {strides = array<i32>} : memref<128x64xf32, #tpu.memory_space<vmem>>, vector<16xf32>,
        %add3A_494 = arith.addf %get3A_493, %get3A_385 : vector<16xf32>
        tpu.vector_store_idx %arg10[%shift_right_arithmetic3A_13, %and3A_36, %broadcast_in_dim3A], %add3A_494 : memref<8x8x129xf32, #tpu.memory_space<vmem>>[vector<16xi32>, vector<16xi32>, vector<16xi32>], vector<16xf32>,
        %get3A_495 = arith.index_cast %scan3A_486 : i32 to index
        %get3A_496 = arith.constant 32 : index
        %get3A_497 = tpu.vector_load %arg8[%get3A_495, %get3A_496] {strides = array<i32>} : memref<128x64xf32, #tpu.memory_space<vmem>>, vector<16xf32>,
        %add3A_498 = arith.addf %get3A_497, %get3A_388 : vector<16xf32>
        tpu.vector_store_idx %arg10[%shift_right_arithmetic3A_19, %and3A_42, %broadcast_in_dim3A], %add3A_498 : memref<8x8x129xf32, #tpu.memory_space<vmem>>[vector<16xi32>, vector<16xi32>, vector<16xi32>], vector<16xf32>,
        %get3A_499 = arith.index_cast %scan3A_486 : i32 to index
        %get3A_500 = arith.constant 48 : index
        %get3A_501 = tpu.vector_load %arg8[%get3A_499, %get3A_500] {strides = array<i32>} : memref<128x64xf32, #tpu.memory_space<vmem>>, vector<16xf32>,
        %add3A_502 = arith.addf %get3A_501, %get3A_391 : vector<16xf32>
        tpu.vector_store_idx %arg10[%shift_right_arithmetic3A_25, %and3A_48, %broadcast_in_dim3A], %add3A_502 : memref<8x8x129xf32, #tpu.memory_space<vmem>>[vector<16xi32>, vector<16xi32>, vector<16xi32>], vector<16xf32>,
        %scan3A_503 = arith.constant 1 : i32
        %scan3A_504 = arith.addi %scan3A_486, %scan3A_503 : i32
        %broadcast_in_dim3A_505 = vector.broadcast %scan3A_504 : i32 to vector<16xi32>
        %get3A_506 = arith.index_cast %scan3A_504 : i32 to index
        %get3A_507 = arith.constant 0 : index
        %get3A_508 = tpu.vector_load %arg8[%get3A_506, %get3A_507] {strides = array<i32>} : memref<128x64xf32, #tpu.memory_space<vmem>>, vector<16xf32>,
        %add3A_509 = arith.addf %get3A_508, %get3A_382 : vector<16xf32>
        tpu.vector_store_idx %arg10[%shift_right_arithmetic3A_7, %and3A_30, %broadcast_in_dim3A_505], %add3A_509 : memref<8x8x129xf32, #tpu.memory_space<vmem>>[vector<16xi32>, vector<16xi32>, vector<16xi32>], vector<16xf32>,
        %get3A_510 = arith.index_cast %scan3A_504 : i32 to index
        %get3A_511 = arith.constant 16 : index
        %get3A_512 = tpu.vector_load %arg8[%get3A_510, %get3A_511] {strides = array<i32>} : memref<128x64xf32, #tpu.memory_space<vmem>>, vector<16xf32>,
        %add3A_513 = arith.addf %get3A_512, %get3A_385 : vector<16xf32>
        tpu.vector_store_idx %arg10[%shift_right_arithmetic3A_13, %and3A_36, %broadcast_in_dim3A_505], %add3A_513 : memref<8x8x129xf32, #tpu.memory_space<vmem>>[vector<16xi32>, vector<16xi32>, vector<16xi32>], vector<16xf32>,
        %get3A_514 = arith.index_cast %scan3A_504 : i32 to index
        %get3A_515 = arith.constant 32 : index
        %get3A_516 = tpu.vector_load %arg8[%get3A_514, %get3A_515] {strides = array<i32>} : memref<128x64xf32, #tpu.memory_space<vmem>>, vector<16xf32>,
        %add3A_517 = arith.addf %get3A_516, %get3A_388 : vector<16xf32>
        tpu.vector_store_idx %arg10[%shift_right_arithmetic3A_19, %and3A_42, %broadcast_in_dim3A_505], %add3A_517 : memref<8x8x129xf32, #tpu.memory_space<vmem>>[vector<16xi32>, vector<16xi32>, vector<16xi32>], vector<16xf32>,
        %get3A_518 = arith.index_cast %scan3A_504 : i32 to index
        %get3A_519 = arith.constant 48 : index
        %get3A_520 = tpu.vector_load %arg8[%get3A_518, %get3A_519] {strides = array<i32>} : memref<128x64xf32, #tpu.memory_space<vmem>>, vector<16xf32>,
        %add3A_521 = arith.addf %get3A_520, %get3A_391 : vector<16xf32>
        tpu.vector_store_idx %arg10[%shift_right_arithmetic3A_25, %and3A_48, %broadcast_in_dim3A_505], %add3A_521 : memref<8x8x129xf32, #tpu.memory_space<vmem>>[vector<16xi32>, vector<16xi32>, vector<16xi32>], vector<16xf32>,
        %scan3A_522 = arith.constant 2 : i32
        %scan3A_523 = arith.addi %scan3A_486, %scan3A_522 : i32
        %broadcast_in_dim3A_524 = vector.broadcast %scan3A_523 : i32 to vector<16xi32>
        %get3A_525 = arith.index_cast %scan3A_523 : i32 to index
        %get3A_526 = arith.constant 0 : index
        %get3A_527 = tpu.vector_load %arg8[%get3A_525, %get3A_526] {strides = array<i32>} : memref<128x64xf32, #tpu.memory_space<vmem>>, vector<16xf32>,
        %add3A_528 = arith.addf %get3A_527, %get3A_382 : vector<16xf32>
        tpu.vector_store_idx %arg10[%shift_right_arithmetic3A_7, %and3A_30, %broadcast_in_dim3A_524], %add3A_528 : memref<8x8x129xf32, #tpu.memory_space<vmem>>[vector<16xi32>, vector<16xi32>, vector<16xi32>], vector<16xf32>,
        %get3A_529 = arith.index_cast %scan3A_523 : i32 to index
        %get3A_530 = arith.constant 16 : index
        %get3A_531 = tpu.vector_load %arg8[%get3A_529, %get3A_530] {strides = array<i32>} : memref<128x64xf32, #tpu.memory_space<vmem>>, vector<16xf32>,
        %add3A_532 = arith.addf %get3A_531, %get3A_385 : vector<16xf32>
        tpu.vector_store_idx %arg10[%shift_right_arithmetic3A_13, %and3A_36, %broadcast_in_dim3A_524], %add3A_532 : memref<8x8x129xf32, #tpu.memory_space<vmem>>[vector<16xi32>, vector<16xi32>, vector<16xi32>], vector<16xf32>,
        %get3A_533 = arith.index_cast %scan3A_523 : i32 to index
        %get3A_534 = arith.constant 32 : index
        %get3A_535 = tpu.vector_load %arg8[%get3A_533, %get3A_534] {strides = array<i32>} : memref<128x64xf32, #tpu.memory_space<vmem>>, vector<16xf32>,
        %add3A_536 = arith.addf %get3A_535, %get3A_388 : vector<16xf32>
        tpu.vector_store_idx %arg10[%shift_right_arithmetic3A_19, %and3A_42, %broadcast_in_dim3A_524], %add3A_536 : memref<8x8x129xf32, #tpu.memory_space<vmem>>[vector<16xi32>, vector<16xi32>, vector<16xi32>], vector<16xf32>,
        %get3A_537 = arith.index_cast %scan3A_523 : i32 to index
        %get3A_538 = arith.constant 48 : index
        %get3A_539 = tpu.vector_load %arg8[%get3A_537, %get3A_538] {strides = array<i32>} : memref<128x64xf32, #tpu.memory_space<vmem>>, vector<16xf32>,
        %add3A_540 = arith.addf %get3A_539, %get3A_391 : vector<16xf32>
        tpu.vector_store_idx %arg10[%shift_right_arithmetic3A_25, %and3A_48, %broadcast_in_dim3A_524], %add3A_540 : memref<8x8x129xf32, #tpu.memory_space<vmem>>[vector<16xi32>, vector<16xi32>, vector<16xi32>], vector<16xf32>,
        %scan3A_541 = arith.constant 3 : i32
        %scan3A_542 = arith.addi %scan3A_486, %scan3A_541 : i32
        %broadcast_in_dim3A_543 = vector.broadcast %scan3A_542 : i32 to vector<16xi32>
        %get3A_544 = arith.index_cast %scan3A_542 : i32 to index
        %get3A_545 = arith.constant 0 : index
        %get3A_546 = tpu.vector_load %arg8[%get3A_544, %get3A_545] {strides = array<i32>} : memref<128x64xf32, #tpu.memory_space<vmem>>, vector<16xf32>,
        %add3A_547 = arith.addf %get3A_546, %get3A_382 : vector<16xf32>
        tpu.vector_store_idx %arg10[%shift_right_arithmetic3A_7, %and3A_30, %broadcast_in_dim3A_543], %add3A_547 : memref<8x8x129xf32, #tpu.memory_space<vmem>>[vector<16xi32>, vector<16xi32>, vector<16xi32>], vector<16xf32>,
        %get3A_548 = arith.index_cast %scan3A_542 : i32 to index
        %get3A_549 = arith.constant 16 : index
        %get3A_550 = tpu.vector_load %arg8[%get3A_548, %get3A_549] {strides = array<i32>} : memref<128x64xf32, #tpu.memory_space<vmem>>, vector<16xf32>,
        %add3A_551 = arith.addf %get3A_550, %get3A_385 : vector<16xf32>
        tpu.vector_store_idx %arg10[%shift_right_arithmetic3A_13, %and3A_36, %broadcast_in_dim3A_543], %add3A_551 : memref<8x8x129xf32, #tpu.memory_space<vmem>>[vector<16xi32>, vector<16xi32>, vector<16xi32>], vector<16xf32>,
        %get3A_552 = arith.index_cast %scan3A_542 : i32 to index
        %get3A_553 = arith.constant 32 : index
        %get3A_554 = tpu.vector_load %arg8[%get3A_552, %get3A_553] {strides = array<i32>} : memref<128x64xf32, #tpu.memory_space<vmem>>, vector<16xf32>,
        %add3A_555 = arith.addf %get3A_554, %get3A_388 : vector<16xf32>
        tpu.vector_store_idx %arg10[%shift_right_arithmetic3A_19, %and3A_42, %broadcast_in_dim3A_543], %add3A_555 : memref<8x8x129xf32, #tpu.memory_space<vmem>>[vector<16xi32>, vector<16xi32>, vector<16xi32>], vector<16xf32>,
        %get3A_556 = arith.index_cast %scan3A_542 : i32 to index
        %get3A_557 = arith.constant 48 : index
        %get3A_558 = tpu.vector_load %arg8[%get3A_556, %get3A_557] {strides = array<i32>} : memref<128x64xf32, #tpu.memory_space<vmem>>, vector<16xf32>,
        %add3A_559 = arith.addf %get3A_558, %get3A_391 : vector<16xf32>
        tpu.vector_store_idx %arg10[%shift_right_arithmetic3A_25, %and3A_48, %broadcast_in_dim3A_543], %add3A_559 : memref<8x8x129xf32, #tpu.memory_space<vmem>>[vector<16xi32>, vector<16xi32>, vector<16xi32>], vector<16xf32>,
        %scan3A_560 = arith.constant 4 : i32
        %scan3A_561 = arith.addi %scan3A_486, %scan3A_560 : i32
        %broadcast_in_dim3A_562 = vector.broadcast %scan3A_561 : i32 to vector<16xi32>
        %get3A_563 = arith.index_cast %scan3A_561 : i32 to index
        %get3A_564 = arith.constant 0 : index
        %get3A_565 = tpu.vector_load %arg8[%get3A_563, %get3A_564] {strides = array<i32>} : memref<128x64xf32, #tpu.memory_space<vmem>>, vector<16xf32>,
        %add3A_566 = arith.addf %get3A_565, %get3A_382 : vector<16xf32>
        tpu.vector_store_idx %arg10[%shift_right_arithmetic3A_7, %and3A_30, %broadcast_in_dim3A_562], %add3A_566 : memref<8x8x129xf32, #tpu.memory_space<vmem>>[vector<16xi32>, vector<16xi32>, vector<16xi32>], vector<16xf32>,
        %get3A_567 = arith.index_cast %scan3A_561 : i32 to index
        %get3A_568 = arith.constant 16 : index
        %get3A_569 = tpu.vector_load %arg8[%get3A_567, %get3A_568] {strides = array<i32>} : memref<128x64xf32, #tpu.memory_space<vmem>>, vector<16xf32>,
        %add3A_570 = arith.addf %get3A_569, %get3A_385 : vector<16xf32>
        tpu.vector_store_idx %arg10[%shift_right_arithmetic3A_13, %and3A_36, %broadcast_in_dim3A_562], %add3A_570 : memref<8x8x129xf32, #tpu.memory_space<vmem>>[vector<16xi32>, vector<16xi32>, vector<16xi32>], vector<16xf32>,
        %get3A_571 = arith.index_cast %scan3A_561 : i32 to index
        %get3A_572 = arith.constant 32 : index
        %get3A_573 = tpu.vector_load %arg8[%get3A_571, %get3A_572] {strides = array<i32>} : memref<128x64xf32, #tpu.memory_space<vmem>>, vector<16xf32>,
        %add3A_574 = arith.addf %get3A_573, %get3A_388 : vector<16xf32>
        tpu.vector_store_idx %arg10[%shift_right_arithmetic3A_19, %and3A_42, %broadcast_in_dim3A_562], %add3A_574 : memref<8x8x129xf32, #tpu.memory_space<vmem>>[vector<16xi32>, vector<16xi32>, vector<16xi32>], vector<16xf32>,
        %get3A_575 = arith.index_cast %scan3A_561 : i32 to index
        %get3A_576 = arith.constant 48 : index
        %get3A_577 = tpu.vector_load %arg8[%get3A_575, %get3A_576] {strides = array<i32>} : memref<128x64xf32, #tpu.memory_space<vmem>>, vector<16xf32>,
        %add3A_578 = arith.addf %get3A_577, %get3A_391 : vector<16xf32>
        tpu.vector_store_idx %arg10[%shift_right_arithmetic3A_25, %and3A_48, %broadcast_in_dim3A_562], %add3A_578 : memref<8x8x129xf32, #tpu.memory_space<vmem>>[vector<16xi32>, vector<16xi32>, vector<16xi32>], vector<16xf32>,
        %scan3A_579 = arith.constant 5 : i32
        %scan3A_580 = arith.addi %scan3A_486, %scan3A_579 : i32
        %broadcast_in_dim3A_581 = vector.broadcast %scan3A_580 : i32 to vector<16xi32>
        %get3A_582 = arith.index_cast %scan3A_580 : i32 to index
        %get3A_583 = arith.constant 0 : index
        %get3A_584 = tpu.vector_load %arg8[%get3A_582, %get3A_583] {strides = array<i32>} : memref<128x64xf32, #tpu.memory_space<vmem>>, vector<16xf32>,
        %add3A_585 = arith.addf %get3A_584, %get3A_382 : vector<16xf32>
        tpu.vector_store_idx %arg10[%shift_right_arithmetic3A_7, %and3A_30, %broadcast_in_dim3A_581], %add3A_585 : memref<8x8x129xf32, #tpu.memory_space<vmem>>[vector<16xi32>, vector<16xi32>, vector<16xi32>], vector<16xf32>,
        %get3A_586 = arith.index_cast %scan3A_580 : i32 to index
        %get3A_587 = arith.constant 16 : index
        %get3A_588 = tpu.vector_load %arg8[%get3A_586, %get3A_587] {strides = array<i32>} : memref<128x64xf32, #tpu.memory_space<vmem>>, vector<16xf32>,
        %add3A_589 = arith.addf %get3A_588, %get3A_385 : vector<16xf32>
        tpu.vector_store_idx %arg10[%shift_right_arithmetic3A_13, %and3A_36, %broadcast_in_dim3A_581], %add3A_589 : memref<8x8x129xf32, #tpu.memory_space<vmem>>[vector<16xi32>, vector<16xi32>, vector<16xi32>], vector<16xf32>,
        %get3A_590 = arith.index_cast %scan3A_580 : i32 to index
        %get3A_591 = arith.constant 32 : index
        %get3A_592 = tpu.vector_load %arg8[%get3A_590, %get3A_591] {strides = array<i32>} : memref<128x64xf32, #tpu.memory_space<vmem>>, vector<16xf32>,
        %add3A_593 = arith.addf %get3A_592, %get3A_388 : vector<16xf32>
        tpu.vector_store_idx %arg10[%shift_right_arithmetic3A_19, %and3A_42, %broadcast_in_dim3A_581], %add3A_593 : memref<8x8x129xf32, #tpu.memory_space<vmem>>[vector<16xi32>, vector<16xi32>, vector<16xi32>], vector<16xf32>,
        %get3A_594 = arith.index_cast %scan3A_580 : i32 to index
        %get3A_595 = arith.constant 48 : index
        %get3A_596 = tpu.vector_load %arg8[%get3A_594, %get3A_595] {strides = array<i32>} : memref<128x64xf32, #tpu.memory_space<vmem>>, vector<16xf32>,
        %add3A_597 = arith.addf %get3A_596, %get3A_391 : vector<16xf32>
        tpu.vector_store_idx %arg10[%shift_right_arithmetic3A_25, %and3A_48, %broadcast_in_dim3A_581], %add3A_597 : memref<8x8x129xf32, #tpu.memory_space<vmem>>[vector<16xi32>, vector<16xi32>, vector<16xi32>], vector<16xf32>,
        %scan3A_598 = arith.constant 6 : i32
        %scan3A_599 = arith.addi %scan3A_486, %scan3A_598 : i32
        %broadcast_in_dim3A_600 = vector.broadcast %scan3A_599 : i32 to vector<16xi32>
        %get3A_601 = arith.index_cast %scan3A_599 : i32 to index
        %get3A_602 = arith.constant 0 : index
        %get3A_603 = tpu.vector_load %arg8[%get3A_601, %get3A_602] {strides = array<i32>} : memref<128x64xf32, #tpu.memory_space<vmem>>, vector<16xf32>,
        %add3A_604 = arith.addf %get3A_603, %get3A_382 : vector<16xf32>
        tpu.vector_store_idx %arg10[%shift_right_arithmetic3A_7, %and3A_30, %broadcast_in_dim3A_600], %add3A_604 : memref<8x8x129xf32, #tpu.memory_space<vmem>>[vector<16xi32>, vector<16xi32>, vector<16xi32>], vector<16xf32>,
        %get3A_605 = arith.index_cast %scan3A_599 : i32 to index
        %get3A_606 = arith.constant 16 : index
        %get3A_607 = tpu.vector_load %arg8[%get3A_605, %get3A_606] {strides = array<i32>} : memref<128x64xf32, #tpu.memory_space<vmem>>, vector<16xf32>,
        %add3A_608 = arith.addf %get3A_607, %get3A_385 : vector<16xf32>
        tpu.vector_store_idx %arg10[%shift_right_arithmetic3A_13, %and3A_36, %broadcast_in_dim3A_600], %add3A_608 : memref<8x8x129xf32, #tpu.memory_space<vmem>>[vector<16xi32>, vector<16xi32>, vector<16xi32>], vector<16xf32>,
        %get3A_609 = arith.index_cast %scan3A_599 : i32 to index
        %get3A_610 = arith.constant 32 : index
        %get3A_611 = tpu.vector_load %arg8[%get3A_609, %get3A_610] {strides = array<i32>} : memref<128x64xf32, #tpu.memory_space<vmem>>, vector<16xf32>,
        %add3A_612 = arith.addf %get3A_611, %get3A_388 : vector<16xf32>
        tpu.vector_store_idx %arg10[%shift_right_arithmetic3A_19, %and3A_42, %broadcast_in_dim3A_600], %add3A_612 : memref<8x8x129xf32, #tpu.memory_space<vmem>>[vector<16xi32>, vector<16xi32>, vector<16xi32>], vector<16xf32>,
        %get3A_613 = arith.index_cast %scan3A_599 : i32 to index
        %get3A_614 = arith.constant 48 : index
        %get3A_615 = tpu.vector_load %arg8[%get3A_613, %get3A_614] {strides = array<i32>} : memref<128x64xf32, #tpu.memory_space<vmem>>, vector<16xf32>,
        %add3A_616 = arith.addf %get3A_615, %get3A_391 : vector<16xf32>
        tpu.vector_store_idx %arg10[%shift_right_arithmetic3A_25, %and3A_48, %broadcast_in_dim3A_600], %add3A_616 : memref<8x8x129xf32, #tpu.memory_space<vmem>>[vector<16xi32>, vector<16xi32>, vector<16xi32>], vector<16xf32>,
        %scan3A_617 = arith.constant 7 : i32
        %scan3A_618 = arith.addi %scan3A_486, %scan3A_617 : i32
        %broadcast_in_dim3A_619 = vector.broadcast %scan3A_618 : i32 to vector<16xi32>
        %get3A_620 = arith.index_cast %scan3A_618 : i32 to index
        %get3A_621 = arith.constant 0 : index
        %get3A_622 = tpu.vector_load %arg8[%get3A_620, %get3A_621] {strides = array<i32>} : memref<128x64xf32, #tpu.memory_space<vmem>>, vector<16xf32>,
        %add3A_623 = arith.addf %get3A_622, %get3A_382 : vector<16xf32>
        tpu.vector_store_idx %arg10[%shift_right_arithmetic3A_7, %and3A_30, %broadcast_in_dim3A_619], %add3A_623 : memref<8x8x129xf32, #tpu.memory_space<vmem>>[vector<16xi32>, vector<16xi32>, vector<16xi32>], vector<16xf32>,
        %get3A_624 = arith.index_cast %scan3A_618 : i32 to index
        %get3A_625 = arith.constant 16 : index
        %get3A_626 = tpu.vector_load %arg8[%get3A_624, %get3A_625] {strides = array<i32>} : memref<128x64xf32, #tpu.memory_space<vmem>>, vector<16xf32>,
        %add3A_627 = arith.addf %get3A_626, %get3A_385 : vector<16xf32>
        tpu.vector_store_idx %arg10[%shift_right_arithmetic3A_13, %and3A_36, %broadcast_in_dim3A_619], %add3A_627 : memref<8x8x129xf32, #tpu.memory_space<vmem>>[vector<16xi32>, vector<16xi32>, vector<16xi32>], vector<16xf32>,
        %get3A_628 = arith.index_cast %scan3A_618 : i32 to index
        %get3A_629 = arith.constant 32 : index
        %get3A_630 = tpu.vector_load %arg8[%get3A_628, %get3A_629] {strides = array<i32>} : memref<128x64xf32, #tpu.memory_space<vmem>>, vector<16xf32>,
        %add3A_631 = arith.addf %get3A_630, %get3A_388 : vector<16xf32>
        tpu.vector_store_idx %arg10[%shift_right_arithmetic3A_19, %and3A_42, %broadcast_in_dim3A_619], %add3A_631 : memref<8x8x129xf32, #tpu.memory_space<vmem>>[vector<16xi32>, vector<16xi32>, vector<16xi32>], vector<16xf32>,
        %get3A_632 = arith.index_cast %scan3A_618 : i32 to index
        %get3A_633 = arith.constant 48 : index
        %get3A_634 = tpu.vector_load %arg8[%get3A_632, %get3A_633] {strides = array<i32>} : memref<128x64xf32, #tpu.memory_space<vmem>>, vector<16xf32>,
        %add3A_635 = arith.addf %get3A_634, %get3A_391 : vector<16xf32>
        tpu.vector_store_idx %arg10[%shift_right_arithmetic3A_25, %and3A_48, %broadcast_in_dim3A_619], %add3A_635 : memref<8x8x129xf32, #tpu.memory_space<vmem>>[vector<16xi32>, vector<16xi32>, vector<16xi32>], vector<16xf32>,
      }
      %scan3A_396 = arith.constant 128 : i32
      %dma_start3A_397 = arith.constant 0 : i32
      %dma_start3A_398 = arith.constant 0 : i32
      %dma_start3A_399 = arith.constant 0 : i32
      %dma_start3A_400 = tpu.memref_slice %arg10[%dma_start3A_397, %dma_start3A_398, %dma_start3A_399] : memref<8x8x129xf32, #tpu.memory_space<vmem>> -> memref<8x8x128xf32, #tpu.memory_space<vmem>>
      %dma_start3A_401 = arith.constant 0 : i32
      %dma_start3A_402 = arith.constant 0 : i32
      %dma_start3A_403 = arith.constant 0 : i32
      %dma_start3A_404 = tpu.memref_slice %arg5[%add3A_346, %dma_start3A_401, %add3A, %dma_start3A_402, %dma_start3A_403] : memref<200x8x32x8x128xf32, #tpu.memory_space<hbm>> -> memref<1x8x1x8x128xf32, #tpu.memory_space<hbm>>
      %dma_start3A_405 = tpu.memref_squeeze %dma_start3A_404 : memref<1x8x1x8x128xf32, #tpu.memory_space<hbm>> -> memref<8x8x128xf32, #tpu.memory_space<hbm>>
      %dma_start3A_406 = arith.constant 0 : i32
      %dma_start3A_407 = arith.constant 0 : i32
      %dma_start3A_408 = arith.constant 0 : i32
      %dma_start3A_409 = tpu.memref_slice %arg5[%add3A_346, %dma_start3A_406, %add3A, %dma_start3A_407, %dma_start3A_408] : memref<200x8x32x8x128xf32, #tpu.memory_space<hbm>> -> memref<1x8x1x8x128xf32, #tpu.memory_space<hbm>>
      %dma_start3A_410 = tpu.memref_squeeze %dma_start3A_409 : memref<1x8x1x8x128xf32, #tpu.memory_space<hbm>> -> memref<8x8x128xf32, #tpu.memory_space<hbm>>
      %dma_start3A_411 = arith.constant 0 : i32
      %dma_start3A_412 = arith.constant 0 : i32
      %dma_start3A_413 = arith.constant 0 : i32
      %dma_start3A_414 = tpu.memref_slice %arg10[%dma_start3A_411, %dma_start3A_412, %dma_start3A_413] : memref<8x8x129xf32, #tpu.memory_space<vmem>> -> memref<8x8x128xf32, #tpu.memory_space<vmem>>
      tpu.enqueue_dma source(%dma_start3A_414 : memref<8x8x128xf32, #tpu.memory_space<vmem>>) target(%dma_start3A_410 : memref<8x8x128xf32, #tpu.memory_space<hbm>>) target_semaphore(%arg14 : memref<!tpu.dma_semaphore, #tpu.memory_space<semaphore_mem>>)
      %add3A_415 = arith.constant 1 : i32
      %add3A_416 = arith.addi %add3A_346, %add3A_415 : i32
      %dma_wait3A_417 = arith.constant 0 : i32
      %dma_wait3A_418 = tpu.memref_slice %arg6[%add3A_416, %dma_wait3A_417] : memref<200x128xi32, #tpu.memory_space<vmem>> -> memref<1x128xi32, #tpu.memory_space<vmem>>
      %dma_wait3A_419 = tpu.memref_squeeze %dma_wait3A_418 : memref<1x128xi32, #tpu.memory_space<vmem>> -> memref<128xi32, #tpu.memory_space<vmem>>
      %dma_wait3A_420 = arith.constant 0 : i32
      %dma_wait3A_421 = arith.constant 0 : i32
      %dma_wait3A_422 = tpu.memref_slice %arg4[%dma_wait3A_420, %dma_wait3A_421] : memref<100000x64xf32, #tpu.memory_space<hbm>> -> memref<100000x64xf32, #tpu.memory_space<hbm>>
      tpu.wait_indirect_dma semaphore(%arg13 : memref<!tpu.dma_semaphore, #tpu.memory_space<semaphore_mem>>) src(%dma_wait3A_422 : memref<100000x64xf32, #tpu.memory_space<hbm>>) dst(%arg9 : memref<128x64xf32, #tpu.memory_space<vmem>>)
      %add3A_423 = arith.constant 1 : i32
      %add3A_424 = arith.addi %add3A_416, %add3A_423 : i32
      %dma_start3A_425 = arith.constant 0 : i32
      %dma_start3A_426 = tpu.memref_slice %arg6[%add3A_424, %dma_start3A_425] : memref<200x128xi32, #tpu.memory_space<vmem>> -> memref<1x128xi32, #tpu.memory_space<vmem>>
      %dma_start3A_427 = tpu.memref_squeeze %dma_start3A_426 : memref<1x128xi32, #tpu.memory_space<vmem>> -> memref<128xi32, #tpu.memory_space<vmem>>
      %dma_start3A_428 = arith.constant 0 : i32
      %dma_start3A_429 = arith.constant 0 : i32
      %dma_start3A_430 = tpu.memref_slice %arg4[%dma_start3A_428, %dma_start3A_429] : memref<100000x64xf32, #tpu.memory_space<hbm>> -> memref<100000x64xf32, #tpu.memory_space<hbm>>
      tpu.enqueue_indirect_dma source(%dma_start3A_430 : memref<100000x64xf32, #tpu.memory_space<hbm>>) target(%arg8 : memref<128x64xf32, #tpu.memory_space<vmem>>) offsets(%dma_start3A_427 : memref<128xi32, #tpu.memory_space<vmem>>) semaphore(%arg12 : memref<!tpu.dma_semaphore, #tpu.memory_space<semaphore_mem>>)
      %sub3A_431 = arith.constant 2 : i32
      %sub3A_432 = arith.subi %add3A_416, %sub3A_431 : i32
      %dma_wait3A_433 = arith.constant 0 : i32
      %dma_wait3A_434 = arith.constant 0 : i32
      %dma_wait3A_435 = arith.constant 0 : i32
      %dma_wait3A_436 = tpu.memref_slice %arg11[%dma_wait3A_433, %dma_wait3A_434, %dma_wait3A_435] : memref<8x8x129xf32, #tpu.memory_space<vmem>> -> memref<8x8x128xf32, #tpu.memory_space<vmem>>
      %dma_wait3A_437 = arith.constant 0 : i32
      %dma_wait3A_438 = arith.constant 0 : i32
      %dma_wait3A_439 = arith.constant 0 : i32
      %dma_wait3A_440 = tpu.memref_slice %arg5[%sub3A_432, %dma_wait3A_437, %add3A, %dma_wait3A_438, %dma_wait3A_439] : memref<200x8x32x8x128xf32, #tpu.memory_space<hbm>> -> memref<1x8x1x8x128xf32, #tpu.memory_space<hbm>>
      %dma_wait3A_441 = tpu.memref_squeeze %dma_wait3A_440 : memref<1x8x1x8x128xf32, #tpu.memory_space<hbm>> -> memref<8x8x128xf32, #tpu.memory_space<hbm>>
      %dma_wait3A_442 = arith.constant 0 : i32
      %dma_wait3A_443 = arith.constant 0 : i32
      %dma_wait3A_444 = arith.constant 0 : i32
      %dma_wait3A_445 = tpu.memref_slice %arg5[%sub3A_432, %dma_wait3A_442, %add3A, %dma_wait3A_443, %dma_wait3A_444] : memref<200x8x32x8x128xf32, #tpu.memory_space<hbm>> -> memref<1x8x1x8x128xf32, #tpu.memory_space<hbm>>
      %dma_wait3A_446 = tpu.memref_squeeze %dma_wait3A_445 : memref<1x8x1x8x128xf32, #tpu.memory_space<hbm>> -> memref<8x8x128xf32, #tpu.memory_space<hbm>>
      %dma_wait3A_447 = arith.constant 0 : i32
      %dma_wait3A_448 = arith.constant 0 : i32
      %dma_wait3A_449 = arith.constant 0 : i32
      %dma_wait3A_450 = tpu.memref_slice %arg11[%dma_wait3A_447, %dma_wait3A_448, %dma_wait3A_449] : memref<8x8x129xf32, #tpu.memory_space<vmem>> -> memref<8x8x128xf32, #tpu.memory_space<vmem>>
      tpu.wait_dma2 semaphore(%arg15 : memref<!tpu.dma_semaphore, #tpu.memory_space<semaphore_mem>>) src(%dma_wait3A_450 : memref<8x8x128xf32, #tpu.memory_space<vmem>>) dst(%dma_wait3A_446 : memref<8x8x128xf32, #tpu.memory_space<hbm>>)
      %get3A_451 = arith.index_cast %add3A_416 : i32 to index
      %get3A_452 = arith.constant 0 : index
      %get3A_453 = tpu.vector_load %arg7[%get3A_451, %get3A_452] {strides = array<i32>} : memref<200x64xf32, #tpu.memory_space<vmem>>, vector<16xf32>,
      %get3A_454 = arith.index_cast %add3A_416 : i32 to index
      %get3A_455 = arith.constant 16 : index
      %get3A_456 = tpu.vector_load %arg7[%get3A_454, %get3A_455] {strides = array<i32>} : memref<200x64xf32, #tpu.memory_space<vmem>>, vector<16xf32>,
      %get3A_457 = arith.index_cast %add3A_416 : i32 to index
      %get3A_458 = arith.constant 32 : index
      %get3A_459 = tpu.vector_load %arg7[%get3A_457, %get3A_458] {strides = array<i32>} : memref<200x64xf32, #tpu.memory_space<vmem>>, vector<16xf32>,
      %get3A_460 = arith.index_cast %add3A_416 : i32 to index
      %get3A_461 = arith.constant 48 : index
      %get3A_462 = tpu.vector_load %arg7[%get3A_460, %get3A_461] {strides = array<i32>} : memref<200x64xf32, #tpu.memory_space<vmem>>, vector<16xf32>,
      %scan3A_463 = arith.constant 0 : i32
      %scan3A_464 = arith.constant 128 : i32
      %scan3A_465 = arith.addi %scan3A_463, %scan3A_464 : i32
      %scan3A_466 = arith.constant 8 : i32
      scf.for %scan3A_486 = %scan3A_463 to %scan3A_465 step %scan3A_466  : i32 {
        %broadcast_in_dim3A = vector.broadcast %scan3A_486 : i32 to vector<16xi32>
        %get3A_487 = arith.index_cast %scan3A_486 : i32 to index
        %get3A_488 = arith.constant 0 : index
        %get3A_489 = tpu.vector_load %arg9[%get3A_487, %get3A_488] {strides = array<i32>} : memref<128x64xf32, #tpu.memory_space<vmem>>, vector<16xf32>,
        %add3A_490 = arith.addf %get3A_489, %get3A_453 : vector<16xf32>
        tpu.vector_store_idx %arg11[%shift_right_arithmetic3A_7, %and3A_30, %broadcast_in_dim3A], %add3A_490 : memref<8x8x129xf32, #tpu.memory_space<vmem>>[vector<16xi32>, vector<16xi32>, vector<16xi32>], vector<16xf32>,
        %get3A_491 = arith.index_cast %scan3A_486 : i32 to index
        %get3A_492 = arith.constant 16 : index
        %get3A_493 = tpu.vector_load %arg9[%get3A_491, %get3A_492] {strides = array<i32>} : memref<128x64xf32, #tpu.memory_space<vmem>>, vector<16xf32>,
        %add3A_494 = arith.addf %get3A_493, %get3A_456 : vector<16xf32>
        tpu.vector_store_idx %arg11[%shift_right_arithmetic3A_13, %and3A_36, %broadcast_in_dim3A], %add3A_494 : memref<8x8x129xf32, #tpu.memory_space<vmem>>[vector<16xi32>, vector<16xi32>, vector<16xi32>], vector<16xf32>,
        %get3A_495 = arith.index_cast %scan3A_486 : i32 to index
        %get3A_496 = arith.constant 32 : index
        %get3A_497 = tpu.vector_load %arg9[%get3A_495, %get3A_496] {strides = array<i32>} : memref<128x64xf32, #tpu.memory_space<vmem>>, vector<16xf32>,
        %add3A_498 = arith.addf %get3A_497, %get3A_459 : vector<16xf32>
        tpu.vector_store_idx %arg11[%shift_right_arithmetic3A_19, %and3A_42, %broadcast_in_dim3A], %add3A_498 : memref<8x8x129xf32, #tpu.memory_space<vmem>>[vector<16xi32>, vector<16xi32>, vector<16xi32>], vector<16xf32>,
        %get3A_499 = arith.index_cast %scan3A_486 : i32 to index
        %get3A_500 = arith.constant 48 : index
        %get3A_501 = tpu.vector_load %arg9[%get3A_499, %get3A_500] {strides = array<i32>} : memref<128x64xf32, #tpu.memory_space<vmem>>, vector<16xf32>,
        %add3A_502 = arith.addf %get3A_501, %get3A_462 : vector<16xf32>
        tpu.vector_store_idx %arg11[%shift_right_arithmetic3A_25, %and3A_48, %broadcast_in_dim3A], %add3A_502 : memref<8x8x129xf32, #tpu.memory_space<vmem>>[vector<16xi32>, vector<16xi32>, vector<16xi32>], vector<16xf32>,
        %scan3A_503 = arith.constant 1 : i32
        %scan3A_504 = arith.addi %scan3A_486, %scan3A_503 : i32
        %broadcast_in_dim3A_505 = vector.broadcast %scan3A_504 : i32 to vector<16xi32>
        %get3A_506 = arith.index_cast %scan3A_504 : i32 to index
        %get3A_507 = arith.constant 0 : index
        %get3A_508 = tpu.vector_load %arg9[%get3A_506, %get3A_507] {strides = array<i32>} : memref<128x64xf32, #tpu.memory_space<vmem>>, vector<16xf32>,
        %add3A_509 = arith.addf %get3A_508, %get3A_453 : vector<16xf32>
        tpu.vector_store_idx %arg11[%shift_right_arithmetic3A_7, %and3A_30, %broadcast_in_dim3A_505], %add3A_509 : memref<8x8x129xf32, #tpu.memory_space<vmem>>[vector<16xi32>, vector<16xi32>, vector<16xi32>], vector<16xf32>,
        %get3A_510 = arith.index_cast %scan3A_504 : i32 to index
        %get3A_511 = arith.constant 16 : index
        %get3A_512 = tpu.vector_load %arg9[%get3A_510, %get3A_511] {strides = array<i32>} : memref<128x64xf32, #tpu.memory_space<vmem>>, vector<16xf32>,
        %add3A_513 = arith.addf %get3A_512, %get3A_456 : vector<16xf32>
        tpu.vector_store_idx %arg11[%shift_right_arithmetic3A_13, %and3A_36, %broadcast_in_dim3A_505], %add3A_513 : memref<8x8x129xf32, #tpu.memory_space<vmem>>[vector<16xi32>, vector<16xi32>, vector<16xi32>], vector<16xf32>,
        %get3A_514 = arith.index_cast %scan3A_504 : i32 to index
        %get3A_515 = arith.constant 32 : index
        %get3A_516 = tpu.vector_load %arg9[%get3A_514, %get3A_515] {strides = array<i32>} : memref<128x64xf32, #tpu.memory_space<vmem>>, vector<16xf32>,
        %add3A_517 = arith.addf %get3A_516, %get3A_459 : vector<16xf32>
        tpu.vector_store_idx %arg11[%shift_right_arithmetic3A_19, %and3A_42, %broadcast_in_dim3A_505], %add3A_517 : memref<8x8x129xf32, #tpu.memory_space<vmem>>[vector<16xi32>, vector<16xi32>, vector<16xi32>], vector<16xf32>,
        %get3A_518 = arith.index_cast %scan3A_504 : i32 to index
        %get3A_519 = arith.constant 48 : index
        %get3A_520 = tpu.vector_load %arg9[%get3A_518, %get3A_519] {strides = array<i32>} : memref<128x64xf32, #tpu.memory_space<vmem>>, vector<16xf32>,
        %add3A_521 = arith.addf %get3A_520, %get3A_462 : vector<16xf32>
        tpu.vector_store_idx %arg11[%shift_right_arithmetic3A_25, %and3A_48, %broadcast_in_dim3A_505], %add3A_521 : memref<8x8x129xf32, #tpu.memory_space<vmem>>[vector<16xi32>, vector<16xi32>, vector<16xi32>], vector<16xf32>,
        %scan3A_522 = arith.constant 2 : i32
        %scan3A_523 = arith.addi %scan3A_486, %scan3A_522 : i32
        %broadcast_in_dim3A_524 = vector.broadcast %scan3A_523 : i32 to vector<16xi32>
        %get3A_525 = arith.index_cast %scan3A_523 : i32 to index
        %get3A_526 = arith.constant 0 : index
        %get3A_527 = tpu.vector_load %arg9[%get3A_525, %get3A_526] {strides = array<i32>} : memref<128x64xf32, #tpu.memory_space<vmem>>, vector<16xf32>,
        %add3A_528 = arith.addf %get3A_527, %get3A_453 : vector<16xf32>
        tpu.vector_store_idx %arg11[%shift_right_arithmetic3A_7, %and3A_30, %broadcast_in_dim3A_524], %add3A_528 : memref<8x8x129xf32, #tpu.memory_space<vmem>>[vector<16xi32>, vector<16xi32>, vector<16xi32>], vector<16xf32>,
        %get3A_529 = arith.index_cast %scan3A_523 : i32 to index
        %get3A_530 = arith.constant 16 : index
        %get3A_531 = tpu.vector_load %arg9[%get3A_529, %get3A_530] {strides = array<i32>} : memref<128x64xf32, #tpu.memory_space<vmem>>, vector<16xf32>,
        %add3A_532 = arith.addf %get3A_531, %get3A_456 : vector<16xf32>
        tpu.vector_store_idx %arg11[%shift_right_arithmetic3A_13, %and3A_36, %broadcast_in_dim3A_524], %add3A_532 : memref<8x8x129xf32, #tpu.memory_space<vmem>>[vector<16xi32>, vector<16xi32>, vector<16xi32>], vector<16xf32>,
        %get3A_533 = arith.index_cast %scan3A_523 : i32 to index
        %get3A_534 = arith.constant 32 : index
        %get3A_535 = tpu.vector_load %arg9[%get3A_533, %get3A_534] {strides = array<i32>} : memref<128x64xf32, #tpu.memory_space<vmem>>, vector<16xf32>,
        %add3A_536 = arith.addf %get3A_535, %get3A_459 : vector<16xf32>
        tpu.vector_store_idx %arg11[%shift_right_arithmetic3A_19, %and3A_42, %broadcast_in_dim3A_524], %add3A_536 : memref<8x8x129xf32, #tpu.memory_space<vmem>>[vector<16xi32>, vector<16xi32>, vector<16xi32>], vector<16xf32>,
        %get3A_537 = arith.index_cast %scan3A_523 : i32 to index
        %get3A_538 = arith.constant 48 : index
        %get3A_539 = tpu.vector_load %arg9[%get3A_537, %get3A_538] {strides = array<i32>} : memref<128x64xf32, #tpu.memory_space<vmem>>, vector<16xf32>,
        %add3A_540 = arith.addf %get3A_539, %get3A_462 : vector<16xf32>
        tpu.vector_store_idx %arg11[%shift_right_arithmetic3A_25, %and3A_48, %broadcast_in_dim3A_524], %add3A_540 : memref<8x8x129xf32, #tpu.memory_space<vmem>>[vector<16xi32>, vector<16xi32>, vector<16xi32>], vector<16xf32>,
        %scan3A_541 = arith.constant 3 : i32
        %scan3A_542 = arith.addi %scan3A_486, %scan3A_541 : i32
        %broadcast_in_dim3A_543 = vector.broadcast %scan3A_542 : i32 to vector<16xi32>
        %get3A_544 = arith.index_cast %scan3A_542 : i32 to index
        %get3A_545 = arith.constant 0 : index
        %get3A_546 = tpu.vector_load %arg9[%get3A_544, %get3A_545] {strides = array<i32>} : memref<128x64xf32, #tpu.memory_space<vmem>>, vector<16xf32>,
        %add3A_547 = arith.addf %get3A_546, %get3A_453 : vector<16xf32>
        tpu.vector_store_idx %arg11[%shift_right_arithmetic3A_7, %and3A_30, %broadcast_in_dim3A_543], %add3A_547 : memref<8x8x129xf32, #tpu.memory_space<vmem>>[vector<16xi32>, vector<16xi32>, vector<16xi32>], vector<16xf32>,
        %get3A_548 = arith.index_cast %scan3A_542 : i32 to index
        %get3A_549 = arith.constant 16 : index
        %get3A_550 = tpu.vector_load %arg9[%get3A_548, %get3A_549] {strides = array<i32>} : memref<128x64xf32, #tpu.memory_space<vmem>>, vector<16xf32>,
        %add3A_551 = arith.addf %get3A_550, %get3A_456 : vector<16xf32>
        tpu.vector_store_idx %arg11[%shift_right_arithmetic3A_13, %and3A_36, %broadcast_in_dim3A_543], %add3A_551 : memref<8x8x129xf32, #tpu.memory_space<vmem>>[vector<16xi32>, vector<16xi32>, vector<16xi32>], vector<16xf32>,
        %get3A_552 = arith.index_cast %scan3A_542 : i32 to index
        %get3A_553 = arith.constant 32 : index
        %get3A_554 = tpu.vector_load %arg9[%get3A_552, %get3A_553] {strides = array<i32>} : memref<128x64xf32, #tpu.memory_space<vmem>>, vector<16xf32>,
        %add3A_555 = arith.addf %get3A_554, %get3A_459 : vector<16xf32>
        tpu.vector_store_idx %arg11[%shift_right_arithmetic3A_19, %and3A_42, %broadcast_in_dim3A_543], %add3A_555 : memref<8x8x129xf32, #tpu.memory_space<vmem>>[vector<16xi32>, vector<16xi32>, vector<16xi32>], vector<16xf32>,
        %get3A_556 = arith.index_cast %scan3A_542 : i32 to index
        %get3A_557 = arith.constant 48 : index
        %get3A_558 = tpu.vector_load %arg9[%get3A_556, %get3A_557] {strides = array<i32>} : memref<128x64xf32, #tpu.memory_space<vmem>>, vector<16xf32>,
        %add3A_559 = arith.addf %get3A_558, %get3A_462 : vector<16xf32>
        tpu.vector_store_idx %arg11[%shift_right_arithmetic3A_25, %and3A_48, %broadcast_in_dim3A_543], %add3A_559 : memref<8x8x129xf32, #tpu.memory_space<vmem>>[vector<16xi32>, vector<16xi32>, vector<16xi32>], vector<16xf32>,
        %scan3A_560 = arith.constant 4 : i32
        %scan3A_561 = arith.addi %scan3A_486, %scan3A_560 : i32
        %broadcast_in_dim3A_562 = vector.broadcast %scan3A_561 : i32 to vector<16xi32>
        %get3A_563 = arith.index_cast %scan3A_561 : i32 to index
        %get3A_564 = arith.constant 0 : index
        %get3A_565 = tpu.vector_load %arg9[%get3A_563, %get3A_564] {strides = array<i32>} : memref<128x64xf32, #tpu.memory_space<vmem>>, vector<16xf32>,
        %add3A_566 = arith.addf %get3A_565, %get3A_453 : vector<16xf32>
        tpu.vector_store_idx %arg11[%shift_right_arithmetic3A_7, %and3A_30, %broadcast_in_dim3A_562], %add3A_566 : memref<8x8x129xf32, #tpu.memory_space<vmem>>[vector<16xi32>, vector<16xi32>, vector<16xi32>], vector<16xf32>,
        %get3A_567 = arith.index_cast %scan3A_561 : i32 to index
        %get3A_568 = arith.constant 16 : index
        %get3A_569 = tpu.vector_load %arg9[%get3A_567, %get3A_568] {strides = array<i32>} : memref<128x64xf32, #tpu.memory_space<vmem>>, vector<16xf32>,
        %add3A_570 = arith.addf %get3A_569, %get3A_456 : vector<16xf32>
        tpu.vector_store_idx %arg11[%shift_right_arithmetic3A_13, %and3A_36, %broadcast_in_dim3A_562], %add3A_570 : memref<8x8x129xf32, #tpu.memory_space<vmem>>[vector<16xi32>, vector<16xi32>, vector<16xi32>], vector<16xf32>,
        %get3A_571 = arith.index_cast %scan3A_561 : i32 to index
        %get3A_572 = arith.constant 32 : index
        %get3A_573 = tpu.vector_load %arg9[%get3A_571, %get3A_572] {strides = array<i32>} : memref<128x64xf32, #tpu.memory_space<vmem>>, vector<16xf32>,
        %add3A_574 = arith.addf %get3A_573, %get3A_459 : vector<16xf32>
        tpu.vector_store_idx %arg11[%shift_right_arithmetic3A_19, %and3A_42, %broadcast_in_dim3A_562], %add3A_574 : memref<8x8x129xf32, #tpu.memory_space<vmem>>[vector<16xi32>, vector<16xi32>, vector<16xi32>], vector<16xf32>,
        %get3A_575 = arith.index_cast %scan3A_561 : i32 to index
        %get3A_576 = arith.constant 48 : index
        %get3A_577 = tpu.vector_load %arg9[%get3A_575, %get3A_576] {strides = array<i32>} : memref<128x64xf32, #tpu.memory_space<vmem>>, vector<16xf32>,
        %add3A_578 = arith.addf %get3A_577, %get3A_462 : vector<16xf32>
        tpu.vector_store_idx %arg11[%shift_right_arithmetic3A_25, %and3A_48, %broadcast_in_dim3A_562], %add3A_578 : memref<8x8x129xf32, #tpu.memory_space<vmem>>[vector<16xi32>, vector<16xi32>, vector<16xi32>], vector<16xf32>,
        %scan3A_579 = arith.constant 5 : i32
        %scan3A_580 = arith.addi %scan3A_486, %scan3A_579 : i32
        %broadcast_in_dim3A_581 = vector.broadcast %scan3A_580 : i32 to vector<16xi32>
        %get3A_582 = arith.index_cast %scan3A_580 : i32 to index
        %get3A_583 = arith.constant 0 : index
        %get3A_584 = tpu.vector_load %arg9[%get3A_582, %get3A_583] {strides = array<i32>} : memref<128x64xf32, #tpu.memory_space<vmem>>, vector<16xf32>,
        %add3A_585 = arith.addf %get3A_584, %get3A_453 : vector<16xf32>
        tpu.vector_store_idx %arg11[%shift_right_arithmetic3A_7, %and3A_30, %broadcast_in_dim3A_581], %add3A_585 : memref<8x8x129xf32, #tpu.memory_space<vmem>>[vector<16xi32>, vector<16xi32>, vector<16xi32>], vector<16xf32>,
        %get3A_586 = arith.index_cast %scan3A_580 : i32 to index
        %get3A_587 = arith.constant 16 : index
        %get3A_588 = tpu.vector_load %arg9[%get3A_586, %get3A_587] {strides = array<i32>} : memref<128x64xf32, #tpu.memory_space<vmem>>, vector<16xf32>,
        %add3A_589 = arith.addf %get3A_588, %get3A_456 : vector<16xf32>
        tpu.vector_store_idx %arg11[%shift_right_arithmetic3A_13, %and3A_36, %broadcast_in_dim3A_581], %add3A_589 : memref<8x8x129xf32, #tpu.memory_space<vmem>>[vector<16xi32>, vector<16xi32>, vector<16xi32>], vector<16xf32>,
        %get3A_590 = arith.index_cast %scan3A_580 : i32 to index
        %get3A_591 = arith.constant 32 : index
        %get3A_592 = tpu.vector_load %arg9[%get3A_590, %get3A_591] {strides = array<i32>} : memref<128x64xf32, #tpu.memory_space<vmem>>, vector<16xf32>,
        %add3A_593 = arith.addf %get3A_592, %get3A_459 : vector<16xf32>
        tpu.vector_store_idx %arg11[%shift_right_arithmetic3A_19, %and3A_42, %broadcast_in_dim3A_581], %add3A_593 : memref<8x8x129xf32, #tpu.memory_space<vmem>>[vector<16xi32>, vector<16xi32>, vector<16xi32>], vector<16xf32>,
        %get3A_594 = arith.index_cast %scan3A_580 : i32 to index
        %get3A_595 = arith.constant 48 : index
        %get3A_596 = tpu.vector_load %arg9[%get3A_594, %get3A_595] {strides = array<i32>} : memref<128x64xf32, #tpu.memory_space<vmem>>, vector<16xf32>,
        %add3A_597 = arith.addf %get3A_596, %get3A_462 : vector<16xf32>
        tpu.vector_store_idx %arg11[%shift_right_arithmetic3A_25, %and3A_48, %broadcast_in_dim3A_581], %add3A_597 : memref<8x8x129xf32, #tpu.memory_space<vmem>>[vector<16xi32>, vector<16xi32>, vector<16xi32>], vector<16xf32>,
        %scan3A_598 = arith.constant 6 : i32
        %scan3A_599 = arith.addi %scan3A_486, %scan3A_598 : i32
        %broadcast_in_dim3A_600 = vector.broadcast %scan3A_599 : i32 to vector<16xi32>
        %get3A_601 = arith.index_cast %scan3A_599 : i32 to index
        %get3A_602 = arith.constant 0 : index
        %get3A_603 = tpu.vector_load %arg9[%get3A_601, %get3A_602] {strides = array<i32>} : memref<128x64xf32, #tpu.memory_space<vmem>>, vector<16xf32>,
        %add3A_604 = arith.addf %get3A_603, %get3A_453 : vector<16xf32>
        tpu.vector_store_idx %arg11[%shift_right_arithmetic3A_7, %and3A_30, %broadcast_in_dim3A_600], %add3A_604 : memref<8x8x129xf32, #tpu.memory_space<vmem>>[vector<16xi32>, vector<16xi32>, vector<16xi32>], vector<16xf32>,
        %get3A_605 = arith.index_cast %scan3A_599 : i32 to index
        %get3A_606 = arith.constant 16 : index
        %get3A_607 = tpu.vector_load %arg9[%get3A_605, %get3A_606] {strides = array<i32>} : memref<128x64xf32, #tpu.memory_space<vmem>>, vector<16xf32>,
        %add3A_608 = arith.addf %get3A_607, %get3A_456 : vector<16xf32>
        tpu.vector_store_idx %arg11[%shift_right_arithmetic3A_13, %and3A_36, %broadcast_in_dim3A_600], %add3A_608 : memref<8x8x129xf32, #tpu.memory_space<vmem>>[vector<16xi32>, vector<16xi32>, vector<16xi32>], vector<16xf32>,
        %get3A_609 = arith.index_cast %scan3A_599 : i32 to index
        %get3A_610 = arith.constant 32 : index
        %get3A_611 = tpu.vector_load %arg9[%get3A_609, %get3A_610] {strides = array<i32>} : memref<128x64xf32, #tpu.memory_space<vmem>>, vector<16xf32>,
        %add3A_612 = arith.addf %get3A_611, %get3A_459 : vector<16xf32>
        tpu.vector_store_idx %arg11[%shift_right_arithmetic3A_19, %and3A_42, %broadcast_in_dim3A_600], %add3A_612 : memref<8x8x129xf32, #tpu.memory_space<vmem>>[vector<16xi32>, vector<16xi32>, vector<16xi32>], vector<16xf32>,
        %get3A_613 = arith.index_cast %scan3A_599 : i32 to index
        %get3A_614 = arith.constant 48 : index
        %get3A_615 = tpu.vector_load %arg9[%get3A_613, %get3A_614] {strides = array<i32>} : memref<128x64xf32, #tpu.memory_space<vmem>>, vector<16xf32>,
        %add3A_616 = arith.addf %get3A_615, %get3A_462 : vector<16xf32>
        tpu.vector_store_idx %arg11[%shift_right_arithmetic3A_25, %and3A_48, %broadcast_in_dim3A_600], %add3A_616 : memref<8x8x129xf32, #tpu.memory_space<vmem>>[vector<16xi32>, vector<16xi32>, vector<16xi32>], vector<16xf32>,
        %scan3A_617 = arith.constant 7 : i32
        %scan3A_618 = arith.addi %scan3A_486, %scan3A_617 : i32
        %broadcast_in_dim3A_619 = vector.broadcast %scan3A_618 : i32 to vector<16xi32>
        %get3A_620 = arith.index_cast %scan3A_618 : i32 to index
        %get3A_621 = arith.constant 0 : index
        %get3A_622 = tpu.vector_load %arg9[%get3A_620, %get3A_621] {strides = array<i32>} : memref<128x64xf32, #tpu.memory_space<vmem>>, vector<16xf32>,
        %add3A_623 = arith.addf %get3A_622, %get3A_453 : vector<16xf32>
        tpu.vector_store_idx %arg11[%shift_right_arithmetic3A_7, %and3A_30, %broadcast_in_dim3A_619], %add3A_623 : memref<8x8x129xf32, #tpu.memory_space<vmem>>[vector<16xi32>, vector<16xi32>, vector<16xi32>], vector<16xf32>,
        %get3A_624 = arith.index_cast %scan3A_618 : i32 to index
        %get3A_625 = arith.constant 16 : index
        %get3A_626 = tpu.vector_load %arg9[%get3A_624, %get3A_625] {strides = array<i32>} : memref<128x64xf32, #tpu.memory_space<vmem>>, vector<16xf32>,
        %add3A_627 = arith.addf %get3A_626, %get3A_456 : vector<16xf32>
        tpu.vector_store_idx %arg11[%shift_right_arithmetic3A_13, %and3A_36, %broadcast_in_dim3A_619], %add3A_627 : memref<8x8x129xf32, #tpu.memory_space<vmem>>[vector<16xi32>, vector<16xi32>, vector<16xi32>], vector<16xf32>,
        %get3A_628 = arith.index_cast %scan3A_618 : i32 to index
        %get3A_629 = arith.constant 32 : index
        %get3A_630 = tpu.vector_load %arg9[%get3A_628, %get3A_629] {strides = array<i32>} : memref<128x64xf32, #tpu.memory_space<vmem>>, vector<16xf32>,
        %add3A_631 = arith.addf %get3A_630, %get3A_459 : vector<16xf32>
        tpu.vector_store_idx %arg11[%shift_right_arithmetic3A_19, %and3A_42, %broadcast_in_dim3A_619], %add3A_631 : memref<8x8x129xf32, #tpu.memory_space<vmem>>[vector<16xi32>, vector<16xi32>, vector<16xi32>], vector<16xf32>,
        %get3A_632 = arith.index_cast %scan3A_618 : i32 to index
        %get3A_633 = arith.constant 48 : index
        %get3A_634 = tpu.vector_load %arg9[%get3A_632, %get3A_633] {strides = array<i32>} : memref<128x64xf32, #tpu.memory_space<vmem>>, vector<16xf32>,
        %add3A_635 = arith.addf %get3A_634, %get3A_462 : vector<16xf32>
        tpu.vector_store_idx %arg11[%shift_right_arithmetic3A_25, %and3A_48, %broadcast_in_dim3A_619], %add3A_635 : memref<8x8x129xf32, #tpu.memory_space<vmem>>[vector<16xi32>, vector<16xi32>, vector<16xi32>], vector<16xf32>,
      }
      %scan3A_467 = arith.constant 128 : i32
      %dma_start3A_468 = arith.constant 0 : i32
      %dma_start3A_469 = arith.constant 0 : i32
      %dma_start3A_470 = arith.constant 0 : i32
      %dma_start3A_471 = tpu.memref_slice %arg11[%dma_start3A_468, %dma_start3A_469, %dma_start3A_470] : memref<8x8x129xf32, #tpu.memory_space<vmem>> -> memref<8x8x128xf32, #tpu.memory_space<vmem>>
      %dma_start3A_472 = arith.constant 0 : i32
      %dma_start3A_473 = arith.constant 0 : i32
      %dma_start3A_474 = arith.constant 0 : i32
      %dma_start3A_475 = tpu.memref_slice %arg5[%add3A_416, %dma_start3A_472, %add3A, %dma_start3A_473, %dma_start3A_474] : memref<200x8x32x8x128xf32, #tpu.memory_space<hbm>> -> memref<1x8x1x8x128xf32, #tpu.memory_space<hbm>>
      %dma_start3A_476 = tpu.memref_squeeze %dma_start3A_475 : memref<1x8x1x8x128xf32, #tpu.memory_space<hbm>> -> memref<8x8x128xf32, #tpu.memory_space<hbm>>
      %dma_start3A_477 = arith.constant 0 : i32
      %dma_start3A_478 = arith.constant 0 : i32
      %dma_start3A_479 = arith.constant 0 : i32
      %dma_start3A_480 = tpu.memref_slice %arg5[%add3A_416, %dma_start3A_477, %add3A, %dma_start3A_478, %dma_start3A_479] : memref<200x8x32x8x128xf32, #tpu.memory_space<hbm>> -> memref<1x8x1x8x128xf32, #tpu.memory_space<hbm>>
      %dma_start3A_481 = tpu.memref_squeeze %dma_start3A_480 : memref<1x8x1x8x128xf32, #tpu.memory_space<hbm>> -> memref<8x8x128xf32, #tpu.memory_space<hbm>>
      %dma_start3A_482 = arith.constant 0 : i32
      %dma_start3A_483 = arith.constant 0 : i32
      %dma_start3A_484 = arith.constant 0 : i32
      %dma_start3A_485 = tpu.memref_slice %arg11[%dma_start3A_482, %dma_start3A_483, %dma_start3A_484] : memref<8x8x129xf32, #tpu.memory_space<vmem>> -> memref<8x8x128xf32, #tpu.memory_space<vmem>>
      tpu.enqueue_dma source(%dma_start3A_485 : memref<8x8x128xf32, #tpu.memory_space<vmem>>) target(%dma_start3A_481 : memref<8x8x128xf32, #tpu.memory_space<hbm>>) target_semaphore(%arg15 : memref<!tpu.dma_semaphore, #tpu.memory_space<semaphore_mem>>)
    }
    %scan3A_164 = arith.constant 98 : i32
    %dma_wait3A_165 = arith.constant 198 : i32
    %dma_wait3A_166 = arith.constant 0 : i32
    %dma_wait3A_167 = tpu.memref_slice %arg6[%dma_wait3A_165, %dma_wait3A_166] : memref<200x128xi32, #tpu.memory_space<vmem>> -> memref<1x128xi32, #tpu.memory_space<vmem>>
    %dma_wait3A_168 = tpu.memref_squeeze %dma_wait3A_167 : memref<1x128xi32, #tpu.memory_space<vmem>> -> memref<128xi32, #tpu.memory_space<vmem>>
    %dma_wait3A_169 = arith.constant 0 : i32
    %dma_wait3A_170 = arith.constant 0 : i32
    %dma_wait3A_171 = tpu.memref_slice %arg4[%dma_wait3A_169, %dma_wait3A_170] : memref<100000x64xf32, #tpu.memory_space<hbm>> -> memref<100000x64xf32, #tpu.memory_space<hbm>>
    tpu.wait_indirect_dma semaphore(%arg12 : memref<!tpu.dma_semaphore, #tpu.memory_space<semaphore_mem>>) src(%dma_wait3A_171 : memref<100000x64xf32, #tpu.memory_space<hbm>>) dst(%arg8 : memref<128x64xf32, #tpu.memory_space<vmem>>)
    %dma_start3A_172 = arith.constant 199 : i32
    %dma_start3A_173 = arith.constant 0 : i32
    %dma_start3A_174 = tpu.memref_slice %arg6[%dma_start3A_172, %dma_start3A_173] : memref<200x128xi32, #tpu.memory_space<vmem>> -> memref<1x128xi32, #tpu.memory_space<vmem>>
    %dma_start3A_175 = tpu.memref_squeeze %dma_start3A_174 : memref<1x128xi32, #tpu.memory_space<vmem>> -> memref<128xi32, #tpu.memory_space<vmem>>
    %dma_start3A_176 = arith.constant 0 : i32
    %dma_start3A_177 = arith.constant 0 : i32
    %dma_start3A_178 = tpu.memref_slice %arg4[%dma_start3A_176, %dma_start3A_177] : memref<100000x64xf32, #tpu.memory_space<hbm>> -> memref<100000x64xf32, #tpu.memory_space<hbm>>
    tpu.enqueue_indirect_dma source(%dma_start3A_178 : memref<100000x64xf32, #tpu.memory_space<hbm>>) target(%arg9 : memref<128x64xf32, #tpu.memory_space<vmem>>) offsets(%dma_start3A_175 : memref<128xi32, #tpu.memory_space<vmem>>) semaphore(%arg13 : memref<!tpu.dma_semaphore, #tpu.memory_space<semaphore_mem>>)
    %dma_wait3A_179 = arith.constant 196 : i32
    %dma_wait3A_180 = arith.constant 0 : i32
    %dma_wait3A_181 = arith.constant 0 : i32
    %dma_wait3A_182 = arith.constant 0 : i32
    %dma_wait3A_183 = tpu.memref_slice %arg10[%dma_wait3A_180, %dma_wait3A_181, %dma_wait3A_182] : memref<8x8x129xf32, #tpu.memory_space<vmem>> -> memref<8x8x128xf32, #tpu.memory_space<vmem>>
    %dma_wait3A_184 = arith.constant 0 : i32
    %dma_wait3A_185 = arith.constant 0 : i32
    %dma_wait3A_186 = arith.constant 0 : i32
    %dma_wait3A_187 = tpu.memref_slice %arg5[%dma_wait3A_179, %dma_wait3A_184, %add3A, %dma_wait3A_185, %dma_wait3A_186] : memref<200x8x32x8x128xf32, #tpu.memory_space<hbm>> -> memref<1x8x1x8x128xf32, #tpu.memory_space<hbm>>
    %dma_wait3A_188 = tpu.memref_squeeze %dma_wait3A_187 : memref<1x8x1x8x128xf32, #tpu.memory_space<hbm>> -> memref<8x8x128xf32, #tpu.memory_space<hbm>>
    %dma_wait3A_189 = arith.constant 0 : i32
    %dma_wait3A_190 = arith.constant 0 : i32
    %dma_wait3A_191 = arith.constant 0 : i32
    %dma_wait3A_192 = tpu.memref_slice %arg5[%dma_wait3A_179, %dma_wait3A_189, %add3A, %dma_wait3A_190, %dma_wait3A_191] : memref<200x8x32x8x128xf32, #tpu.memory_space<hbm>> -> memref<1x8x1x8x128xf32, #tpu.memory_space<hbm>>
    %dma_wait3A_193 = tpu.memref_squeeze %dma_wait3A_192 : memref<1x8x1x8x128xf32, #tpu.memory_space<hbm>> -> memref<8x8x128xf32, #tpu.memory_space<hbm>>
    %dma_wait3A_194 = arith.constant 0 : i32
    %dma_wait3A_195 = arith.constant 0 : i32
    %dma_wait3A_196 = arith.constant 0 : i32
    %dma_wait3A_197 = tpu.memref_slice %arg10[%dma_wait3A_194, %dma_wait3A_195, %dma_wait3A_196] : memref<8x8x129xf32, #tpu.memory_space<vmem>> -> memref<8x8x128xf32, #tpu.memory_space<vmem>>
    tpu.wait_dma2 semaphore(%arg14 : memref<!tpu.dma_semaphore, #tpu.memory_space<semaphore_mem>>) src(%dma_wait3A_197 : memref<8x8x128xf32, #tpu.memory_space<vmem>>) dst(%dma_wait3A_193 : memref<8x8x128xf32, #tpu.memory_space<hbm>>)
    %get3A_198 = arith.constant 198 : i32
    %get3A_199 = arith.index_cast %get3A_198 : i32 to index
    %get3A_200 = arith.constant 0 : index
    %get3A_201 = tpu.vector_load %arg7[%get3A_199, %get3A_200] {strides = array<i32>} : memref<200x64xf32, #tpu.memory_space<vmem>>, vector<16xf32>,
    %get3A_202 = arith.constant 198 : i32
    %get3A_203 = arith.index_cast %get3A_202 : i32 to index
    %get3A_204 = arith.constant 16 : index
    %get3A_205 = tpu.vector_load %arg7[%get3A_203, %get3A_204] {strides = array<i32>} : memref<200x64xf32, #tpu.memory_space<vmem>>, vector<16xf32>,
    %get3A_206 = arith.constant 198 : i32
    %get3A_207 = arith.index_cast %get3A_206 : i32 to index
    %get3A_208 = arith.constant 32 : index
    %get3A_209 = tpu.vector_load %arg7[%get3A_207, %get3A_208] {strides = array<i32>} : memref<200x64xf32, #tpu.memory_space<vmem>>, vector<16xf32>,
    %get3A_210 = arith.constant 198 : i32
    %get3A_211 = arith.index_cast %get3A_210 : i32 to index
    %get3A_212 = arith.constant 48 : index
    %get3A_213 = tpu.vector_load %arg7[%get3A_211, %get3A_212] {strides = array<i32>} : memref<200x64xf32, #tpu.memory_space<vmem>>, vector<16xf32>,
    %scan3A_214 = arith.constant 0 : i32
    %scan3A_215 = arith.constant 128 : i32
    %scan3A_216 = arith.addi %scan3A_214, %scan3A_215 : i32
    %scan3A_217 = arith.constant 8 : i32
    scf.for %scan3A_342 = %scan3A_214 to %scan3A_216 step %scan3A_217  : i32 {
      %broadcast_in_dim3A = vector.broadcast %scan3A_342 : i32 to vector<16xi32>
      %get3A_343 = arith.index_cast %scan3A_342 : i32 to index
      %get3A_344 = arith.constant 0 : index
      %get3A_345 = tpu.vector_load %arg8[%get3A_343, %get3A_344] {strides = array<i32>} : memref<128x64xf32, #tpu.memory_space<vmem>>, vector<16xf32>,
      %add3A_346 = arith.addf %get3A_345, %get3A_201 : vector<16xf32>
      tpu.vector_store_idx %arg10[%shift_right_arithmetic3A_7, %and3A_30, %broadcast_in_dim3A], %add3A_346 : memref<8x8x129xf32, #tpu.memory_space<vmem>>[vector<16xi32>, vector<16xi32>, vector<16xi32>], vector<16xf32>,
      %get3A_347 = arith.index_cast %scan3A_342 : i32 to index
      %get3A_348 = arith.constant 16 : index
      %get3A_349 = tpu.vector_load %arg8[%get3A_347, %get3A_348] {strides = array<i32>} : memref<128x64xf32, #tpu.memory_space<vmem>>, vector<16xf32>,
      %add3A_350 = arith.addf %get3A_349, %get3A_205 : vector<16xf32>
      tpu.vector_store_idx %arg10[%shift_right_arithmetic3A_13, %and3A_36, %broadcast_in_dim3A], %add3A_350 : memref<8x8x129xf32, #tpu.memory_space<vmem>>[vector<16xi32>, vector<16xi32>, vector<16xi32>], vector<16xf32>,
      %get3A_351 = arith.index_cast %scan3A_342 : i32 to index
      %get3A_352 = arith.constant 32 : index
      %get3A_353 = tpu.vector_load %arg8[%get3A_351, %get3A_352] {strides = array<i32>} : memref<128x64xf32, #tpu.memory_space<vmem>>, vector<16xf32>,
      %add3A_354 = arith.addf %get3A_353, %get3A_209 : vector<16xf32>
      tpu.vector_store_idx %arg10[%shift_right_arithmetic3A_19, %and3A_42, %broadcast_in_dim3A], %add3A_354 : memref<8x8x129xf32, #tpu.memory_space<vmem>>[vector<16xi32>, vector<16xi32>, vector<16xi32>], vector<16xf32>,
      %get3A_355 = arith.index_cast %scan3A_342 : i32 to index
      %get3A_356 = arith.constant 48 : index
      %get3A_357 = tpu.vector_load %arg8[%get3A_355, %get3A_356] {strides = array<i32>} : memref<128x64xf32, #tpu.memory_space<vmem>>, vector<16xf32>,
      %add3A_358 = arith.addf %get3A_357, %get3A_213 : vector<16xf32>
      tpu.vector_store_idx %arg10[%shift_right_arithmetic3A_25, %and3A_48, %broadcast_in_dim3A], %add3A_358 : memref<8x8x129xf32, #tpu.memory_space<vmem>>[vector<16xi32>, vector<16xi32>, vector<16xi32>], vector<16xf32>,
      %scan3A_359 = arith.constant 1 : i32
      %scan3A_360 = arith.addi %scan3A_342, %scan3A_359 : i32
      %broadcast_in_dim3A_361 = vector.broadcast %scan3A_360 : i32 to vector<16xi32>
      %get3A_362 = arith.index_cast %scan3A_360 : i32 to index
      %get3A_363 = arith.constant 0 : index
      %get3A_364 = tpu.vector_load %arg8[%get3A_362, %get3A_363] {strides = array<i32>} : memref<128x64xf32, #tpu.memory_space<vmem>>, vector<16xf32>,
      %add3A_365 = arith.addf %get3A_364, %get3A_201 : vector<16xf32>
      tpu.vector_store_idx %arg10[%shift_right_arithmetic3A_7, %and3A_30, %broadcast_in_dim3A_361], %add3A_365 : memref<8x8x129xf32, #tpu.memory_space<vmem>>[vector<16xi32>, vector<16xi32>, vector<16xi32>], vector<16xf32>,
      %get3A_366 = arith.index_cast %scan3A_360 : i32 to index
      %get3A_367 = arith.constant 16 : index
      %get3A_368 = tpu.vector_load %arg8[%get3A_366, %get3A_367] {strides = array<i32>} : memref<128x64xf32, #tpu.memory_space<vmem>>, vector<16xf32>,
      %add3A_369 = arith.addf %get3A_368, %get3A_205 : vector<16xf32>
      tpu.vector_store_idx %arg10[%shift_right_arithmetic3A_13, %and3A_36, %broadcast_in_dim3A_361], %add3A_369 : memref<8x8x129xf32, #tpu.memory_space<vmem>>[vector<16xi32>, vector<16xi32>, vector<16xi32>], vector<16xf32>,
      %get3A_370 = arith.index_cast %scan3A_360 : i32 to index
      %get3A_371 = arith.constant 32 : index
      %get3A_372 = tpu.vector_load %arg8[%get3A_370, %get3A_371] {strides = array<i32>} : memref<128x64xf32, #tpu.memory_space<vmem>>, vector<16xf32>,
      %add3A_373 = arith.addf %get3A_372, %get3A_209 : vector<16xf32>
      tpu.vector_store_idx %arg10[%shift_right_arithmetic3A_19, %and3A_42, %broadcast_in_dim3A_361], %add3A_373 : memref<8x8x129xf32, #tpu.memory_space<vmem>>[vector<16xi32>, vector<16xi32>, vector<16xi32>], vector<16xf32>,
      %get3A_374 = arith.index_cast %scan3A_360 : i32 to index
      %get3A_375 = arith.constant 48 : index
      %get3A_376 = tpu.vector_load %arg8[%get3A_374, %get3A_375] {strides = array<i32>} : memref<128x64xf32, #tpu.memory_space<vmem>>, vector<16xf32>,
      %add3A_377 = arith.addf %get3A_376, %get3A_213 : vector<16xf32>
      tpu.vector_store_idx %arg10[%shift_right_arithmetic3A_25, %and3A_48, %broadcast_in_dim3A_361], %add3A_377 : memref<8x8x129xf32, #tpu.memory_space<vmem>>[vector<16xi32>, vector<16xi32>, vector<16xi32>], vector<16xf32>,
      %scan3A_378 = arith.constant 2 : i32
      %scan3A_379 = arith.addi %scan3A_342, %scan3A_378 : i32
      %broadcast_in_dim3A_380 = vector.broadcast %scan3A_379 : i32 to vector<16xi32>
      %get3A_381 = arith.index_cast %scan3A_379 : i32 to index
      %get3A_382 = arith.constant 0 : index
      %get3A_383 = tpu.vector_load %arg8[%get3A_381, %get3A_382] {strides = array<i32>} : memref<128x64xf32, #tpu.memory_space<vmem>>, vector<16xf32>,
      %add3A_384 = arith.addf %get3A_383, %get3A_201 : vector<16xf32>
      tpu.vector_store_idx %arg10[%shift_right_arithmetic3A_7, %and3A_30, %broadcast_in_dim3A_380], %add3A_384 : memref<8x8x129xf32, #tpu.memory_space<vmem>>[vector<16xi32>, vector<16xi32>, vector<16xi32>], vector<16xf32>,
      %get3A_385 = arith.index_cast %scan3A_379 : i32 to index
      %get3A_386 = arith.constant 16 : index
      %get3A_387 = tpu.vector_load %arg8[%get3A_385, %get3A_386] {strides = array<i32>} : memref<128x64xf32, #tpu.memory_space<vmem>>, vector<16xf32>,
      %add3A_388 = arith.addf %get3A_387, %get3A_205 : vector<16xf32>
      tpu.vector_store_idx %arg10[%shift_right_arithmetic3A_13, %and3A_36, %broadcast_in_dim3A_380], %add3A_388 : memref<8x8x129xf32, #tpu.memory_space<vmem>>[vector<16xi32>, vector<16xi32>, vector<16xi32>], vector<16xf32>,
      %get3A_389 = arith.index_cast %scan3A_379 : i32 to index
      %get3A_390 = arith.constant 32 : index
      %get3A_391 = tpu.vector_load %arg8[%get3A_389, %get3A_390] {strides = array<i32>} : memref<128x64xf32, #tpu.memory_space<vmem>>, vector<16xf32>,
      %add3A_392 = arith.addf %get3A_391, %get3A_209 : vector<16xf32>
      tpu.vector_store_idx %arg10[%shift_right_arithmetic3A_19, %and3A_42, %broadcast_in_dim3A_380], %add3A_392 : memref<8x8x129xf32, #tpu.memory_space<vmem>>[vector<16xi32>, vector<16xi32>, vector<16xi32>], vector<16xf32>,
      %get3A_393 = arith.index_cast %scan3A_379 : i32 to index
      %get3A_394 = arith.constant 48 : index
      %get3A_395 = tpu.vector_load %arg8[%get3A_393, %get3A_394] {strides = array<i32>} : memref<128x64xf32, #tpu.memory_space<vmem>>, vector<16xf32>,
      %add3A_396 = arith.addf %get3A_395, %get3A_213 : vector<16xf32>
      tpu.vector_store_idx %arg10[%shift_right_arithmetic3A_25, %and3A_48, %broadcast_in_dim3A_380], %add3A_396 : memref<8x8x129xf32, #tpu.memory_space<vmem>>[vector<16xi32>, vector<16xi32>, vector<16xi32>], vector<16xf32>,
      %scan3A_397 = arith.constant 3 : i32
      %scan3A_398 = arith.addi %scan3A_342, %scan3A_397 : i32
      %broadcast_in_dim3A_399 = vector.broadcast %scan3A_398 : i32 to vector<16xi32>
      %get3A_400 = arith.index_cast %scan3A_398 : i32 to index
      %get3A_401 = arith.constant 0 : index
      %get3A_402 = tpu.vector_load %arg8[%get3A_400, %get3A_401] {strides = array<i32>} : memref<128x64xf32, #tpu.memory_space<vmem>>, vector<16xf32>,
      %add3A_403 = arith.addf %get3A_402, %get3A_201 : vector<16xf32>
      tpu.vector_store_idx %arg10[%shift_right_arithmetic3A_7, %and3A_30, %broadcast_in_dim3A_399], %add3A_403 : memref<8x8x129xf32, #tpu.memory_space<vmem>>[vector<16xi32>, vector<16xi32>, vector<16xi32>], vector<16xf32>,
      %get3A_404 = arith.index_cast %scan3A_398 : i32 to index
      %get3A_405 = arith.constant 16 : index
      %get3A_406 = tpu.vector_load %arg8[%get3A_404, %get3A_405] {strides = array<i32>} : memref<128x64xf32, #tpu.memory_space<vmem>>, vector<16xf32>,
      %add3A_407 = arith.addf %get3A_406, %get3A_205 : vector<16xf32>
      tpu.vector_store_idx %arg10[%shift_right_arithmetic3A_13, %and3A_36, %broadcast_in_dim3A_399], %add3A_407 : memref<8x8x129xf32, #tpu.memory_space<vmem>>[vector<16xi32>, vector<16xi32>, vector<16xi32>], vector<16xf32>,
      %get3A_408 = arith.index_cast %scan3A_398 : i32 to index
      %get3A_409 = arith.constant 32 : index
      %get3A_410 = tpu.vector_load %arg8[%get3A_408, %get3A_409] {strides = array<i32>} : memref<128x64xf32, #tpu.memory_space<vmem>>, vector<16xf32>,
      %add3A_411 = arith.addf %get3A_410, %get3A_209 : vector<16xf32>
      tpu.vector_store_idx %arg10[%shift_right_arithmetic3A_19, %and3A_42, %broadcast_in_dim3A_399], %add3A_411 : memref<8x8x129xf32, #tpu.memory_space<vmem>>[vector<16xi32>, vector<16xi32>, vector<16xi32>], vector<16xf32>,
      %get3A_412 = arith.index_cast %scan3A_398 : i32 to index
      %get3A_413 = arith.constant 48 : index
      %get3A_414 = tpu.vector_load %arg8[%get3A_412, %get3A_413] {strides = array<i32>} : memref<128x64xf32, #tpu.memory_space<vmem>>, vector<16xf32>,
      %add3A_415 = arith.addf %get3A_414, %get3A_213 : vector<16xf32>
      tpu.vector_store_idx %arg10[%shift_right_arithmetic3A_25, %and3A_48, %broadcast_in_dim3A_399], %add3A_415 : memref<8x8x129xf32, #tpu.memory_space<vmem>>[vector<16xi32>, vector<16xi32>, vector<16xi32>], vector<16xf32>,
      %scan3A_416 = arith.constant 4 : i32
      %scan3A_417 = arith.addi %scan3A_342, %scan3A_416 : i32
      %broadcast_in_dim3A_418 = vector.broadcast %scan3A_417 : i32 to vector<16xi32>
      %get3A_419 = arith.index_cast %scan3A_417 : i32 to index
      %get3A_420 = arith.constant 0 : index
      %get3A_421 = tpu.vector_load %arg8[%get3A_419, %get3A_420] {strides = array<i32>} : memref<128x64xf32, #tpu.memory_space<vmem>>, vector<16xf32>,
      %add3A_422 = arith.addf %get3A_421, %get3A_201 : vector<16xf32>
      tpu.vector_store_idx %arg10[%shift_right_arithmetic3A_7, %and3A_30, %broadcast_in_dim3A_418], %add3A_422 : memref<8x8x129xf32, #tpu.memory_space<vmem>>[vector<16xi32>, vector<16xi32>, vector<16xi32>], vector<16xf32>,
      %get3A_423 = arith.index_cast %scan3A_417 : i32 to index
      %get3A_424 = arith.constant 16 : index
      %get3A_425 = tpu.vector_load %arg8[%get3A_423, %get3A_424] {strides = array<i32>} : memref<128x64xf32, #tpu.memory_space<vmem>>, vector<16xf32>,
      %add3A_426 = arith.addf %get3A_425, %get3A_205 : vector<16xf32>
      tpu.vector_store_idx %arg10[%shift_right_arithmetic3A_13, %and3A_36, %broadcast_in_dim3A_418], %add3A_426 : memref<8x8x129xf32, #tpu.memory_space<vmem>>[vector<16xi32>, vector<16xi32>, vector<16xi32>], vector<16xf32>,
      %get3A_427 = arith.index_cast %scan3A_417 : i32 to index
      %get3A_428 = arith.constant 32 : index
      %get3A_429 = tpu.vector_load %arg8[%get3A_427, %get3A_428] {strides = array<i32>} : memref<128x64xf32, #tpu.memory_space<vmem>>, vector<16xf32>,
      %add3A_430 = arith.addf %get3A_429, %get3A_209 : vector<16xf32>
      tpu.vector_store_idx %arg10[%shift_right_arithmetic3A_19, %and3A_42, %broadcast_in_dim3A_418], %add3A_430 : memref<8x8x129xf32, #tpu.memory_space<vmem>>[vector<16xi32>, vector<16xi32>, vector<16xi32>], vector<16xf32>,
      %get3A_431 = arith.index_cast %scan3A_417 : i32 to index
      %get3A_432 = arith.constant 48 : index
      %get3A_433 = tpu.vector_load %arg8[%get3A_431, %get3A_432] {strides = array<i32>} : memref<128x64xf32, #tpu.memory_space<vmem>>, vector<16xf32>,
      %add3A_434 = arith.addf %get3A_433, %get3A_213 : vector<16xf32>
      tpu.vector_store_idx %arg10[%shift_right_arithmetic3A_25, %and3A_48, %broadcast_in_dim3A_418], %add3A_434 : memref<8x8x129xf32, #tpu.memory_space<vmem>>[vector<16xi32>, vector<16xi32>, vector<16xi32>], vector<16xf32>,
      %scan3A_435 = arith.constant 5 : i32
      %scan3A_436 = arith.addi %scan3A_342, %scan3A_435 : i32
      %broadcast_in_dim3A_437 = vector.broadcast %scan3A_436 : i32 to vector<16xi32>
      %get3A_438 = arith.index_cast %scan3A_436 : i32 to index
      %get3A_439 = arith.constant 0 : index
      %get3A_440 = tpu.vector_load %arg8[%get3A_438, %get3A_439] {strides = array<i32>} : memref<128x64xf32, #tpu.memory_space<vmem>>, vector<16xf32>,
      %add3A_441 = arith.addf %get3A_440, %get3A_201 : vector<16xf32>
      tpu.vector_store_idx %arg10[%shift_right_arithmetic3A_7, %and3A_30, %broadcast_in_dim3A_437], %add3A_441 : memref<8x8x129xf32, #tpu.memory_space<vmem>>[vector<16xi32>, vector<16xi32>, vector<16xi32>], vector<16xf32>,
      %get3A_442 = arith.index_cast %scan3A_436 : i32 to index
      %get3A_443 = arith.constant 16 : index
      %get3A_444 = tpu.vector_load %arg8[%get3A_442, %get3A_443] {strides = array<i32>} : memref<128x64xf32, #tpu.memory_space<vmem>>, vector<16xf32>,
      %add3A_445 = arith.addf %get3A_444, %get3A_205 : vector<16xf32>
      tpu.vector_store_idx %arg10[%shift_right_arithmetic3A_13, %and3A_36, %broadcast_in_dim3A_437], %add3A_445 : memref<8x8x129xf32, #tpu.memory_space<vmem>>[vector<16xi32>, vector<16xi32>, vector<16xi32>], vector<16xf32>,
      %get3A_446 = arith.index_cast %scan3A_436 : i32 to index
      %get3A_447 = arith.constant 32 : index
      %get3A_448 = tpu.vector_load %arg8[%get3A_446, %get3A_447] {strides = array<i32>} : memref<128x64xf32, #tpu.memory_space<vmem>>, vector<16xf32>,
      %add3A_449 = arith.addf %get3A_448, %get3A_209 : vector<16xf32>
      tpu.vector_store_idx %arg10[%shift_right_arithmetic3A_19, %and3A_42, %broadcast_in_dim3A_437], %add3A_449 : memref<8x8x129xf32, #tpu.memory_space<vmem>>[vector<16xi32>, vector<16xi32>, vector<16xi32>], vector<16xf32>,
      %get3A_450 = arith.index_cast %scan3A_436 : i32 to index
      %get3A_451 = arith.constant 48 : index
      %get3A_452 = tpu.vector_load %arg8[%get3A_450, %get3A_451] {strides = array<i32>} : memref<128x64xf32, #tpu.memory_space<vmem>>, vector<16xf32>,
      %add3A_453 = arith.addf %get3A_452, %get3A_213 : vector<16xf32>
      tpu.vector_store_idx %arg10[%shift_right_arithmetic3A_25, %and3A_48, %broadcast_in_dim3A_437], %add3A_453 : memref<8x8x129xf32, #tpu.memory_space<vmem>>[vector<16xi32>, vector<16xi32>, vector<16xi32>], vector<16xf32>,
      %scan3A_454 = arith.constant 6 : i32
      %scan3A_455 = arith.addi %scan3A_342, %scan3A_454 : i32
      %broadcast_in_dim3A_456 = vector.broadcast %scan3A_455 : i32 to vector<16xi32>
      %get3A_457 = arith.index_cast %scan3A_455 : i32 to index
      %get3A_458 = arith.constant 0 : index
      %get3A_459 = tpu.vector_load %arg8[%get3A_457, %get3A_458] {strides = array<i32>} : memref<128x64xf32, #tpu.memory_space<vmem>>, vector<16xf32>,
      %add3A_460 = arith.addf %get3A_459, %get3A_201 : vector<16xf32>
      tpu.vector_store_idx %arg10[%shift_right_arithmetic3A_7, %and3A_30, %broadcast_in_dim3A_456], %add3A_460 : memref<8x8x129xf32, #tpu.memory_space<vmem>>[vector<16xi32>, vector<16xi32>, vector<16xi32>], vector<16xf32>,
      %get3A_461 = arith.index_cast %scan3A_455 : i32 to index
      %get3A_462 = arith.constant 16 : index
      %get3A_463 = tpu.vector_load %arg8[%get3A_461, %get3A_462] {strides = array<i32>} : memref<128x64xf32, #tpu.memory_space<vmem>>, vector<16xf32>,
      %add3A_464 = arith.addf %get3A_463, %get3A_205 : vector<16xf32>
      tpu.vector_store_idx %arg10[%shift_right_arithmetic3A_13, %and3A_36, %broadcast_in_dim3A_456], %add3A_464 : memref<8x8x129xf32, #tpu.memory_space<vmem>>[vector<16xi32>, vector<16xi32>, vector<16xi32>], vector<16xf32>,
      %get3A_465 = arith.index_cast %scan3A_455 : i32 to index
      %get3A_466 = arith.constant 32 : index
      %get3A_467 = tpu.vector_load %arg8[%get3A_465, %get3A_466] {strides = array<i32>} : memref<128x64xf32, #tpu.memory_space<vmem>>, vector<16xf32>,
      %add3A_468 = arith.addf %get3A_467, %get3A_209 : vector<16xf32>
      tpu.vector_store_idx %arg10[%shift_right_arithmetic3A_19, %and3A_42, %broadcast_in_dim3A_456], %add3A_468 : memref<8x8x129xf32, #tpu.memory_space<vmem>>[vector<16xi32>, vector<16xi32>, vector<16xi32>], vector<16xf32>,
      %get3A_469 = arith.index_cast %scan3A_455 : i32 to index
      %get3A_470 = arith.constant 48 : index
      %get3A_471 = tpu.vector_load %arg8[%get3A_469, %get3A_470] {strides = array<i32>} : memref<128x64xf32, #tpu.memory_space<vmem>>, vector<16xf32>,
      %add3A_472 = arith.addf %get3A_471, %get3A_213 : vector<16xf32>
      tpu.vector_store_idx %arg10[%shift_right_arithmetic3A_25, %and3A_48, %broadcast_in_dim3A_456], %add3A_472 : memref<8x8x129xf32, #tpu.memory_space<vmem>>[vector<16xi32>, vector<16xi32>, vector<16xi32>], vector<16xf32>,
      %scan3A_473 = arith.constant 7 : i32
      %scan3A_474 = arith.addi %scan3A_342, %scan3A_473 : i32
      %broadcast_in_dim3A_475 = vector.broadcast %scan3A_474 : i32 to vector<16xi32>
      %get3A_476 = arith.index_cast %scan3A_474 : i32 to index
      %get3A_477 = arith.constant 0 : index
      %get3A_478 = tpu.vector_load %arg8[%get3A_476, %get3A_477] {strides = array<i32>} : memref<128x64xf32, #tpu.memory_space<vmem>>, vector<16xf32>,
      %add3A_479 = arith.addf %get3A_478, %get3A_201 : vector<16xf32>
      tpu.vector_store_idx %arg10[%shift_right_arithmetic3A_7, %and3A_30, %broadcast_in_dim3A_475], %add3A_479 : memref<8x8x129xf32, #tpu.memory_space<vmem>>[vector<16xi32>, vector<16xi32>, vector<16xi32>], vector<16xf32>,
      %get3A_480 = arith.index_cast %scan3A_474 : i32 to index
      %get3A_481 = arith.constant 16 : index
      %get3A_482 = tpu.vector_load %arg8[%get3A_480, %get3A_481] {strides = array<i32>} : memref<128x64xf32, #tpu.memory_space<vmem>>, vector<16xf32>,
      %add3A_483 = arith.addf %get3A_482, %get3A_205 : vector<16xf32>
      tpu.vector_store_idx %arg10[%shift_right_arithmetic3A_13, %and3A_36, %broadcast_in_dim3A_475], %add3A_483 : memref<8x8x129xf32, #tpu.memory_space<vmem>>[vector<16xi32>, vector<16xi32>, vector<16xi32>], vector<16xf32>,
      %get3A_484 = arith.index_cast %scan3A_474 : i32 to index
      %get3A_485 = arith.constant 32 : index
      %get3A_486 = tpu.vector_load %arg8[%get3A_484, %get3A_485] {strides = array<i32>} : memref<128x64xf32, #tpu.memory_space<vmem>>, vector<16xf32>,
      %add3A_487 = arith.addf %get3A_486, %get3A_209 : vector<16xf32>
      tpu.vector_store_idx %arg10[%shift_right_arithmetic3A_19, %and3A_42, %broadcast_in_dim3A_475], %add3A_487 : memref<8x8x129xf32, #tpu.memory_space<vmem>>[vector<16xi32>, vector<16xi32>, vector<16xi32>], vector<16xf32>,
      %get3A_488 = arith.index_cast %scan3A_474 : i32 to index
      %get3A_489 = arith.constant 48 : index
      %get3A_490 = tpu.vector_load %arg8[%get3A_488, %get3A_489] {strides = array<i32>} : memref<128x64xf32, #tpu.memory_space<vmem>>, vector<16xf32>,
      %add3A_491 = arith.addf %get3A_490, %get3A_213 : vector<16xf32>
      tpu.vector_store_idx %arg10[%shift_right_arithmetic3A_25, %and3A_48, %broadcast_in_dim3A_475], %add3A_491 : memref<8x8x129xf32, #tpu.memory_space<vmem>>[vector<16xi32>, vector<16xi32>, vector<16xi32>], vector<16xf32>,
    }
    %scan3A_218 = arith.constant 128 : i32
    %dma_start3A_219 = arith.constant 198 : i32
    %dma_start3A_220 = arith.constant 0 : i32
    %dma_start3A_221 = arith.constant 0 : i32
    %dma_start3A_222 = arith.constant 0 : i32
    %dma_start3A_223 = tpu.memref_slice %arg10[%dma_start3A_220, %dma_start3A_221, %dma_start3A_222] : memref<8x8x129xf32, #tpu.memory_space<vmem>> -> memref<8x8x128xf32, #tpu.memory_space<vmem>>
    %dma_start3A_224 = arith.constant 0 : i32
    %dma_start3A_225 = arith.constant 0 : i32
    %dma_start3A_226 = arith.constant 0 : i32
    %dma_start3A_227 = tpu.memref_slice %arg5[%dma_start3A_219, %dma_start3A_224, %add3A, %dma_start3A_225, %dma_start3A_226] : memref<200x8x32x8x128xf32, #tpu.memory_space<hbm>> -> memref<1x8x1x8x128xf32, #tpu.memory_space<hbm>>
    %dma_start3A_228 = tpu.memref_squeeze %dma_start3A_227 : memref<1x8x1x8x128xf32, #tpu.memory_space<hbm>> -> memref<8x8x128xf32, #tpu.memory_space<hbm>>
    %dma_start3A_229 = arith.constant 0 : i32
    %dma_start3A_230 = arith.constant 0 : i32
    %dma_start3A_231 = arith.constant 0 : i32
    %dma_start3A_232 = tpu.memref_slice %arg5[%dma_start3A_219, %dma_start3A_229, %add3A, %dma_start3A_230, %dma_start3A_231] : memref<200x8x32x8x128xf32, #tpu.memory_space<hbm>> -> memref<1x8x1x8x128xf32, #tpu.memory_space<hbm>>
    %dma_start3A_233 = tpu.memref_squeeze %dma_start3A_232 : memref<1x8x1x8x128xf32, #tpu.memory_space<hbm>> -> memref<8x8x128xf32, #tpu.memory_space<hbm>>
    %dma_start3A_234 = arith.constant 0 : i32
    %dma_start3A_235 = arith.constant 0 : i32
    %dma_start3A_236 = arith.constant 0 : i32
    %dma_start3A_237 = tpu.memref_slice %arg10[%dma_start3A_234, %dma_start3A_235, %dma_start3A_236] : memref<8x8x129xf32, #tpu.memory_space<vmem>> -> memref<8x8x128xf32, #tpu.memory_space<vmem>>
    tpu.enqueue_dma source(%dma_start3A_237 : memref<8x8x128xf32, #tpu.memory_space<vmem>>) target(%dma_start3A_233 : memref<8x8x128xf32, #tpu.memory_space<hbm>>) target_semaphore(%arg14 : memref<!tpu.dma_semaphore, #tpu.memory_space<semaphore_mem>>)
    %dma_wait3A_238 = arith.constant 199 : i32
    %dma_wait3A_239 = arith.constant 0 : i32
    %dma_wait3A_240 = tpu.memref_slice %arg6[%dma_wait3A_238, %dma_wait3A_239] : memref<200x128xi32, #tpu.memory_space<vmem>> -> memref<1x128xi32, #tpu.memory_space<vmem>>
    %dma_wait3A_241 = tpu.memref_squeeze %dma_wait3A_240 : memref<1x128xi32, #tpu.memory_space<vmem>> -> memref<128xi32, #tpu.memory_space<vmem>>
    %dma_wait3A_242 = arith.constant 0 : i32
    %dma_wait3A_243 = arith.constant 0 : i32
    %dma_wait3A_244 = tpu.memref_slice %arg4[%dma_wait3A_242, %dma_wait3A_243] : memref<100000x64xf32, #tpu.memory_space<hbm>> -> memref<100000x64xf32, #tpu.memory_space<hbm>>
    tpu.wait_indirect_dma semaphore(%arg13 : memref<!tpu.dma_semaphore, #tpu.memory_space<semaphore_mem>>) src(%dma_wait3A_244 : memref<100000x64xf32, #tpu.memory_space<hbm>>) dst(%arg9 : memref<128x64xf32, #tpu.memory_space<vmem>>)
    %dma_wait3A_245 = arith.constant 197 : i32
    %dma_wait3A_246 = arith.constant 0 : i32
    %dma_wait3A_247 = arith.constant 0 : i32
    %dma_wait3A_248 = arith.constant 0 : i32
    %dma_wait3A_249 = tpu.memref_slice %arg11[%dma_wait3A_246, %dma_wait3A_247, %dma_wait3A_248] : memref<8x8x129xf32, #tpu.memory_space<vmem>> -> memref<8x8x128xf32, #tpu.memory_space<vmem>>
    %dma_wait3A_250 = arith.constant 0 : i32
    %dma_wait3A_251 = arith.constant 0 : i32
    %dma_wait3A_252 = arith.constant 0 : i32
    %dma_wait3A_253 = tpu.memref_slice %arg5[%dma_wait3A_245, %dma_wait3A_250, %add3A, %dma_wait3A_251, %dma_wait3A_252] : memref<200x8x32x8x128xf32, #tpu.memory_space<hbm>> -> memref<1x8x1x8x128xf32, #tpu.memory_space<hbm>>
    %dma_wait3A_254 = tpu.memref_squeeze %dma_wait3A_253 : memref<1x8x1x8x128xf32, #tpu.memory_space<hbm>> -> memref<8x8x128xf32, #tpu.memory_space<hbm>>
    %dma_wait3A_255 = arith.constant 0 : i32
    %dma_wait3A_256 = arith.constant 0 : i32
    %dma_wait3A_257 = arith.constant 0 : i32
    %dma_wait3A_258 = tpu.memref_slice %arg5[%dma_wait3A_245, %dma_wait3A_255, %add3A, %dma_wait3A_256, %dma_wait3A_257] : memref<200x8x32x8x128xf32, #tpu.memory_space<hbm>> -> memref<1x8x1x8x128xf32, #tpu.memory_space<hbm>>
    %dma_wait3A_259 = tpu.memref_squeeze %dma_wait3A_258 : memref<1x8x1x8x128xf32, #tpu.memory_space<hbm>> -> memref<8x8x128xf32, #tpu.memory_space<hbm>>
    %dma_wait3A_260 = arith.constant 0 : i32
    %dma_wait3A_261 = arith.constant 0 : i32
    %dma_wait3A_262 = arith.constant 0 : i32
    %dma_wait3A_263 = tpu.memref_slice %arg11[%dma_wait3A_260, %dma_wait3A_261, %dma_wait3A_262] : memref<8x8x129xf32, #tpu.memory_space<vmem>> -> memref<8x8x128xf32, #tpu.memory_space<vmem>>
    tpu.wait_dma2 semaphore(%arg15 : memref<!tpu.dma_semaphore, #tpu.memory_space<semaphore_mem>>) src(%dma_wait3A_263 : memref<8x8x128xf32, #tpu.memory_space<vmem>>) dst(%dma_wait3A_259 : memref<8x8x128xf32, #tpu.memory_space<hbm>>)
    %get3A_264 = arith.constant 199 : i32
    %get3A_265 = arith.index_cast %get3A_264 : i32 to index
    %get3A_266 = arith.constant 0 : index
    %get3A_267 = tpu.vector_load %arg7[%get3A_265, %get3A_266] {strides = array<i32>} : memref<200x64xf32, #tpu.memory_space<vmem>>, vector<16xf32>,
    %get3A_268 = arith.constant 199 : i32
    %get3A_269 = arith.index_cast %get3A_268 : i32 to index
    %get3A_270 = arith.constant 16 : index
    %get3A_271 = tpu.vector_load %arg7[%get3A_269, %get3A_270] {strides = array<i32>} : memref<200x64xf32, #tpu.memory_space<vmem>>, vector<16xf32>,
    %get3A_272 = arith.constant 199 : i32
    %get3A_273 = arith.index_cast %get3A_272 : i32 to index
    %get3A_274 = arith.constant 32 : index
    %get3A_275 = tpu.vector_load %arg7[%get3A_273, %get3A_274] {strides = array<i32>} : memref<200x64xf32, #tpu.memory_space<vmem>>, vector<16xf32>,
    %get3A_276 = arith.constant 199 : i32
    %get3A_277 = arith.index_cast %get3A_276 : i32 to index
    %get3A_278 = arith.constant 48 : index
    %get3A_279 = tpu.vector_load %arg7[%get3A_277, %get3A_278] {strides = array<i32>} : memref<200x64xf32, #tpu.memory_space<vmem>>, vector<16xf32>,
    %scan3A_280 = arith.constant 0 : i32
    %scan3A_281 = arith.constant 128 : i32
    %scan3A_282 = arith.addi %scan3A_280, %scan3A_281 : i32
    %scan3A_283 = arith.constant 8 : i32
    scf.for %scan3A_342 = %scan3A_280 to %scan3A_282 step %scan3A_283  : i32 {
      %broadcast_in_dim3A = vector.broadcast %scan3A_342 : i32 to vector<16xi32>
      %get3A_343 = arith.index_cast %scan3A_342 : i32 to index
      %get3A_344 = arith.constant 0 : index
      %get3A_345 = tpu.vector_load %arg9[%get3A_343, %get3A_344] {strides = array<i32>} : memref<128x64xf32, #tpu.memory_space<vmem>>, vector<16xf32>,
      %add3A_346 = arith.addf %get3A_345, %get3A_267 : vector<16xf32>
      tpu.vector_store_idx %arg11[%shift_right_arithmetic3A_7, %and3A_30, %broadcast_in_dim3A], %add3A_346 : memref<8x8x129xf32, #tpu.memory_space<vmem>>[vector<16xi32>, vector<16xi32>, vector<16xi32>], vector<16xf32>,
      %get3A_347 = arith.index_cast %scan3A_342 : i32 to index
      %get3A_348 = arith.constant 16 : index
      %get3A_349 = tpu.vector_load %arg9[%get3A_347, %get3A_348] {strides = array<i32>} : memref<128x64xf32, #tpu.memory_space<vmem>>, vector<16xf32>,
      %add3A_350 = arith.addf %get3A_349, %get3A_271 : vector<16xf32>
      tpu.vector_store_idx %arg11[%shift_right_arithmetic3A_13, %and3A_36, %broadcast_in_dim3A], %add3A_350 : memref<8x8x129xf32, #tpu.memory_space<vmem>>[vector<16xi32>, vector<16xi32>, vector<16xi32>], vector<16xf32>,
      %get3A_351 = arith.index_cast %scan3A_342 : i32 to index
      %get3A_352 = arith.constant 32 : index
      %get3A_353 = tpu.vector_load %arg9[%get3A_351, %get3A_352] {strides = array<i32>} : memref<128x64xf32, #tpu.memory_space<vmem>>, vector<16xf32>,
      %add3A_354 = arith.addf %get3A_353, %get3A_275 : vector<16xf32>
      tpu.vector_store_idx %arg11[%shift_right_arithmetic3A_19, %and3A_42, %broadcast_in_dim3A], %add3A_354 : memref<8x8x129xf32, #tpu.memory_space<vmem>>[vector<16xi32>, vector<16xi32>, vector<16xi32>], vector<16xf32>,
      %get3A_355 = arith.index_cast %scan3A_342 : i32 to index
      %get3A_356 = arith.constant 48 : index
      %get3A_357 = tpu.vector_load %arg9[%get3A_355, %get3A_356] {strides = array<i32>} : memref<128x64xf32, #tpu.memory_space<vmem>>, vector<16xf32>,
      %add3A_358 = arith.addf %get3A_357, %get3A_279 : vector<16xf32>
      tpu.vector_store_idx %arg11[%shift_right_arithmetic3A_25, %and3A_48, %broadcast_in_dim3A], %add3A_358 : memref<8x8x129xf32, #tpu.memory_space<vmem>>[vector<16xi32>, vector<16xi32>, vector<16xi32>], vector<16xf32>,
      %scan3A_359 = arith.constant 1 : i32
      %scan3A_360 = arith.addi %scan3A_342, %scan3A_359 : i32
      %broadcast_in_dim3A_361 = vector.broadcast %scan3A_360 : i32 to vector<16xi32>
      %get3A_362 = arith.index_cast %scan3A_360 : i32 to index
      %get3A_363 = arith.constant 0 : index
      %get3A_364 = tpu.vector_load %arg9[%get3A_362, %get3A_363] {strides = array<i32>} : memref<128x64xf32, #tpu.memory_space<vmem>>, vector<16xf32>,
      %add3A_365 = arith.addf %get3A_364, %get3A_267 : vector<16xf32>
      tpu.vector_store_idx %arg11[%shift_right_arithmetic3A_7, %and3A_30, %broadcast_in_dim3A_361], %add3A_365 : memref<8x8x129xf32, #tpu.memory_space<vmem>>[vector<16xi32>, vector<16xi32>, vector<16xi32>], vector<16xf32>,
      %get3A_366 = arith.index_cast %scan3A_360 : i32 to index
      %get3A_367 = arith.constant 16 : index
      %get3A_368 = tpu.vector_load %arg9[%get3A_366, %get3A_367] {strides = array<i32>} : memref<128x64xf32, #tpu.memory_space<vmem>>, vector<16xf32>,
      %add3A_369 = arith.addf %get3A_368, %get3A_271 : vector<16xf32>
      tpu.vector_store_idx %arg11[%shift_right_arithmetic3A_13, %and3A_36, %broadcast_in_dim3A_361], %add3A_369 : memref<8x8x129xf32, #tpu.memory_space<vmem>>[vector<16xi32>, vector<16xi32>, vector<16xi32>], vector<16xf32>,
      %get3A_370 = arith.index_cast %scan3A_360 : i32 to index
      %get3A_371 = arith.constant 32 : index
      %get3A_372 = tpu.vector_load %arg9[%get3A_370, %get3A_371] {strides = array<i32>} : memref<128x64xf32, #tpu.memory_space<vmem>>, vector<16xf32>,
      %add3A_373 = arith.addf %get3A_372, %get3A_275 : vector<16xf32>
      tpu.vector_store_idx %arg11[%shift_right_arithmetic3A_19, %and3A_42, %broadcast_in_dim3A_361], %add3A_373 : memref<8x8x129xf32, #tpu.memory_space<vmem>>[vector<16xi32>, vector<16xi32>, vector<16xi32>], vector<16xf32>,
      %get3A_374 = arith.index_cast %scan3A_360 : i32 to index
      %get3A_375 = arith.constant 48 : index
      %get3A_376 = tpu.vector_load %arg9[%get3A_374, %get3A_375] {strides = array<i32>} : memref<128x64xf32, #tpu.memory_space<vmem>>, vector<16xf32>,
      %add3A_377 = arith.addf %get3A_376, %get3A_279 : vector<16xf32>
      tpu.vector_store_idx %arg11[%shift_right_arithmetic3A_25, %and3A_48, %broadcast_in_dim3A_361], %add3A_377 : memref<8x8x129xf32, #tpu.memory_space<vmem>>[vector<16xi32>, vector<16xi32>, vector<16xi32>], vector<16xf32>,
      %scan3A_378 = arith.constant 2 : i32
      %scan3A_379 = arith.addi %scan3A_342, %scan3A_378 : i32
      %broadcast_in_dim3A_380 = vector.broadcast %scan3A_379 : i32 to vector<16xi32>
      %get3A_381 = arith.index_cast %scan3A_379 : i32 to index
      %get3A_382 = arith.constant 0 : index
      %get3A_383 = tpu.vector_load %arg9[%get3A_381, %get3A_382] {strides = array<i32>} : memref<128x64xf32, #tpu.memory_space<vmem>>, vector<16xf32>,
      %add3A_384 = arith.addf %get3A_383, %get3A_267 : vector<16xf32>
      tpu.vector_store_idx %arg11[%shift_right_arithmetic3A_7, %and3A_30, %broadcast_in_dim3A_380], %add3A_384 : memref<8x8x129xf32, #tpu.memory_space<vmem>>[vector<16xi32>, vector<16xi32>, vector<16xi32>], vector<16xf32>,
      %get3A_385 = arith.index_cast %scan3A_379 : i32 to index
      %get3A_386 = arith.constant 16 : index
      %get3A_387 = tpu.vector_load %arg9[%get3A_385, %get3A_386] {strides = array<i32>} : memref<128x64xf32, #tpu.memory_space<vmem>>, vector<16xf32>,
      %add3A_388 = arith.addf %get3A_387, %get3A_271 : vector<16xf32>
      tpu.vector_store_idx %arg11[%shift_right_arithmetic3A_13, %and3A_36, %broadcast_in_dim3A_380], %add3A_388 : memref<8x8x129xf32, #tpu.memory_space<vmem>>[vector<16xi32>, vector<16xi32>, vector<16xi32>], vector<16xf32>,
      %get3A_389 = arith.index_cast %scan3A_379 : i32 to index
      %get3A_390 = arith.constant 32 : index
      %get3A_391 = tpu.vector_load %arg9[%get3A_389, %get3A_390] {strides = array<i32>} : memref<128x64xf32, #tpu.memory_space<vmem>>, vector<16xf32>,
      %add3A_392 = arith.addf %get3A_391, %get3A_275 : vector<16xf32>
      tpu.vector_store_idx %arg11[%shift_right_arithmetic3A_19, %and3A_42, %broadcast_in_dim3A_380], %add3A_392 : memref<8x8x129xf32, #tpu.memory_space<vmem>>[vector<16xi32>, vector<16xi32>, vector<16xi32>], vector<16xf32>,
      %get3A_393 = arith.index_cast %scan3A_379 : i32 to index
      %get3A_394 = arith.constant 48 : index
      %get3A_395 = tpu.vector_load %arg9[%get3A_393, %get3A_394] {strides = array<i32>} : memref<128x64xf32, #tpu.memory_space<vmem>>, vector<16xf32>,
      %add3A_396 = arith.addf %get3A_395, %get3A_279 : vector<16xf32>
      tpu.vector_store_idx %arg11[%shift_right_arithmetic3A_25, %and3A_48, %broadcast_in_dim3A_380], %add3A_396 : memref<8x8x129xf32, #tpu.memory_space<vmem>>[vector<16xi32>, vector<16xi32>, vector<16xi32>], vector<16xf32>,
      %scan3A_397 = arith.constant 3 : i32
      %scan3A_398 = arith.addi %scan3A_342, %scan3A_397 : i32
      %broadcast_in_dim3A_399 = vector.broadcast %scan3A_398 : i32 to vector<16xi32>
      %get3A_400 = arith.index_cast %scan3A_398 : i32 to index
      %get3A_401 = arith.constant 0 : index
      %get3A_402 = tpu.vector_load %arg9[%get3A_400, %get3A_401] {strides = array<i32>} : memref<128x64xf32, #tpu.memory_space<vmem>>, vector<16xf32>,
      %add3A_403 = arith.addf %get3A_402, %get3A_267 : vector<16xf32>
      tpu.vector_store_idx %arg11[%shift_right_arithmetic3A_7, %and3A_30, %broadcast_in_dim3A_399], %add3A_403 : memref<8x8x129xf32, #tpu.memory_space<vmem>>[vector<16xi32>, vector<16xi32>, vector<16xi32>], vector<16xf32>,
      %get3A_404 = arith.index_cast %scan3A_398 : i32 to index
      %get3A_405 = arith.constant 16 : index
      %get3A_406 = tpu.vector_load %arg9[%get3A_404, %get3A_405] {strides = array<i32>} : memref<128x64xf32, #tpu.memory_space<vmem>>, vector<16xf32>,
      %add3A_407 = arith.addf %get3A_406, %get3A_271 : vector<16xf32>
      tpu.vector_store_idx %arg11[%shift_right_arithmetic3A_13, %and3A_36, %broadcast_in_dim3A_399], %add3A_407 : memref<8x8x129xf32, #tpu.memory_space<vmem>>[vector<16xi32>, vector<16xi32>, vector<16xi32>], vector<16xf32>,
      %get3A_408 = arith.index_cast %scan3A_398 : i32 to index
      %get3A_409 = arith.constant 32 : index
      %get3A_410 = tpu.vector_load %arg9[%get3A_408, %get3A_409] {strides = array<i32>} : memref<128x64xf32, #tpu.memory_space<vmem>>, vector<16xf32>,
      %add3A_411 = arith.addf %get3A_410, %get3A_275 : vector<16xf32>
      tpu.vector_store_idx %arg11[%shift_right_arithmetic3A_19, %and3A_42, %broadcast_in_dim3A_399], %add3A_411 : memref<8x8x129xf32, #tpu.memory_space<vmem>>[vector<16xi32>, vector<16xi32>, vector<16xi32>], vector<16xf32>,
      %get3A_412 = arith.index_cast %scan3A_398 : i32 to index
      %get3A_413 = arith.constant 48 : index
      %get3A_414 = tpu.vector_load %arg9[%get3A_412, %get3A_413] {strides = array<i32>} : memref<128x64xf32, #tpu.memory_space<vmem>>, vector<16xf32>,
      %add3A_415 = arith.addf %get3A_414, %get3A_279 : vector<16xf32>
      tpu.vector_store_idx %arg11[%shift_right_arithmetic3A_25, %and3A_48, %broadcast_in_dim3A_399], %add3A_415 : memref<8x8x129xf32, #tpu.memory_space<vmem>>[vector<16xi32>, vector<16xi32>, vector<16xi32>], vector<16xf32>,
      %scan3A_416 = arith.constant 4 : i32
      %scan3A_417 = arith.addi %scan3A_342, %scan3A_416 : i32
      %broadcast_in_dim3A_418 = vector.broadcast %scan3A_417 : i32 to vector<16xi32>
      %get3A_419 = arith.index_cast %scan3A_417 : i32 to index
      %get3A_420 = arith.constant 0 : index
      %get3A_421 = tpu.vector_load %arg9[%get3A_419, %get3A_420] {strides = array<i32>} : memref<128x64xf32, #tpu.memory_space<vmem>>, vector<16xf32>,
      %add3A_422 = arith.addf %get3A_421, %get3A_267 : vector<16xf32>
      tpu.vector_store_idx %arg11[%shift_right_arithmetic3A_7, %and3A_30, %broadcast_in_dim3A_418], %add3A_422 : memref<8x8x129xf32, #tpu.memory_space<vmem>>[vector<16xi32>, vector<16xi32>, vector<16xi32>], vector<16xf32>,
      %get3A_423 = arith.index_cast %scan3A_417 : i32 to index
      %get3A_424 = arith.constant 16 : index
      %get3A_425 = tpu.vector_load %arg9[%get3A_423, %get3A_424] {strides = array<i32>} : memref<128x64xf32, #tpu.memory_space<vmem>>, vector<16xf32>,
      %add3A_426 = arith.addf %get3A_425, %get3A_271 : vector<16xf32>
      tpu.vector_store_idx %arg11[%shift_right_arithmetic3A_13, %and3A_36, %broadcast_in_dim3A_418], %add3A_426 : memref<8x8x129xf32, #tpu.memory_space<vmem>>[vector<16xi32>, vector<16xi32>, vector<16xi32>], vector<16xf32>,
      %get3A_427 = arith.index_cast %scan3A_417 : i32 to index
      %get3A_428 = arith.constant 32 : index
      %get3A_429 = tpu.vector_load %arg9[%get3A_427, %get3A_428] {strides = array<i32>} : memref<128x64xf32, #tpu.memory_space<vmem>>, vector<16xf32>,
      %add3A_430 = arith.addf %get3A_429, %get3A_275 : vector<16xf32>
      tpu.vector_store_idx %arg11[%shift_right_arithmetic3A_19, %and3A_42, %broadcast_in_dim3A_418], %add3A_430 : memref<8x8x129xf32, #tpu.memory_space<vmem>>[vector<16xi32>, vector<16xi32>, vector<16xi32>], vector<16xf32>,
      %get3A_431 = arith.index_cast %scan3A_417 : i32 to index
      %get3A_432 = arith.constant 48 : index
      %get3A_433 = tpu.vector_load %arg9[%get3A_431, %get3A_432] {strides = array<i32>} : memref<128x64xf32, #tpu.memory_space<vmem>>, vector<16xf32>,
      %add3A_434 = arith.addf %get3A_433, %get3A_279 : vector<16xf32>
      tpu.vector_store_idx %arg11[%shift_right_arithmetic3A_25, %and3A_48, %broadcast_in_dim3A_418], %add3A_434 : memref<8x8x129xf32, #tpu.memory_space<vmem>>[vector<16xi32>, vector<16xi32>, vector<16xi32>], vector<16xf32>,
      %scan3A_435 = arith.constant 5 : i32
      %scan3A_436 = arith.addi %scan3A_342, %scan3A_435 : i32
      %broadcast_in_dim3A_437 = vector.broadcast %scan3A_436 : i32 to vector<16xi32>
      %get3A_438 = arith.index_cast %scan3A_436 : i32 to index
      %get3A_439 = arith.constant 0 : index
      %get3A_440 = tpu.vector_load %arg9[%get3A_438, %get3A_439] {strides = array<i32>} : memref<128x64xf32, #tpu.memory_space<vmem>>, vector<16xf32>,
      %add3A_441 = arith.addf %get3A_440, %get3A_267 : vector<16xf32>
      tpu.vector_store_idx %arg11[%shift_right_arithmetic3A_7, %and3A_30, %broadcast_in_dim3A_437], %add3A_441 : memref<8x8x129xf32, #tpu.memory_space<vmem>>[vector<16xi32>, vector<16xi32>, vector<16xi32>], vector<16xf32>,
      %get3A_442 = arith.index_cast %scan3A_436 : i32 to index
      %get3A_443 = arith.constant 16 : index
      %get3A_444 = tpu.vector_load %arg9[%get3A_442, %get3A_443] {strides = array<i32>} : memref<128x64xf32, #tpu.memory_space<vmem>>, vector<16xf32>,
      %add3A_445 = arith.addf %get3A_444, %get3A_271 : vector<16xf32>
      tpu.vector_store_idx %arg11[%shift_right_arithmetic3A_13, %and3A_36, %broadcast_in_dim3A_437], %add3A_445 : memref<8x8x129xf32, #tpu.memory_space<vmem>>[vector<16xi32>, vector<16xi32>, vector<16xi32>], vector<16xf32>,
      %get3A_446 = arith.index_cast %scan3A_436 : i32 to index
      %get3A_447 = arith.constant 32 : index
      %get3A_448 = tpu.vector_load %arg9[%get3A_446, %get3A_447] {strides = array<i32>} : memref<128x64xf32, #tpu.memory_space<vmem>>, vector<16xf32>,
      %add3A_449 = arith.addf %get3A_448, %get3A_275 : vector<16xf32>
      tpu.vector_store_idx %arg11[%shift_right_arithmetic3A_19, %and3A_42, %broadcast_in_dim3A_437], %add3A_449 : memref<8x8x129xf32, #tpu.memory_space<vmem>>[vector<16xi32>, vector<16xi32>, vector<16xi32>], vector<16xf32>,
      %get3A_450 = arith.index_cast %scan3A_436 : i32 to index
      %get3A_451 = arith.constant 48 : index
      %get3A_452 = tpu.vector_load %arg9[%get3A_450, %get3A_451] {strides = array<i32>} : memref<128x64xf32, #tpu.memory_space<vmem>>, vector<16xf32>,
      %add3A_453 = arith.addf %get3A_452, %get3A_279 : vector<16xf32>
      tpu.vector_store_idx %arg11[%shift_right_arithmetic3A_25, %and3A_48, %broadcast_in_dim3A_437], %add3A_453 : memref<8x8x129xf32, #tpu.memory_space<vmem>>[vector<16xi32>, vector<16xi32>, vector<16xi32>], vector<16xf32>,
      %scan3A_454 = arith.constant 6 : i32
      %scan3A_455 = arith.addi %scan3A_342, %scan3A_454 : i32
      %broadcast_in_dim3A_456 = vector.broadcast %scan3A_455 : i32 to vector<16xi32>
      %get3A_457 = arith.index_cast %scan3A_455 : i32 to index
      %get3A_458 = arith.constant 0 : index
      %get3A_459 = tpu.vector_load %arg9[%get3A_457, %get3A_458] {strides = array<i32>} : memref<128x64xf32, #tpu.memory_space<vmem>>, vector<16xf32>,
      %add3A_460 = arith.addf %get3A_459, %get3A_267 : vector<16xf32>
      tpu.vector_store_idx %arg11[%shift_right_arithmetic3A_7, %and3A_30, %broadcast_in_dim3A_456], %add3A_460 : memref<8x8x129xf32, #tpu.memory_space<vmem>>[vector<16xi32>, vector<16xi32>, vector<16xi32>], vector<16xf32>,
      %get3A_461 = arith.index_cast %scan3A_455 : i32 to index
      %get3A_462 = arith.constant 16 : index
      %get3A_463 = tpu.vector_load %arg9[%get3A_461, %get3A_462] {strides = array<i32>} : memref<128x64xf32, #tpu.memory_space<vmem>>, vector<16xf32>,
      %add3A_464 = arith.addf %get3A_463, %get3A_271 : vector<16xf32>
      tpu.vector_store_idx %arg11[%shift_right_arithmetic3A_13, %and3A_36, %broadcast_in_dim3A_456], %add3A_464 : memref<8x8x129xf32, #tpu.memory_space<vmem>>[vector<16xi32>, vector<16xi32>, vector<16xi32>], vector<16xf32>,
      %get3A_465 = arith.index_cast %scan3A_455 : i32 to index
      %get3A_466 = arith.constant 32 : index
      %get3A_467 = tpu.vector_load %arg9[%get3A_465, %get3A_466] {strides = array<i32>} : memref<128x64xf32, #tpu.memory_space<vmem>>, vector<16xf32>,
      %add3A_468 = arith.addf %get3A_467, %get3A_275 : vector<16xf32>
      tpu.vector_store_idx %arg11[%shift_right_arithmetic3A_19, %and3A_42, %broadcast_in_dim3A_456], %add3A_468 : memref<8x8x129xf32, #tpu.memory_space<vmem>>[vector<16xi32>, vector<16xi32>, vector<16xi32>], vector<16xf32>,
      %get3A_469 = arith.index_cast %scan3A_455 : i32 to index
      %get3A_470 = arith.constant 48 : index
      %get3A_471 = tpu.vector_load %arg9[%get3A_469, %get3A_470] {strides = array<i32>} : memref<128x64xf32, #tpu.memory_space<vmem>>, vector<16xf32>,
      %add3A_472 = arith.addf %get3A_471, %get3A_279 : vector<16xf32>
      tpu.vector_store_idx %arg11[%shift_right_arithmetic3A_25, %and3A_48, %broadcast_in_dim3A_456], %add3A_472 : memref<8x8x129xf32, #tpu.memory_space<vmem>>[vector<16xi32>, vector<16xi32>, vector<16xi32>], vector<16xf32>,
      %scan3A_473 = arith.constant 7 : i32
      %scan3A_474 = arith.addi %scan3A_342, %scan3A_473 : i32
      %broadcast_in_dim3A_475 = vector.broadcast %scan3A_474 : i32 to vector<16xi32>
      %get3A_476 = arith.index_cast %scan3A_474 : i32 to index
      %get3A_477 = arith.constant 0 : index
      %get3A_478 = tpu.vector_load %arg9[%get3A_476, %get3A_477] {strides = array<i32>} : memref<128x64xf32, #tpu.memory_space<vmem>>, vector<16xf32>,
      %add3A_479 = arith.addf %get3A_478, %get3A_267 : vector<16xf32>
      tpu.vector_store_idx %arg11[%shift_right_arithmetic3A_7, %and3A_30, %broadcast_in_dim3A_475], %add3A_479 : memref<8x8x129xf32, #tpu.memory_space<vmem>>[vector<16xi32>, vector<16xi32>, vector<16xi32>], vector<16xf32>,
      %get3A_480 = arith.index_cast %scan3A_474 : i32 to index
      %get3A_481 = arith.constant 16 : index
      %get3A_482 = tpu.vector_load %arg9[%get3A_480, %get3A_481] {strides = array<i32>} : memref<128x64xf32, #tpu.memory_space<vmem>>, vector<16xf32>,
      %add3A_483 = arith.addf %get3A_482, %get3A_271 : vector<16xf32>
      tpu.vector_store_idx %arg11[%shift_right_arithmetic3A_13, %and3A_36, %broadcast_in_dim3A_475], %add3A_483 : memref<8x8x129xf32, #tpu.memory_space<vmem>>[vector<16xi32>, vector<16xi32>, vector<16xi32>], vector<16xf32>,
      %get3A_484 = arith.index_cast %scan3A_474 : i32 to index
      %get3A_485 = arith.constant 32 : index
      %get3A_486 = tpu.vector_load %arg9[%get3A_484, %get3A_485] {strides = array<i32>} : memref<128x64xf32, #tpu.memory_space<vmem>>, vector<16xf32>,
      %add3A_487 = arith.addf %get3A_486, %get3A_275 : vector<16xf32>
      tpu.vector_store_idx %arg11[%shift_right_arithmetic3A_19, %and3A_42, %broadcast_in_dim3A_475], %add3A_487 : memref<8x8x129xf32, #tpu.memory_space<vmem>>[vector<16xi32>, vector<16xi32>, vector<16xi32>], vector<16xf32>,
      %get3A_488 = arith.index_cast %scan3A_474 : i32 to index
      %get3A_489 = arith.constant 48 : index
      %get3A_490 = tpu.vector_load %arg9[%get3A_488, %get3A_489] {strides = array<i32>} : memref<128x64xf32, #tpu.memory_space<vmem>>, vector<16xf32>,
      %add3A_491 = arith.addf %get3A_490, %get3A_279 : vector<16xf32>
      tpu.vector_store_idx %arg11[%shift_right_arithmetic3A_25, %and3A_48, %broadcast_in_dim3A_475], %add3A_491 : memref<8x8x129xf32, #tpu.memory_space<vmem>>[vector<16xi32>, vector<16xi32>, vector<16xi32>], vector<16xf32>,
    }
    %scan3A_284 = arith.constant 128 : i32
    %dma_start3A_285 = arith.constant 199 : i32
    %dma_start3A_286 = arith.constant 0 : i32
    %dma_start3A_287 = arith.constant 0 : i32
    %dma_start3A_288 = arith.constant 0 : i32
    %dma_start3A_289 = tpu.memref_slice %arg11[%dma_start3A_286, %dma_start3A_287, %dma_start3A_288] : memref<8x8x129xf32, #tpu.memory_space<vmem>> -> memref<8x8x128xf32, #tpu.memory_space<vmem>>
    %dma_start3A_290 = arith.constant 0 : i32
    %dma_start3A_291 = arith.constant 0 : i32
    %dma_start3A_292 = arith.constant 0 : i32
    %dma_start3A_293 = tpu.memref_slice %arg5[%dma_start3A_285, %dma_start3A_290, %add3A, %dma_start3A_291, %dma_start3A_292] : memref<200x8x32x8x128xf32, #tpu.memory_space<hbm>> -> memref<1x8x1x8x128xf32, #tpu.memory_space<hbm>>
    %dma_start3A_294 = tpu.memref_squeeze %dma_start3A_293 : memref<1x8x1x8x128xf32, #tpu.memory_space<hbm>> -> memref<8x8x128xf32, #tpu.memory_space<hbm>>
    %dma_start3A_295 = arith.constant 0 : i32
    %dma_start3A_296 = arith.constant 0 : i32
    %dma_start3A_297 = arith.constant 0 : i32
    %dma_start3A_298 = tpu.memref_slice %arg5[%dma_start3A_285, %dma_start3A_295, %add3A, %dma_start3A_296, %dma_start3A_297] : memref<200x8x32x8x128xf32, #tpu.memory_space<hbm>> -> memref<1x8x1x8x128xf32, #tpu.memory_space<hbm>>
    %dma_start3A_299 = tpu.memref_squeeze %dma_start3A_298 : memref<1x8x1x8x128xf32, #tpu.memory_space<hbm>> -> memref<8x8x128xf32, #tpu.memory_space<hbm>>
    %dma_start3A_300 = arith.constant 0 : i32
    %dma_start3A_301 = arith.constant 0 : i32
    %dma_start3A_302 = arith.constant 0 : i32
    %dma_start3A_303 = tpu.memref_slice %arg11[%dma_start3A_300, %dma_start3A_301, %dma_start3A_302] : memref<8x8x129xf32, #tpu.memory_space<vmem>> -> memref<8x8x128xf32, #tpu.memory_space<vmem>>
    tpu.enqueue_dma source(%dma_start3A_303 : memref<8x8x128xf32, #tpu.memory_space<vmem>>) target(%dma_start3A_299 : memref<8x8x128xf32, #tpu.memory_space<hbm>>) target_semaphore(%arg15 : memref<!tpu.dma_semaphore, #tpu.memory_space<semaphore_mem>>)
    %dma_wait3A_304 = arith.constant 198 : i32
    %dma_wait3A_305 = arith.constant 0 : i32
    %dma_wait3A_306 = arith.constant 0 : i32
    %dma_wait3A_307 = arith.constant 0 : i32
    %dma_wait3A_308 = tpu.memref_slice %arg10[%dma_wait3A_305, %dma_wait3A_306, %dma_wait3A_307] : memref<8x8x129xf32, #tpu.memory_space<vmem>> -> memref<8x8x128xf32, #tpu.memory_space<vmem>>
    %dma_wait3A_309 = arith.constant 0 : i32
    %dma_wait3A_310 = arith.constant 0 : i32
    %dma_wait3A_311 = arith.constant 0 : i32
    %dma_wait3A_312 = tpu.memref_slice %arg5[%dma_wait3A_304, %dma_wait3A_309, %add3A, %dma_wait3A_310, %dma_wait3A_311] : memref<200x8x32x8x128xf32, #tpu.memory_space<hbm>> -> memref<1x8x1x8x128xf32, #tpu.memory_space<hbm>>
    %dma_wait3A_313 = tpu.memref_squeeze %dma_wait3A_312 : memref<1x8x1x8x128xf32, #tpu.memory_space<hbm>> -> memref<8x8x128xf32, #tpu.memory_space<hbm>>
    %dma_wait3A_314 = arith.constant 0 : i32
    %dma_wait3A_315 = arith.constant 0 : i32
    %dma_wait3A_316 = arith.constant 0 : i32
    %dma_wait3A_317 = tpu.memref_slice %arg5[%dma_wait3A_304, %dma_wait3A_314, %add3A, %dma_wait3A_315, %dma_wait3A_316] : memref<200x8x32x8x128xf32, #tpu.memory_space<hbm>> -> memref<1x8x1x8x128xf32, #tpu.memory_space<hbm>>
    %dma_wait3A_318 = tpu.memref_squeeze %dma_wait3A_317 : memref<1x8x1x8x128xf32, #tpu.memory_space<hbm>> -> memref<8x8x128xf32, #tpu.memory_space<hbm>>
    %dma_wait3A_319 = arith.constant 0 : i32
    %dma_wait3A_320 = arith.constant 0 : i32
    %dma_wait3A_321 = arith.constant 0 : i32
    %dma_wait3A_322 = tpu.memref_slice %arg10[%dma_wait3A_319, %dma_wait3A_320, %dma_wait3A_321] : memref<8x8x129xf32, #tpu.memory_space<vmem>> -> memref<8x8x128xf32, #tpu.memory_space<vmem>>
    tpu.wait_dma2 semaphore(%arg14 : memref<!tpu.dma_semaphore, #tpu.memory_space<semaphore_mem>>) src(%dma_wait3A_322 : memref<8x8x128xf32, #tpu.memory_space<vmem>>) dst(%dma_wait3A_318 : memref<8x8x128xf32, #tpu.memory_space<hbm>>)
    %dma_wait3A_323 = arith.constant 199 : i32
    %dma_wait3A_324 = arith.constant 0 : i32
    %dma_wait3A_325 = arith.constant 0 : i32
    %dma_wait3A_326 = arith.constant 0 : i32
    %dma_wait3A_327 = tpu.memref_slice %arg11[%dma_wait3A_324, %dma_wait3A_325, %dma_wait3A_326] : memref<8x8x129xf32, #tpu.memory_space<vmem>> -> memref<8x8x128xf32, #tpu.memory_space<vmem>>
    %dma_wait3A_328 = arith.constant 0 : i32
    %dma_wait3A_329 = arith.constant 0 : i32
    %dma_wait3A_330 = arith.constant 0 : i32
    %dma_wait3A_331 = tpu.memref_slice %arg5[%dma_wait3A_323, %dma_wait3A_328, %add3A, %dma_wait3A_329, %dma_wait3A_330] : memref<200x8x32x8x128xf32, #tpu.memory_space<hbm>> -> memref<1x8x1x8x128xf32, #tpu.memory_space<hbm>>
    %dma_wait3A_332 = tpu.memref_squeeze %dma_wait3A_331 : memref<1x8x1x8x128xf32, #tpu.memory_space<hbm>> -> memref<8x8x128xf32, #tpu.memory_space<hbm>>
    %dma_wait3A_333 = arith.constant 0 : i32
    %dma_wait3A_334 = arith.constant 0 : i32
    %dma_wait3A_335 = arith.constant 0 : i32
    %dma_wait3A_336 = tpu.memref_slice %arg5[%dma_wait3A_323, %dma_wait3A_333, %add3A, %dma_wait3A_334, %dma_wait3A_335] : memref<200x8x32x8x128xf32, #tpu.memory_space<hbm>> -> memref<1x8x1x8x128xf32, #tpu.memory_space<hbm>>
    %dma_wait3A_337 = tpu.memref_squeeze %dma_wait3A_336 : memref<1x8x1x8x128xf32, #tpu.memory_space<hbm>> -> memref<8x8x128xf32, #tpu.memory_space<hbm>>
    %dma_wait3A_338 = arith.constant 0 : i32
    %dma_wait3A_339 = arith.constant 0 : i32
    %dma_wait3A_340 = arith.constant 0 : i32
    %dma_wait3A_341 = tpu.memref_slice %arg11[%dma_wait3A_338, %dma_wait3A_339, %dma_wait3A_340] : memref<8x8x129xf32, #tpu.memory_space<vmem>> -> memref<8x8x128xf32, #tpu.memory_space<vmem>>
    tpu.wait_dma2 semaphore(%arg15 : memref<!tpu.dma_semaphore, #tpu.memory_space<semaphore_mem>>) src(%dma_wait3A_341 : memref<8x8x128xf32, #tpu.memory_space<vmem>>) dst(%dma_wait3A_337 : memref<8x8x128xf32, #tpu.memory_space<hbm>>)
    return
  }
}

</mosaic_0001>

<sc_bundles>
// kernel: _run.3.cloned.1.call-start
scs
__scs_entry_jumppad:
0x0: {  	(pc) =	sbr.rel $0x88, $3  }
0x1: {  	(tag) =	ssettag $0x0;
	lr =	simm.s32 $0x1  }
0x2: {  	[smem:$0x3F9E] =	sst lr;
	_ =	strace $0xD0000000  }
0x3: {  	_ = 	snop  }
0x4: {  	_ = 	snop  }
0x5: {  	_ = 	snop  }
0x6: {  	_ = 	snop  }
0x7: {  	_ = 	snop  }
__scs_overlays_trampoline_lowered:
0x8: {  	[smem:$0x3FAD] =	sst s0  }
0x9: {  	[smem:$0x3FAE] =	sst s1  }
0xa: {  	[smem:$0x3FAF] =	sst s2  }
0xb: {  	[smem:$0x3FB0] =	sst s3  }
0xc: {  	[smem:$0x3FB1] =	sst s4  }
0xd: {  	[smem:$0x3FB2] =	sst s5  }
0xe: {  	[smem:$0x3FB3] =	sst s6  }
0xf: {  	[smem:$0x3FB4] =	sst s7  }
0x10: {  	[smem:$0x3FB5] =	sst s8  }
0x11: {  	[smem:$0x3FB6] =	sst s9;
	s0 =	simm.s32 @!p0 $0x0  }
0x12: {  	s1 =	sld [smem:$0x3F9C];
	s0 =	simm.s32 @p0 $0x1  }
0x13: {  	[smem:$0x3FB7] =	sst s0;
	s0 =	simm.s32 @!p1 $0x0  }
0x14: {  	s2 =	sld [smem:$0x3F9B];
	s0 =	simm.s32 @p1 $0x1  }
0x15: {  	[smem:$0x3FB8] =	sst s0;
	s0 =	simm.s32 @!p2 $0x0  }
0x16: {  	s3 =	sld [smem:$0x3FDB];
	s0 =	simm.s32 @p2 $0x1  }
0x17: {  	s4 =	simm.s32 $0x1BF5;
	[smem:$0x3FBA] =	sst s0  }
0x18: {  	s0 =	sld [smem:$0x3F9D];
	_ =	swait.ge [sflag:s4], $0x0  }
0x19: {  	s7 =	sld [smem:$0x3F9E]  }
0x1a: {  	s8 =	sadd.s32 $0xFFFFE003, lr  }
0x1b: {  	s9 =	sadd.s32 $0xFFFFFEF7, lr;
	s5 =	simm.s32 $0xFFFFFFFF;
	p2 =	slt.u32 s8, $0xFFFFF086  }
0x1c: {  	p1 =	slt.u32 s9, $0xF7A;
	s5 =	simm.s32 @!p2 $0x0  }
0x1d: {  	s5 =	simm.s32 @p1 $0x1;
	p0 =	seq.s32 s7, s2  }
0x1e: {  	s7 =	smul.u32 @!p0 $0xF7A, s2;
	p2 =	seq.s32 @!p0 s5, $0x0  }
0x1f: {  	s9 =	smul.u32 $0xF7A, s1;
	s8 =	simm.s32 @!p0 $0x1BF5;
	p2 =	por !p2, p0  }
0x20: {  	[sflag:s8] =	ssyncset.s32 @!p0 $0xFFFFF086;
	s6 =	sadd.s32 @!p0 s3, s7;
	s7 =	simm.s32 @!p0 $0x108  }
0x21: {  	s3 =	sadd.s32 s3, s9;
	s6 =	sadd.s32 @!p0 $0x88, s6;
	s7 =	simm.s32 @p2 $0x1082  }
0x22: {  	[simem:s7], [sflag:s8] =	dma.local @!p0 [hbm:s6], $0xF7A  }
0x23: {  	s9 =	sor.u32 $0xD0000000, s2;
	s6 =	simm.s32 $0x108;
	_ =	swait.ge @!p0 [sflag:s8], $0x0  }
0x24: {  	s3 =	sadd.s32 $0x88, s3;
	s6 =	simm.s32 @!p1 $0x1082;
	[sflag:s4] =	ssyncset.s32 $0xFFFFF086  }
0x25: {  	[simem:s6], [sflag:s4] =	dma.local [hbm:s3], $0xF7A  }
0x26: {  	[smem:$0x3F9E] =	sst s1;
	(tag) =	ssettag s2;
	_ =	strace s9  }
0x27: {  	s1 =	sld [smem:$0x3FAE]  }
0x28: {  	s2 =	sld [smem:$0x3FAF]  }
0x29: {  	s4 =	sld [smem:$0x3FB1]  }
0x2a: {  	p0 =	seq.s32 s5, $0x0;
	s5 =	sld [smem:$0x3FB2]  }
0x2b: {  	s6 =	sld [smem:$0x3FB3]  }
0x2c: {  	s7 =	sld [smem:$0x3FB4]  }
0x2d: {  	s3 =	simm.s32 $0x108;
	s8 =	sld [smem:$0x3FB5]  }
0x2e: {  	s3 =	simm.s32 @!p0 $0x1082;
	s9 =	sld [smem:$0x3FB6]  }
0x2f: {  	lr =	sadd.s32 s0, s3;
	s0 =	sld [smem:$0x3FAD]  }
0x30: {  	s3 =	sld [smem:$0x3FB0]  }
0x31: {  	[smem:$0x3FB9] =	sst s10  }
0x32: {  	s10 =	sld [smem:$0x3FB7];
	_ =	sdelay $0x3  }
0x33: {  	p0 =	seq.s32 s10, $0x1;
	s10 =	sld [smem:$0x3FB9];
	_ =	sdelay $0x3  }
0x34: {  	[smem:$0x3FB9] =	sst s10  }
0x35: {  	s10 =	sld [smem:$0x3FB8];
	_ =	sdelay $0x3  }
0x36: {  	p1 =	seq.s32 s10, $0x1;
	s10 =	sld [smem:$0x3FB9];
	_ =	sdelay $0x3  }
0x37: {  	[smem:$0x3FB9] =	sst s10  }
0x38: {  	s10 =	sld [smem:$0x3FBA]  }
0x39: {  	_ = 	snop;
	(pc) =	sbr.ind lr, $3  }
0x3a: {  	_ = 	snop  }
0x3b: {  	_ = 	snop  }
0x3c: {  	p2 =	seq.s32 s10, $0x1;
	s10 =	sld [smem:$0x3FB9]  }
0x3d: {  	_ =	shalt  }
0x3e: {  	_ =	shalt  }
0x3f: {  	_ =	shalt  }
0x40: {  	_ =	shalt  }
0x41: {  	_ =	shalt  }
0x42: {  	_ =	shalt  }
0x43: {  	_ =	shalt  }
0x44: {  	_ =	shalt  }
0x45: {  	_ =	shalt  }
0x46: {  	_ =	shalt  }
0x47: {  	_ =	shalt  }
0x48: {  	_ =	shalt  }
0x49: {  	_ =	shalt  }
0x4a: {  	_ =	shalt  }
0x4b: {  	_ =	shalt  }
0x4c: {  	_ =	shalt  }
0x4d: {  	_ =	shalt  }
0x4e: {  	_ =	shalt  }
0x4f: {  	_ =	shalt  }
0x50: {  	_ =	shalt  }
0x51: {  	_ =	shalt  }
0x52: {  	_ =	shalt  }
0x53: {  	_ =	shalt  }
0x54: {  	_ =	shalt  }
0x55: {  	_ =	shalt  }
0x56: {  	_ =	shalt  }
0x57: {  	_ =	shalt  }
0x58: {  	_ =	shalt  }
0x59: {  	_ =	shalt  }
0x5a: {  	_ =	shalt  }
0x5b: {  	_ =	shalt  }
0x5c: {  	_ =	shalt  }
0x5d: {  	_ =	shalt  }
0x5e: {  	_ =	shalt  }
0x5f: {  	_ =	shalt  }
0x60: {  	_ =	shalt  }
0x61: {  	_ =	shalt  }
0x62: {  	_ =	shalt  }
0x63: {  	_ =	shalt  }
0x64: {  	_ =	shalt  }
0x65: {  	_ =	shalt  }
0x66: {  	_ =	shalt  }
0x67: {  	_ =	shalt  }
0x68: {  	_ =	shalt  }
0x69: {  	_ =	shalt  }
0x6a: {  	_ =	shalt  }
0x6b: {  	_ =	shalt  }
0x6c: {  	_ =	shalt  }
0x6d: {  	_ =	shalt  }
0x6e: {  	_ =	shalt  }
0x6f: {  	_ =	shalt  }
0x70: {  	_ =	shalt  }
0x71: {  	_ =	shalt  }
0x72: {  	_ =	shalt  }
0x73: {  	_ =	shalt  }
0x74: {  	_ =	shalt  }
0x75: {  	_ =	shalt  }
0x76: {  	_ =	shalt  }
0x77: {  	_ =	shalt  }
0x78: {  	_ =	shalt  }
0x79: {  	_ =	shalt  }
0x7a: {  	_ =	shalt  }
0x7b: {  	_ =	shalt  }
0x7c: {  	_ =	shalt  }
0x7d: {  	_ =	shalt  }
0x7e: {  	_ =	shalt  }
0x7f: {  	_ =	shalt  }
0x80: {  	_ =	shalt  }
0x81: {  	_ =	shalt  }
0x82: {  	_ =	shalt  }
0x83: {  	_ =	shalt  }
0x84: {  	_ =	shalt  }
0x85: {  	_ =	shalt  }
0x86: {  	_ =	shalt  }
0x87: {  	_ =	shalt  }
.Lfunc_end0:
.L_simem_size_0:
called_computation_lowered:
.L_overlay_start_0:
0x88: {  	s2 =	sld [smem:$0x3FD9]  }
0x89: {  	s3 =	sld [smem:$0x3FFE];
	_ =	sdelay $0x1  }
0x8a: {  	s1 =	srdreg.scid  }
0x8b: {  	s0 =	sand.u32 $0x1, s1  }
0x8c: {  	s17 =	sshll.u32 s0, $0xA;
	s2 =	sadd.s32 s3, s2  }
0x8d: {  	s2 =	sadd.s32 s2, s17  }
0x8e: {  	[smem:$0x3FC5] =	sst s2  }
0x8f: {  	_ = 	snop  }
0x90: {  	s2 =	sld [smem:$0x3FD0];
	(tm) =	ssettm $0x1  }
0x91: {  	s18 =	sld [smem:$0x3FFB];
	_ =	sdelay $0x3  }
0x92: {  	_ =	strace s18  }
0x93: {  	s3 =	sld [smem:$0x3FFC];
	_ =	sdelay $0x3  }
0x94: {  	_ =	strace s3  }
0x95: {  	s3 =	sld [smem:$0x3FFD];
	_ =	sdelay $0x3  }
0x96: {  	_ =	strace s3  }
0x97: {  	_ =	strace $0x8FFFFFFF  }
0x98: {  	s19 =	sld [smem:$0x3FDB];
	_ =	sdelay $0x1  }
0x99: {  	s4 =	simm.s32 $_scs_section_size  }
0x9a: {  	s5 =	simm.s32 $_size__tile_overlayer_lowered;
	s6 =	simm.s32 $_tile_overlayer_lowered  }
0x9b: {  	s22 =	simm.s32 $0x1BFF;
	s21 =	sshll.u32 s6, $0x1;
	s3 =	sadd.s32 s4, s19  }
0x9c: {  	s7 =	simm.s32 $0x0;
	s20 =	sshll.u32 s5, $0x1;
	s5 =	sadd.s32 s21, s3  }
0x9d: {  	[timem:s7], [sflag:s22] =	dma.local [hbm:s5], s20  }
0x9e: {  	_ =	swait.ge [sflag:s22], s20  }
0x9f: {  	s4 =	ssub.s32 $0x0, s20;
	[sflag:s22] =	ssyncset.done $0x0  }
0xa0: {  	[sflag:s22] =	ssyncadd.s32 s4;
	_ =	sdelay $0x1  }
0xa1: {  	s23 =	simm.s32 $0x1B8B  }
0xa2: {  	_ =	swait.ge [sflag:s23], $0x1  }
0xa3: {  	[sflag:s23] =	ssyncset.done $0x0  }
0xa4: {  	s25 =	simm.s32 $0x1B8E;
	s24 =	sld [smem:$0x3FFE];
	[sflag:s23] =	ssyncadd.s32 $0xFFFFFFFF  }
0xa5: {  	s26 =	simm.s32 $execute0_lowered;
	[smem:$0x3FD2] =	sst s25  }
0xa6: {  	s5 =	sshll.u32 s26, $0x1;
	_ =	strace $0x80000046;
	[dreg:$0x1] =	wrdreg $0xFFFFFFFF  }
0xa7: {  	s28 =	simm.s32 $_size_execute0_lowered;
	s3 =	sadd.s32 s3, s5;
	[dreg:$0x0] =	wrdreg $0x0  }
0xa8: {  	s5 =	sshll.u32 s28, $0x1;
	[dreg:$0x2] =	wrdreg s3  }
0xa9: {  	[dreg:$0x3] =	wrdreg s5  }
0xaa: {  	[dreg:$0x4] =	wrdreg $0xC0  }
0xab: {  	_ =	task [dreg:s7], $0x5FFFF  }
0xac: {  	[dreg:$0x1] =	wrdreg $0xFFFFFFFF  }
0xad: {  	[dreg:$0x0] =	wrdreg $0x60  }
0xae: {  	[dreg:$0x2] =	wrdreg s24  }
0xaf: {  	[dreg:$0x3] =	wrdreg s2  }
0xb0: {  	[dreg:$0x4] =	wrdreg $0x9  }
0xb1: {  	_ =	task.clear_ibuf [dreg:s7], $0x5FFFF;
	_ =	strace $0x90000046  }
0xb2: {  	s29 =	simm.s32 $0x9;
	_ =	strace $0x80000048  }
0xb3: {  	_ =	swait.ge [sflag:s29], $0x1  }
0xb4: {  	[sflag:s29] =	ssyncadd.s32 $0xFFFFFFFF  }
0xb5: {  	_ =	strace $0x90000048  }
0xb6: {  	_ =	sfence  }
0xb7: {  	s30 =	sld [smem:$0x0];
	_ =	sdelay $0x2  }
0xb8: {  	s31 =	sshll.u32 s1, $0xD;
	s1 =	sshrl.u32 s1, $0x2  }
0xb9: {  	s3 =	sand.u32 $0x4000, s31;
	s1 =	sadd.s32 s1, s30  }
0xba: {  	s0 =	sor.u32 s3, s0;
	s1 =	sshll.u32 s1, $0x11  }
0xbb: {  	s0 =	sor.u32 s1, s0  }
0xbc: {  	s0 =	sadd.s32 $0x8F2B, s0  }
0xbd: {  	[sflag:s0] =	ssyncadd.remote.s32 $0x1  }
0xbe: {  	_ =	sfence.sel $0xFFFF  }
0xbf: {  	[dreg:$0x0] =	wrdreg $0xFFFFFFFF;
	(pc) =	sbr.abs _section_cstart, $3  }
0xc0: {  	[dreg:$0x1] =	wrdreg $0xFFFFFFFF  }
0xc1: {  	_ =	task.clear_ibuf [dreg:s7], $0x2FFFF;
	_ =	strace $0x9FFFFFFF  }
0xc2: {  	(tm) =	ssettm $0x7FFFFFFF  }
0xc3: {  	_ =	shalt  }
tec
execute0_lowered:
.L_overlay_start_1:
0x0: {  	(tag) =	ssettag $0x1  }
0x1: {  	v0 =	vlaneseq.u32  }
0x2: {  	s0 =	rddreg [dreg:$0x0];
	s1 =	srdreg.scid;
	v0 =	vmul.u32 $0x88, v0  }
0x3: {  	s3 =	stileid.u32;
	s2 =	rddreg [dreg:$0x1];
	v1 =	vimm.s32 $0x0;
	vm0 =	vcmask $0x300  }
0x4: {  	s13 =	simm.s32 $0x80;
	s15 =	simm.s32 $0x5;
	s17 =	simm.s32 $0x9600;
	v1 =	vsel vm0, $0x3, v1;
	v2 =	vadd.s32 $0x880, v0  }
0x5: {  	s18 =	simm.s32 $0x1;
	s19 =	simm.s32 $0xB600;
	s20 =	simm.s32 $0xD600;
	v3 =	vadd.s32 $0x1100, v0;
	v4 =	vadd.s32 $0x1980, v0;
	v5 =	vor.u32 $0x1, v0  }
0x6: {  	s21 =	simm.s32 $0x2;
	s23 =	simm.s32 $0xF800;
	s24 =	simm.s32 $0x3;
	v6 =	vadd.s32 $0x881, v0;
	v7 =	vadd.s32 $0x1101, v0;
	v8 =	vadd.s32 $0x1981, v0  }
0x7: {  	s25 =	simm.s32 $0x4;
	s26 =	simm.s32 $0x6380;
	s28 =	simm.s32 $0x0;
	v9 =	vor.u32 $0x2, v0;
	v10 =	vadd.s32 $0x882, v0;
	v11 =	vadd.s32 $0x1102, v0  }
0x8: {  	s1 =	sand.u32 $0x1, s1;
	s4 =	sshll.u32 s3, $0x1;
	s3 =	simm.s32 $0x0;
	v12 =	vadd.s32 $0x1982, v0;
	v13 =	vor.u32 $0x3, v0;
	v14 =	vadd.s32 $0x883, v0  }
0x9: {  	s5 =	sadd.s32 $0x19C00, s0;
	s8 =	sor.u32 s1, s4;
	[smem:$0x7FF] =	sst s3;
	v15 =	vadd.s32 $0x1103, v0;
	v16 =	vadd.s32 $0x1983, v0;
	v17 =	vor.u32 $0x4, v0  }
0xa: {  	s1 =	ssub.s32 $0x2, s1;
	s4 =	sshll.u32 s8, $0x4;
	_ =	strace $0x80000047;
	v18 =	vadd.s32 $0x884, v0;
	v19 =	vadd.s32 $0x1104, v0;
	v20 =	vadd.s32 $0x1984, v0  }
0xb: {  	s6 =	sshrl.u32 s1, $0x1;
	s9 =	sshll.u32 s8, $0x7;
	s8 =	sshll.u32 s8, $0xA;
	v21 =	vor.u32 $0x5, v0;
	v22 =	vadd.s32 $0x885, v0;
	v23 =	vadd.s32 $0x1105, v0  }
0xc: {  	v24 =	vadd.s32 $0x1985, v0;
	v25 =	vor.u32 $0x6, v0;
	v26 =	vadd.s32 $0x886, v0;
	s7 =	sadd.s32 s4, s0;
	s31 =	ssub.s32 s1, s6;
	s6 =	sadd.s32 s2, s9  }
0xd: {  	v27 =	vadd.s32 $0x1106, v0;
	v28 =	vadd.s32 $0x1986, v0;
	v29 =	vor.u32 $0x7, v0;
	s4 =	sadd.s32 $0x400, s0;
	s7 =	sadd.s32 $0xC00, s7;
	s9 =	sadd.s32 $0x8000, s6  }
0xe: {  	v30 =	vadd.s32 $0x887, v0;
	v31 =	vadd.s32 $0x1107, v0;
	v32 =	vadd.s32 $0x1987, v0;
	s10 =	sadd.s32 $0x630000, s6;
	s11 =	sadd.s32 $0x638000, s6;
	s12 =	smax.u32 s31, $0x1  }
.LBB2_1:
0xf: {  	s0 =	simm.s32 $0x1000  }
0x10: {  	[tilespmem:s3], [sflag:$0x5] =	stream.strided.gather [hbm4b:s7+s13], $0x6400, s0, s13, $0x38;
	[tilespmem:$0x11A00] =	vst v63  }
0x11: {  	_ =	swait.ge [sflag:s15], $0x6400  }
0x12: {  	[sflag:s15] =	ssyncset.done $0x0  }
0x13: {  	s30 =	simm.s32 $0x6400;
	[sflag:s15] =	ssyncadd.s32 $0xFFFF9C00  }
0x14: {  	[tilespmem:s30], [sflag:$0x5] =	stream.linear.gather [hbm4b:s4+s3], $0x3200, $0x38;
	[tilespmem:$0x11A00] =	vst v63  }
0x15: {  	_ =	swait.ge [sflag:s15], $0x3200  }
0x16: {  	[sflag:s15] =	ssyncset.done $0x0  }
0x17: {  	[sflag:s15] =	ssyncadd.s32 $0xFFFFCE00  }
0x18: {  	[tilespmem:s17], [sflag:$0x1] =	stream.indirect.gather [hbm4b:s5+s13], $0x40, s3, s13, $0xb8;
	[tilespmem:$0x11A00] =	vst v63  }
0x19: {  	_ =	swait.ge [sflag:s18], $0x2000  }
0x1a: {  	[sflag:s18] =	ssyncset.done $0x0  }
0x1b: {  	v33 =	vmov s3;
	[sflag:s18] =	ssyncadd.s32 $0xFFFFE000  }
0x1c: {  	v33 =	vshrl.u32 v33, $0x3;
	[tilespmem:s19], [sflag:$0x2] =	stream.indirect.gather [hbm4b:s5+s13], $0x40, s13, s13, $0xb8;
	[tilespmem:$0x11A00] =	vst v63  }
0x1d: {  	s29 =	simm.s32 $0x9700;
	v33 =	vshll.u32 v33, v1;
	v35 =	vld [tilespmem:$0x6400]  }
0x1e: {  	v38 =	vbroadcast v33, $0x0;
	v37 =	vld [tilespmem:s29+$0xFFFFFF00];
	_ =	sdelay $0x1  }
0x1f: {  	v39 =	vadd.s32 v0, v38;
	_ =	sdelay $0x2  }
0x20: {  	v36 =	vld [tilespmem:$0x6410];
	v37 =	vadd.f32 v37, v35  }
0x21: {  	v34 =	vld [tilespmem:$0x6420]  }
0x22: {  	v33 =	vld [tilespmem:$0x6430];
	[tilespmem:v39+s20+$0x0] =	vst.idx.msk $0xffff, v37  }
0x23: {  	v37 =	vld [tilespmem:s29+$0xFFFFFF10];
	_ =	sdelay $0x1  }
0x24: {  	v48 =	vadd.s32 v2, v38;
	_ =	sdelay $0x2  }
0x25: {  	v37 =	vadd.f32 v37, v36;
	_ =	sdelay $0x1  }
0x26: {  	[tilespmem:v48+s20+$0x0] =	vst.idx.msk $0xffff, v37  }
0x27: {  	v37 =	vld [tilespmem:s29+$0xFFFFFF20];
	_ =	sdelay $0x1  }
0x28: {  	v49 =	vadd.s32 v3, v38;
	_ =	sdelay $0x2  }
0x29: {  	v37 =	vadd.f32 v37, v34;
	_ =	sdelay $0x1  }
0x2a: {  	[tilespmem:v49+s20+$0x0] =	vst.idx.msk $0xffff, v37  }
0x2b: {  	v37 =	vld [tilespmem:s29+$0xFFFFFF30];
	_ =	sdelay $0x1  }
0x2c: {  	v38 =	vadd.s32 v4, v38;
	_ =	sdelay $0x1  }
0x2d: {  	s31 =	simm.s32 $0x1  }
0x2e: {  	v50 =	vmov s31;
	v37 =	vadd.f32 v37, v33  }
0x2f: {  	v39 =	vshrl.u32 v50, $0x3  }
0x30: {  	v51 =	vshll.u32 v39, v1;
	[tilespmem:v38+s20+$0x0] =	vst.idx.msk $0xffff, v37  }
0x31: {  	v37 =	vbroadcast v51, $0x0;
	v38 =	vld [tilespmem:s29+$0xFFFFFF40];
	_ =	sdelay $0x1  }
0x32: {  	v52 =	vadd.s32 v5, v37;
	_ =	sdelay $0x2  }
0x33: {  	v38 =	vadd.f32 v38, v35;
	_ =	sdelay $0x1  }
0x34: {  	[tilespmem:v52+s20+$0x0] =	vst.idx.msk $0xffff, v38  }
0x35: {  	v38 =	vld [tilespmem:s29+$0xFFFFFF50];
	_ =	sdelay $0x1  }
0x36: {  	v53 =	vadd.s32 v6, v37;
	_ =	sdelay $0x2  }
0x37: {  	v38 =	vadd.f32 v38, v36;
	_ =	sdelay $0x1  }
0x38: {  	[tilespmem:v53+s20+$0x0] =	vst.idx.msk $0xffff, v38  }
0x39: {  	v38 =	vld [tilespmem:s29+$0xFFFFFF60];
	_ =	sdelay $0x1  }
0x3a: {  	v54 =	vadd.s32 v7, v37;
	_ =	sdelay $0x2  }
0x3b: {  	v38 =	vadd.f32 v38, v34;
	_ =	sdelay $0x1  }
0x3c: {  	[tilespmem:v54+s20+$0x0] =	vst.idx.msk $0xffff, v38  }
0x3d: {  	v38 =	vld [tilespmem:s29+$0xFFFFFF70];
	_ =	sdelay $0x1  }
0x3e: {  	v37 =	vadd.s32 v8, v37;
	_ =	sdelay $0x1  }
0x3f: {  	s1 =	simm.s32 $0x2  }
0x40: {  	v55 =	vmov s1;
	v38 =	vadd.f32 v38, v33  }
0x41: {  	v39 =	vshrl.u32 v55, $0x3  }
0x42: {  	v56 =	vshll.u32 v39, v1;
	[tilespmem:v37+s20+$0x0] =	vst.idx.msk $0xffff, v38  }
0x43: {  	v37 =	vbroadcast v56, $0x0;
	v38 =	vld [tilespmem:s29+$0xFFFFFF80];
	_ =	sdelay $0x1  }
0x44: {  	v57 =	vadd.s32 v9, v37;
	_ =	sdelay $0x2  }
0x45: {  	v38 =	vadd.f32 v38, v35;
	_ =	sdelay $0x1  }
0x46: {  	[tilespmem:v57+s20+$0x0] =	vst.idx.msk $0xffff, v38  }
0x47: {  	v38 =	vld [tilespmem:s29+$0xFFFFFF90];
	_ =	sdelay $0x1  }
0x48: {  	v58 =	vadd.s32 v10, v37;
	_ =	sdelay $0x2  }
0x49: {  	v38 =	vadd.f32 v38, v36;
	_ =	sdelay $0x1  }
0x4a: {  	[tilespmem:v58+s20+$0x0] =	vst.idx.msk $0xffff, v38  }
0x4b: {  	v38 =	vld [tilespmem:s29+$0xFFFFFFA0];
	_ =	sdelay $0x1  }
0x4c: {  	v59 =	vadd.s32 v11, v37;
	_ =	sdelay $0x2  }
0x4d: {  	v38 =	vadd.f32 v38, v34;
	_ =	sdelay $0x1  }
0x4e: {  	[tilespmem:v59+s20+$0x0] =	vst.idx.msk $0xffff, v38  }
0x4f: {  	v38 =	vld [tilespmem:s29+$0xFFFFFFB0];
	_ =	sdelay $0x1  }
0x50: {  	v37 =	vadd.s32 v12, v37;
	_ =	sdelay $0x1  }
0x51: {  	s14 =	simm.s32 $0x3  }
0x52: {  	v60 =	vmov s14;
	v38 =	vadd.f32 v38, v33  }
0x53: {  	v39 =	vshrl.u32 v60, $0x3  }
0x54: {  	v61 =	vshll.u32 v39, v1;
	[tilespmem:v37+s20+$0x0] =	vst.idx.msk $0xffff, v38  }
0x55: {  	v37 =	vbroadcast v61, $0x0;
	v38 =	vld [tilespmem:s29+$0xFFFFFFC0];
	_ =	sdelay $0x1  }
0x56: {  	v62 =	vadd.s32 v13, v37;
	_ =	sdelay $0x2  }
0x57: {  	v38 =	vadd.f32 v38, v35;
	_ =	sdelay $0x1  }
0x58: {  	[tilespmem:v62+s20+$0x0] =	vst.idx.msk $0xffff, v38  }
0x59: {  	v38 =	vld [tilespmem:s29+$0xFFFFFFD0];
	_ =	sdelay $0x1  }
0x5a: {  	v63 =	vadd.s32 v14, v37;
	_ =	sdelay $0x2  }
0x5b: {  	v38 =	vadd.f32 v38, v36;
	_ =	sdelay $0x1  }
0x5c: {  	[tilespmem:v63+s20+$0x0] =	vst.idx.msk $0xffff, v38  }
0x5d: {  	v38 =	vld [tilespmem:s29+$0xFFFFFFE0];
	_ =	sdelay $0x1  }
0x5e: {  	v42 =	vadd.s32 v15, v37;
	_ =	sdelay $0x2  }
0x5f: {  	v38 =	vadd.f32 v38, v34;
	_ =	sdelay $0x1  }
0x60: {  	[tilespmem:v42+s20+$0x0] =	vst.idx.msk $0xffff, v38  }
0x61: {  	v38 =	vld [tilespmem:s29+$0xFFFFFFF0];
	_ =	sdelay $0x1  }
0x62: {  	v37 =	vadd.s32 v16, v37;
	_ =	sdelay $0x1  }
0x63: {  	s16 =	simm.s32 $0x4  }
0x64: {  	v43 =	vmov s16;
	v38 =	vadd.f32 v38, v33  }
0x65: {  	v39 =	vshrl.u32 v43, $0x3  }
0x66: {  	v44 =	vshll.u32 v39, v1;
	[tilespmem:v37+s20+$0x0] =	vst.idx.msk $0xffff, v38  }
0x67: {  	v37 =	vbroadcast v44, $0x0;
	v38 =	vld [tilespmem:s29+$0x0];
	_ =	sdelay $0x1  }
0x68: {  	v45 =	vadd.s32 v17, v37;
	_ =	sdelay $0x2  }
0x69: {  	v38 =	vadd.f32 v38, v35;
	_ =	sdelay $0x1  }
0x6a: {  	[tilespmem:v45+s20+$0x0] =	vst.idx.msk $0xffff, v38  }
0x6b: {  	v38 =	vld [tilespmem:s29+$0x10];
	_ =	sdelay $0x1  }
0x6c: {  	v46 =	vadd.s32 v18, v37;
	_ =	sdelay $0x2  }
0x6d: {  	v38 =	vadd.f32 v38, v36;
	_ =	sdelay $0x1  }
0x6e: {  	[tilespmem:v46+s20+$0x0] =	vst.idx.msk $0xffff, v38  }
0x6f: {  	v38 =	vld [tilespmem:s29+$0x20];
	_ =	sdelay $0x1  }
0x70: {  	v47 =	vadd.s32 v19, v37;
	_ =	sdelay $0x2  }
0x71: {  	v38 =	vadd.f32 v38, v34;
	_ =	sdelay $0x1  }
0x72: {  	[tilespmem:v47+s20+$0x0] =	vst.idx.msk $0xffff, v38  }
0x73: {  	v38 =	vld [tilespmem:s29+$0x30];
	_ =	sdelay $0x1  }
0x74: {  	v37 =	vadd.s32 v20, v37;
	_ =	sdelay $0x1  }
0x75: {  	s22 =	simm.s32 $0x5  }
0x76: {  	v48 =	vmov s22;
	v38 =	vadd.f32 v38, v33  }
0x77: {  	v39 =	vshrl.u32 v48, $0x3  }
0x78: {  	v49 =	vshll.u32 v39, v1;
	[tilespmem:v37+s20+$0x0] =	vst.idx.msk $0xffff, v38  }
0x79: {  	v37 =	vbroadcast v49, $0x0;
	v38 =	vld [tilespmem:s29+$0x40];
	_ =	sdelay $0x1  }
0x7a: {  	v50 =	vadd.s32 v21, v37;
	_ =	sdelay $0x2  }
0x7b: {  	v38 =	vadd.f32 v38, v35;
	_ =	sdelay $0x1  }
0x7c: {  	[tilespmem:v50+s20+$0x0] =	vst.idx.msk $0xffff, v38  }
0x7d: {  	v38 =	vld [tilespmem:s29+$0x50];
	_ =	sdelay $0x1  }
0x7e: {  	v51 =	vadd.s32 v22, v37;
	_ =	sdelay $0x2  }
0x7f: {  	v38 =	vadd.f32 v38, v36;
	_ =	sdelay $0x1  }
0x80: {  	[tilespmem:v51+s20+$0x0] =	vst.idx.msk $0xffff, v38  }
0x81: {  	v38 =	vld [tilespmem:s29+$0x60];
	_ =	sdelay $0x1  }
0x82: {  	v52 =	vadd.s32 v23, v37;
	_ =	sdelay $0x2  }
0x83: {  	v38 =	vadd.f32 v38, v34;
	_ =	sdelay $0x1  }
0x84: {  	[tilespmem:v52+s20+$0x0] =	vst.idx.msk $0xffff, v38  }
0x85: {  	v38 =	vld [tilespmem:s29+$0x70];
	_ =	sdelay $0x1  }
0x86: {  	v37 =	vadd.s32 v24, v37;
	_ =	sdelay $0x1  }
0x87: {  	s30 =	simm.s32 $0x6  }
0x88: {  	v53 =	vmov s30;
	v38 =	vadd.f32 v38, v33  }
0x89: {  	v39 =	vshrl.u32 v53, $0x3  }
0x8a: {  	v54 =	vshll.u32 v39, v1;
	[tilespmem:v37+s20+$0x0] =	vst.idx.msk $0xffff, v38  }
0x8b: {  	v37 =	vbroadcast v54, $0x0;
	v38 =	vld [tilespmem:s29+$0x80];
	_ =	sdelay $0x1  }
0x8c: {  	v55 =	vadd.s32 v25, v37;
	_ =	sdelay $0x2  }
0x8d: {  	v38 =	vadd.f32 v38, v35;
	_ =	sdelay $0x1  }
0x8e: {  	[tilespmem:v55+s20+$0x0] =	vst.idx.msk $0xffff, v38  }
0x8f: {  	v38 =	vld [tilespmem:s29+$0x90];
	_ =	sdelay $0x1  }
0x90: {  	v56 =	vadd.s32 v26, v37;
	_ =	sdelay $0x2  }
0x91: {  	v38 =	vadd.f32 v38, v36;
	_ =	sdelay $0x1  }
0x92: {  	[tilespmem:v56+s20+$0x0] =	vst.idx.msk $0xffff, v38  }
0x93: {  	v38 =	vld [tilespmem:s29+$0xA0];
	_ =	sdelay $0x1  }
0x94: {  	v57 =	vadd.s32 v27, v37;
	_ =	sdelay $0x2  }
0x95: {  	v38 =	vadd.f32 v38, v34;
	_ =	sdelay $0x1  }
0x96: {  	[tilespmem:v57+s20+$0x0] =	vst.idx.msk $0xffff, v38  }
0x97: {  	v38 =	vld [tilespmem:s29+$0xB0];
	_ =	sdelay $0x1  }
0x98: {  	v37 =	vadd.s32 v28, v37;
	_ =	sdelay $0x1  }
0x99: {  	s31 =	simm.s32 $0x7  }
0x9a: {  	v58 =	vmov s31;
	v38 =	vadd.f32 v38, v33  }
0x9b: {  	v39 =	vshrl.u32 v58, $0x3  }
0x9c: {  	v59 =	vshll.u32 v39, v1;
	[tilespmem:v37+s20+$0x0] =	vst.idx.msk $0xffff, v38  }
0x9d: {  	v37 =	vbroadcast v59, $0x0;
	v38 =	vld [tilespmem:s29+$0xC0];
	_ =	sdelay $0x1  }
0x9e: {  	v60 =	vadd.s32 v29, v37;
	_ =	sdelay $0x2  }
0x9f: {  	v38 =	vadd.f32 v38, v35;
	_ =	sdelay $0x1  }
0xa0: {  	[tilespmem:v60+s20+$0x0] =	vst.idx.msk $0xffff, v38  }
0xa1: {  	v38 =	vld [tilespmem:s29+$0xD0];
	_ =	sdelay $0x1  }
0xa2: {  	v61 =	vadd.s32 v30, v37;
	_ =	sdelay $0x2  }
0xa3: {  	v38 =	vadd.f32 v38, v36;
	_ =	sdelay $0x1  }
0xa4: {  	[tilespmem:v61+s20+$0x0] =	vst.idx.msk $0xffff, v38  }
0xa5: {  	v38 =	vld [tilespmem:s29+$0xE0];
	_ =	sdelay $0x1  }
0xa6: {  	v62 =	vadd.s32 v31, v37;
	_ =	sdelay $0x2  }
0xa7: {  	v38 =	vadd.f32 v38, v34;
	_ =	sdelay $0x1  }
0xa8: {  	[tilespmem:v62+s20+$0x0] =	vst.idx.msk $0xffff, v38  }
0xa9: {  	v38 =	vld [tilespmem:s29+$0xF0];
	_ =	sdelay $0x1  }
0xaa: {  	v37 =	vadd.s32 v32, v37  }
0xab: {  	s1 =	simm.s32 $0x8  }
0xac: {  	v63 =	vmov s1  }
0xad: {  	s0 =	simm.s32 $0x10;
	v39 =	vshrl.u32 v63, $0x3;
	v38 =	vadd.f32 v38, v33  }
.LBB2_2:
0xae: {  	p0 =	slt.u32 s0, $0x78  }
0xaf: {  	v39 =	vshll.u32 v39, v1;
	[tilespmem:v37+s20+$0x0] =	vst.idx.msk $0xffff, v38;
	s29 =	sadd.s32 $0x200, s29;
	s14 =	smov.u32 s0;
	s0 =	sadd.s32 $0x8, s0  }
0xb0: {  	v37 =	vld [tilespmem:s29+$0xFFFFFF00];
	v38 =	vbroadcast v39, $0x0;
	_ =	sdelay $0x1  }
0xb1: {  	v39 =	vadd.s32 v0, v38;
	_ =	sdelay $0x2  }
0xb2: {  	v37 =	vadd.f32 v37, v35;
	_ =	sdelay $0x1  }
0xb3: {  	[tilespmem:v39+s20+$0x0] =	vst.idx.msk $0xffff, v37  }
0xb4: {  	v37 =	vld [tilespmem:s29+$0xFFFFFF10];
	_ =	sdelay $0x1  }
0xb5: {  	v39 =	vadd.s32 v2, v38;
	_ =	sdelay $0x2  }
0xb6: {  	v37 =	vadd.f32 v37, v36;
	_ =	sdelay $0x1  }
0xb7: {  	[tilespmem:v39+s20+$0x0] =	vst.idx.msk $0xffff, v37  }
0xb8: {  	v37 =	vld [tilespmem:s29+$0xFFFFFF20];
	_ =	sdelay $0x1  }
0xb9: {  	v39 =	vadd.s32 v3, v38;
	_ =	sdelay $0x2  }
0xba: {  	v37 =	vadd.f32 v37, v34;
	_ =	sdelay $0x1  }
0xbb: {  	[tilespmem:v39+s20+$0x0] =	vst.idx.msk $0xffff, v37  }
0xbc: {  	v37 =	vld [tilespmem:s29+$0xFFFFFF30];
	_ =	sdelay $0x1  }
0xbd: {  	v38 =	vadd.s32 v4, v38;
	_ =	sdelay $0x1  }
0xbe: {  	s16 =	sadd.s32 $0x1, s1  }
0xbf: {  	v39 =	vmov s16;
	v37 =	vadd.f32 v37, v33  }
0xc0: {  	v39 =	vshrl.u32 v39, $0x3  }
0xc1: {  	[tilespmem:v38+s20+$0x0] =	vst.idx.msk $0xffff, v37;
	v37 =	vshll.u32 v39, v1  }
0xc2: {  	v38 =	vld [tilespmem:s29+$0xFFFFFF40];
	v37 =	vbroadcast v37, $0x0;
	_ =	sdelay $0x1  }
0xc3: {  	v39 =	vadd.s32 v5, v37;
	_ =	sdelay $0x2  }
0xc4: {  	v38 =	vadd.f32 v38, v35;
	_ =	sdelay $0x1  }
0xc5: {  	[tilespmem:v39+s20+$0x0] =	vst.idx.msk $0xffff, v38  }
0xc6: {  	v38 =	vld [tilespmem:s29+$0xFFFFFF50];
	_ =	sdelay $0x1  }
0xc7: {  	v39 =	vadd.s32 v6, v37;
	_ =	sdelay $0x2  }
0xc8: {  	v38 =	vadd.f32 v38, v36;
	_ =	sdelay $0x1  }
0xc9: {  	[tilespmem:v39+s20+$0x0] =	vst.idx.msk $0xffff, v38  }
0xca: {  	v38 =	vld [tilespmem:s29+$0xFFFFFF60];
	_ =	sdelay $0x1  }
0xcb: {  	v39 =	vadd.s32 v7, v37;
	_ =	sdelay $0x2  }
0xcc: {  	v38 =	vadd.f32 v38, v34;
	_ =	sdelay $0x1  }
0xcd: {  	[tilespmem:v39+s20+$0x0] =	vst.idx.msk $0xffff, v38  }
0xce: {  	v38 =	vld [tilespmem:s29+$0xFFFFFF70];
	_ =	sdelay $0x1  }
0xcf: {  	v37 =	vadd.s32 v8, v37;
	_ =	sdelay $0x1  }
0xd0: {  	s16 =	sadd.s32 $0x2, s1  }
0xd1: {  	v39 =	vmov s16;
	v38 =	vadd.f32 v38, v33  }
0xd2: {  	v39 =	vshrl.u32 v39, $0x3  }
0xd3: {  	[tilespmem:v37+s20+$0x0] =	vst.idx.msk $0xffff, v38;
	v37 =	vshll.u32 v39, v1  }
0xd4: {  	v38 =	vld [tilespmem:s29+$0xFFFFFF80];
	v37 =	vbroadcast v37, $0x0;
	_ =	sdelay $0x1  }
0xd5: {  	v39 =	vadd.s32 v9, v37;
	_ =	sdelay $0x2  }
0xd6: {  	v38 =	vadd.f32 v38, v35;
	_ =	sdelay $0x1  }
0xd7: {  	[tilespmem:v39+s20+$0x0] =	vst.idx.msk $0xffff, v38  }
0xd8: {  	v38 =	vld [tilespmem:s29+$0xFFFFFF90];
	_ =	sdelay $0x1  }
0xd9: {  	v39 =	vadd.s32 v10, v37;
	_ =	sdelay $0x2  }
0xda: {  	v38 =	vadd.f32 v38, v36;
	_ =	sdelay $0x1  }
0xdb: {  	[tilespmem:v39+s20+$0x0] =	vst.idx.msk $0xffff, v38  }
0xdc: {  	v38 =	vld [tilespmem:s29+$0xFFFFFFA0];
	_ =	sdelay $0x1  }
0xdd: {  	v39 =	vadd.s32 v11, v37;
	_ =	sdelay $0x2  }
0xde: {  	v38 =	vadd.f32 v38, v34;
	_ =	sdelay $0x1  }
0xdf: {  	[tilespmem:v39+s20+$0x0] =	vst.idx.msk $0xffff, v38  }
0xe0: {  	v38 =	vld [tilespmem:s29+$0xFFFFFFB0];
	_ =	sdelay $0x1  }
0xe1: {  	v37 =	vadd.s32 v12, v37;
	_ =	sdelay $0x1  }
0xe2: {  	s16 =	sadd.s32 $0x3, s1  }
0xe3: {  	v39 =	vmov s16;
	v38 =	vadd.f32 v38, v33  }
0xe4: {  	v39 =	vshrl.u32 v39, $0x3  }
0xe5: {  	[tilespmem:v37+s20+$0x0] =	vst.idx.msk $0xffff, v38;
	v37 =	vshll.u32 v39, v1  }
0xe6: {  	v38 =	vld [tilespmem:s29+$0xFFFFFFC0];
	v37 =	vbroadcast v37, $0x0;
	_ =	sdelay $0x1  }
0xe7: {  	v39 =	vadd.s32 v13, v37;
	_ =	sdelay $0x2  }
0xe8: {  	v38 =	vadd.f32 v38, v35;
	_ =	sdelay $0x1  }
0xe9: {  	[tilespmem:v39+s20+$0x0] =	vst.idx.msk $0xffff, v38  }
0xea: {  	v38 =	vld [tilespmem:s29+$0xFFFFFFD0];
	_ =	sdelay $0x1  }
0xeb: {  	v39 =	vadd.s32 v14, v37;
	_ =	sdelay $0x2  }
0xec: {  	v38 =	vadd.f32 v38, v36;
	_ =	sdelay $0x1  }
0xed: {  	[tilespmem:v39+s20+$0x0] =	vst.idx.msk $0xffff, v38  }
0xee: {  	v38 =	vld [tilespmem:s29+$0xFFFFFFE0];
	_ =	sdelay $0x1  }
0xef: {  	v39 =	vadd.s32 v15, v37;
	_ =	sdelay $0x2  }
0xf0: {  	v38 =	vadd.f32 v38, v34;
	_ =	sdelay $0x1  }
0xf1: {  	[tilespmem:v39+s20+$0x0] =	vst.idx.msk $0xffff, v38  }
0xf2: {  	v38 =	vld [tilespmem:s29+$0xFFFFFFF0];
	_ =	sdelay $0x1  }
0xf3: {  	v37 =	vadd.s32 v16, v37;
	_ =	sdelay $0x1  }
0xf4: {  	s16 =	sadd.s32 $0x4, s1  }
0xf5: {  	v39 =	vmov s16;
	v38 =	vadd.f32 v38, v33  }
0xf6: {  	v39 =	vshrl.u32 v39, $0x3  }
0xf7: {  	[tilespmem:v37+s20+$0x0] =	vst.idx.msk $0xffff, v38;
	v37 =	vshll.u32 v39, v1  }
0xf8: {  	v38 =	vld [tilespmem:s29+$0x0];
	v37 =	vbroadcast v37, $0x0;
	_ =	sdelay $0x1  }
0xf9: {  	v39 =	vadd.s32 v17, v37;
	_ =	sdelay $0x2  }
0xfa: {  	v38 =	vadd.f32 v38, v35;
	_ =	sdelay $0x1  }
0xfb: {  	[tilespmem:v39+s20+$0x0] =	vst.idx.msk $0xffff, v38  }
0xfc: {  	v38 =	vld [tilespmem:s29+$0x10];
	_ =	sdelay $0x1  }
0xfd: {  	v39 =	vadd.s32 v18, v37;
	_ =	sdelay $0x2  }
0xfe: {  	v38 =	vadd.f32 v38, v36;
	_ =	sdelay $0x1  }
0xff: {  	[tilespmem:v39+s20+$0x0] =	vst.idx.msk $0xffff, v38  }
0x100: {  	v38 =	vld [tilespmem:s29+$0x20];
	_ =	sdelay $0x1  }
0x101: {  	v39 =	vadd.s32 v19, v37;
	_ =	sdelay $0x2  }
0x102: {  	v38 =	vadd.f32 v38, v34;
	_ =	sdelay $0x1  }
0x103: {  	[tilespmem:v39+s20+$0x0] =	vst.idx.msk $0xffff, v38  }
0x104: {  	v38 =	vld [tilespmem:s29+$0x30];
	_ =	sdelay $0x1  }
0x105: {  	v37 =	vadd.s32 v20, v37;
	_ =	sdelay $0x1  }
0x106: {  	s16 =	sadd.s32 $0x5, s1  }
0x107: {  	v39 =	vmov s16;
	v38 =	vadd.f32 v38, v33  }
0x108: {  	v39 =	vshrl.u32 v39, $0x3  }
0x109: {  	[tilespmem:v37+s20+$0x0] =	vst.idx.msk $0xffff, v38;
	v37 =	vshll.u32 v39, v1  }
0x10a: {  	v38 =	vld [tilespmem:s29+$0x40];
	v37 =	vbroadcast v37, $0x0;
	_ =	sdelay $0x1  }
0x10b: {  	v39 =	vadd.s32 v21, v37;
	_ =	sdelay $0x2  }
0x10c: {  	v38 =	vadd.f32 v38, v35;
	_ =	sdelay $0x1  }
0x10d: {  	[tilespmem:v39+s20+$0x0] =	vst.idx.msk $0xffff, v38  }
0x10e: {  	v38 =	vld [tilespmem:s29+$0x50];
	_ =	sdelay $0x1  }
0x10f: {  	v39 =	vadd.s32 v22, v37;
	_ =	sdelay $0x2  }
0x110: {  	v38 =	vadd.f32 v38, v36;
	_ =	sdelay $0x1  }
0x111: {  	[tilespmem:v39+s20+$0x0] =	vst.idx.msk $0xffff, v38  }
0x112: {  	v38 =	vld [tilespmem:s29+$0x60];
	_ =	sdelay $0x1  }
0x113: {  	v39 =	vadd.s32 v23, v37;
	_ =	sdelay $0x2  }
0x114: {  	v38 =	vadd.f32 v38, v34;
	_ =	sdelay $0x1  }
0x115: {  	[tilespmem:v39+s20+$0x0] =	vst.idx.msk $0xffff, v38  }
0x116: {  	v38 =	vld [tilespmem:s29+$0x70];
	_ =	sdelay $0x1  }
0x117: {  	v37 =	vadd.s32 v24, v37;
	_ =	sdelay $0x1  }
0x118: {  	s16 =	sadd.s32 $0x6, s1  }
0x119: {  	v39 =	vmov s16;
	v38 =	vadd.f32 v38, v33  }
0x11a: {  	v39 =	vshrl.u32 v39, $0x3  }
0x11b: {  	[tilespmem:v37+s20+$0x0] =	vst.idx.msk $0xffff, v38;
	v37 =	vshll.u32 v39, v1  }
0x11c: {  	v38 =	vld [tilespmem:s29+$0x80];
	v37 =	vbroadcast v37, $0x0;
	_ =	sdelay $0x1  }
0x11d: {  	v39 =	vadd.s32 v25, v37;
	_ =	sdelay $0x2  }
0x11e: {  	v38 =	vadd.f32 v38, v35;
	_ =	sdelay $0x1  }
0x11f: {  	[tilespmem:v39+s20+$0x0] =	vst.idx.msk $0xffff, v38  }
0x120: {  	v38 =	vld [tilespmem:s29+$0x90];
	_ =	sdelay $0x1  }
0x121: {  	v39 =	vadd.s32 v26, v37;
	_ =	sdelay $0x2  }
0x122: {  	v38 =	vadd.f32 v38, v36;
	_ =	sdelay $0x1  }
0x123: {  	[tilespmem:v39+s20+$0x0] =	vst.idx.msk $0xffff, v38  }
0x124: {  	v38 =	vld [tilespmem:s29+$0xA0];
	_ =	sdelay $0x1  }
0x125: {  	v39 =	vadd.s32 v27, v37;
	_ =	sdelay $0x2  }
0x126: {  	v38 =	vadd.f32 v38, v34;
	_ =	sdelay $0x1  }
0x127: {  	[tilespmem:v39+s20+$0x0] =	vst.idx.msk $0xffff, v38  }
0x128: {  	v38 =	vld [tilespmem:s29+$0xB0];
	_ =	sdelay $0x1  }
0x129: {  	v37 =	vadd.s32 v28, v37;
	_ =	sdelay $0x1  }
0x12a: {  	s16 =	sadd.s32 $0x7, s1;
	s1 =	smov.u32 s14  }
0x12b: {  	v39 =	vmov s16;
	v38 =	vadd.f32 v38, v33  }
0x12c: {  	v39 =	vshrl.u32 v39, $0x3  }
0x12d: {  	[tilespmem:v37+s20+$0x0] =	vst.idx.msk $0xffff, v38;
	v37 =	vshll.u32 v39, v1  }
0x12e: {  	v38 =	vld [tilespmem:s29+$0xC0];
	v37 =	vbroadcast v37, $0x0;
	_ =	sdelay $0x1  }
0x12f: {  	v39 =	vadd.s32 v29, v37;
	_ =	sdelay $0x2  }
0x130: {  	v38 =	vadd.f32 v38, v35;
	_ =	sdelay $0x1  }
0x131: {  	[tilespmem:v39+s20+$0x0] =	vst.idx.msk $0xffff, v38  }
0x132: {  	v38 =	vld [tilespmem:s29+$0xD0];
	_ =	sdelay $0x1  }
0x133: {  	v39 =	vadd.s32 v30, v37;
	_ =	sdelay $0x2  }
0x134: {  	v38 =	vadd.f32 v38, v36;
	_ =	sdelay $0x1  }
0x135: {  	[tilespmem:v39+s20+$0x0] =	vst.idx.msk $0xffff, v38  }
0x136: {  	v38 =	vld [tilespmem:s29+$0xE0];
	_ =	sdelay $0x1  }
0x137: {  	v39 =	vadd.s32 v31, v37;
	_ =	sdelay $0x2  }
0x138: {  	v38 =	vadd.f32 v38, v34;
	_ =	sdelay $0x1  }
0x139: {  	[tilespmem:v39+s20+$0x0] =	vst.idx.msk $0xffff, v38  }
0x13a: {  	v38 =	vld [tilespmem:s29+$0xF0];
	_ =	sdelay $0x1  }
.Ltmp0:
0x13b: {  	v37 =	vadd.s32 v32, v37;
	(pc) =	sbr.rel @p0 .LBB2_2-.Ltmp0, $3  }
0x13c: {  	_ =	sdelay $0x1  }
0x13d: {  	v39 =	vmov s1;
	v38 =	vadd.f32 v38, v33  }
0x13e: {  	v39 =	vshrl.u32 v39, $0x3  }
0x13f: {  	_ =	sdelay $0x3  }
0x140: {  	v39 =	vshll.u32 v39, v1;
	[tilespmem:v37+s20+$0x0] =	vst.idx.msk $0xffff, v38;
	s0 =	sadd.s32 $0x200, s29  }
0x141: {  	v37 =	vld [tilespmem:s0+$0xFFFFFF00];
	v45 =	vbroadcast v39, $0x0;
	_ =	sdelay $0x1  }
0x142: {  	v39 =	vadd.s32 v0, v45;
	_ =	sdelay $0x2  }
0x143: {  	v37 =	vadd.f32 v37, v35;
	_ =	sdelay $0x1  }
0x144: {  	[tilespmem:v39+s20+$0x0] =	vst.idx.msk $0xffff, v37  }
0x145: {  	v37 =	vld [tilespmem:s0+$0xFFFFFF10];
	_ =	sdelay $0x1  }
0x146: {  	v46 =	vadd.s32 v2, v45;
	_ =	sdelay $0x2  }
0x147: {  	v37 =	vadd.f32 v37, v36;
	_ =	sdelay $0x1  }
0x148: {  	[tilespmem:v46+s20+$0x0] =	vst.idx.msk $0xffff, v37  }
0x149: {  	v37 =	vld [tilespmem:s0+$0xFFFFFF20];
	_ =	sdelay $0x1  }
0x14a: {  	v47 =	vadd.s32 v3, v45;
	_ =	sdelay $0x2  }
0x14b: {  	v37 =	vadd.f32 v37, v34;
	_ =	sdelay $0x1  }
0x14c: {  	[tilespmem:v47+s20+$0x0] =	vst.idx.msk $0xffff, v37  }
0x14d: {  	v37 =	vld [tilespmem:s0+$0xFFFFFF30];
	_ =	sdelay $0x1  }
0x14e: {  	v38 =	vadd.s32 v4, v45;
	_ =	sdelay $0x1  }
0x14f: {  	s14 =	sadd.s32 $0x1, s1  }
0x150: {  	v48 =	vmov s14;
	v37 =	vadd.f32 v37, v33  }
0x151: {  	v39 =	vshrl.u32 v48, $0x3  }
0x152: {  	v49 =	vshll.u32 v39, v1;
	[tilespmem:v38+s20+$0x0] =	vst.idx.msk $0xffff, v37  }
0x153: {  	v37 =	vbroadcast v49, $0x0;
	v38 =	vld [tilespmem:s0+$0xFFFFFF40];
	_ =	sdelay $0x1  }
0x154: {  	v50 =	vadd.s32 v5, v37;
	_ =	sdelay $0x2  }
0x155: {  	v38 =	vadd.f32 v38, v35;
	_ =	sdelay $0x1  }
0x156: {  	[tilespmem:v50+s20+$0x0] =	vst.idx.msk $0xffff, v38  }
0x157: {  	v38 =	vld [tilespmem:s0+$0xFFFFFF50];
	_ =	sdelay $0x1  }
0x158: {  	v51 =	vadd.s32 v6, v37;
	_ =	sdelay $0x2  }
0x159: {  	v38 =	vadd.f32 v38, v36;
	_ =	sdelay $0x1  }
0x15a: {  	[tilespmem:v51+s20+$0x0] =	vst.idx.msk $0xffff, v38  }
0x15b: {  	v38 =	vld [tilespmem:s0+$0xFFFFFF60];
	_ =	sdelay $0x1  }
0x15c: {  	v52 =	vadd.s32 v7, v37;
	_ =	sdelay $0x2  }
0x15d: {  	v38 =	vadd.f32 v38, v34;
	_ =	sdelay $0x1  }
0x15e: {  	[tilespmem:v52+s20+$0x0] =	vst.idx.msk $0xffff, v38  }
0x15f: {  	v38 =	vld [tilespmem:s0+$0xFFFFFF70];
	_ =	sdelay $0x1  }
0x160: {  	v37 =	vadd.s32 v8, v37;
	_ =	sdelay $0x1  }
0x161: {  	s22 =	sadd.s32 $0x2, s1  }
0x162: {  	v53 =	vmov s22;
	v38 =	vadd.f32 v38, v33  }
0x163: {  	v39 =	vshrl.u32 v53, $0x3  }
0x164: {  	v54 =	vshll.u32 v39, v1;
	[tilespmem:v37+s20+$0x0] =	vst.idx.msk $0xffff, v38  }
0x165: {  	v37 =	vbroadcast v54, $0x0;
	v38 =	vld [tilespmem:s0+$0xFFFFFF80];
	_ =	sdelay $0x1  }
0x166: {  	v55 =	vadd.s32 v9, v37;
	_ =	sdelay $0x2  }
0x167: {  	v38 =	vadd.f32 v38, v35;
	_ =	sdelay $0x1  }
0x168: {  	[tilespmem:v55+s20+$0x0] =	vst.idx.msk $0xffff, v38  }
0x169: {  	v38 =	vld [tilespmem:s0+$0xFFFFFF90];
	_ =	sdelay $0x1  }
0x16a: {  	v56 =	vadd.s32 v10, v37;
	_ =	sdelay $0x2  }
0x16b: {  	v38 =	vadd.f32 v38, v36;
	_ =	sdelay $0x1  }
0x16c: {  	[tilespmem:v56+s20+$0x0] =	vst.idx.msk $0xffff, v38  }
0x16d: {  	v38 =	vld [tilespmem:s0+$0xFFFFFFA0];
	_ =	sdelay $0x1  }
0x16e: {  	v57 =	vadd.s32 v11, v37;
	_ =	sdelay $0x2  }
0x16f: {  	v38 =	vadd.f32 v38, v34;
	_ =	sdelay $0x1  }
0x170: {  	[tilespmem:v57+s20+$0x0] =	vst.idx.msk $0xffff, v38  }
0x171: {  	v38 =	vld [tilespmem:s0+$0xFFFFFFB0];
	_ =	sdelay $0x1  }
0x172: {  	v37 =	vadd.s32 v12, v37;
	_ =	sdelay $0x1  }
0x173: {  	s30 =	sadd.s32 $0x3, s1  }
0x174: {  	v58 =	vmov s30;
	v38 =	vadd.f32 v38, v33  }
0x175: {  	v39 =	vshrl.u32 v58, $0x3  }
0x176: {  	v59 =	vshll.u32 v39, v1;
	[tilespmem:v37+s20+$0x0] =	vst.idx.msk $0xffff, v38  }
0x177: {  	v37 =	vbroadcast v59, $0x0;
	v38 =	vld [tilespmem:s0+$0xFFFFFFC0];
	_ =	sdelay $0x1  }
0x178: {  	v60 =	vadd.s32 v13, v37;
	_ =	sdelay $0x2  }
0x179: {  	v38 =	vadd.f32 v38, v35;
	_ =	sdelay $0x1  }
0x17a: {  	[tilespmem:v60+s20+$0x0] =	vst.idx.msk $0xffff, v38  }
0x17b: {  	v38 =	vld [tilespmem:s0+$0xFFFFFFD0];
	_ =	sdelay $0x1  }
0x17c: {  	v61 =	vadd.s32 v14, v37;
	_ =	sdelay $0x2  }
0x17d: {  	v38 =	vadd.f32 v38, v36;
	_ =	sdelay $0x1  }
0x17e: {  	[tilespmem:v61+s20+$0x0] =	vst.idx.msk $0xffff, v38  }
0x17f: {  	v38 =	vld [tilespmem:s0+$0xFFFFFFE0];
	_ =	sdelay $0x1  }
0x180: {  	v62 =	vadd.s32 v15, v37;
	_ =	sdelay $0x2  }
0x181: {  	v38 =	vadd.f32 v38, v34;
	_ =	sdelay $0x1  }
0x182: {  	[tilespmem:v62+s20+$0x0] =	vst.idx.msk $0xffff, v38  }
0x183: {  	v38 =	vld [tilespmem:s0+$0xFFFFFFF0];
	_ =	sdelay $0x1  }
0x184: {  	v37 =	vadd.s32 v16, v37;
	_ =	sdelay $0x1  }
0x185: {  	s31 =	sadd.s32 $0x4, s1  }
0x186: {  	v63 =	vmov s31;
	v38 =	vadd.f32 v38, v33  }
0x187: {  	v39 =	vshrl.u32 v63, $0x3  }
0x188: {  	v41 =	vshll.u32 v39, v1;
	[tilespmem:v37+s20+$0x0] =	vst.idx.msk $0xffff, v38  }
0x189: {  	v37 =	vbroadcast v41, $0x0;
	v38 =	vld [tilespmem:s0+$0x0];
	_ =	sdelay $0x1  }
0x18a: {  	v42 =	vadd.s32 v17, v37;
	_ =	sdelay $0x2  }
0x18b: {  	v38 =	vadd.f32 v38, v35;
	_ =	sdelay $0x1  }
0x18c: {  	[tilespmem:v42+s20+$0x0] =	vst.idx.msk $0xffff, v38  }
0x18d: {  	v38 =	vld [tilespmem:s0+$0x10];
	_ =	sdelay $0x1  }
0x18e: {  	v43 =	vadd.s32 v18, v37;
	_ =	sdelay $0x2  }
0x18f: {  	v38 =	vadd.f32 v38, v36;
	_ =	sdelay $0x1  }
0x190: {  	[tilespmem:v43+s20+$0x0] =	vst.idx.msk $0xffff, v38  }
0x191: {  	v38 =	vld [tilespmem:s0+$0x20];
	_ =	sdelay $0x1  }
0x192: {  	v44 =	vadd.s32 v19, v37;
	_ =	sdelay $0x2  }
0x193: {  	v38 =	vadd.f32 v38, v34;
	_ =	sdelay $0x1  }
0x194: {  	[tilespmem:v44+s20+$0x0] =	vst.idx.msk $0xffff, v38  }
0x195: {  	v38 =	vld [tilespmem:s0+$0x30];
	_ =	sdelay $0x1  }
0x196: {  	v37 =	vadd.s32 v20, v37;
	_ =	sdelay $0x1  }
0x197: {  	s16 =	sadd.s32 $0x5, s1  }
0x198: {  	v45 =	vmov s16;
	v38 =	vadd.f32 v38, v33  }
0x199: {  	v39 =	vshrl.u32 v45, $0x3  }
0x19a: {  	v46 =	vshll.u32 v39, v1;
	[tilespmem:v37+s20+$0x0] =	vst.idx.msk $0xffff, v38  }
0x19b: {  	v37 =	vbroadcast v46, $0x0;
	v38 =	vld [tilespmem:s0+$0x40];
	_ =	sdelay $0x1  }
0x19c: {  	v47 =	vadd.s32 v21, v37;
	_ =	sdelay $0x2  }
0x19d: {  	v38 =	vadd.f32 v38, v35;
	_ =	sdelay $0x1  }
0x19e: {  	[tilespmem:v47+s20+$0x0] =	vst.idx.msk $0xffff, v38  }
0x19f: {  	v38 =	vld [tilespmem:s0+$0x50];
	_ =	sdelay $0x1  }
0x1a0: {  	v48 =	vadd.s32 v22, v37;
	_ =	sdelay $0x2  }
0x1a1: {  	v38 =	vadd.f32 v38, v36;
	_ =	sdelay $0x1  }
0x1a2: {  	[tilespmem:v48+s20+$0x0] =	vst.idx.msk $0xffff, v38  }
0x1a3: {  	v38 =	vld [tilespmem:s0+$0x60];
	_ =	sdelay $0x1  }
0x1a4: {  	v49 =	vadd.s32 v23, v37;
	_ =	sdelay $0x2  }
0x1a5: {  	v38 =	vadd.f32 v38, v34;
	_ =	sdelay $0x1  }
0x1a6: {  	[tilespmem:v49+s20+$0x0] =	vst.idx.msk $0xffff, v38  }
0x1a7: {  	v38 =	vld [tilespmem:s0+$0x70];
	_ =	sdelay $0x1  }
0x1a8: {  	v37 =	vadd.s32 v24, v37;
	_ =	sdelay $0x1  }
0x1a9: {  	s22 =	sadd.s32 $0x6, s1  }
0x1aa: {  	v50 =	vmov s22;
	v38 =	vadd.f32 v38, v33  }
0x1ab: {  	v39 =	vshrl.u32 v50, $0x3  }
0x1ac: {  	v51 =	vshll.u32 v39, v1;
	[tilespmem:v37+s20+$0x0] =	vst.idx.msk $0xffff, v38  }
0x1ad: {  	v37 =	vbroadcast v51, $0x0;
	v38 =	vld [tilespmem:s0+$0x80];
	_ =	sdelay $0x1  }
0x1ae: {  	v52 =	vadd.s32 v25, v37;
	_ =	sdelay $0x2  }
0x1af: {  	v38 =	vadd.f32 v38, v35;
	_ =	sdelay $0x1  }
0x1b0: {  	[tilespmem:v52+s20+$0x0] =	vst.idx.msk $0xffff, v38  }
0x1b1: {  	v38 =	vld [tilespmem:s0+$0x90];
	_ =	sdelay $0x1  }
0x1b2: {  	v53 =	vadd.s32 v26, v37;
	_ =	sdelay $0x2  }
0x1b3: {  	v38 =	vadd.f32 v38, v36;
	_ =	sdelay $0x1  }
0x1b4: {  	[tilespmem:v53+s20+$0x0] =	vst.idx.msk $0xffff, v38  }
0x1b5: {  	v38 =	vld [tilespmem:s0+$0xA0];
	_ =	sdelay $0x1  }
0x1b6: {  	v54 =	vadd.s32 v27, v37;
	_ =	sdelay $0x2  }
0x1b7: {  	v38 =	vadd.f32 v38, v34;
	_ =	sdelay $0x1  }
0x1b8: {  	[tilespmem:v54+s20+$0x0] =	vst.idx.msk $0xffff, v38  }
0x1b9: {  	v38 =	vld [tilespmem:s0+$0xB0];
	_ =	sdelay $0x1  }
0x1ba: {  	v37 =	vadd.s32 v28, v37;
	_ =	sdelay $0x1  }
0x1bb: {  	s30 =	sadd.s32 $0x7, s1  }
0x1bc: {  	v55 =	vmov s30;
	v38 =	vadd.f32 v38, v33  }
0x1bd: {  	v39 =	vshrl.u32 v55, $0x3  }
0x1be: {  	v56 =	vshll.u32 v39, v1;
	[tilespmem:v37+s20+$0x0] =	vst.idx.msk $0xffff, v38  }
0x1bf: {  	v37 =	vbroadcast v56, $0x0;
	v38 =	vld [tilespmem:s0+$0xC0];
	_ =	sdelay $0x1  }
0x1c0: {  	v57 =	vadd.s32 v29, v37;
	_ =	sdelay $0x2  }
0x1c1: {  	v58 =	vadd.f32 v38, v35;
	_ =	sdelay $0x1  }
0x1c2: {  	[tilespmem:v57+s20+$0x0] =	vst.idx.msk $0xffff, v58  }
0x1c3: {  	v35 =	vld [tilespmem:s0+$0xD0];
	_ =	sdelay $0x1  }
0x1c4: {  	v59 =	vadd.s32 v30, v37;
	_ =	sdelay $0x2  }
0x1c5: {  	v35 =	vadd.f32 v35, v36;
	_ =	sdelay $0x1  }
0x1c6: {  	[tilespmem:v59+s20+$0x0] =	vst.idx.msk $0xffff, v35  }
0x1c7: {  	v35 =	vld [tilespmem:s0+$0xE0];
	_ =	sdelay $0x1  }
0x1c8: {  	v60 =	vadd.s32 v31, v37;
	_ =	sdelay $0x2  }
0x1c9: {  	v61 =	vadd.f32 v35, v34;
	_ =	sdelay $0x1  }
0x1ca: {  	[tilespmem:v60+s20+$0x0] =	vst.idx.msk $0xffff, v61  }
0x1cb: {  	v34 =	vld [tilespmem:s0+$0xF0];
	_ =	sdelay $0x1  }
0x1cc: {  	v62 =	vadd.s32 v32, v37;
	_ =	sdelay $0x2  }
0x1cd: {  	v63 =	vadd.f32 v34, v33;
	_ =	sdelay $0x1  }
0x1ce: {  	s31 =	simm.s32 $0xD600;
	[tilespmem:v62+s20+$0x0] =	vst.idx.msk $0xffff, v63  }
0x1cf: {  	[hbm4b:s6+s3] =	stream.linear.scatter [tilespmem:s31], [sflag:$0x3], $0x80, $0x38;
	[tilespmem:$0x11A00] =	vst v63  }
0x1d0: {  	s1 =	simm.s32 $0xD688;
	s14 =	sadd.s32 $0x10, s6  }
0x1d1: {  	[hbm4b:s14+s3] =	stream.linear.scatter [tilespmem:s1], [sflag:$0x3], $0x80, $0x38;
	[tilespmem:$0x11A00] =	vst v63  }
0x1d2: {  	s29 =	sadd.s32 $0x70, s6;
	s16 =	simm.s32 $0xD710;
	s22 =	sadd.s32 $0x20, s6  }
0x1d3: {  	[hbm4b:s22+s3] =	stream.linear.scatter [tilespmem:s16], [sflag:$0x3], $0x80, $0x38;
	[tilespmem:$0x11A00] =	vst v63  }
0x1d4: {  	s30 =	simm.s32 $0xD798;
	s0 =	simm.s32 $0x440;
	s31 =	sadd.s32 $0x30, s6  }
0x1d5: {  	[hbm4b:s31+s3] =	stream.linear.scatter [tilespmem:s30], [sflag:$0x3], $0x80, $0x38;
	[tilespmem:$0x11A00] =	vst v63  }
0x1d6: {  	s1 =	simm.s32 $0xD820;
	s14 =	sadd.s32 $0x40, s6;
	s16 =	simm.s32 $0xD8A8  }
0x1d7: {  	[hbm4b:s14+s3] =	stream.linear.scatter [tilespmem:s1], [sflag:$0x3], $0x80, $0x38;
	[tilespmem:$0x11A00] =	vst v63  }
0x1d8: {  	s22 =	sadd.s32 $0x50, s6;
	s30 =	simm.s32 $0xD930;
	s31 =	sadd.s32 $0x60, s6  }
0x1d9: {  	[hbm4b:s22+s3] =	stream.linear.scatter [tilespmem:s16], [sflag:$0x3], $0x80, $0x38;
	[tilespmem:$0x11A00] =	vst v63  }
0x1da: {  	s14 =	simm.s32 $0x2200;
	s1 =	sadd.s32 $0x1000, s6;
	s16 =	simm.s32 $0xD9B8  }
0x1db: {  	[hbm4b:s31+s3] =	stream.linear.scatter [tilespmem:s30], [sflag:$0x3], $0x80, $0x38;
	[tilespmem:$0x11A00] =	vst v63  }
.LBB2_4:
0x1dc: {  	[hbm4b:s29+s3] =	stream.linear.scatter [tilespmem:s16], [sflag:$0x3], $0x80, $0x38;
	[tilespmem:$0x11A00] =	vst v63  }
0x1dd: {  	s16 =	smov.u32 s0;
	s0 =	smov.u32 s14  }
0x1de: {  	s30 =	sadd.s32 $0x1100, s14;
	s0 =	sshra.s32 s0, $0x2;
	s29 =	sadd.s32 $0xD600, s16  }
0x1df: {  	[hbm4b:s1+s3] =	stream.linear.scatter [tilespmem:s29], [sflag:$0x3], $0x80, $0x38;
	[tilespmem:$0x11A00] =	vst v63  }
0x1e0: {  	p0 =	sne.s32 s14, $0x7700;
	s14 =	sadd.s32 $0xD688, s16;
	s29 =	sadd.s32 $0x10, s1  }
0x1e1: {  	[hbm4b:s29+s3] =	stream.linear.scatter [tilespmem:s14], [sflag:$0x3], $0x80, $0x38;
	[tilespmem:$0x11A00] =	vst v63  }
0x1e2: {  	s14 =	sadd.s32 $0xD710, s16;
	s29 =	sadd.s32 $0x20, s1  }
0x1e3: {  	[hbm4b:s29+s3] =	stream.linear.scatter [tilespmem:s14], [sflag:$0x3], $0x80, $0x38;
	[tilespmem:$0x11A00] =	vst v63  }
0x1e4: {  	s14 =	sadd.s32 $0xD798, s16;
	s29 =	sadd.s32 $0x30, s1  }
0x1e5: {  	[hbm4b:s29+s3] =	stream.linear.scatter [tilespmem:s14], [sflag:$0x3], $0x80, $0x38;
	[tilespmem:$0x11A00] =	vst v63  }
0x1e6: {  	s14 =	sadd.s32 $0xD820, s16;
	s29 =	sadd.s32 $0x40, s1  }
0x1e7: {  	[hbm4b:s29+s3] =	stream.linear.scatter [tilespmem:s14], [sflag:$0x3], $0x80, $0x38;
	[tilespmem:$0x11A00] =	vst v63  }
.Ltmp1:
0x1e8: {  	s14 =	sadd.s32 $0xD8A8, s16;
	s29 =	sadd.s32 $0x50, s1;
	(pc) =	sbr.rel @p0 .LBB2_4-.Ltmp1, $4  }
0x1e9: {  	[hbm4b:s29+s3] =	stream.linear.scatter [tilespmem:s14], [sflag:$0x3], $0x80, $0x38;
	[tilespmem:$0x11A00] =	vst v63  }
0x1ea: {  	s14 =	sadd.s32 $0xD930, s16;
	s29 =	sadd.s32 $0x60, s1;
	s16 =	sadd.s32 $0xD9B8, s16  }
0x1eb: {  	[hbm4b:s29+s3] =	stream.linear.scatter [tilespmem:s14], [sflag:$0x3], $0x80, $0x38;
	[tilespmem:$0x11A00] =	vst v63  }
0x1ec: {  	s29 =	sadd.s32 $0x70, s1;
	s1 =	sadd.s32 $0x1000, s1;
	s14 =	smov.u32 s30  }
0x1ed: {  	[hbm4b:s29+s3] =	stream.linear.scatter [tilespmem:s16], [sflag:$0x3], $0x80, $0x38;
	[tilespmem:$0x11A00] =	vst v63  }
0x1ee: {  	s14 =	sadd.s32 $0xD600, s0  }
0x1ef: {  	[hbm4b:s1+s3] =	stream.linear.scatter [tilespmem:s14], [sflag:$0x3], $0x80, $0x38;
	[tilespmem:$0x11A00] =	vst v63  }
0x1f0: {  	s16 =	sadd.s32 $0xD688, s0;
	s22 =	sadd.s32 $0x10, s1  }
0x1f1: {  	[hbm4b:s22+s3] =	stream.linear.scatter [tilespmem:s16], [sflag:$0x3], $0x80, $0x38;
	[tilespmem:$0x11A00] =	vst v63  }
0x1f2: {  	s30 =	sadd.s32 $0xD710, s0;
	s31 =	sadd.s32 $0x20, s1  }
0x1f3: {  	[hbm4b:s31+s3] =	stream.linear.scatter [tilespmem:s30], [sflag:$0x3], $0x80, $0x38;
	[tilespmem:$0x11A00] =	vst v63  }
0x1f4: {  	s16 =	sadd.s32 $0xD798, s0;
	s22 =	sadd.s32 $0x30, s1  }
0x1f5: {  	[hbm4b:s22+s3] =	stream.linear.scatter [tilespmem:s16], [sflag:$0x3], $0x80, $0x38;
	[tilespmem:$0x11A00] =	vst v63  }
0x1f6: {  	s30 =	sadd.s32 $0xD820, s0;
	s31 =	sadd.s32 $0x40, s1  }
0x1f7: {  	[hbm4b:s31+s3] =	stream.linear.scatter [tilespmem:s30], [sflag:$0x3], $0x80, $0x38;
	[tilespmem:$0x11A00] =	vst v63  }
0x1f8: {  	s16 =	sadd.s32 $0xD8A8, s0;
	s22 =	sadd.s32 $0x50, s1  }
0x1f9: {  	[hbm4b:s22+s3] =	stream.linear.scatter [tilespmem:s16], [sflag:$0x3], $0x80, $0x38;
	[tilespmem:$0x11A00] =	vst v63  }
0x1fa: {  	s30 =	sadd.s32 $0xD930, s0;
	s31 =	sadd.s32 $0x60, s1  }
0x1fb: {  	[hbm4b:s31+s3] =	stream.linear.scatter [tilespmem:s30], [sflag:$0x3], $0x80, $0x38;
	[tilespmem:$0x11A00] =	vst v63  }
0x1fc: {  	s14 =	sadd.s32 $0xD9B8, s0;
	s16 =	sadd.s32 $0x70, s1  }
0x1fd: {  	[hbm4b:s16+s3] =	stream.linear.scatter [tilespmem:s14], [sflag:$0x3], $0x80, $0x38;
	[tilespmem:$0x11A00] =	vst v63  }
0x1fe: {  	_ =	swait.ge [sflag:s21], $0x2000  }
0x1ff: {  	s22 =	simm.s32 $0x0;
	[sflag:s21] =	ssyncset.done $0x0  }
0x200: {  	v33 =	vmov s22;
	s30 =	simm.s32 $0x100;
	[sflag:s21] =	ssyncadd.s32 $0xFFFFE000  }
0x201: {  	v33 =	vshrl.u32 v33, $0x3;
	[tilespmem:s17], [sflag:$0x1] =	stream.indirect.gather [hbm4b:s5+s13], $0x40, s30, s13, $0xb8;
	[tilespmem:$0x11A00] =	vst v63  }
0x202: {  	s29 =	simm.s32 $0xB700;
	v33 =	vshll.u32 v33, v1;
	v35 =	vld [tilespmem:$0x6440]  }
0x203: {  	v38 =	vbroadcast v33, $0x0;
	v37 =	vld [tilespmem:s29+$0xFFFFFF00];
	_ =	sdelay $0x1  }
0x204: {  	v39 =	vadd.s32 v0, v38;
	_ =	sdelay $0x2  }
0x205: {  	v36 =	vld [tilespmem:$0x6450];
	v37 =	vadd.f32 v37, v35  }
0x206: {  	v34 =	vld [tilespmem:$0x6460]  }
0x207: {  	v33 =	vld [tilespmem:$0x6470];
	[tilespmem:v39+s23+$0x0] =	vst.idx.msk $0xffff, v37  }
0x208: {  	v37 =	vld [tilespmem:s29+$0xFFFFFF10];
	_ =	sdelay $0x1  }
0x209: {  	v48 =	vadd.s32 v2, v38;
	_ =	sdelay $0x2  }
0x20a: {  	v37 =	vadd.f32 v37, v36;
	_ =	sdelay $0x1  }
0x20b: {  	[tilespmem:v48+s23+$0x0] =	vst.idx.msk $0xffff, v37  }
0x20c: {  	v37 =	vld [tilespmem:s29+$0xFFFFFF20];
	_ =	sdelay $0x1  }
0x20d: {  	v49 =	vadd.s32 v3, v38;
	_ =	sdelay $0x2  }
0x20e: {  	v37 =	vadd.f32 v37, v34;
	_ =	sdelay $0x1  }
0x20f: {  	[tilespmem:v49+s23+$0x0] =	vst.idx.msk $0xffff, v37  }
0x210: {  	v37 =	vld [tilespmem:s29+$0xFFFFFF30];
	_ =	sdelay $0x1  }
0x211: {  	v38 =	vadd.s32 v4, v38;
	_ =	sdelay $0x1  }
0x212: {  	s31 =	simm.s32 $0x1  }
0x213: {  	v50 =	vmov s31;
	v37 =	vadd.f32 v37, v33  }
0x214: {  	v39 =	vshrl.u32 v50, $0x3  }
0x215: {  	v51 =	vshll.u32 v39, v1;
	[tilespmem:v38+s23+$0x0] =	vst.idx.msk $0xffff, v37  }
0x216: {  	v37 =	vbroadcast v51, $0x0;
	v38 =	vld [tilespmem:s29+$0xFFFFFF40];
	_ =	sdelay $0x1  }
0x217: {  	v52 =	vadd.s32 v5, v37;
	_ =	sdelay $0x2  }
0x218: {  	v38 =	vadd.f32 v38, v35;
	_ =	sdelay $0x1  }
0x219: {  	[tilespmem:v52+s23+$0x0] =	vst.idx.msk $0xffff, v38  }
0x21a: {  	v38 =	vld [tilespmem:s29+$0xFFFFFF50];
	_ =	sdelay $0x1  }
0x21b: {  	v53 =	vadd.s32 v6, v37;
	_ =	sdelay $0x2  }
0x21c: {  	v38 =	vadd.f32 v38, v36;
	_ =	sdelay $0x1  }
0x21d: {  	[tilespmem:v53+s23+$0x0] =	vst.idx.msk $0xffff, v38  }
0x21e: {  	v38 =	vld [tilespmem:s29+$0xFFFFFF60];
	_ =	sdelay $0x1  }
0x21f: {  	v54 =	vadd.s32 v7, v37;
	_ =	sdelay $0x2  }
0x220: {  	v38 =	vadd.f32 v38, v34;
	_ =	sdelay $0x1  }
0x221: {  	[tilespmem:v54+s23+$0x0] =	vst.idx.msk $0xffff, v38  }
0x222: {  	v38 =	vld [tilespmem:s29+$0xFFFFFF70];
	_ =	sdelay $0x1  }
0x223: {  	v37 =	vadd.s32 v8, v37;
	_ =	sdelay $0x1  }
0x224: {  	s1 =	simm.s32 $0x2  }
0x225: {  	v55 =	vmov s1;
	v38 =	vadd.f32 v38, v33  }
0x226: {  	v39 =	vshrl.u32 v55, $0x3  }
0x227: {  	v56 =	vshll.u32 v39, v1;
	[tilespmem:v37+s23+$0x0] =	vst.idx.msk $0xffff, v38  }
0x228: {  	v37 =	vbroadcast v56, $0x0;
	v38 =	vld [tilespmem:s29+$0xFFFFFF80];
	_ =	sdelay $0x1  }
0x229: {  	v57 =	vadd.s32 v9, v37;
	_ =	sdelay $0x2  }
0x22a: {  	v38 =	vadd.f32 v38, v35;
	_ =	sdelay $0x1  }
0x22b: {  	[tilespmem:v57+s23+$0x0] =	vst.idx.msk $0xffff, v38  }
0x22c: {  	v38 =	vld [tilespmem:s29+$0xFFFFFF90];
	_ =	sdelay $0x1  }
0x22d: {  	v58 =	vadd.s32 v10, v37;
	_ =	sdelay $0x2  }
0x22e: {  	v38 =	vadd.f32 v38, v36;
	_ =	sdelay $0x1  }
0x22f: {  	[tilespmem:v58+s23+$0x0] =	vst.idx.msk $0xffff, v38  }
0x230: {  	v38 =	vld [tilespmem:s29+$0xFFFFFFA0];
	_ =	sdelay $0x1  }
0x231: {  	v59 =	vadd.s32 v11, v37;
	_ =	sdelay $0x2  }
0x232: {  	v38 =	vadd.f32 v38, v34;
	_ =	sdelay $0x1  }
0x233: {  	[tilespmem:v59+s23+$0x0] =	vst.idx.msk $0xffff, v38  }
0x234: {  	v38 =	vld [tilespmem:s29+$0xFFFFFFB0];
	_ =	sdelay $0x1  }
0x235: {  	v37 =	vadd.s32 v12, v37;
	_ =	sdelay $0x1  }
0x236: {  	s14 =	simm.s32 $0x3  }
0x237: {  	v60 =	vmov s14;
	v38 =	vadd.f32 v38, v33  }
0x238: {  	v39 =	vshrl.u32 v60, $0x3  }
0x239: {  	v61 =	vshll.u32 v39, v1;
	[tilespmem:v37+s23+$0x0] =	vst.idx.msk $0xffff, v38  }
0x23a: {  	v37 =	vbroadcast v61, $0x0;
	v38 =	vld [tilespmem:s29+$0xFFFFFFC0];
	_ =	sdelay $0x1  }
0x23b: {  	v62 =	vadd.s32 v13, v37;
	_ =	sdelay $0x2  }
0x23c: {  	v38 =	vadd.f32 v38, v35;
	_ =	sdelay $0x1  }
0x23d: {  	[tilespmem:v62+s23+$0x0] =	vst.idx.msk $0xffff, v38  }
0x23e: {  	v38 =	vld [tilespmem:s29+$0xFFFFFFD0];
	_ =	sdelay $0x1  }
0x23f: {  	v63 =	vadd.s32 v14, v37;
	_ =	sdelay $0x2  }
0x240: {  	v38 =	vadd.f32 v38, v36;
	_ =	sdelay $0x1  }
0x241: {  	[tilespmem:v63+s23+$0x0] =	vst.idx.msk $0xffff, v38  }
0x242: {  	v38 =	vld [tilespmem:s29+$0xFFFFFFE0];
	_ =	sdelay $0x1  }
0x243: {  	v42 =	vadd.s32 v15, v37;
	_ =	sdelay $0x2  }
0x244: {  	v38 =	vadd.f32 v38, v34;
	_ =	sdelay $0x1  }
0x245: {  	[tilespmem:v42+s23+$0x0] =	vst.idx.msk $0xffff, v38  }
0x246: {  	v38 =	vld [tilespmem:s29+$0xFFFFFFF0];
	_ =	sdelay $0x1  }
0x247: {  	v37 =	vadd.s32 v16, v37;
	_ =	sdelay $0x1  }
0x248: {  	s16 =	simm.s32 $0x4  }
0x249: {  	v43 =	vmov s16;
	v38 =	vadd.f32 v38, v33  }
0x24a: {  	v39 =	vshrl.u32 v43, $0x3  }
0x24b: {  	v44 =	vshll.u32 v39, v1;
	[tilespmem:v37+s23+$0x0] =	vst.idx.msk $0xffff, v38  }
0x24c: {  	v37 =	vbroadcast v44, $0x0;
	v38 =	vld [tilespmem:s29+$0x0];
	_ =	sdelay $0x1  }
0x24d: {  	v45 =	vadd.s32 v17, v37;
	_ =	sdelay $0x2  }
0x24e: {  	v38 =	vadd.f32 v38, v35;
	_ =	sdelay $0x1  }
0x24f: {  	[tilespmem:v45+s23+$0x0] =	vst.idx.msk $0xffff, v38  }
0x250: {  	v38 =	vld [tilespmem:s29+$0x10];
	_ =	sdelay $0x1  }
0x251: {  	v46 =	vadd.s32 v18, v37;
	_ =	sdelay $0x2  }
0x252: {  	v38 =	vadd.f32 v38, v36;
	_ =	sdelay $0x1  }
0x253: {  	[tilespmem:v46+s23+$0x0] =	vst.idx.msk $0xffff, v38  }
0x254: {  	v38 =	vld [tilespmem:s29+$0x20];
	_ =	sdelay $0x1  }
0x255: {  	v47 =	vadd.s32 v19, v37;
	_ =	sdelay $0x2  }
0x256: {  	v38 =	vadd.f32 v38, v34;
	_ =	sdelay $0x1  }
0x257: {  	[tilespmem:v47+s23+$0x0] =	vst.idx.msk $0xffff, v38  }
0x258: {  	v38 =	vld [tilespmem:s29+$0x30];
	_ =	sdelay $0x1  }
0x259: {  	v37 =	vadd.s32 v20, v37;
	_ =	sdelay $0x1  }
0x25a: {  	s22 =	simm.s32 $0x5  }
0x25b: {  	v48 =	vmov s22;
	v38 =	vadd.f32 v38, v33  }
0x25c: {  	v39 =	vshrl.u32 v48, $0x3  }
0x25d: {  	v49 =	vshll.u32 v39, v1;
	[tilespmem:v37+s23+$0x0] =	vst.idx.msk $0xffff, v38  }
0x25e: {  	v37 =	vbroadcast v49, $0x0;
	v38 =	vld [tilespmem:s29+$0x40];
	_ =	sdelay $0x1  }
0x25f: {  	v50 =	vadd.s32 v21, v37;
	_ =	sdelay $0x2  }
0x260: {  	v38 =	vadd.f32 v38, v35;
	_ =	sdelay $0x1  }
0x261: {  	[tilespmem:v50+s23+$0x0] =	vst.idx.msk $0xffff, v38  }
0x262: {  	v38 =	vld [tilespmem:s29+$0x50];
	_ =	sdelay $0x1  }
0x263: {  	v51 =	vadd.s32 v22, v37;
	_ =	sdelay $0x2  }
0x264: {  	v38 =	vadd.f32 v38, v36;
	_ =	sdelay $0x1  }
0x265: {  	[tilespmem:v51+s23+$0x0] =	vst.idx.msk $0xffff, v38  }
0x266: {  	v38 =	vld [tilespmem:s29+$0x60];
	_ =	sdelay $0x1  }
0x267: {  	v52 =	vadd.s32 v23, v37;
	_ =	sdelay $0x2  }
0x268: {  	v38 =	vadd.f32 v38, v34;
	_ =	sdelay $0x1  }
0x269: {  	[tilespmem:v52+s23+$0x0] =	vst.idx.msk $0xffff, v38  }
0x26a: {  	v38 =	vld [tilespmem:s29+$0x70];
	_ =	sdelay $0x1  }
0x26b: {  	v37 =	vadd.s32 v24, v37;
	_ =	sdelay $0x1  }
0x26c: {  	s30 =	simm.s32 $0x6  }
0x26d: {  	v53 =	vmov s30;
	v38 =	vadd.f32 v38, v33  }
0x26e: {  	v39 =	vshrl.u32 v53, $0x3  }
0x26f: {  	v54 =	vshll.u32 v39, v1;
	[tilespmem:v37+s23+$0x0] =	vst.idx.msk $0xffff, v38  }
0x270: {  	v37 =	vbroadcast v54, $0x0;
	v38 =	vld [tilespmem:s29+$0x80];
	_ =	sdelay $0x1  }
0x271: {  	v55 =	vadd.s32 v25, v37;
	_ =	sdelay $0x2  }
0x272: {  	v38 =	vadd.f32 v38, v35;
	_ =	sdelay $0x1  }
0x273: {  	[tilespmem:v55+s23+$0x0] =	vst.idx.msk $0xffff, v38  }
0x274: {  	v38 =	vld [tilespmem:s29+$0x90];
	_ =	sdelay $0x1  }
0x275: {  	v56 =	vadd.s32 v26, v37;
	_ =	sdelay $0x2  }
0x276: {  	v38 =	vadd.f32 v38, v36;
	_ =	sdelay $0x1  }
0x277: {  	[tilespmem:v56+s23+$0x0] =	vst.idx.msk $0xffff, v38  }
0x278: {  	v38 =	vld [tilespmem:s29+$0xA0];
	_ =	sdelay $0x1  }
0x279: {  	v57 =	vadd.s32 v27, v37;
	_ =	sdelay $0x2  }
0x27a: {  	v38 =	vadd.f32 v38, v34;
	_ =	sdelay $0x1  }
0x27b: {  	[tilespmem:v57+s23+$0x0] =	vst.idx.msk $0xffff, v38  }
0x27c: {  	v38 =	vld [tilespmem:s29+$0xB0];
	_ =	sdelay $0x1  }
0x27d: {  	v37 =	vadd.s32 v28, v37;
	_ =	sdelay $0x1  }
0x27e: {  	s31 =	simm.s32 $0x7  }
0x27f: {  	v58 =	vmov s31;
	v38 =	vadd.f32 v38, v33  }
0x280: {  	v39 =	vshrl.u32 v58, $0x3  }
0x281: {  	v59 =	vshll.u32 v39, v1;
	[tilespmem:v37+s23+$0x0] =	vst.idx.msk $0xffff, v38  }
0x282: {  	v37 =	vbroadcast v59, $0x0;
	v38 =	vld [tilespmem:s29+$0xC0];
	_ =	sdelay $0x1  }
0x283: {  	v60 =	vadd.s32 v29, v37;
	_ =	sdelay $0x2  }
0x284: {  	v38 =	vadd.f32 v38, v35;
	_ =	sdelay $0x1  }
0x285: {  	[tilespmem:v60+s23+$0x0] =	vst.idx.msk $0xffff, v38  }
0x286: {  	v38 =	vld [tilespmem:s29+$0xD0];
	_ =	sdelay $0x1  }
0x287: {  	v61 =	vadd.s32 v30, v37;
	_ =	sdelay $0x2  }
0x288: {  	v38 =	vadd.f32 v38, v36;
	_ =	sdelay $0x1  }
0x289: {  	[tilespmem:v61+s23+$0x0] =	vst.idx.msk $0xffff, v38  }
0x28a: {  	v38 =	vld [tilespmem:s29+$0xE0];
	_ =	sdelay $0x1  }
0x28b: {  	v62 =	vadd.s32 v31, v37;
	_ =	sdelay $0x2  }
0x28c: {  	v38 =	vadd.f32 v38, v34;
	_ =	sdelay $0x1  }
0x28d: {  	[tilespmem:v62+s23+$0x0] =	vst.idx.msk $0xffff, v38  }
0x28e: {  	v38 =	vld [tilespmem:s29+$0xF0];
	_ =	sdelay $0x1  }
0x28f: {  	v37 =	vadd.s32 v32, v37  }
0x290: {  	s1 =	simm.s32 $0x8  }
0x291: {  	v63 =	vmov s1  }
0x292: {  	s0 =	simm.s32 $0x10;
	v39 =	vshrl.u32 v63, $0x3;
	v38 =	vadd.f32 v38, v33  }
.LBB2_6:
0x293: {  	p0 =	slt.u32 s0, $0x78  }
0x294: {  	v39 =	vshll.u32 v39, v1;
	[tilespmem:v37+s23+$0x0] =	vst.idx.msk $0xffff, v38;
	s29 =	sadd.s32 $0x200, s29;
	s14 =	smov.u32 s0;
	s0 =	sadd.s32 $0x8, s0  }
0x295: {  	v37 =	vld [tilespmem:s29+$0xFFFFFF00];
	v38 =	vbroadcast v39, $0x0;
	_ =	sdelay $0x1  }
0x296: {  	v39 =	vadd.s32 v0, v38;
	_ =	sdelay $0x2  }
0x297: {  	v37 =	vadd.f32 v37, v35;
	_ =	sdelay $0x1  }
0x298: {  	[tilespmem:v39+s23+$0x0] =	vst.idx.msk $0xffff, v37  }
0x299: {  	v37 =	vld [tilespmem:s29+$0xFFFFFF10];
	_ =	sdelay $0x1  }
0x29a: {  	v39 =	vadd.s32 v2, v38;
	_ =	sdelay $0x2  }
0x29b: {  	v37 =	vadd.f32 v37, v36;
	_ =	sdelay $0x1  }
0x29c: {  	[tilespmem:v39+s23+$0x0] =	vst.idx.msk $0xffff, v37  }
0x29d: {  	v37 =	vld [tilespmem:s29+$0xFFFFFF20];
	_ =	sdelay $0x1  }
0x29e: {  	v39 =	vadd.s32 v3, v38;
	_ =	sdelay $0x2  }
0x29f: {  	v37 =	vadd.f32 v37, v34;
	_ =	sdelay $0x1  }
0x2a0: {  	[tilespmem:v39+s23+$0x0] =	vst.idx.msk $0xffff, v37  }
0x2a1: {  	v37 =	vld [tilespmem:s29+$0xFFFFFF30];
	_ =	sdelay $0x1  }
0x2a2: {  	v38 =	vadd.s32 v4, v38;
	_ =	sdelay $0x1  }
0x2a3: {  	s16 =	sadd.s32 $0x1, s1  }
0x2a4: {  	v39 =	vmov s16;
	v37 =	vadd.f32 v37, v33  }
0x2a5: {  	v39 =	vshrl.u32 v39, $0x3  }
0x2a6: {  	[tilespmem:v38+s23+$0x0] =	vst.idx.msk $0xffff, v37;
	v37 =	vshll.u32 v39, v1  }
0x2a7: {  	v38 =	vld [tilespmem:s29+$0xFFFFFF40];
	v37 =	vbroadcast v37, $0x0;
	_ =	sdelay $0x1  }
0x2a8: {  	v39 =	vadd.s32 v5, v37;
	_ =	sdelay $0x2  }
0x2a9: {  	v38 =	vadd.f32 v38, v35;
	_ =	sdelay $0x1  }
0x2aa: {  	[tilespmem:v39+s23+$0x0] =	vst.idx.msk $0xffff, v38  }
0x2ab: {  	v38 =	vld [tilespmem:s29+$0xFFFFFF50];
	_ =	sdelay $0x1  }
0x2ac: {  	v39 =	vadd.s32 v6, v37;
	_ =	sdelay $0x2  }
0x2ad: {  	v38 =	vadd.f32 v38, v36;
	_ =	sdelay $0x1  }
0x2ae: {  	[tilespmem:v39+s23+$0x0] =	vst.idx.msk $0xffff, v38  }
0x2af: {  	v38 =	vld [tilespmem:s29+$0xFFFFFF60];
	_ =	sdelay $0x1  }
0x2b0: {  	v39 =	vadd.s32 v7, v37;
	_ =	sdelay $0x2  }
0x2b1: {  	v38 =	vadd.f32 v38, v34;
	_ =	sdelay $0x1  }
0x2b2: {  	[tilespmem:v39+s23+$0x0] =	vst.idx.msk $0xffff, v38  }
0x2b3: {  	v38 =	vld [tilespmem:s29+$0xFFFFFF70];
	_ =	sdelay $0x1  }
0x2b4: {  	v37 =	vadd.s32 v8, v37;
	_ =	sdelay $0x1  }
0x2b5: {  	s16 =	sadd.s32 $0x2, s1  }
0x2b6: {  	v39 =	vmov s16;
	v38 =	vadd.f32 v38, v33  }
0x2b7: {  	v39 =	vshrl.u32 v39, $0x3  }
0x2b8: {  	[tilespmem:v37+s23+$0x0] =	vst.idx.msk $0xffff, v38;
	v37 =	vshll.u32 v39, v1  }
0x2b9: {  	v38 =	vld [tilespmem:s29+$0xFFFFFF80];
	v37 =	vbroadcast v37, $0x0;
	_ =	sdelay $0x1  }
0x2ba: {  	v39 =	vadd.s32 v9, v37;
	_ =	sdelay $0x2  }
0x2bb: {  	v38 =	vadd.f32 v38, v35;
	_ =	sdelay $0x1  }
0x2bc: {  	[tilespmem:v39+s23+$0x0] =	vst.idx.msk $0xffff, v38  }
0x2bd: {  	v38 =	vld [tilespmem:s29+$0xFFFFFF90];
	_ =	sdelay $0x1  }
0x2be: {  	v39 =	vadd.s32 v10, v37;
	_ =	sdelay $0x2  }
0x2bf: {  	v38 =	vadd.f32 v38, v36;
	_ =	sdelay $0x1  }
0x2c0: {  	[tilespmem:v39+s23+$0x0] =	vst.idx.msk $0xffff, v38  }
0x2c1: {  	v38 =	vld [tilespmem:s29+$0xFFFFFFA0];
	_ =	sdelay $0x1  }
0x2c2: {  	v39 =	vadd.s32 v11, v37;
	_ =	sdelay $0x2  }
0x2c3: {  	v38 =	vadd.f32 v38, v34;
	_ =	sdelay $0x1  }
0x2c4: {  	[tilespmem:v39+s23+$0x0] =	vst.idx.msk $0xffff, v38  }
0x2c5: {  	v38 =	vld [tilespmem:s29+$0xFFFFFFB0];
	_ =	sdelay $0x1  }
0x2c6: {  	v37 =	vadd.s32 v12, v37;
	_ =	sdelay $0x1  }
0x2c7: {  	s16 =	sadd.s32 $0x3, s1  }
0x2c8: {  	v39 =	vmov s16;
	v38 =	vadd.f32 v38, v33  }
0x2c9: {  	v39 =	vshrl.u32 v39, $0x3  }
0x2ca: {  	[tilespmem:v37+s23+$0x0] =	vst.idx.msk $0xffff, v38;
	v37 =	vshll.u32 v39, v1  }
0x2cb: {  	v38 =	vld [tilespmem:s29+$0xFFFFFFC0];
	v37 =	vbroadcast v37, $0x0;
	_ =	sdelay $0x1  }
0x2cc: {  	v39 =	vadd.s32 v13, v37;
	_ =	sdelay $0x2  }
0x2cd: {  	v38 =	vadd.f32 v38, v35;
	_ =	sdelay $0x1  }
0x2ce: {  	[tilespmem:v39+s23+$0x0] =	vst.idx.msk $0xffff, v38  }
0x2cf: {  	v38 =	vld [tilespmem:s29+$0xFFFFFFD0];
	_ =	sdelay $0x1  }
0x2d0: {  	v39 =	vadd.s32 v14, v37;
	_ =	sdelay $0x2  }
0x2d1: {  	v38 =	vadd.f32 v38, v36;
	_ =	sdelay $0x1  }
0x2d2: {  	[tilespmem:v39+s23+$0x0] =	vst.idx.msk $0xffff, v38  }
0x2d3: {  	v38 =	vld [tilespmem:s29+$0xFFFFFFE0];
	_ =	sdelay $0x1  }
0x2d4: {  	v39 =	vadd.s32 v15, v37;
	_ =	sdelay $0x2  }
0x2d5: {  	v38 =	vadd.f32 v38, v34;
	_ =	sdelay $0x1  }
0x2d6: {  	[tilespmem:v39+s23+$0x0] =	vst.idx.msk $0xffff, v38  }
0x2d7: {  	v38 =	vld [tilespmem:s29+$0xFFFFFFF0];
	_ =	sdelay $0x1  }
0x2d8: {  	v37 =	vadd.s32 v16, v37;
	_ =	sdelay $0x1  }
0x2d9: {  	s16 =	sadd.s32 $0x4, s1  }
0x2da: {  	v39 =	vmov s16;
	v38 =	vadd.f32 v38, v33  }
0x2db: {  	v39 =	vshrl.u32 v39, $0x3  }
0x2dc: {  	[tilespmem:v37+s23+$0x0] =	vst.idx.msk $0xffff, v38;
	v37 =	vshll.u32 v39, v1  }
0x2dd: {  	v38 =	vld [tilespmem:s29+$0x0];
	v37 =	vbroadcast v37, $0x0;
	_ =	sdelay $0x1  }
0x2de: {  	v39 =	vadd.s32 v17, v37;
	_ =	sdelay $0x2  }
0x2df: {  	v38 =	vadd.f32 v38, v35;
	_ =	sdelay $0x1  }
0x2e0: {  	[tilespmem:v39+s23+$0x0] =	vst.idx.msk $0xffff, v38  }
0x2e1: {  	v38 =	vld [tilespmem:s29+$0x10];
	_ =	sdelay $0x1  }
0x2e2: {  	v39 =	vadd.s32 v18, v37;
	_ =	sdelay $0x2  }
0x2e3: {  	v38 =	vadd.f32 v38, v36;
	_ =	sdelay $0x1  }
0x2e4: {  	[tilespmem:v39+s23+$0x0] =	vst.idx.msk $0xffff, v38  }
0x2e5: {  	v38 =	vld [tilespmem:s29+$0x20];
	_ =	sdelay $0x1  }
0x2e6: {  	v39 =	vadd.s32 v19, v37;
	_ =	sdelay $0x2  }
0x2e7: {  	v38 =	vadd.f32 v38, v34;
	_ =	sdelay $0x1  }
0x2e8: {  	[tilespmem:v39+s23+$0x0] =	vst.idx.msk $0xffff, v38  }
0x2e9: {  	v38 =	vld [tilespmem:s29+$0x30];
	_ =	sdelay $0x1  }
0x2ea: {  	v37 =	vadd.s32 v20, v37;
	_ =	sdelay $0x1  }
0x2eb: {  	s16 =	sadd.s32 $0x5, s1  }
0x2ec: {  	v39 =	vmov s16;
	v38 =	vadd.f32 v38, v33  }
0x2ed: {  	v39 =	vshrl.u32 v39, $0x3  }
0x2ee: {  	[tilespmem:v37+s23+$0x0] =	vst.idx.msk $0xffff, v38;
	v37 =	vshll.u32 v39, v1  }
0x2ef: {  	v38 =	vld [tilespmem:s29+$0x40];
	v37 =	vbroadcast v37, $0x0;
	_ =	sdelay $0x1  }
0x2f0: {  	v39 =	vadd.s32 v21, v37;
	_ =	sdelay $0x2  }
0x2f1: {  	v38 =	vadd.f32 v38, v35;
	_ =	sdelay $0x1  }
0x2f2: {  	[tilespmem:v39+s23+$0x0] =	vst.idx.msk $0xffff, v38  }
0x2f3: {  	v38 =	vld [tilespmem:s29+$0x50];
	_ =	sdelay $0x1  }
0x2f4: {  	v39 =	vadd.s32 v22, v37;
	_ =	sdelay $0x2  }
0x2f5: {  	v38 =	vadd.f32 v38, v36;
	_ =	sdelay $0x1  }
0x2f6: {  	[tilespmem:v39+s23+$0x0] =	vst.idx.msk $0xffff, v38  }
0x2f7: {  	v38 =	vld [tilespmem:s29+$0x60];
	_ =	sdelay $0x1  }
0x2f8: {  	v39 =	vadd.s32 v23, v37;
	_ =	sdelay $0x2  }
0x2f9: {  	v38 =	vadd.f32 v38, v34;
	_ =	sdelay $0x1  }
0x2fa: {  	[tilespmem:v39+s23+$0x0] =	vst.idx.msk $0xffff, v38  }
0x2fb: {  	v38 =	vld [tilespmem:s29+$0x70];
	_ =	sdelay $0x1  }
0x2fc: {  	v37 =	vadd.s32 v24, v37;
	_ =	sdelay $0x1  }
0x2fd: {  	s16 =	sadd.s32 $0x6, s1  }
0x2fe: {  	v39 =	vmov s16;
	v38 =	vadd.f32 v38, v33  }
0x2ff: {  	v39 =	vshrl.u32 v39, $0x3  }
0x300: {  	[tilespmem:v37+s23+$0x0] =	vst.idx.msk $0xffff, v38;
	v37 =	vshll.u32 v39, v1  }
0x301: {  	v38 =	vld [tilespmem:s29+$0x80];
	v37 =	vbroadcast v37, $0x0;
	_ =	sdelay $0x1  }
0x302: {  	v39 =	vadd.s32 v25, v37;
	_ =	sdelay $0x2  }
0x303: {  	v38 =	vadd.f32 v38, v35;
	_ =	sdelay $0x1  }
0x304: {  	[tilespmem:v39+s23+$0x0] =	vst.idx.msk $0xffff, v38  }
0x305: {  	v38 =	vld [tilespmem:s29+$0x90];
	_ =	sdelay $0x1  }
0x306: {  	v39 =	vadd.s32 v26, v37;
	_ =	sdelay $0x2  }
0x307: {  	v38 =	vadd.f32 v38, v36;
	_ =	sdelay $0x1  }
0x308: {  	[tilespmem:v39+s23+$0x0] =	vst.idx.msk $0xffff, v38  }
0x309: {  	v38 =	vld [tilespmem:s29+$0xA0];
	_ =	sdelay $0x1  }
0x30a: {  	v39 =	vadd.s32 v27, v37;
	_ =	sdelay $0x2  }
0x30b: {  	v38 =	vadd.f32 v38, v34;
	_ =	sdelay $0x1  }
0x30c: {  	[tilespmem:v39+s23+$0x0] =	vst.idx.msk $0xffff, v38  }
0x30d: {  	v38 =	vld [tilespmem:s29+$0xB0];
	_ =	sdelay $0x1  }
0x30e: {  	v37 =	vadd.s32 v28, v37;
	_ =	sdelay $0x1  }
0x30f: {  	s16 =	sadd.s32 $0x7, s1;
	s1 =	smov.u32 s14  }
0x310: {  	v39 =	vmov s16;
	v38 =	vadd.f32 v38, v33  }
0x311: {  	v39 =	vshrl.u32 v39, $0x3  }
0x312: {  	[tilespmem:v37+s23+$0x0] =	vst.idx.msk $0xffff, v38;
	v37 =	vshll.u32 v39, v1  }
0x313: {  	v38 =	vld [tilespmem:s29+$0xC0];
	v37 =	vbroadcast v37, $0x0;
	_ =	sdelay $0x1  }
0x314: {  	v39 =	vadd.s32 v29, v37;
	_ =	sdelay $0x2  }
0x315: {  	v38 =	vadd.f32 v38, v35;
	_ =	sdelay $0x1  }
0x316: {  	[tilespmem:v39+s23+$0x0] =	vst.idx.msk $0xffff, v38  }
0x317: {  	v38 =	vld [tilespmem:s29+$0xD0];
	_ =	sdelay $0x1  }
0x318: {  	v39 =	vadd.s32 v30, v37;
	_ =	sdelay $0x2  }
0x319: {  	v38 =	vadd.f32 v38, v36;
	_ =	sdelay $0x1  }
0x31a: {  	[tilespmem:v39+s23+$0x0] =	vst.idx.msk $0xffff, v38  }
0x31b: {  	v38 =	vld [tilespmem:s29+$0xE0];
	_ =	sdelay $0x1  }
0x31c: {  	v39 =	vadd.s32 v31, v37;
	_ =	sdelay $0x2  }
0x31d: {  	v38 =	vadd.f32 v38, v34;
	_ =	sdelay $0x1  }
0x31e: {  	[tilespmem:v39+s23+$0x0] =	vst.idx.msk $0xffff, v38  }
0x31f: {  	v38 =	vld [tilespmem:s29+$0xF0];
	_ =	sdelay $0x1  }
.Ltmp2:
0x320: {  	v37 =	vadd.s32 v32, v37;
	(pc) =	sbr.rel @p0 .LBB2_6-.Ltmp2, $3  }
0x321: {  	_ =	sdelay $0x1  }
0x322: {  	v39 =	vmov s1;
	v38 =	vadd.f32 v38, v33  }
0x323: {  	v39 =	vshrl.u32 v39, $0x3  }
0x324: {  	_ =	sdelay $0x3  }
0x325: {  	v39 =	vshll.u32 v39, v1;
	[tilespmem:v37+s23+$0x0] =	vst.idx.msk $0xffff, v38;
	s0 =	sadd.s32 $0x200, s29  }
0x326: {  	v37 =	vld [tilespmem:s0+$0xFFFFFF00];
	v45 =	vbroadcast v39, $0x0;
	_ =	sdelay $0x1  }
0x327: {  	v39 =	vadd.s32 v0, v45;
	_ =	sdelay $0x2  }
0x328: {  	v37 =	vadd.f32 v37, v35;
	_ =	sdelay $0x1  }
0x329: {  	[tilespmem:v39+s23+$0x0] =	vst.idx.msk $0xffff, v37  }
0x32a: {  	v37 =	vld [tilespmem:s0+$0xFFFFFF10];
	_ =	sdelay $0x1  }
0x32b: {  	v46 =	vadd.s32 v2, v45;
	_ =	sdelay $0x2  }
0x32c: {  	v37 =	vadd.f32 v37, v36;
	_ =	sdelay $0x1  }
0x32d: {  	[tilespmem:v46+s23+$0x0] =	vst.idx.msk $0xffff, v37  }
0x32e: {  	v37 =	vld [tilespmem:s0+$0xFFFFFF20];
	_ =	sdelay $0x1  }
0x32f: {  	v47 =	vadd.s32 v3, v45;
	_ =	sdelay $0x2  }
0x330: {  	v37 =	vadd.f32 v37, v34;
	_ =	sdelay $0x1  }
0x331: {  	[tilespmem:v47+s23+$0x0] =	vst.idx.msk $0xffff, v37  }
0x332: {  	v37 =	vld [tilespmem:s0+$0xFFFFFF30];
	_ =	sdelay $0x1  }
0x333: {  	v38 =	vadd.s32 v4, v45;
	_ =	sdelay $0x1  }
0x334: {  	s14 =	sadd.s32 $0x1, s1  }
0x335: {  	v48 =	vmov s14;
	v37 =	vadd.f32 v37, v33  }
0x336: {  	v39 =	vshrl.u32 v48, $0x3  }
0x337: {  	v49 =	vshll.u32 v39, v1;
	[tilespmem:v38+s23+$0x0] =	vst.idx.msk $0xffff, v37  }
0x338: {  	v37 =	vbroadcast v49, $0x0;
	v38 =	vld [tilespmem:s0+$0xFFFFFF40];
	_ =	sdelay $0x1  }
0x339: {  	v50 =	vadd.s32 v5, v37;
	_ =	sdelay $0x2  }
0x33a: {  	v38 =	vadd.f32 v38, v35;
	_ =	sdelay $0x1  }
0x33b: {  	[tilespmem:v50+s23+$0x0] =	vst.idx.msk $0xffff, v38  }
0x33c: {  	v38 =	vld [tilespmem:s0+$0xFFFFFF50];
	_ =	sdelay $0x1  }
0x33d: {  	v51 =	vadd.s32 v6, v37;
	_ =	sdelay $0x2  }
0x33e: {  	v38 =	vadd.f32 v38, v36;
	_ =	sdelay $0x1  }
0x33f: {  	[tilespmem:v51+s23+$0x0] =	vst.idx.msk $0xffff, v38  }
0x340: {  	v38 =	vld [tilespmem:s0+$0xFFFFFF60];
	_ =	sdelay $0x1  }
0x341: {  	v52 =	vadd.s32 v7, v37;
	_ =	sdelay $0x2  }
0x342: {  	v38 =	vadd.f32 v38, v34;
	_ =	sdelay $0x1  }
0x343: {  	[tilespmem:v52+s23+$0x0] =	vst.idx.msk $0xffff, v38  }
0x344: {  	v38 =	vld [tilespmem:s0+$0xFFFFFF70];
	_ =	sdelay $0x1  }
0x345: {  	v37 =	vadd.s32 v8, v37;
	_ =	sdelay $0x1  }
0x346: {  	s16 =	sadd.s32 $0x2, s1  }
0x347: {  	v53 =	vmov s16;
	v38 =	vadd.f32 v38, v33  }
0x348: {  	v39 =	vshrl.u32 v53, $0x3  }
0x349: {  	v54 =	vshll.u32 v39, v1;
	[tilespmem:v37+s23+$0x0] =	vst.idx.msk $0xffff, v38  }
0x34a: {  	v37 =	vbroadcast v54, $0x0;
	v38 =	vld [tilespmem:s0+$0xFFFFFF80];
	_ =	sdelay $0x1  }
0x34b: {  	v55 =	vadd.s32 v9, v37;
	_ =	sdelay $0x2  }
0x34c: {  	v38 =	vadd.f32 v38, v35;
	_ =	sdelay $0x1  }
0x34d: {  	[tilespmem:v55+s23+$0x0] =	vst.idx.msk $0xffff, v38  }
0x34e: {  	v38 =	vld [tilespmem:s0+$0xFFFFFF90];
	_ =	sdelay $0x1  }
0x34f: {  	v56 =	vadd.s32 v10, v37;
	_ =	sdelay $0x2  }
0x350: {  	v38 =	vadd.f32 v38, v36;
	_ =	sdelay $0x1  }
0x351: {  	[tilespmem:v56+s23+$0x0] =	vst.idx.msk $0xffff, v38  }
0x352: {  	v38 =	vld [tilespmem:s0+$0xFFFFFFA0];
	_ =	sdelay $0x1  }
0x353: {  	v57 =	vadd.s32 v11, v37;
	_ =	sdelay $0x2  }
0x354: {  	v38 =	vadd.f32 v38, v34;
	_ =	sdelay $0x1  }
0x355: {  	[tilespmem:v57+s23+$0x0] =	vst.idx.msk $0xffff, v38  }
0x356: {  	v38 =	vld [tilespmem:s0+$0xFFFFFFB0];
	_ =	sdelay $0x1  }
0x357: {  	v37 =	vadd.s32 v12, v37;
	_ =	sdelay $0x1  }
0x358: {  	s22 =	sadd.s32 $0x3, s1  }
0x359: {  	v58 =	vmov s22;
	v38 =	vadd.f32 v38, v33  }
0x35a: {  	v39 =	vshrl.u32 v58, $0x3  }
0x35b: {  	v59 =	vshll.u32 v39, v1;
	[tilespmem:v37+s23+$0x0] =	vst.idx.msk $0xffff, v38  }
0x35c: {  	v37 =	vbroadcast v59, $0x0;
	v38 =	vld [tilespmem:s0+$0xFFFFFFC0];
	_ =	sdelay $0x1  }
0x35d: {  	v60 =	vadd.s32 v13, v37;
	_ =	sdelay $0x2  }
0x35e: {  	v38 =	vadd.f32 v38, v35;
	_ =	sdelay $0x1  }
0x35f: {  	[tilespmem:v60+s23+$0x0] =	vst.idx.msk $0xffff, v38  }
0x360: {  	v38 =	vld [tilespmem:s0+$0xFFFFFFD0];
	_ =	sdelay $0x1  }
0x361: {  	v61 =	vadd.s32 v14, v37;
	_ =	sdelay $0x2  }
0x362: {  	v38 =	vadd.f32 v38, v36;
	_ =	sdelay $0x1  }
0x363: {  	[tilespmem:v61+s23+$0x0] =	vst.idx.msk $0xffff, v38  }
0x364: {  	v38 =	vld [tilespmem:s0+$0xFFFFFFE0];
	_ =	sdelay $0x1  }
0x365: {  	v62 =	vadd.s32 v15, v37;
	_ =	sdelay $0x2  }
0x366: {  	v38 =	vadd.f32 v38, v34;
	_ =	sdelay $0x1  }
0x367: {  	[tilespmem:v62+s23+$0x0] =	vst.idx.msk $0xffff, v38  }
0x368: {  	v38 =	vld [tilespmem:s0+$0xFFFFFFF0];
	_ =	sdelay $0x1  }
0x369: {  	v37 =	vadd.s32 v16, v37;
	_ =	sdelay $0x1  }
0x36a: {  	s31 =	sadd.s32 $0x4, s1  }
0x36b: {  	v63 =	vmov s31;
	v38 =	vadd.f32 v38, v33  }
0x36c: {  	v39 =	vshrl.u32 v63, $0x3  }
0x36d: {  	v41 =	vshll.u32 v39, v1;
	[tilespmem:v37+s23+$0x0] =	vst.idx.msk $0xffff, v38  }
0x36e: {  	v37 =	vbroadcast v41, $0x0;
	v38 =	vld [tilespmem:s0+$0x0];
	_ =	sdelay $0x1  }
0x36f: {  	v42 =	vadd.s32 v17, v37;
	_ =	sdelay $0x2  }
0x370: {  	v38 =	vadd.f32 v38, v35;
	_ =	sdelay $0x1  }
0x371: {  	[tilespmem:v42+s23+$0x0] =	vst.idx.msk $0xffff, v38  }
0x372: {  	v38 =	vld [tilespmem:s0+$0x10];
	_ =	sdelay $0x1  }
0x373: {  	v43 =	vadd.s32 v18, v37;
	_ =	sdelay $0x2  }
0x374: {  	v38 =	vadd.f32 v38, v36;
	_ =	sdelay $0x1  }
0x375: {  	[tilespmem:v43+s23+$0x0] =	vst.idx.msk $0xffff, v38  }
0x376: {  	v38 =	vld [tilespmem:s0+$0x20];
	_ =	sdelay $0x1  }
0x377: {  	v44 =	vadd.s32 v19, v37;
	_ =	sdelay $0x2  }
0x378: {  	v38 =	vadd.f32 v38, v34;
	_ =	sdelay $0x1  }
0x379: {  	[tilespmem:v44+s23+$0x0] =	vst.idx.msk $0xffff, v38  }
0x37a: {  	v38 =	vld [tilespmem:s0+$0x30];
	_ =	sdelay $0x1  }
0x37b: {  	v37 =	vadd.s32 v20, v37;
	_ =	sdelay $0x1  }
0x37c: {  	s16 =	sadd.s32 $0x5, s1  }
0x37d: {  	v45 =	vmov s16;
	v38 =	vadd.f32 v38, v33  }
0x37e: {  	v39 =	vshrl.u32 v45, $0x3  }
0x37f: {  	v46 =	vshll.u32 v39, v1;
	[tilespmem:v37+s23+$0x0] =	vst.idx.msk $0xffff, v38  }
0x380: {  	v37 =	vbroadcast v46, $0x0;
	v38 =	vld [tilespmem:s0+$0x40];
	_ =	sdelay $0x1  }
0x381: {  	v47 =	vadd.s32 v21, v37;
	_ =	sdelay $0x2  }
0x382: {  	v38 =	vadd.f32 v38, v35;
	_ =	sdelay $0x1  }
0x383: {  	[tilespmem:v47+s23+$0x0] =	vst.idx.msk $0xffff, v38  }
0x384: {  	v38 =	vld [tilespmem:s0+$0x50];
	_ =	sdelay $0x1  }
0x385: {  	v48 =	vadd.s32 v22, v37;
	_ =	sdelay $0x2  }
0x386: {  	v38 =	vadd.f32 v38, v36;
	_ =	sdelay $0x1  }
0x387: {  	[tilespmem:v48+s23+$0x0] =	vst.idx.msk $0xffff, v38  }
0x388: {  	v38 =	vld [tilespmem:s0+$0x60];
	_ =	sdelay $0x1  }
0x389: {  	v49 =	vadd.s32 v23, v37;
	_ =	sdelay $0x2  }
0x38a: {  	v38 =	vadd.f32 v38, v34;
	_ =	sdelay $0x1  }
0x38b: {  	[tilespmem:v49+s23+$0x0] =	vst.idx.msk $0xffff, v38  }
0x38c: {  	v38 =	vld [tilespmem:s0+$0x70];
	_ =	sdelay $0x1  }
0x38d: {  	v37 =	vadd.s32 v24, v37;
	_ =	sdelay $0x1  }
0x38e: {  	s22 =	sadd.s32 $0x6, s1  }
0x38f: {  	v50 =	vmov s22;
	v38 =	vadd.f32 v38, v33  }
0x390: {  	v39 =	vshrl.u32 v50, $0x3  }
0x391: {  	v51 =	vshll.u32 v39, v1;
	[tilespmem:v37+s23+$0x0] =	vst.idx.msk $0xffff, v38  }
0x392: {  	v37 =	vbroadcast v51, $0x0;
	v38 =	vld [tilespmem:s0+$0x80];
	_ =	sdelay $0x1  }
0x393: {  	v52 =	vadd.s32 v25, v37;
	_ =	sdelay $0x2  }
0x394: {  	v38 =	vadd.f32 v38, v35;
	_ =	sdelay $0x1  }
0x395: {  	[tilespmem:v52+s23+$0x0] =	vst.idx.msk $0xffff, v38  }
0x396: {  	v38 =	vld [tilespmem:s0+$0x90];
	_ =	sdelay $0x1  }
0x397: {  	v53 =	vadd.s32 v26, v37;
	_ =	sdelay $0x2  }
0x398: {  	v38 =	vadd.f32 v38, v36;
	_ =	sdelay $0x1  }
0x399: {  	[tilespmem:v53+s23+$0x0] =	vst.idx.msk $0xffff, v38  }
0x39a: {  	v38 =	vld [tilespmem:s0+$0xA0];
	_ =	sdelay $0x1  }
0x39b: {  	v54 =	vadd.s32 v27, v37;
	_ =	sdelay $0x2  }
0x39c: {  	v38 =	vadd.f32 v38, v34;
	_ =	sdelay $0x1  }
0x39d: {  	[tilespmem:v54+s23+$0x0] =	vst.idx.msk $0xffff, v38  }
0x39e: {  	v38 =	vld [tilespmem:s0+$0xB0];
	_ =	sdelay $0x1  }
0x39f: {  	v37 =	vadd.s32 v28, v37;
	_ =	sdelay $0x1  }
0x3a0: {  	s31 =	sadd.s32 $0x7, s1  }
0x3a1: {  	v55 =	vmov s31;
	v38 =	vadd.f32 v38, v33  }
0x3a2: {  	v39 =	vshrl.u32 v55, $0x3  }
0x3a3: {  	v56 =	vshll.u32 v39, v1;
	[tilespmem:v37+s23+$0x0] =	vst.idx.msk $0xffff, v38  }
0x3a4: {  	v37 =	vbroadcast v56, $0x0;
	v38 =	vld [tilespmem:s0+$0xC0];
	_ =	sdelay $0x1  }
0x3a5: {  	v57 =	vadd.s32 v29, v37;
	_ =	sdelay $0x2  }
0x3a6: {  	v58 =	vadd.f32 v38, v35;
	_ =	sdelay $0x1  }
0x3a7: {  	[tilespmem:v57+s23+$0x0] =	vst.idx.msk $0xffff, v58  }
0x3a8: {  	v35 =	vld [tilespmem:s0+$0xD0];
	_ =	sdelay $0x1  }
0x3a9: {  	v59 =	vadd.s32 v30, v37;
	_ =	sdelay $0x2  }
0x3aa: {  	v35 =	vadd.f32 v35, v36;
	_ =	sdelay $0x1  }
0x3ab: {  	[tilespmem:v59+s23+$0x0] =	vst.idx.msk $0xffff, v35  }
0x3ac: {  	v35 =	vld [tilespmem:s0+$0xE0];
	_ =	sdelay $0x1  }
0x3ad: {  	v60 =	vadd.s32 v31, v37;
	_ =	sdelay $0x2  }
0x3ae: {  	v61 =	vadd.f32 v35, v34;
	_ =	sdelay $0x1  }
0x3af: {  	[tilespmem:v60+s23+$0x0] =	vst.idx.msk $0xffff, v61  }
0x3b0: {  	v34 =	vld [tilespmem:s0+$0xF0];
	_ =	sdelay $0x1  }
0x3b1: {  	v62 =	vadd.s32 v32, v37;
	_ =	sdelay $0x2  }
0x3b2: {  	v63 =	vadd.f32 v34, v33;
	_ =	sdelay $0x1  }
0x3b3: {  	s29 =	simm.s32 $0x0;
	s1 =	simm.s32 $0xF800;
	[tilespmem:v62+s23+$0x0] =	vst.idx.msk $0xffff, v63  }
0x3b4: {  	[hbm4b:s9+s29] =	stream.linear.scatter [tilespmem:s1], [sflag:$0x4], $0x80, $0x38;
	[tilespmem:$0x11A00] =	vst v63  }
0x3b5: {  	s14 =	simm.s32 $0xF888;
	s16 =	sadd.s32 $0x10, s9  }
0x3b6: {  	[hbm4b:s16+s29] =	stream.linear.scatter [tilespmem:s14], [sflag:$0x4], $0x80, $0x38;
	[tilespmem:$0x11A00] =	vst v63  }
0x3b7: {  	s30 =	sadd.s32 $0x70, s9;
	s22 =	simm.s32 $0xF910;
	s31 =	sadd.s32 $0x20, s9  }
0x3b8: {  	[hbm4b:s31+s29] =	stream.linear.scatter [tilespmem:s22], [sflag:$0x4], $0x80, $0x38;
	[tilespmem:$0x11A00] =	vst v63  }
0x3b9: {  	s0 =	simm.s32 $0x440;
	s14 =	simm.s32 $0xF998;
	s16 =	sadd.s32 $0x30, s9  }
0x3ba: {  	[hbm4b:s16+s29] =	stream.linear.scatter [tilespmem:s14], [sflag:$0x4], $0x80, $0x38;
	[tilespmem:$0x11A00] =	vst v63  }
0x3bb: {  	s1 =	sadd.s32 $0x1000, s9;
	s22 =	simm.s32 $0xFA20;
	s31 =	sadd.s32 $0x40, s9  }
0x3bc: {  	[hbm4b:s31+s29] =	stream.linear.scatter [tilespmem:s22], [sflag:$0x4], $0x80, $0x38;
	[tilespmem:$0x11A00] =	vst v63  }
0x3bd: {  	s14 =	simm.s32 $0xFAA8;
	s16 =	sadd.s32 $0x50, s9;
	s22 =	simm.s32 $0xFB30  }
0x3be: {  	[hbm4b:s16+s29] =	stream.linear.scatter [tilespmem:s14], [sflag:$0x4], $0x80, $0x38;
	[tilespmem:$0x11A00] =	vst v63  }
0x3bf: {  	s31 =	sadd.s32 $0x60, s9;
	s14 =	simm.s32 $0x2200;
	s16 =	simm.s32 $0xFBB8  }
0x3c0: {  	[hbm4b:s31+s29] =	stream.linear.scatter [tilespmem:s22], [sflag:$0x4], $0x80, $0x38;
	[tilespmem:$0x11A00] =	vst v63  }
.LBB2_8:
0x3c1: {  	[hbm4b:s30+s29] =	stream.linear.scatter [tilespmem:s16], [sflag:$0x4], $0x80, $0x38;
	[tilespmem:$0x11A00] =	vst v63  }
0x3c2: {  	s16 =	smov.u32 s0;
	s0 =	smov.u32 s14  }
0x3c3: {  	s31 =	sadd.s32 $0x1100, s14;
	s0 =	sshra.s32 s0, $0x2;
	s30 =	sadd.s32 $0xF800, s16  }
0x3c4: {  	[hbm4b:s1+s29] =	stream.linear.scatter [tilespmem:s30], [sflag:$0x4], $0x80, $0x38;
	[tilespmem:$0x11A00] =	vst v63  }
0x3c5: {  	p0 =	sne.s32 s14, $0x7700;
	s14 =	sadd.s32 $0xF888, s16;
	s30 =	sadd.s32 $0x10, s1  }
0x3c6: {  	[hbm4b:s30+s29] =	stream.linear.scatter [tilespmem:s14], [sflag:$0x4], $0x80, $0x38;
	[tilespmem:$0x11A00] =	vst v63  }
0x3c7: {  	s14 =	sadd.s32 $0xF910, s16;
	s30 =	sadd.s32 $0x20, s1  }
0x3c8: {  	[hbm4b:s30+s29] =	stream.linear.scatter [tilespmem:s14], [sflag:$0x4], $0x80, $0x38;
	[tilespmem:$0x11A00] =	vst v63  }
0x3c9: {  	s14 =	sadd.s32 $0xF998, s16;
	s30 =	sadd.s32 $0x30, s1  }
0x3ca: {  	[hbm4b:s30+s29] =	stream.linear.scatter [tilespmem:s14], [sflag:$0x4], $0x80, $0x38;
	[tilespmem:$0x11A00] =	vst v63  }
0x3cb: {  	s14 =	sadd.s32 $0xFA20, s16;
	s30 =	sadd.s32 $0x40, s1  }
0x3cc: {  	[hbm4b:s30+s29] =	stream.linear.scatter [tilespmem:s14], [sflag:$0x4], $0x80, $0x38;
	[tilespmem:$0x11A00] =	vst v63  }
.Ltmp3:
0x3cd: {  	s14 =	sadd.s32 $0xFAA8, s16;
	s30 =	sadd.s32 $0x50, s1;
	(pc) =	sbr.rel @p0 .LBB2_8-.Ltmp3, $4  }
0x3ce: {  	[hbm4b:s30+s29] =	stream.linear.scatter [tilespmem:s14], [sflag:$0x4], $0x80, $0x38;
	[tilespmem:$0x11A00] =	vst v63  }
0x3cf: {  	s14 =	sadd.s32 $0xFB30, s16;
	s30 =	sadd.s32 $0x60, s1;
	s16 =	sadd.s32 $0xFBB8, s16  }
0x3d0: {  	[hbm4b:s30+s29] =	stream.linear.scatter [tilespmem:s14], [sflag:$0x4], $0x80, $0x38;
	[tilespmem:$0x11A00] =	vst v63  }
0x3d1: {  	s30 =	sadd.s32 $0x70, s1;
	s1 =	sadd.s32 $0x1000, s1;
	s14 =	smov.u32 s31  }
0x3d2: {  	[hbm4b:s30+s29] =	stream.linear.scatter [tilespmem:s16], [sflag:$0x4], $0x80, $0x38;
	[tilespmem:$0x11A00] =	vst v63  }
0x3d3: {  	s14 =	sadd.s32 $0xF800, s0  }
0x3d4: {  	[hbm4b:s1+s29] =	stream.linear.scatter [tilespmem:s14], [sflag:$0x4], $0x80, $0x38;
	[tilespmem:$0x11A00] =	vst v63  }
0x3d5: {  	s30 =	sadd.s32 $0xF888, s0;
	s31 =	sadd.s32 $0x10, s1  }
0x3d6: {  	[hbm4b:s31+s29] =	stream.linear.scatter [tilespmem:s30], [sflag:$0x4], $0x80, $0x38;
	[tilespmem:$0x11A00] =	vst v63  }
0x3d7: {  	s16 =	sadd.s32 $0xF910, s0;
	s22 =	sadd.s32 $0x20, s1  }
0x3d8: {  	[hbm4b:s22+s29] =	stream.linear.scatter [tilespmem:s16], [sflag:$0x4], $0x80, $0x38;
	[tilespmem:$0x11A00] =	vst v63  }
0x3d9: {  	s30 =	sadd.s32 $0xF998, s0;
	s31 =	sadd.s32 $0x30, s1  }
0x3da: {  	[hbm4b:s31+s29] =	stream.linear.scatter [tilespmem:s30], [sflag:$0x4], $0x80, $0x38;
	[tilespmem:$0x11A00] =	vst v63  }
0x3db: {  	s16 =	sadd.s32 $0xFA20, s0;
	s22 =	sadd.s32 $0x40, s1  }
0x3dc: {  	[hbm4b:s22+s29] =	stream.linear.scatter [tilespmem:s16], [sflag:$0x4], $0x80, $0x38;
	[tilespmem:$0x11A00] =	vst v63  }
0x3dd: {  	s30 =	sadd.s32 $0xFAA8, s0;
	s31 =	sadd.s32 $0x50, s1  }
0x3de: {  	[hbm4b:s31+s29] =	stream.linear.scatter [tilespmem:s30], [sflag:$0x4], $0x80, $0x38;
	[tilespmem:$0x11A00] =	vst v63  }
0x3df: {  	s16 =	sadd.s32 $0xFB30, s0;
	s22 =	sadd.s32 $0x60, s1  }
0x3e0: {  	[hbm4b:s22+s29] =	stream.linear.scatter [tilespmem:s16], [sflag:$0x4], $0x80, $0x38;
	[tilespmem:$0x11A00] =	vst v63  }
0x3e1: {  	s30 =	sadd.s32 $0xFBB8, s0;
	s31 =	sadd.s32 $0x70, s1  }
0x3e2: {  	[hbm4b:s31+s29] =	stream.linear.scatter [tilespmem:s30], [sflag:$0x4], $0x80, $0x38;
	[tilespmem:$0x11A00] =	vst v63  }
.LBB2_10:
0x3e3: {  	s0 =	sshll.u32 s29, $0x1  }
0x3e4: {  	_ =	swait.ge [sflag:s18], $0x2000;
	s30 =	sadd.s32 $0x3, s0  }
0x3e5: {  	[sflag:s18] =	ssyncset.done $0x0;
	s1 =	sshll.u32 s30, $0x7  }
0x3e6: {  	[sflag:s18] =	ssyncadd.s32 $0xFFFFE000;
	s1 =	sand.u32 $0x3FFFFF80, s1  }
0x3e7: {  	[tilespmem:s19], [sflag:$0x2] =	stream.indirect.gather [hbm4b:s5+s13], $0x40, s1, s13, $0xb8;
	[tilespmem:$0x11A00] =	vst v63  }
0x3e8: {  	s31 =	sadd.s32 $0x2, s0;
	s1 =	simm.s32 $0x0;
	_ =	swait.ge [sflag:s24], $0x2000  }
0x3e9: {  	s14 =	sshll.u32 s31, $0x6;
	v33 =	vmov s1;
	[sflag:s24] =	ssyncset.done $0x0  }
0x3ea: {  	s16 =	sand.u32 $0x3FFFFF80, s14;
	v33 =	vshrl.u32 v33, $0x3;
	[sflag:s24] =	ssyncadd.s32 $0xFFFFE000  }
0x3eb: {  	s1 =	simm.s32 $0x9700;
	v33 =	vshll.u32 v33, v1;
	v35 =	vld [tilespmem:s16+$0x6400]  }
0x3ec: {  	v37 =	vld [tilespmem:s1+$0xFFFFFF00];
	v38 =	vbroadcast v33, $0x0;
	_ =	sdelay $0x1  }
0x3ed: {  	v39 =	vadd.s32 v0, v38;
	_ =	sdelay $0x2  }
0x3ee: {  	v36 =	vld [tilespmem:s16+$0x6410];
	v37 =	vadd.f32 v37, v35  }
0x3ef: {  	v34 =	vld [tilespmem:s16+$0x6420]  }
0x3f0: {  	v33 =	vld [tilespmem:s16+$0x6430];
	[tilespmem:v39+s20+$0x0] =	vst.idx.msk $0xffff, v37  }
0x3f1: {  	v37 =	vld [tilespmem:s1+$0xFFFFFF10];
	_ =	sdelay $0x1  }
0x3f2: {  	v48 =	vadd.s32 v2, v38;
	_ =	sdelay $0x2  }
0x3f3: {  	v37 =	vadd.f32 v37, v36;
	_ =	sdelay $0x1  }
0x3f4: {  	[tilespmem:v48+s20+$0x0] =	vst.idx.msk $0xffff, v37  }
0x3f5: {  	v37 =	vld [tilespmem:s1+$0xFFFFFF20];
	_ =	sdelay $0x1  }
0x3f6: {  	v49 =	vadd.s32 v3, v38;
	_ =	sdelay $0x2  }
0x3f7: {  	v37 =	vadd.f32 v37, v34;
	_ =	sdelay $0x1  }
0x3f8: {  	[tilespmem:v49+s20+$0x0] =	vst.idx.msk $0xffff, v37  }
0x3f9: {  	v37 =	vld [tilespmem:s1+$0xFFFFFF30];
	_ =	sdelay $0x1  }
0x3fa: {  	v38 =	vadd.s32 v4, v38;
	_ =	sdelay $0x1  }
0x3fb: {  	s22 =	simm.s32 $0x1  }
0x3fc: {  	v50 =	vmov s22;
	v37 =	vadd.f32 v37, v33  }
0x3fd: {  	v39 =	vshrl.u32 v50, $0x3  }
0x3fe: {  	v51 =	vshll.u32 v39, v1;
	[tilespmem:v38+s20+$0x0] =	vst.idx.msk $0xffff, v37  }
0x3ff: {  	v37 =	vbroadcast v51, $0x0;
	v38 =	vld [tilespmem:s1+$0xFFFFFF40];
	_ =	sdelay $0x1  }
0x400: {  	v52 =	vadd.s32 v5, v37;
	_ =	sdelay $0x2  }
0x401: {  	v38 =	vadd.f32 v38, v35;
	_ =	sdelay $0x1  }
0x402: {  	[tilespmem:v52+s20+$0x0] =	vst.idx.msk $0xffff, v38  }
0x403: {  	v38 =	vld [tilespmem:s1+$0xFFFFFF50];
	_ =	sdelay $0x1  }
0x404: {  	v53 =	vadd.s32 v6, v37;
	_ =	sdelay $0x2  }
0x405: {  	v38 =	vadd.f32 v38, v36;
	_ =	sdelay $0x1  }
0x406: {  	[tilespmem:v53+s20+$0x0] =	vst.idx.msk $0xffff, v38  }
0x407: {  	v38 =	vld [tilespmem:s1+$0xFFFFFF60];
	_ =	sdelay $0x1  }
0x408: {  	v54 =	vadd.s32 v7, v37;
	_ =	sdelay $0x2  }
0x409: {  	v38 =	vadd.f32 v38, v34;
	_ =	sdelay $0x1  }
0x40a: {  	[tilespmem:v54+s20+$0x0] =	vst.idx.msk $0xffff, v38  }
0x40b: {  	v38 =	vld [tilespmem:s1+$0xFFFFFF70];
	_ =	sdelay $0x1  }
0x40c: {  	v37 =	vadd.s32 v8, v37;
	_ =	sdelay $0x1  }
0x40d: {  	s14 =	simm.s32 $0x2  }
0x40e: {  	v55 =	vmov s14;
	v38 =	vadd.f32 v38, v33  }
0x40f: {  	v39 =	vshrl.u32 v55, $0x3  }
0x410: {  	v56 =	vshll.u32 v39, v1;
	[tilespmem:v37+s20+$0x0] =	vst.idx.msk $0xffff, v38  }
0x411: {  	v37 =	vbroadcast v56, $0x0;
	v38 =	vld [tilespmem:s1+$0xFFFFFF80];
	_ =	sdelay $0x1  }
0x412: {  	v57 =	vadd.s32 v9, v37;
	_ =	sdelay $0x2  }
0x413: {  	v38 =	vadd.f32 v38, v35;
	_ =	sdelay $0x1  }
0x414: {  	[tilespmem:v57+s20+$0x0] =	vst.idx.msk $0xffff, v38  }
0x415: {  	v38 =	vld [tilespmem:s1+$0xFFFFFF90];
	_ =	sdelay $0x1  }
0x416: {  	v58 =	vadd.s32 v10, v37;
	_ =	sdelay $0x2  }
0x417: {  	v38 =	vadd.f32 v38, v36;
	_ =	sdelay $0x1  }
0x418: {  	[tilespmem:v58+s20+$0x0] =	vst.idx.msk $0xffff, v38  }
0x419: {  	v38 =	vld [tilespmem:s1+$0xFFFFFFA0];
	_ =	sdelay $0x1  }
0x41a: {  	v59 =	vadd.s32 v11, v37;
	_ =	sdelay $0x2  }
0x41b: {  	v38 =	vadd.f32 v38, v34;
	_ =	sdelay $0x1  }
0x41c: {  	[tilespmem:v59+s20+$0x0] =	vst.idx.msk $0xffff, v38  }
0x41d: {  	v38 =	vld [tilespmem:s1+$0xFFFFFFB0];
	_ =	sdelay $0x1  }
0x41e: {  	v37 =	vadd.s32 v12, v37;
	_ =	sdelay $0x1  }
0x41f: {  	s16 =	simm.s32 $0x3  }
0x420: {  	v60 =	vmov s16;
	v38 =	vadd.f32 v38, v33  }
0x421: {  	v39 =	vshrl.u32 v60, $0x3  }
0x422: {  	v61 =	vshll.u32 v39, v1;
	[tilespmem:v37+s20+$0x0] =	vst.idx.msk $0xffff, v38  }
0x423: {  	v37 =	vbroadcast v61, $0x0;
	v38 =	vld [tilespmem:s1+$0xFFFFFFC0];
	_ =	sdelay $0x1  }
0x424: {  	v62 =	vadd.s32 v13, v37;
	_ =	sdelay $0x2  }
0x425: {  	v38 =	vadd.f32 v38, v35;
	_ =	sdelay $0x1  }
0x426: {  	[tilespmem:v62+s20+$0x0] =	vst.idx.msk $0xffff, v38  }
0x427: {  	v38 =	vld [tilespmem:s1+$0xFFFFFFD0];
	_ =	sdelay $0x1  }
0x428: {  	v63 =	vadd.s32 v14, v37;
	_ =	sdelay $0x2  }
0x429: {  	v38 =	vadd.f32 v38, v36;
	_ =	sdelay $0x1  }
0x42a: {  	[tilespmem:v63+s20+$0x0] =	vst.idx.msk $0xffff, v38  }
0x42b: {  	v38 =	vld [tilespmem:s1+$0xFFFFFFE0];
	_ =	sdelay $0x1  }
0x42c: {  	v42 =	vadd.s32 v15, v37;
	_ =	sdelay $0x2  }
0x42d: {  	v38 =	vadd.f32 v38, v34;
	_ =	sdelay $0x1  }
0x42e: {  	[tilespmem:v42+s20+$0x0] =	vst.idx.msk $0xffff, v38  }
0x42f: {  	v38 =	vld [tilespmem:s1+$0xFFFFFFF0];
	_ =	sdelay $0x1  }
0x430: {  	v37 =	vadd.s32 v16, v37;
	_ =	sdelay $0x1  }
0x431: {  	s22 =	simm.s32 $0x4  }
0x432: {  	v43 =	vmov s22;
	v38 =	vadd.f32 v38, v33  }
0x433: {  	v39 =	vshrl.u32 v43, $0x3  }
0x434: {  	v44 =	vshll.u32 v39, v1;
	[tilespmem:v37+s20+$0x0] =	vst.idx.msk $0xffff, v38  }
0x435: {  	v37 =	vbroadcast v44, $0x0;
	v38 =	vld [tilespmem:s1+$0x0];
	_ =	sdelay $0x1  }
0x436: {  	v45 =	vadd.s32 v17, v37;
	_ =	sdelay $0x2  }
0x437: {  	v38 =	vadd.f32 v38, v35;
	_ =	sdelay $0x1  }
0x438: {  	[tilespmem:v45+s20+$0x0] =	vst.idx.msk $0xffff, v38  }
0x439: {  	v38 =	vld [tilespmem:s1+$0x10];
	_ =	sdelay $0x1  }
0x43a: {  	v46 =	vadd.s32 v18, v37;
	_ =	sdelay $0x2  }
0x43b: {  	v38 =	vadd.f32 v38, v36;
	_ =	sdelay $0x1  }
0x43c: {  	[tilespmem:v46+s20+$0x0] =	vst.idx.msk $0xffff, v38  }
0x43d: {  	v38 =	vld [tilespmem:s1+$0x20];
	_ =	sdelay $0x1  }
0x43e: {  	v47 =	vadd.s32 v19, v37;
	_ =	sdelay $0x2  }
0x43f: {  	v38 =	vadd.f32 v38, v34;
	_ =	sdelay $0x1  }
0x440: {  	[tilespmem:v47+s20+$0x0] =	vst.idx.msk $0xffff, v38  }
0x441: {  	v38 =	vld [tilespmem:s1+$0x30];
	_ =	sdelay $0x1  }
0x442: {  	v37 =	vadd.s32 v20, v37;
	_ =	sdelay $0x1  }
0x443: {  	s14 =	simm.s32 $0x5  }
0x444: {  	v48 =	vmov s14;
	v38 =	vadd.f32 v38, v33  }
0x445: {  	v39 =	vshrl.u32 v48, $0x3  }
0x446: {  	v49 =	vshll.u32 v39, v1;
	[tilespmem:v37+s20+$0x0] =	vst.idx.msk $0xffff, v38  }
0x447: {  	v37 =	vbroadcast v49, $0x0;
	v38 =	vld [tilespmem:s1+$0x40];
	_ =	sdelay $0x1  }
0x448: {  	v50 =	vadd.s32 v21, v37;
	_ =	sdelay $0x2  }
0x449: {  	v38 =	vadd.f32 v38, v35;
	_ =	sdelay $0x1  }
0x44a: {  	[tilespmem:v50+s20+$0x0] =	vst.idx.msk $0xffff, v38  }
0x44b: {  	v38 =	vld [tilespmem:s1+$0x50];
	_ =	sdelay $0x1  }
0x44c: {  	v51 =	vadd.s32 v22, v37;
	_ =	sdelay $0x2  }
0x44d: {  	v38 =	vadd.f32 v38, v36;
	_ =	sdelay $0x1  }
0x44e: {  	[tilespmem:v51+s20+$0x0] =	vst.idx.msk $0xffff, v38  }
0x44f: {  	v38 =	vld [tilespmem:s1+$0x60];
	_ =	sdelay $0x1  }
0x450: {  	v52 =	vadd.s32 v23, v37;
	_ =	sdelay $0x2  }
0x451: {  	v38 =	vadd.f32 v38, v34;
	_ =	sdelay $0x1  }
0x452: {  	[tilespmem:v52+s20+$0x0] =	vst.idx.msk $0xffff, v38  }
0x453: {  	v38 =	vld [tilespmem:s1+$0x70];
	_ =	sdelay $0x1  }
0x454: {  	v37 =	vadd.s32 v24, v37;
	_ =	sdelay $0x1  }
0x455: {  	s16 =	simm.s32 $0x6  }
0x456: {  	v53 =	vmov s16;
	v38 =	vadd.f32 v38, v33  }
0x457: {  	v39 =	vshrl.u32 v53, $0x3  }
0x458: {  	v54 =	vshll.u32 v39, v1;
	[tilespmem:v37+s20+$0x0] =	vst.idx.msk $0xffff, v38  }
0x459: {  	v37 =	vbroadcast v54, $0x0;
	v38 =	vld [tilespmem:s1+$0x80];
	_ =	sdelay $0x1  }
0x45a: {  	v55 =	vadd.s32 v25, v37;
	_ =	sdelay $0x2  }
0x45b: {  	v38 =	vadd.f32 v38, v35;
	_ =	sdelay $0x1  }
0x45c: {  	[tilespmem:v55+s20+$0x0] =	vst.idx.msk $0xffff, v38  }
0x45d: {  	v38 =	vld [tilespmem:s1+$0x90];
	_ =	sdelay $0x1  }
0x45e: {  	v56 =	vadd.s32 v26, v37;
	_ =	sdelay $0x2  }
0x45f: {  	v38 =	vadd.f32 v38, v36;
	_ =	sdelay $0x1  }
0x460: {  	[tilespmem:v56+s20+$0x0] =	vst.idx.msk $0xffff, v38  }
0x461: {  	v38 =	vld [tilespmem:s1+$0xA0];
	_ =	sdelay $0x1  }
0x462: {  	v57 =	vadd.s32 v27, v37;
	_ =	sdelay $0x2  }
0x463: {  	v38 =	vadd.f32 v38, v34;
	_ =	sdelay $0x1  }
0x464: {  	[tilespmem:v57+s20+$0x0] =	vst.idx.msk $0xffff, v38  }
0x465: {  	v38 =	vld [tilespmem:s1+$0xB0];
	_ =	sdelay $0x1  }
0x466: {  	v37 =	vadd.s32 v28, v37;
	_ =	sdelay $0x1  }
0x467: {  	s22 =	simm.s32 $0x7  }
0x468: {  	v58 =	vmov s22;
	v38 =	vadd.f32 v38, v33  }
0x469: {  	v39 =	vshrl.u32 v58, $0x3  }
0x46a: {  	v59 =	vshll.u32 v39, v1;
	[tilespmem:v37+s20+$0x0] =	vst.idx.msk $0xffff, v38  }
0x46b: {  	v37 =	vbroadcast v59, $0x0;
	v38 =	vld [tilespmem:s1+$0xC0];
	_ =	sdelay $0x1  }
0x46c: {  	v60 =	vadd.s32 v29, v37;
	_ =	sdelay $0x2  }
0x46d: {  	v38 =	vadd.f32 v38, v35;
	_ =	sdelay $0x1  }
0x46e: {  	[tilespmem:v60+s20+$0x0] =	vst.idx.msk $0xffff, v38  }
0x46f: {  	v38 =	vld [tilespmem:s1+$0xD0];
	_ =	sdelay $0x1  }
0x470: {  	v61 =	vadd.s32 v30, v37;
	_ =	sdelay $0x2  }
0x471: {  	v38 =	vadd.f32 v38, v36;
	_ =	sdelay $0x1  }
0x472: {  	[tilespmem:v61+s20+$0x0] =	vst.idx.msk $0xffff, v38  }
0x473: {  	v38 =	vld [tilespmem:s1+$0xE0];
	_ =	sdelay $0x1  }
0x474: {  	v62 =	vadd.s32 v31, v37;
	_ =	sdelay $0x2  }
0x475: {  	v38 =	vadd.f32 v38, v34;
	_ =	sdelay $0x1  }
0x476: {  	[tilespmem:v62+s20+$0x0] =	vst.idx.msk $0xffff, v38  }
0x477: {  	v38 =	vld [tilespmem:s1+$0xF0];
	_ =	sdelay $0x1  }
0x478: {  	v37 =	vadd.s32 v32, v37  }
0x479: {  	s0 =	simm.s32 $0x8  }
0x47a: {  	v63 =	vmov s0  }
0x47b: {  	s14 =	simm.s32 $0x10;
	v39 =	vshrl.u32 v63, $0x3;
	v38 =	vadd.f32 v38, v33  }
.LBB2_11:
0x47c: {  	p0 =	slt.u32 s14, $0x78  }
0x47d: {  	v39 =	vshll.u32 v39, v1;
	[tilespmem:v37+s20+$0x0] =	vst.idx.msk $0xffff, v38;
	s1 =	sadd.s32 $0x200, s1;
	s16 =	smov.u32 s14;
	s14 =	sadd.s32 $0x8, s14  }
0x47e: {  	v37 =	vld [tilespmem:s1+$0xFFFFFF00];
	v38 =	vbroadcast v39, $0x0;
	_ =	sdelay $0x1  }
0x47f: {  	v39 =	vadd.s32 v0, v38;
	_ =	sdelay $0x2  }
0x480: {  	v37 =	vadd.f32 v37, v35;
	_ =	sdelay $0x1  }
0x481: {  	[tilespmem:v39+s20+$0x0] =	vst.idx.msk $0xffff, v37  }
0x482: {  	v37 =	vld [tilespmem:s1+$0xFFFFFF10];
	_ =	sdelay $0x1  }
0x483: {  	v39 =	vadd.s32 v2, v38;
	_ =	sdelay $0x2  }
0x484: {  	v37 =	vadd.f32 v37, v36;
	_ =	sdelay $0x1  }
0x485: {  	[tilespmem:v39+s20+$0x0] =	vst.idx.msk $0xffff, v37  }
0x486: {  	v37 =	vld [tilespmem:s1+$0xFFFFFF20];
	_ =	sdelay $0x1  }
0x487: {  	v39 =	vadd.s32 v3, v38;
	_ =	sdelay $0x2  }
0x488: {  	v37 =	vadd.f32 v37, v34;
	_ =	sdelay $0x1  }
0x489: {  	[tilespmem:v39+s20+$0x0] =	vst.idx.msk $0xffff, v37  }
0x48a: {  	v37 =	vld [tilespmem:s1+$0xFFFFFF30];
	_ =	sdelay $0x1  }
0x48b: {  	v38 =	vadd.s32 v4, v38;
	_ =	sdelay $0x1  }
0x48c: {  	s22 =	sadd.s32 $0x1, s0  }
0x48d: {  	v39 =	vmov s22;
	v37 =	vadd.f32 v37, v33  }
0x48e: {  	v39 =	vshrl.u32 v39, $0x3  }
0x48f: {  	[tilespmem:v38+s20+$0x0] =	vst.idx.msk $0xffff, v37;
	v37 =	vshll.u32 v39, v1  }
0x490: {  	v38 =	vld [tilespmem:s1+$0xFFFFFF40];
	v37 =	vbroadcast v37, $0x0;
	_ =	sdelay $0x1  }
0x491: {  	v39 =	vadd.s32 v5, v37;
	_ =	sdelay $0x2  }
0x492: {  	v38 =	vadd.f32 v38, v35;
	_ =	sdelay $0x1  }
0x493: {  	[tilespmem:v39+s20+$0x0] =	vst.idx.msk $0xffff, v38  }
0x494: {  	v38 =	vld [tilespmem:s1+$0xFFFFFF50];
	_ =	sdelay $0x1  }
0x495: {  	v39 =	vadd.s32 v6, v37;
	_ =	sdelay $0x2  }
0x496: {  	v38 =	vadd.f32 v38, v36;
	_ =	sdelay $0x1  }
0x497: {  	[tilespmem:v39+s20+$0x0] =	vst.idx.msk $0xffff, v38  }
0x498: {  	v38 =	vld [tilespmem:s1+$0xFFFFFF60];
	_ =	sdelay $0x1  }
0x499: {  	v39 =	vadd.s32 v7, v37;
	_ =	sdelay $0x2  }
0x49a: {  	v38 =	vadd.f32 v38, v34;
	_ =	sdelay $0x1  }
0x49b: {  	[tilespmem:v39+s20+$0x0] =	vst.idx.msk $0xffff, v38  }
0x49c: {  	v38 =	vld [tilespmem:s1+$0xFFFFFF70];
	_ =	sdelay $0x1  }
0x49d: {  	v37 =	vadd.s32 v8, v37;
	_ =	sdelay $0x1  }
0x49e: {  	s22 =	sadd.s32 $0x2, s0  }
0x49f: {  	v39 =	vmov s22;
	v38 =	vadd.f32 v38, v33  }
0x4a0: {  	v39 =	vshrl.u32 v39, $0x3  }
0x4a1: {  	[tilespmem:v37+s20+$0x0] =	vst.idx.msk $0xffff, v38;
	v37 =	vshll.u32 v39, v1  }
0x4a2: {  	v38 =	vld [tilespmem:s1+$0xFFFFFF80];
	v37 =	vbroadcast v37, $0x0;
	_ =	sdelay $0x1  }
0x4a3: {  	v39 =	vadd.s32 v9, v37;
	_ =	sdelay $0x2  }
0x4a4: {  	v38 =	vadd.f32 v38, v35;
	_ =	sdelay $0x1  }
0x4a5: {  	[tilespmem:v39+s20+$0x0] =	vst.idx.msk $0xffff, v38  }
0x4a6: {  	v38 =	vld [tilespmem:s1+$0xFFFFFF90];
	_ =	sdelay $0x1  }
0x4a7: {  	v39 =	vadd.s32 v10, v37;
	_ =	sdelay $0x2  }
0x4a8: {  	v38 =	vadd.f32 v38, v36;
	_ =	sdelay $0x1  }
0x4a9: {  	[tilespmem:v39+s20+$0x0] =	vst.idx.msk $0xffff, v38  }
0x4aa: {  	v38 =	vld [tilespmem:s1+$0xFFFFFFA0];
	_ =	sdelay $0x1  }
0x4ab: {  	v39 =	vadd.s32 v11, v37;
	_ =	sdelay $0x2  }
0x4ac: {  	v38 =	vadd.f32 v38, v34;
	_ =	sdelay $0x1  }
0x4ad: {  	[tilespmem:v39+s20+$0x0] =	vst.idx.msk $0xffff, v38  }
0x4ae: {  	v38 =	vld [tilespmem:s1+$0xFFFFFFB0];
	_ =	sdelay $0x1  }
0x4af: {  	v37 =	vadd.s32 v12, v37;
	_ =	sdelay $0x1  }
0x4b0: {  	s22 =	sadd.s32 $0x3, s0  }
0x4b1: {  	v39 =	vmov s22;
	v38 =	vadd.f32 v38, v33  }
0x4b2: {  	v39 =	vshrl.u32 v39, $0x3  }
0x4b3: {  	[tilespmem:v37+s20+$0x0] =	vst.idx.msk $0xffff, v38;
	v37 =	vshll.u32 v39, v1  }
0x4b4: {  	v38 =	vld [tilespmem:s1+$0xFFFFFFC0];
	v37 =	vbroadcast v37, $0x0;
	_ =	sdelay $0x1  }
0x4b5: {  	v39 =	vadd.s32 v13, v37;
	_ =	sdelay $0x2  }
0x4b6: {  	v38 =	vadd.f32 v38, v35;
	_ =	sdelay $0x1  }
0x4b7: {  	[tilespmem:v39+s20+$0x0] =	vst.idx.msk $0xffff, v38  }
0x4b8: {  	v38 =	vld [tilespmem:s1+$0xFFFFFFD0];
	_ =	sdelay $0x1  }
0x4b9: {  	v39 =	vadd.s32 v14, v37;
	_ =	sdelay $0x2  }
0x4ba: {  	v38 =	vadd.f32 v38, v36;
	_ =	sdelay $0x1  }
0x4bb: {  	[tilespmem:v39+s20+$0x0] =	vst.idx.msk $0xffff, v38  }
0x4bc: {  	v38 =	vld [tilespmem:s1+$0xFFFFFFE0];
	_ =	sdelay $0x1  }
0x4bd: {  	v39 =	vadd.s32 v15, v37;
	_ =	sdelay $0x2  }
0x4be: {  	v38 =	vadd.f32 v38, v34;
	_ =	sdelay $0x1  }
0x4bf: {  	[tilespmem:v39+s20+$0x0] =	vst.idx.msk $0xffff, v38  }
0x4c0: {  	v38 =	vld [tilespmem:s1+$0xFFFFFFF0];
	_ =	sdelay $0x1  }
0x4c1: {  	v37 =	vadd.s32 v16, v37;
	_ =	sdelay $0x1  }
0x4c2: {  	s22 =	sadd.s32 $0x4, s0  }
0x4c3: {  	v39 =	vmov s22;
	v38 =	vadd.f32 v38, v33  }
0x4c4: {  	v39 =	vshrl.u32 v39, $0x3  }
0x4c5: {  	[tilespmem:v37+s20+$0x0] =	vst.idx.msk $0xffff, v38;
	v37 =	vshll.u32 v39, v1  }
0x4c6: {  	v38 =	vld [tilespmem:s1+$0x0];
	v37 =	vbroadcast v37, $0x0;
	_ =	sdelay $0x1  }
0x4c7: {  	v39 =	vadd.s32 v17, v37;
	_ =	sdelay $0x2  }
0x4c8: {  	v38 =	vadd.f32 v38, v35;
	_ =	sdelay $0x1  }
0x4c9: {  	[tilespmem:v39+s20+$0x0] =	vst.idx.msk $0xffff, v38  }
0x4ca: {  	v38 =	vld [tilespmem:s1+$0x10];
	_ =	sdelay $0x1  }
0x4cb: {  	v39 =	vadd.s32 v18, v37;
	_ =	sdelay $0x2  }
0x4cc: {  	v38 =	vadd.f32 v38, v36;
	_ =	sdelay $0x1  }
0x4cd: {  	[tilespmem:v39+s20+$0x0] =	vst.idx.msk $0xffff, v38  }
0x4ce: {  	v38 =	vld [tilespmem:s1+$0x20];
	_ =	sdelay $0x1  }
0x4cf: {  	v39 =	vadd.s32 v19, v37;
	_ =	sdelay $0x2  }
0x4d0: {  	v38 =	vadd.f32 v38, v34;
	_ =	sdelay $0x1  }
0x4d1: {  	[tilespmem:v39+s20+$0x0] =	vst.idx.msk $0xffff, v38  }
0x4d2: {  	v38 =	vld [tilespmem:s1+$0x30];
	_ =	sdelay $0x1  }
0x4d3: {  	v37 =	vadd.s32 v20, v37;
	_ =	sdelay $0x1  }
0x4d4: {  	s22 =	sadd.s32 $0x5, s0  }
0x4d5: {  	v39 =	vmov s22;
	v38 =	vadd.f32 v38, v33  }
0x4d6: {  	v39 =	vshrl.u32 v39, $0x3  }
0x4d7: {  	[tilespmem:v37+s20+$0x0] =	vst.idx.msk $0xffff, v38;
	v37 =	vshll.u32 v39, v1  }
0x4d8: {  	v38 =	vld [tilespmem:s1+$0x40];
	v37 =	vbroadcast v37, $0x0;
	_ =	sdelay $0x1  }
0x4d9: {  	v39 =	vadd.s32 v21, v37;
	_ =	sdelay $0x2  }
0x4da: {  	v38 =	vadd.f32 v38, v35;
	_ =	sdelay $0x1  }
0x4db: {  	[tilespmem:v39+s20+$0x0] =	vst.idx.msk $0xffff, v38  }
0x4dc: {  	v38 =	vld [tilespmem:s1+$0x50];
	_ =	sdelay $0x1  }
0x4dd: {  	v39 =	vadd.s32 v22, v37;
	_ =	sdelay $0x2  }
0x4de: {  	v38 =	vadd.f32 v38, v36;
	_ =	sdelay $0x1  }
0x4df: {  	[tilespmem:v39+s20+$0x0] =	vst.idx.msk $0xffff, v38  }
0x4e0: {  	v38 =	vld [tilespmem:s1+$0x60];
	_ =	sdelay $0x1  }
0x4e1: {  	v39 =	vadd.s32 v23, v37;
	_ =	sdelay $0x2  }
0x4e2: {  	v38 =	vadd.f32 v38, v34;
	_ =	sdelay $0x1  }
0x4e3: {  	[tilespmem:v39+s20+$0x0] =	vst.idx.msk $0xffff, v38  }
0x4e4: {  	v38 =	vld [tilespmem:s1+$0x70];
	_ =	sdelay $0x1  }
0x4e5: {  	v37 =	vadd.s32 v24, v37;
	_ =	sdelay $0x1  }
0x4e6: {  	s22 =	sadd.s32 $0x6, s0  }
0x4e7: {  	v39 =	vmov s22;
	v38 =	vadd.f32 v38, v33  }
0x4e8: {  	v39 =	vshrl.u32 v39, $0x3  }
0x4e9: {  	[tilespmem:v37+s20+$0x0] =	vst.idx.msk $0xffff, v38;
	v37 =	vshll.u32 v39, v1  }
0x4ea: {  	v38 =	vld [tilespmem:s1+$0x80];
	v37 =	vbroadcast v37, $0x0;
	_ =	sdelay $0x1  }
0x4eb: {  	v39 =	vadd.s32 v25, v37;
	_ =	sdelay $0x2  }
0x4ec: {  	v38 =	vadd.f32 v38, v35;
	_ =	sdelay $0x1  }
0x4ed: {  	[tilespmem:v39+s20+$0x0] =	vst.idx.msk $0xffff, v38  }
0x4ee: {  	v38 =	vld [tilespmem:s1+$0x90];
	_ =	sdelay $0x1  }
0x4ef: {  	v39 =	vadd.s32 v26, v37;
	_ =	sdelay $0x2  }
0x4f0: {  	v38 =	vadd.f32 v38, v36;
	_ =	sdelay $0x1  }
0x4f1: {  	[tilespmem:v39+s20+$0x0] =	vst.idx.msk $0xffff, v38  }
0x4f2: {  	v38 =	vld [tilespmem:s1+$0xA0];
	_ =	sdelay $0x1  }
0x4f3: {  	v39 =	vadd.s32 v27, v37;
	_ =	sdelay $0x2  }
0x4f4: {  	v38 =	vadd.f32 v38, v34;
	_ =	sdelay $0x1  }
0x4f5: {  	[tilespmem:v39+s20+$0x0] =	vst.idx.msk $0xffff, v38  }
0x4f6: {  	v38 =	vld [tilespmem:s1+$0xB0];
	_ =	sdelay $0x1  }
0x4f7: {  	v37 =	vadd.s32 v28, v37;
	_ =	sdelay $0x1  }
0x4f8: {  	s22 =	sadd.s32 $0x7, s0;
	s0 =	smov.u32 s16  }
0x4f9: {  	v39 =	vmov s22;
	v38 =	vadd.f32 v38, v33  }
0x4fa: {  	v39 =	vshrl.u32 v39, $0x3  }
0x4fb: {  	[tilespmem:v37+s20+$0x0] =	vst.idx.msk $0xffff, v38;
	v37 =	vshll.u32 v39, v1  }
0x4fc: {  	v38 =	vld [tilespmem:s1+$0xC0];
	v37 =	vbroadcast v37, $0x0;
	_ =	sdelay $0x1  }
0x4fd: {  	v39 =	vadd.s32 v29, v37;
	_ =	sdelay $0x2  }
0x4fe: {  	v38 =	vadd.f32 v38, v35;
	_ =	sdelay $0x1  }
0x4ff: {  	[tilespmem:v39+s20+$0x0] =	vst.idx.msk $0xffff, v38  }
0x500: {  	v38 =	vld [tilespmem:s1+$0xD0];
	_ =	sdelay $0x1  }
0x501: {  	v39 =	vadd.s32 v30, v37;
	_ =	sdelay $0x2  }
0x502: {  	v38 =	vadd.f32 v38, v36;
	_ =	sdelay $0x1  }
0x503: {  	[tilespmem:v39+s20+$0x0] =	vst.idx.msk $0xffff, v38  }
0x504: {  	v38 =	vld [tilespmem:s1+$0xE0];
	_ =	sdelay $0x1  }
0x505: {  	v39 =	vadd.s32 v31, v37;
	_ =	sdelay $0x2  }
0x506: {  	v38 =	vadd.f32 v38, v34;
	_ =	sdelay $0x1  }
0x507: {  	[tilespmem:v39+s20+$0x0] =	vst.idx.msk $0xffff, v38  }
0x508: {  	v38 =	vld [tilespmem:s1+$0xF0];
	_ =	sdelay $0x1  }
.Ltmp4:
0x509: {  	v37 =	vadd.s32 v32, v37;
	(pc) =	sbr.rel @p0 .LBB2_11-.Ltmp4, $3  }
0x50a: {  	_ =	sdelay $0x1  }
0x50b: {  	v39 =	vmov s0;
	v38 =	vadd.f32 v38, v33  }
0x50c: {  	v39 =	vshrl.u32 v39, $0x3  }
0x50d: {  	_ =	sdelay $0x3  }
0x50e: {  	v39 =	vshll.u32 v39, v1;
	[tilespmem:v37+s20+$0x0] =	vst.idx.msk $0xffff, v38;
	s1 =	sadd.s32 $0x200, s1  }
0x50f: {  	v37 =	vld [tilespmem:s1+$0xFFFFFF00];
	v45 =	vbroadcast v39, $0x0;
	_ =	sdelay $0x1  }
0x510: {  	v39 =	vadd.s32 v0, v45;
	_ =	sdelay $0x2  }
0x511: {  	v37 =	vadd.f32 v37, v35;
	_ =	sdelay $0x1  }
0x512: {  	[tilespmem:v39+s20+$0x0] =	vst.idx.msk $0xffff, v37  }
0x513: {  	v37 =	vld [tilespmem:s1+$0xFFFFFF10];
	_ =	sdelay $0x1  }
0x514: {  	v46 =	vadd.s32 v2, v45;
	_ =	sdelay $0x2  }
0x515: {  	v37 =	vadd.f32 v37, v36;
	_ =	sdelay $0x1  }
0x516: {  	[tilespmem:v46+s20+$0x0] =	vst.idx.msk $0xffff, v37  }
0x517: {  	v37 =	vld [tilespmem:s1+$0xFFFFFF20];
	_ =	sdelay $0x1  }
0x518: {  	v47 =	vadd.s32 v3, v45;
	_ =	sdelay $0x2  }
0x519: {  	v37 =	vadd.f32 v37, v34;
	_ =	sdelay $0x1  }
0x51a: {  	[tilespmem:v47+s20+$0x0] =	vst.idx.msk $0xffff, v37  }
0x51b: {  	v37 =	vld [tilespmem:s1+$0xFFFFFF30];
	_ =	sdelay $0x1  }
0x51c: {  	v38 =	vadd.s32 v4, v45;
	_ =	sdelay $0x1  }
0x51d: {  	s14 =	sadd.s32 $0x1, s0  }
0x51e: {  	v48 =	vmov s14;
	v37 =	vadd.f32 v37, v33  }
0x51f: {  	v39 =	vshrl.u32 v48, $0x3  }
0x520: {  	v49 =	vshll.u32 v39, v1;
	[tilespmem:v38+s20+$0x0] =	vst.idx.msk $0xffff, v37  }
0x521: {  	v37 =	vbroadcast v49, $0x0;
	v38 =	vld [tilespmem:s1+$0xFFFFFF40];
	_ =	sdelay $0x1  }
0x522: {  	v50 =	vadd.s32 v5, v37;
	_ =	sdelay $0x2  }
0x523: {  	v38 =	vadd.f32 v38, v35;
	_ =	sdelay $0x1  }
0x524: {  	[tilespmem:v50+s20+$0x0] =	vst.idx.msk $0xffff, v38  }
0x525: {  	v38 =	vld [tilespmem:s1+$0xFFFFFF50];
	_ =	sdelay $0x1  }
0x526: {  	v51 =	vadd.s32 v6, v37;
	_ =	sdelay $0x2  }
0x527: {  	v38 =	vadd.f32 v38, v36;
	_ =	sdelay $0x1  }
0x528: {  	[tilespmem:v51+s20+$0x0] =	vst.idx.msk $0xffff, v38  }
0x529: {  	v38 =	vld [tilespmem:s1+$0xFFFFFF60];
	_ =	sdelay $0x1  }
0x52a: {  	v52 =	vadd.s32 v7, v37;
	_ =	sdelay $0x2  }
0x52b: {  	v38 =	vadd.f32 v38, v34;
	_ =	sdelay $0x1  }
0x52c: {  	[tilespmem:v52+s20+$0x0] =	vst.idx.msk $0xffff, v38  }
0x52d: {  	v38 =	vld [tilespmem:s1+$0xFFFFFF70];
	_ =	sdelay $0x1  }
0x52e: {  	v37 =	vadd.s32 v8, v37;
	_ =	sdelay $0x1  }
0x52f: {  	s16 =	sadd.s32 $0x2, s0  }
0x530: {  	v53 =	vmov s16;
	v38 =	vadd.f32 v38, v33  }
0x531: {  	v39 =	vshrl.u32 v53, $0x3  }
0x532: {  	v54 =	vshll.u32 v39, v1;
	[tilespmem:v37+s20+$0x0] =	vst.idx.msk $0xffff, v38  }
0x533: {  	v37 =	vbroadcast v54, $0x0;
	v38 =	vld [tilespmem:s1+$0xFFFFFF80];
	_ =	sdelay $0x1  }
0x534: {  	v55 =	vadd.s32 v9, v37;
	_ =	sdelay $0x2  }
0x535: {  	v38 =	vadd.f32 v38, v35;
	_ =	sdelay $0x1  }
0x536: {  	[tilespmem:v55+s20+$0x0] =	vst.idx.msk $0xffff, v38  }
0x537: {  	v38 =	vld [tilespmem:s1+$0xFFFFFF90];
	_ =	sdelay $0x1  }
0x538: {  	v56 =	vadd.s32 v10, v37;
	_ =	sdelay $0x2  }
0x539: {  	v38 =	vadd.f32 v38, v36;
	_ =	sdelay $0x1  }
0x53a: {  	[tilespmem:v56+s20+$0x0] =	vst.idx.msk $0xffff, v38  }
0x53b: {  	v38 =	vld [tilespmem:s1+$0xFFFFFFA0];
	_ =	sdelay $0x1  }
0x53c: {  	v57 =	vadd.s32 v11, v37;
	_ =	sdelay $0x2  }
0x53d: {  	v38 =	vadd.f32 v38, v34;
	_ =	sdelay $0x1  }
0x53e: {  	[tilespmem:v57+s20+$0x0] =	vst.idx.msk $0xffff, v38  }
0x53f: {  	v38 =	vld [tilespmem:s1+$0xFFFFFFB0];
	_ =	sdelay $0x1  }
0x540: {  	v37 =	vadd.s32 v12, v37;
	_ =	sdelay $0x1  }
0x541: {  	s22 =	sadd.s32 $0x3, s0  }
0x542: {  	v58 =	vmov s22;
	v38 =	vadd.f32 v38, v33  }
0x543: {  	v39 =	vshrl.u32 v58, $0x3  }
0x544: {  	v59 =	vshll.u32 v39, v1;
	[tilespmem:v37+s20+$0x0] =	vst.idx.msk $0xffff, v38  }
0x545: {  	v37 =	vbroadcast v59, $0x0;
	v38 =	vld [tilespmem:s1+$0xFFFFFFC0];
	_ =	sdelay $0x1  }
0x546: {  	v60 =	vadd.s32 v13, v37;
	_ =	sdelay $0x2  }
0x547: {  	v38 =	vadd.f32 v38, v35;
	_ =	sdelay $0x1  }
0x548: {  	[tilespmem:v60+s20+$0x0] =	vst.idx.msk $0xffff, v38  }
0x549: {  	v38 =	vld [tilespmem:s1+$0xFFFFFFD0];
	_ =	sdelay $0x1  }
0x54a: {  	v61 =	vadd.s32 v14, v37;
	_ =	sdelay $0x2  }
0x54b: {  	v38 =	vadd.f32 v38, v36;
	_ =	sdelay $0x1  }
0x54c: {  	[tilespmem:v61+s20+$0x0] =	vst.idx.msk $0xffff, v38  }
0x54d: {  	v38 =	vld [tilespmem:s1+$0xFFFFFFE0];
	_ =	sdelay $0x1  }
0x54e: {  	v62 =	vadd.s32 v15, v37;
	_ =	sdelay $0x2  }
0x54f: {  	v38 =	vadd.f32 v38, v34;
	_ =	sdelay $0x1  }
0x550: {  	[tilespmem:v62+s20+$0x0] =	vst.idx.msk $0xffff, v38  }
0x551: {  	v38 =	vld [tilespmem:s1+$0xFFFFFFF0];
	_ =	sdelay $0x1  }
0x552: {  	v37 =	vadd.s32 v16, v37;
	_ =	sdelay $0x1  }
0x553: {  	s16 =	sadd.s32 $0x4, s0  }
0x554: {  	v63 =	vmov s16;
	v38 =	vadd.f32 v38, v33  }
0x555: {  	v39 =	vshrl.u32 v63, $0x3  }
0x556: {  	v41 =	vshll.u32 v39, v1;
	[tilespmem:v37+s20+$0x0] =	vst.idx.msk $0xffff, v38  }
0x557: {  	v37 =	vbroadcast v41, $0x0;
	v38 =	vld [tilespmem:s1+$0x0];
	_ =	sdelay $0x1  }
0x558: {  	v42 =	vadd.s32 v17, v37;
	_ =	sdelay $0x2  }
0x559: {  	v38 =	vadd.f32 v38, v35;
	_ =	sdelay $0x1  }
0x55a: {  	[tilespmem:v42+s20+$0x0] =	vst.idx.msk $0xffff, v38  }
0x55b: {  	v38 =	vld [tilespmem:s1+$0x10];
	_ =	sdelay $0x1  }
0x55c: {  	v43 =	vadd.s32 v18, v37;
	_ =	sdelay $0x2  }
0x55d: {  	v38 =	vadd.f32 v38, v36;
	_ =	sdelay $0x1  }
0x55e: {  	[tilespmem:v43+s20+$0x0] =	vst.idx.msk $0xffff, v38  }
0x55f: {  	v38 =	vld [tilespmem:s1+$0x20];
	_ =	sdelay $0x1  }
0x560: {  	v44 =	vadd.s32 v19, v37;
	_ =	sdelay $0x2  }
0x561: {  	v38 =	vadd.f32 v38, v34;
	_ =	sdelay $0x1  }
0x562: {  	[tilespmem:v44+s20+$0x0] =	vst.idx.msk $0xffff, v38  }
0x563: {  	v38 =	vld [tilespmem:s1+$0x30];
	_ =	sdelay $0x1  }
0x564: {  	v37 =	vadd.s32 v20, v37;
	_ =	sdelay $0x1  }
0x565: {  	s22 =	sadd.s32 $0x5, s0  }
0x566: {  	v45 =	vmov s22;
	v38 =	vadd.f32 v38, v33  }
0x567: {  	v39 =	vshrl.u32 v45, $0x3  }
0x568: {  	v46 =	vshll.u32 v39, v1;
	[tilespmem:v37+s20+$0x0] =	vst.idx.msk $0xffff, v38  }
0x569: {  	v37 =	vbroadcast v46, $0x0;
	v38 =	vld [tilespmem:s1+$0x40];
	_ =	sdelay $0x1  }
0x56a: {  	v47 =	vadd.s32 v21, v37;
	_ =	sdelay $0x2  }
0x56b: {  	v38 =	vadd.f32 v38, v35;
	_ =	sdelay $0x1  }
0x56c: {  	[tilespmem:v47+s20+$0x0] =	vst.idx.msk $0xffff, v38  }
0x56d: {  	v38 =	vld [tilespmem:s1+$0x50];
	_ =	sdelay $0x1  }
0x56e: {  	v48 =	vadd.s32 v22, v37;
	_ =	sdelay $0x2  }
0x56f: {  	v38 =	vadd.f32 v38, v36;
	_ =	sdelay $0x1  }
0x570: {  	[tilespmem:v48+s20+$0x0] =	vst.idx.msk $0xffff, v38  }
0x571: {  	v38 =	vld [tilespmem:s1+$0x60];
	_ =	sdelay $0x1  }
0x572: {  	v49 =	vadd.s32 v23, v37;
	_ =	sdelay $0x2  }
0x573: {  	v38 =	vadd.f32 v38, v34;
	_ =	sdelay $0x1  }
0x574: {  	[tilespmem:v49+s20+$0x0] =	vst.idx.msk $0xffff, v38  }
0x575: {  	v38 =	vld [tilespmem:s1+$0x70];
	_ =	sdelay $0x1  }
0x576: {  	v37 =	vadd.s32 v24, v37;
	_ =	sdelay $0x1  }
0x577: {  	s16 =	sadd.s32 $0x6, s0  }
0x578: {  	v50 =	vmov s16;
	v38 =	vadd.f32 v38, v33  }
0x579: {  	v39 =	vshrl.u32 v50, $0x3  }
0x57a: {  	v51 =	vshll.u32 v39, v1;
	[tilespmem:v37+s20+$0x0] =	vst.idx.msk $0xffff, v38  }
0x57b: {  	v37 =	vbroadcast v51, $0x0;
	v38 =	vld [tilespmem:s1+$0x80];
	_ =	sdelay $0x1  }
0x57c: {  	v52 =	vadd.s32 v25, v37;
	_ =	sdelay $0x2  }
0x57d: {  	v38 =	vadd.f32 v38, v35;
	_ =	sdelay $0x1  }
0x57e: {  	[tilespmem:v52+s20+$0x0] =	vst.idx.msk $0xffff, v38  }
0x57f: {  	v38 =	vld [tilespmem:s1+$0x90];
	_ =	sdelay $0x1  }
0x580: {  	v53 =	vadd.s32 v26, v37;
	_ =	sdelay $0x2  }
0x581: {  	v38 =	vadd.f32 v38, v36;
	_ =	sdelay $0x1  }
0x582: {  	[tilespmem:v53+s20+$0x0] =	vst.idx.msk $0xffff, v38  }
0x583: {  	v38 =	vld [tilespmem:s1+$0xA0];
	_ =	sdelay $0x1  }
0x584: {  	v54 =	vadd.s32 v27, v37;
	_ =	sdelay $0x2  }
0x585: {  	v38 =	vadd.f32 v38, v34;
	_ =	sdelay $0x1  }
0x586: {  	[tilespmem:v54+s20+$0x0] =	vst.idx.msk $0xffff, v38  }
0x587: {  	v38 =	vld [tilespmem:s1+$0xB0];
	_ =	sdelay $0x1  }
0x588: {  	v37 =	vadd.s32 v28, v37;
	_ =	sdelay $0x1  }
0x589: {  	s22 =	sadd.s32 $0x7, s0  }
0x58a: {  	v55 =	vmov s22;
	v38 =	vadd.f32 v38, v33  }
0x58b: {  	v39 =	vshrl.u32 v55, $0x3  }
0x58c: {  	v56 =	vshll.u32 v39, v1;
	[tilespmem:v37+s20+$0x0] =	vst.idx.msk $0xffff, v38  }
0x58d: {  	v37 =	vbroadcast v56, $0x0;
	v38 =	vld [tilespmem:s1+$0xC0];
	_ =	sdelay $0x1  }
0x58e: {  	v57 =	vadd.s32 v29, v37;
	_ =	sdelay $0x2  }
0x58f: {  	v58 =	vadd.f32 v38, v35;
	_ =	sdelay $0x1  }
0x590: {  	[tilespmem:v57+s20+$0x0] =	vst.idx.msk $0xffff, v58  }
0x591: {  	v35 =	vld [tilespmem:s1+$0xD0];
	_ =	sdelay $0x1  }
0x592: {  	v59 =	vadd.s32 v30, v37;
	_ =	sdelay $0x2  }
0x593: {  	v35 =	vadd.f32 v35, v36;
	_ =	sdelay $0x1  }
0x594: {  	[tilespmem:v59+s20+$0x0] =	vst.idx.msk $0xffff, v35  }
0x595: {  	v35 =	vld [tilespmem:s1+$0xE0];
	_ =	sdelay $0x1  }
0x596: {  	v60 =	vadd.s32 v31, v37;
	_ =	sdelay $0x2  }
0x597: {  	v61 =	vadd.f32 v35, v34;
	_ =	sdelay $0x1  }
0x598: {  	[tilespmem:v60+s20+$0x0] =	vst.idx.msk $0xffff, v61  }
0x599: {  	v34 =	vld [tilespmem:s1+$0xF0];
	_ =	sdelay $0x1  }
0x59a: {  	v62 =	vadd.s32 v32, v37;
	_ =	sdelay $0x1  }
0x59b: {  	s1 =	sshll.u32 s31, $0x12  }
0x59c: {  	s0 =	sor.u32 s8, s1;
	v63 =	vadd.f32 v34, v33  }
0x59d: {  	s0 =	sshrl.u32 s0, $0x3  }
0x59e: {  	s14 =	simm.s32 $0xD600;
	s1 =	sadd.s32 s2, s0;
	[tilespmem:v62+s20+$0x0] =	vst.idx.msk $0xffff, v63  }
0x59f: {  	[hbm4b:s1+s3] =	stream.linear.scatter [tilespmem:s14], [sflag:$0x3], $0x80, $0x38;
	[tilespmem:$0x11A00] =	vst v63  }
0x5a0: {  	s16 =	simm.s32 $0xD688;
	s22 =	sadd.s32 $0x10, s1  }
0x5a1: {  	[hbm4b:s22+s3] =	stream.linear.scatter [tilespmem:s16], [sflag:$0x3], $0x80, $0x38;
	[tilespmem:$0x11A00] =	vst v63  }
0x5a2: {  	s16 =	simm.s32 $0xD710;
	s22 =	sadd.s32 $0x20, s1  }
0x5a3: {  	[hbm4b:s22+s3] =	stream.linear.scatter [tilespmem:s16], [sflag:$0x3], $0x80, $0x38;
	[tilespmem:$0x11A00] =	vst v63  }
0x5a4: {  	s16 =	simm.s32 $0xD798;
	s22 =	sadd.s32 $0x30, s1  }
0x5a5: {  	[hbm4b:s22+s3] =	stream.linear.scatter [tilespmem:s16], [sflag:$0x3], $0x80, $0x38;
	[tilespmem:$0x11A00] =	vst v63  }
0x5a6: {  	s16 =	simm.s32 $0xD820;
	s22 =	sadd.s32 $0x40, s1  }
0x5a7: {  	[hbm4b:s22+s3] =	stream.linear.scatter [tilespmem:s16], [sflag:$0x3], $0x80, $0x38;
	[tilespmem:$0x11A00] =	vst v63  }
0x5a8: {  	s0 =	simm.s32 $0x440;
	s16 =	simm.s32 $0xD8A8;
	s22 =	sadd.s32 $0x50, s1  }
0x5a9: {  	[hbm4b:s22+s3] =	stream.linear.scatter [tilespmem:s16], [sflag:$0x3], $0x80, $0x38;
	[tilespmem:$0x11A00] =	vst v63  }
0x5aa: {  	s31 =	sadd.s32 $0x70, s1;
	s16 =	simm.s32 $0xD930;
	s22 =	sadd.s32 $0x60, s1  }
0x5ab: {  	[hbm4b:s22+s3] =	stream.linear.scatter [tilespmem:s16], [sflag:$0x3], $0x80, $0x38;
	[tilespmem:$0x11A00] =	vst v63  }
0x5ac: {  	s14 =	simm.s32 $0x2200;
	s1 =	sadd.s32 $0x1000, s1;
	s16 =	simm.s32 $0xD9B8  }
.LBB2_13:
0x5ad: {  	[hbm4b:s31+s3] =	stream.linear.scatter [tilespmem:s16], [sflag:$0x3], $0x80, $0x38;
	[tilespmem:$0x11A00] =	vst v63  }
0x5ae: {  	s16 =	smov.u32 s0;
	s0 =	smov.u32 s14  }
0x5af: {  	s22 =	sadd.s32 $0x1100, s14;
	s0 =	sshra.s32 s0, $0x2;
	s31 =	sadd.s32 $0xD600, s16  }
0x5b0: {  	[hbm4b:s1+s3] =	stream.linear.scatter [tilespmem:s31], [sflag:$0x3], $0x80, $0x38;
	[tilespmem:$0x11A00] =	vst v63  }
0x5b1: {  	p0 =	sne.s32 s14, $0x7700;
	s14 =	sadd.s32 $0xD688, s16;
	s31 =	sadd.s32 $0x10, s1  }
0x5b2: {  	[hbm4b:s31+s3] =	stream.linear.scatter [tilespmem:s14], [sflag:$0x3], $0x80, $0x38;
	[tilespmem:$0x11A00] =	vst v63  }
0x5b3: {  	s14 =	sadd.s32 $0xD710, s16;
	s31 =	sadd.s32 $0x20, s1  }
0x5b4: {  	[hbm4b:s31+s3] =	stream.linear.scatter [tilespmem:s14], [sflag:$0x3], $0x80, $0x38;
	[tilespmem:$0x11A00] =	vst v63  }
0x5b5: {  	s14 =	sadd.s32 $0xD798, s16;
	s31 =	sadd.s32 $0x30, s1  }
0x5b6: {  	[hbm4b:s31+s3] =	stream.linear.scatter [tilespmem:s14], [sflag:$0x3], $0x80, $0x38;
	[tilespmem:$0x11A00] =	vst v63  }
0x5b7: {  	s14 =	sadd.s32 $0xD820, s16;
	s31 =	sadd.s32 $0x40, s1  }
0x5b8: {  	[hbm4b:s31+s3] =	stream.linear.scatter [tilespmem:s14], [sflag:$0x3], $0x80, $0x38;
	[tilespmem:$0x11A00] =	vst v63  }
.Ltmp5:
0x5b9: {  	s14 =	sadd.s32 $0xD8A8, s16;
	s31 =	sadd.s32 $0x50, s1;
	(pc) =	sbr.rel @p0 .LBB2_13-.Ltmp5, $4  }
0x5ba: {  	[hbm4b:s31+s3] =	stream.linear.scatter [tilespmem:s14], [sflag:$0x3], $0x80, $0x38;
	[tilespmem:$0x11A00] =	vst v63  }
0x5bb: {  	s14 =	sadd.s32 $0xD930, s16;
	s31 =	sadd.s32 $0x60, s1;
	s16 =	sadd.s32 $0xD9B8, s16  }
0x5bc: {  	[hbm4b:s31+s3] =	stream.linear.scatter [tilespmem:s14], [sflag:$0x3], $0x80, $0x38;
	[tilespmem:$0x11A00] =	vst v63  }
0x5bd: {  	s31 =	sadd.s32 $0x70, s1;
	s1 =	sadd.s32 $0x1000, s1;
	s14 =	smov.u32 s22  }
0x5be: {  	[hbm4b:s31+s3] =	stream.linear.scatter [tilespmem:s16], [sflag:$0x3], $0x80, $0x38;
	[tilespmem:$0x11A00] =	vst v63  }
0x5bf: {  	s14 =	sadd.s32 $0xD600, s0  }
0x5c0: {  	[hbm4b:s1+s3] =	stream.linear.scatter [tilespmem:s14], [sflag:$0x3], $0x80, $0x38;
	[tilespmem:$0x11A00] =	vst v63  }
0x5c1: {  	s22 =	sadd.s32 $0xD688, s0;
	s31 =	sadd.s32 $0x10, s1  }
0x5c2: {  	[hbm4b:s31+s3] =	stream.linear.scatter [tilespmem:s22], [sflag:$0x3], $0x80, $0x38;
	[tilespmem:$0x11A00] =	vst v63  }
0x5c3: {  	s22 =	sadd.s32 $0xD710, s0;
	s31 =	sadd.s32 $0x20, s1  }
0x5c4: {  	[hbm4b:s31+s3] =	stream.linear.scatter [tilespmem:s22], [sflag:$0x3], $0x80, $0x38;
	[tilespmem:$0x11A00] =	vst v63  }
0x5c5: {  	s22 =	sadd.s32 $0xD798, s0;
	s31 =	sadd.s32 $0x30, s1  }
0x5c6: {  	[hbm4b:s31+s3] =	stream.linear.scatter [tilespmem:s22], [sflag:$0x3], $0x80, $0x38;
	[tilespmem:$0x11A00] =	vst v63  }
0x5c7: {  	s22 =	sadd.s32 $0xD820, s0;
	s31 =	sadd.s32 $0x40, s1  }
0x5c8: {  	[hbm4b:s31+s3] =	stream.linear.scatter [tilespmem:s22], [sflag:$0x3], $0x80, $0x38;
	[tilespmem:$0x11A00] =	vst v63  }
0x5c9: {  	s22 =	sadd.s32 $0xD8A8, s0;
	s31 =	sadd.s32 $0x50, s1  }
0x5ca: {  	[hbm4b:s31+s3] =	stream.linear.scatter [tilespmem:s22], [sflag:$0x3], $0x80, $0x38;
	[tilespmem:$0x11A00] =	vst v63  }
0x5cb: {  	s16 =	sadd.s32 $0xD930, s0;
	s22 =	sadd.s32 $0x60, s1  }
0x5cc: {  	[hbm4b:s22+s3] =	stream.linear.scatter [tilespmem:s16], [sflag:$0x3], $0x80, $0x38;
	[tilespmem:$0x11A00] =	vst v63  }
0x5cd: {  	s14 =	sadd.s32 $0x70, s1;
	s31 =	sadd.s32 $0xD9B8, s0  }
0x5ce: {  	[hbm4b:s14+s3] =	stream.linear.scatter [tilespmem:s31], [sflag:$0x3], $0x80, $0x38;
	[tilespmem:$0x11A00] =	vst v63  }
0x5cf: {  	s16 =	sshll.u32 s29, $0x8;
	_ =	swait.ge [sflag:s21], $0x2000  }
0x5d0: {  	s0 =	sand.u32 $0x3FFFFF00, s16;
	[sflag:s21] =	ssyncset.done $0x0  }
0x5d1: {  	s0 =	sadd.s32 $0x200, s0;
	[sflag:s21] =	ssyncadd.s32 $0xFFFFE000  }
0x5d2: {  	[tilespmem:s17], [sflag:$0x1] =	stream.indirect.gather [hbm4b:s5+s13], $0x40, s0, s13, $0xb8;
	[tilespmem:$0x11A00] =	vst v63  }
0x5d3: {  	s22 =	simm.s32 $0x0;
	_ =	swait.ge [sflag:s25], $0x2000  }
0x5d4: {  	v33 =	vmov s22;
	s31 =	sshll.u32 s30, $0x6;
	[sflag:s25] =	ssyncset.done $0x0  }
0x5d5: {  	v33 =	vshrl.u32 v33, $0x3;
	s14 =	sand.u32 $0x3FFFFFC0, s31;
	[sflag:s25] =	ssyncadd.s32 $0xFFFFE000  }
0x5d6: {  	s1 =	simm.s32 $0xB700;
	v33 =	vshll.u32 v33, v1;
	v35 =	vld [tilespmem:s14+$0x6400]  }
0x5d7: {  	v38 =	vbroadcast v33, $0x0;
	v37 =	vld [tilespmem:s1+$0xFFFFFF00];
	_ =	sdelay $0x1  }
0x5d8: {  	v39 =	vadd.s32 v0, v38;
	_ =	sdelay $0x2  }
0x5d9: {  	v36 =	vld [tilespmem:s14+$0x6410];
	v37 =	vadd.f32 v37, v35  }
0x5da: {  	v34 =	vld [tilespmem:s14+$0x6420]  }
0x5db: {  	v33 =	vld [tilespmem:s14+$0x6430];
	[tilespmem:v39+s23+$0x0] =	vst.idx.msk $0xffff, v37  }
0x5dc: {  	v37 =	vld [tilespmem:s1+$0xFFFFFF10];
	_ =	sdelay $0x1  }
0x5dd: {  	v48 =	vadd.s32 v2, v38;
	_ =	sdelay $0x2  }
0x5de: {  	v37 =	vadd.f32 v37, v36;
	_ =	sdelay $0x1  }
0x5df: {  	[tilespmem:v48+s23+$0x0] =	vst.idx.msk $0xffff, v37  }
0x5e0: {  	v37 =	vld [tilespmem:s1+$0xFFFFFF20];
	_ =	sdelay $0x1  }
0x5e1: {  	v49 =	vadd.s32 v3, v38;
	_ =	sdelay $0x2  }
0x5e2: {  	v37 =	vadd.f32 v37, v34;
	_ =	sdelay $0x1  }
0x5e3: {  	[tilespmem:v49+s23+$0x0] =	vst.idx.msk $0xffff, v37  }
0x5e4: {  	v37 =	vld [tilespmem:s1+$0xFFFFFF30];
	_ =	sdelay $0x1  }
0x5e5: {  	v38 =	vadd.s32 v4, v38;
	_ =	sdelay $0x1  }
0x5e6: {  	s16 =	simm.s32 $0x1  }
0x5e7: {  	v50 =	vmov s16;
	v37 =	vadd.f32 v37, v33  }
0x5e8: {  	v39 =	vshrl.u32 v50, $0x3  }
0x5e9: {  	v51 =	vshll.u32 v39, v1;
	[tilespmem:v38+s23+$0x0] =	vst.idx.msk $0xffff, v37  }
0x5ea: {  	v37 =	vbroadcast v51, $0x0;
	v38 =	vld [tilespmem:s1+$0xFFFFFF40];
	_ =	sdelay $0x1  }
0x5eb: {  	v52 =	vadd.s32 v5, v37;
	_ =	sdelay $0x2  }
0x5ec: {  	v38 =	vadd.f32 v38, v35;
	_ =	sdelay $0x1  }
0x5ed: {  	[tilespmem:v52+s23+$0x0] =	vst.idx.msk $0xffff, v38  }
0x5ee: {  	v38 =	vld [tilespmem:s1+$0xFFFFFF50];
	_ =	sdelay $0x1  }
0x5ef: {  	v53 =	vadd.s32 v6, v37;
	_ =	sdelay $0x2  }
0x5f0: {  	v38 =	vadd.f32 v38, v36;
	_ =	sdelay $0x1  }
0x5f1: {  	[tilespmem:v53+s23+$0x0] =	vst.idx.msk $0xffff, v38  }
0x5f2: {  	v38 =	vld [tilespmem:s1+$0xFFFFFF60];
	_ =	sdelay $0x1  }
0x5f3: {  	v54 =	vadd.s32 v7, v37;
	_ =	sdelay $0x2  }
0x5f4: {  	v38 =	vadd.f32 v38, v34;
	_ =	sdelay $0x1  }
0x5f5: {  	[tilespmem:v54+s23+$0x0] =	vst.idx.msk $0xffff, v38  }
0x5f6: {  	v38 =	vld [tilespmem:s1+$0xFFFFFF70];
	_ =	sdelay $0x1  }
0x5f7: {  	v37 =	vadd.s32 v8, v37;
	_ =	sdelay $0x1  }
0x5f8: {  	s22 =	simm.s32 $0x2  }
0x5f9: {  	v55 =	vmov s22;
	v38 =	vadd.f32 v38, v33  }
0x5fa: {  	v39 =	vshrl.u32 v55, $0x3  }
0x5fb: {  	v56 =	vshll.u32 v39, v1;
	[tilespmem:v37+s23+$0x0] =	vst.idx.msk $0xffff, v38  }
0x5fc: {  	v37 =	vbroadcast v56, $0x0;
	v38 =	vld [tilespmem:s1+$0xFFFFFF80];
	_ =	sdelay $0x1  }
0x5fd: {  	v57 =	vadd.s32 v9, v37;
	_ =	sdelay $0x2  }
0x5fe: {  	v38 =	vadd.f32 v38, v35;
	_ =	sdelay $0x1  }
0x5ff: {  	[tilespmem:v57+s23+$0x0] =	vst.idx.msk $0xffff, v38  }
0x600: {  	v38 =	vld [tilespmem:s1+$0xFFFFFF90];
	_ =	sdelay $0x1  }
0x601: {  	v58 =	vadd.s32 v10, v37;
	_ =	sdelay $0x2  }
0x602: {  	v38 =	vadd.f32 v38, v36;
	_ =	sdelay $0x1  }
0x603: {  	[tilespmem:v58+s23+$0x0] =	vst.idx.msk $0xffff, v38  }
0x604: {  	v38 =	vld [tilespmem:s1+$0xFFFFFFA0];
	_ =	sdelay $0x1  }
0x605: {  	v59 =	vadd.s32 v11, v37;
	_ =	sdelay $0x2  }
0x606: {  	v38 =	vadd.f32 v38, v34;
	_ =	sdelay $0x1  }
0x607: {  	[tilespmem:v59+s23+$0x0] =	vst.idx.msk $0xffff, v38  }
0x608: {  	v38 =	vld [tilespmem:s1+$0xFFFFFFB0];
	_ =	sdelay $0x1  }
0x609: {  	v37 =	vadd.s32 v12, v37;
	_ =	sdelay $0x1  }
0x60a: {  	s31 =	simm.s32 $0x3  }
0x60b: {  	v60 =	vmov s31;
	v38 =	vadd.f32 v38, v33  }
0x60c: {  	v39 =	vshrl.u32 v60, $0x3  }
0x60d: {  	v61 =	vshll.u32 v39, v1;
	[tilespmem:v37+s23+$0x0] =	vst.idx.msk $0xffff, v38  }
0x60e: {  	v37 =	vbroadcast v61, $0x0;
	v38 =	vld [tilespmem:s1+$0xFFFFFFC0];
	_ =	sdelay $0x1  }
0x60f: {  	v62 =	vadd.s32 v13, v37;
	_ =	sdelay $0x2  }
0x610: {  	v38 =	vadd.f32 v38, v35;
	_ =	sdelay $0x1  }
0x611: {  	[tilespmem:v62+s23+$0x0] =	vst.idx.msk $0xffff, v38  }
0x612: {  	v38 =	vld [tilespmem:s1+$0xFFFFFFD0];
	_ =	sdelay $0x1  }
0x613: {  	v63 =	vadd.s32 v14, v37;
	_ =	sdelay $0x2  }
0x614: {  	v38 =	vadd.f32 v38, v36;
	_ =	sdelay $0x1  }
0x615: {  	[tilespmem:v63+s23+$0x0] =	vst.idx.msk $0xffff, v38  }
0x616: {  	v38 =	vld [tilespmem:s1+$0xFFFFFFE0];
	_ =	sdelay $0x1  }
0x617: {  	v42 =	vadd.s32 v15, v37;
	_ =	sdelay $0x2  }
0x618: {  	v38 =	vadd.f32 v38, v34;
	_ =	sdelay $0x1  }
0x619: {  	[tilespmem:v42+s23+$0x0] =	vst.idx.msk $0xffff, v38  }
0x61a: {  	v38 =	vld [tilespmem:s1+$0xFFFFFFF0];
	_ =	sdelay $0x1  }
0x61b: {  	v37 =	vadd.s32 v16, v37;
	_ =	sdelay $0x1  }
0x61c: {  	s14 =	simm.s32 $0x4  }
0x61d: {  	v43 =	vmov s14;
	v38 =	vadd.f32 v38, v33  }
0x61e: {  	v39 =	vshrl.u32 v43, $0x3  }
0x61f: {  	v44 =	vshll.u32 v39, v1;
	[tilespmem:v37+s23+$0x0] =	vst.idx.msk $0xffff, v38  }
0x620: {  	v37 =	vbroadcast v44, $0x0;
	v38 =	vld [tilespmem:s1+$0x0];
	_ =	sdelay $0x1  }
0x621: {  	v45 =	vadd.s32 v17, v37;
	_ =	sdelay $0x2  }
0x622: {  	v38 =	vadd.f32 v38, v35;
	_ =	sdelay $0x1  }
0x623: {  	[tilespmem:v45+s23+$0x0] =	vst.idx.msk $0xffff, v38  }
0x624: {  	v38 =	vld [tilespmem:s1+$0x10];
	_ =	sdelay $0x1  }
0x625: {  	v46 =	vadd.s32 v18, v37;
	_ =	sdelay $0x2  }
0x626: {  	v38 =	vadd.f32 v38, v36;
	_ =	sdelay $0x1  }
0x627: {  	[tilespmem:v46+s23+$0x0] =	vst.idx.msk $0xffff, v38  }
0x628: {  	v38 =	vld [tilespmem:s1+$0x20];
	_ =	sdelay $0x1  }
0x629: {  	v47 =	vadd.s32 v19, v37;
	_ =	sdelay $0x2  }
0x62a: {  	v38 =	vadd.f32 v38, v34;
	_ =	sdelay $0x1  }
0x62b: {  	[tilespmem:v47+s23+$0x0] =	vst.idx.msk $0xffff, v38  }
0x62c: {  	v38 =	vld [tilespmem:s1+$0x30];
	_ =	sdelay $0x1  }
0x62d: {  	v37 =	vadd.s32 v20, v37;
	_ =	sdelay $0x1  }
0x62e: {  	s16 =	simm.s32 $0x5  }
0x62f: {  	v48 =	vmov s16;
	v38 =	vadd.f32 v38, v33  }
0x630: {  	v39 =	vshrl.u32 v48, $0x3  }
0x631: {  	v49 =	vshll.u32 v39, v1;
	[tilespmem:v37+s23+$0x0] =	vst.idx.msk $0xffff, v38  }
0x632: {  	v37 =	vbroadcast v49, $0x0;
	v38 =	vld [tilespmem:s1+$0x40];
	_ =	sdelay $0x1  }
0x633: {  	v50 =	vadd.s32 v21, v37;
	_ =	sdelay $0x2  }
0x634: {  	v38 =	vadd.f32 v38, v35;
	_ =	sdelay $0x1  }
0x635: {  	[tilespmem:v50+s23+$0x0] =	vst.idx.msk $0xffff, v38  }
0x636: {  	v38 =	vld [tilespmem:s1+$0x50];
	_ =	sdelay $0x1  }
0x637: {  	v51 =	vadd.s32 v22, v37;
	_ =	sdelay $0x2  }
0x638: {  	v38 =	vadd.f32 v38, v36;
	_ =	sdelay $0x1  }
0x639: {  	[tilespmem:v51+s23+$0x0] =	vst.idx.msk $0xffff, v38  }
0x63a: {  	v38 =	vld [tilespmem:s1+$0x60];
	_ =	sdelay $0x1  }
0x63b: {  	v52 =	vadd.s32 v23, v37;
	_ =	sdelay $0x2  }
0x63c: {  	v38 =	vadd.f32 v38, v34;
	_ =	sdelay $0x1  }
0x63d: {  	[tilespmem:v52+s23+$0x0] =	vst.idx.msk $0xffff, v38  }
0x63e: {  	v38 =	vld [tilespmem:s1+$0x70];
	_ =	sdelay $0x1  }
0x63f: {  	v37 =	vadd.s32 v24, v37;
	_ =	sdelay $0x1  }
0x640: {  	s22 =	simm.s32 $0x6  }
0x641: {  	v53 =	vmov s22;
	v38 =	vadd.f32 v38, v33  }
0x642: {  	v39 =	vshrl.u32 v53, $0x3  }
0x643: {  	v54 =	vshll.u32 v39, v1;
	[tilespmem:v37+s23+$0x0] =	vst.idx.msk $0xffff, v38  }
0x644: {  	v37 =	vbroadcast v54, $0x0;
	v38 =	vld [tilespmem:s1+$0x80];
	_ =	sdelay $0x1  }
0x645: {  	v55 =	vadd.s32 v25, v37;
	_ =	sdelay $0x2  }
0x646: {  	v38 =	vadd.f32 v38, v35;
	_ =	sdelay $0x1  }
0x647: {  	[tilespmem:v55+s23+$0x0] =	vst.idx.msk $0xffff, v38  }
0x648: {  	v38 =	vld [tilespmem:s1+$0x90];
	_ =	sdelay $0x1  }
0x649: {  	v56 =	vadd.s32 v26, v37;
	_ =	sdelay $0x2  }
0x64a: {  	v38 =	vadd.f32 v38, v36;
	_ =	sdelay $0x1  }
0x64b: {  	[tilespmem:v56+s23+$0x0] =	vst.idx.msk $0xffff, v38  }
0x64c: {  	v38 =	vld [tilespmem:s1+$0xA0];
	_ =	sdelay $0x1  }
0x64d: {  	v57 =	vadd.s32 v27, v37;
	_ =	sdelay $0x2  }
0x64e: {  	v38 =	vadd.f32 v38, v34;
	_ =	sdelay $0x1  }
0x64f: {  	[tilespmem:v57+s23+$0x0] =	vst.idx.msk $0xffff, v38  }
0x650: {  	v38 =	vld [tilespmem:s1+$0xB0];
	_ =	sdelay $0x1  }
0x651: {  	v37 =	vadd.s32 v28, v37;
	_ =	sdelay $0x1  }
0x652: {  	s31 =	simm.s32 $0x7  }
0x653: {  	v58 =	vmov s31;
	v38 =	vadd.f32 v38, v33  }
0x654: {  	v39 =	vshrl.u32 v58, $0x3  }
0x655: {  	v59 =	vshll.u32 v39, v1;
	[tilespmem:v37+s23+$0x0] =	vst.idx.msk $0xffff, v38  }
0x656: {  	v37 =	vbroadcast v59, $0x0;
	v38 =	vld [tilespmem:s1+$0xC0];
	_ =	sdelay $0x1  }
0x657: {  	v60 =	vadd.s32 v29, v37;
	_ =	sdelay $0x2  }
0x658: {  	v38 =	vadd.f32 v38, v35;
	_ =	sdelay $0x1  }
0x659: {  	[tilespmem:v60+s23+$0x0] =	vst.idx.msk $0xffff, v38  }
0x65a: {  	v38 =	vld [tilespmem:s1+$0xD0];
	_ =	sdelay $0x1  }
0x65b: {  	v61 =	vadd.s32 v30, v37;
	_ =	sdelay $0x2  }
0x65c: {  	v38 =	vadd.f32 v38, v36;
	_ =	sdelay $0x1  }
0x65d: {  	[tilespmem:v61+s23+$0x0] =	vst.idx.msk $0xffff, v38  }
0x65e: {  	v38 =	vld [tilespmem:s1+$0xE0];
	_ =	sdelay $0x1  }
0x65f: {  	v62 =	vadd.s32 v31, v37;
	_ =	sdelay $0x2  }
0x660: {  	v38 =	vadd.f32 v38, v34;
	_ =	sdelay $0x1  }
0x661: {  	[tilespmem:v62+s23+$0x0] =	vst.idx.msk $0xffff, v38  }
0x662: {  	v38 =	vld [tilespmem:s1+$0xF0];
	_ =	sdelay $0x1  }
0x663: {  	v37 =	vadd.s32 v32, v37  }
0x664: {  	s0 =	simm.s32 $0x8  }
0x665: {  	v63 =	vmov s0  }
0x666: {  	s14 =	simm.s32 $0x10;
	v39 =	vshrl.u32 v63, $0x3;
	v38 =	vadd.f32 v38, v33  }
.LBB2_15:
0x667: {  	p0 =	slt.u32 s14, $0x78  }
0x668: {  	v39 =	vshll.u32 v39, v1;
	[tilespmem:v37+s23+$0x0] =	vst.idx.msk $0xffff, v38;
	s1 =	sadd.s32 $0x200, s1;
	s16 =	smov.u32 s14;
	s14 =	sadd.s32 $0x8, s14  }
0x669: {  	v37 =	vld [tilespmem:s1+$0xFFFFFF00];
	v38 =	vbroadcast v39, $0x0;
	_ =	sdelay $0x1  }
0x66a: {  	v39 =	vadd.s32 v0, v38;
	_ =	sdelay $0x2  }
0x66b: {  	v37 =	vadd.f32 v37, v35;
	_ =	sdelay $0x1  }
0x66c: {  	[tilespmem:v39+s23+$0x0] =	vst.idx.msk $0xffff, v37  }
0x66d: {  	v37 =	vld [tilespmem:s1+$0xFFFFFF10];
	_ =	sdelay $0x1  }
0x66e: {  	v39 =	vadd.s32 v2, v38;
	_ =	sdelay $0x2  }
0x66f: {  	v37 =	vadd.f32 v37, v36;
	_ =	sdelay $0x1  }
0x670: {  	[tilespmem:v39+s23+$0x0] =	vst.idx.msk $0xffff, v37  }
0x671: {  	v37 =	vld [tilespmem:s1+$0xFFFFFF20];
	_ =	sdelay $0x1  }
0x672: {  	v39 =	vadd.s32 v3, v38;
	_ =	sdelay $0x2  }
0x673: {  	v37 =	vadd.f32 v37, v34;
	_ =	sdelay $0x1  }
0x674: {  	[tilespmem:v39+s23+$0x0] =	vst.idx.msk $0xffff, v37  }
0x675: {  	v37 =	vld [tilespmem:s1+$0xFFFFFF30];
	_ =	sdelay $0x1  }
0x676: {  	v38 =	vadd.s32 v4, v38;
	_ =	sdelay $0x1  }
0x677: {  	s22 =	sadd.s32 $0x1, s0  }
0x678: {  	v39 =	vmov s22;
	v37 =	vadd.f32 v37, v33  }
0x679: {  	v39 =	vshrl.u32 v39, $0x3  }
0x67a: {  	[tilespmem:v38+s23+$0x0] =	vst.idx.msk $0xffff, v37;
	v37 =	vshll.u32 v39, v1  }
0x67b: {  	v38 =	vld [tilespmem:s1+$0xFFFFFF40];
	v37 =	vbroadcast v37, $0x0;
	_ =	sdelay $0x1  }
0x67c: {  	v39 =	vadd.s32 v5, v37;
	_ =	sdelay $0x2  }
0x67d: {  	v38 =	vadd.f32 v38, v35;
	_ =	sdelay $0x1  }
0x67e: {  	[tilespmem:v39+s23+$0x0] =	vst.idx.msk $0xffff, v38  }
0x67f: {  	v38 =	vld [tilespmem:s1+$0xFFFFFF50];
	_ =	sdelay $0x1  }
0x680: {  	v39 =	vadd.s32 v6, v37;
	_ =	sdelay $0x2  }
0x681: {  	v38 =	vadd.f32 v38, v36;
	_ =	sdelay $0x1  }
0x682: {  	[tilespmem:v39+s23+$0x0] =	vst.idx.msk $0xffff, v38  }
0x683: {  	v38 =	vld [tilespmem:s1+$0xFFFFFF60];
	_ =	sdelay $0x1  }
0x684: {  	v39 =	vadd.s32 v7, v37;
	_ =	sdelay $0x2  }
0x685: {  	v38 =	vadd.f32 v38, v34;
	_ =	sdelay $0x1  }
0x686: {  	[tilespmem:v39+s23+$0x0] =	vst.idx.msk $0xffff, v38  }
0x687: {  	v38 =	vld [tilespmem:s1+$0xFFFFFF70];
	_ =	sdelay $0x1  }
0x688: {  	v37 =	vadd.s32 v8, v37;
	_ =	sdelay $0x1  }
0x689: {  	s22 =	sadd.s32 $0x2, s0  }
0x68a: {  	v39 =	vmov s22;
	v38 =	vadd.f32 v38, v33  }
0x68b: {  	v39 =	vshrl.u32 v39, $0x3  }
0x68c: {  	[tilespmem:v37+s23+$0x0] =	vst.idx.msk $0xffff, v38;
	v37 =	vshll.u32 v39, v1  }
0x68d: {  	v38 =	vld [tilespmem:s1+$0xFFFFFF80];
	v37 =	vbroadcast v37, $0x0;
	_ =	sdelay $0x1  }
0x68e: {  	v39 =	vadd.s32 v9, v37;
	_ =	sdelay $0x2  }
0x68f: {  	v38 =	vadd.f32 v38, v35;
	_ =	sdelay $0x1  }
0x690: {  	[tilespmem:v39+s23+$0x0] =	vst.idx.msk $0xffff, v38  }
0x691: {  	v38 =	vld [tilespmem:s1+$0xFFFFFF90];
	_ =	sdelay $0x1  }
0x692: {  	v39 =	vadd.s32 v10, v37;
	_ =	sdelay $0x2  }
0x693: {  	v38 =	vadd.f32 v38, v36;
	_ =	sdelay $0x1  }
0x694: {  	[tilespmem:v39+s23+$0x0] =	vst.idx.msk $0xffff, v38  }
0x695: {  	v38 =	vld [tilespmem:s1+$0xFFFFFFA0];
	_ =	sdelay $0x1  }
0x696: {  	v39 =	vadd.s32 v11, v37;
	_ =	sdelay $0x2  }
0x697: {  	v38 =	vadd.f32 v38, v34;
	_ =	sdelay $0x1  }
0x698: {  	[tilespmem:v39+s23+$0x0] =	vst.idx.msk $0xffff, v38  }
0x699: {  	v38 =	vld [tilespmem:s1+$0xFFFFFFB0];
	_ =	sdelay $0x1  }
0x69a: {  	v37 =	vadd.s32 v12, v37;
	_ =	sdelay $0x1  }
0x69b: {  	s22 =	sadd.s32 $0x3, s0  }
0x69c: {  	v39 =	vmov s22;
	v38 =	vadd.f32 v38, v33  }
0x69d: {  	v39 =	vshrl.u32 v39, $0x3  }
0x69e: {  	[tilespmem:v37+s23+$0x0] =	vst.idx.msk $0xffff, v38;
	v37 =	vshll.u32 v39, v1  }
0x69f: {  	v38 =	vld [tilespmem:s1+$0xFFFFFFC0];
	v37 =	vbroadcast v37, $0x0;
	_ =	sdelay $0x1  }
0x6a0: {  	v39 =	vadd.s32 v13, v37;
	_ =	sdelay $0x2  }
0x6a1: {  	v38 =	vadd.f32 v38, v35;
	_ =	sdelay $0x1  }
0x6a2: {  	[tilespmem:v39+s23+$0x0] =	vst.idx.msk $0xffff, v38  }
0x6a3: {  	v38 =	vld [tilespmem:s1+$0xFFFFFFD0];
	_ =	sdelay $0x1  }
0x6a4: {  	v39 =	vadd.s32 v14, v37;
	_ =	sdelay $0x2  }
0x6a5: {  	v38 =	vadd.f32 v38, v36;
	_ =	sdelay $0x1  }
0x6a6: {  	[tilespmem:v39+s23+$0x0] =	vst.idx.msk $0xffff, v38  }
0x6a7: {  	v38 =	vld [tilespmem:s1+$0xFFFFFFE0];
	_ =	sdelay $0x1  }
0x6a8: {  	v39 =	vadd.s32 v15, v37;
	_ =	sdelay $0x2  }
0x6a9: {  	v38 =	vadd.f32 v38, v34;
	_ =	sdelay $0x1  }
0x6aa: {  	[tilespmem:v39+s23+$0x0] =	vst.idx.msk $0xffff, v38  }
0x6ab: {  	v38 =	vld [tilespmem:s1+$0xFFFFFFF0];
	_ =	sdelay $0x1  }
0x6ac: {  	v37 =	vadd.s32 v16, v37;
	_ =	sdelay $0x1  }
0x6ad: {  	s22 =	sadd.s32 $0x4, s0  }
0x6ae: {  	v39 =	vmov s22;
	v38 =	vadd.f32 v38, v33  }
0x6af: {  	v39 =	vshrl.u32 v39, $0x3  }
0x6b0: {  	[tilespmem:v37+s23+$0x0] =	vst.idx.msk $0xffff, v38;
	v37 =	vshll.u32 v39, v1  }
0x6b1: {  	v38 =	vld [tilespmem:s1+$0x0];
	v37 =	vbroadcast v37, $0x0;
	_ =	sdelay $0x1  }
0x6b2: {  	v39 =	vadd.s32 v17, v37;
	_ =	sdelay $0x2  }
0x6b3: {  	v38 =	vadd.f32 v38, v35;
	_ =	sdelay $0x1  }
0x6b4: {  	[tilespmem:v39+s23+$0x0] =	vst.idx.msk $0xffff, v38  }
0x6b5: {  	v38 =	vld [tilespmem:s1+$0x10];
	_ =	sdelay $0x1  }
0x6b6: {  	v39 =	vadd.s32 v18, v37;
	_ =	sdelay $0x2  }
0x6b7: {  	v38 =	vadd.f32 v38, v36;
	_ =	sdelay $0x1  }
0x6b8: {  	[tilespmem:v39+s23+$0x0] =	vst.idx.msk $0xffff, v38  }
0x6b9: {  	v38 =	vld [tilespmem:s1+$0x20];
	_ =	sdelay $0x1  }
0x6ba: {  	v39 =	vadd.s32 v19, v37;
	_ =	sdelay $0x2  }
0x6bb: {  	v38 =	vadd.f32 v38, v34;
	_ =	sdelay $0x1  }
0x6bc: {  	[tilespmem:v39+s23+$0x0] =	vst.idx.msk $0xffff, v38  }
0x6bd: {  	v38 =	vld [tilespmem:s1+$0x30];
	_ =	sdelay $0x1  }
0x6be: {  	v37 =	vadd.s32 v20, v37;
	_ =	sdelay $0x1  }
0x6bf: {  	s22 =	sadd.s32 $0x5, s0  }
0x6c0: {  	v39 =	vmov s22;
	v38 =	vadd.f32 v38, v33  }
0x6c1: {  	v39 =	vshrl.u32 v39, $0x3  }
0x6c2: {  	[tilespmem:v37+s23+$0x0] =	vst.idx.msk $0xffff, v38;
	v37 =	vshll.u32 v39, v1  }
0x6c3: {  	v38 =	vld [tilespmem:s1+$0x40];
	v37 =	vbroadcast v37, $0x0;
	_ =	sdelay $0x1  }
0x6c4: {  	v39 =	vadd.s32 v21, v37;
	_ =	sdelay $0x2  }
0x6c5: {  	v38 =	vadd.f32 v38, v35;
	_ =	sdelay $0x1  }
0x6c6: {  	[tilespmem:v39+s23+$0x0] =	vst.idx.msk $0xffff, v38  }
0x6c7: {  	v38 =	vld [tilespmem:s1+$0x50];
	_ =	sdelay $0x1  }
0x6c8: {  	v39 =	vadd.s32 v22, v37;
	_ =	sdelay $0x2  }
0x6c9: {  	v38 =	vadd.f32 v38, v36;
	_ =	sdelay $0x1  }
0x6ca: {  	[tilespmem:v39+s23+$0x0] =	vst.idx.msk $0xffff, v38  }
0x6cb: {  	v38 =	vld [tilespmem:s1+$0x60];
	_ =	sdelay $0x1  }
0x6cc: {  	v39 =	vadd.s32 v23, v37;
	_ =	sdelay $0x2  }
0x6cd: {  	v38 =	vadd.f32 v38, v34;
	_ =	sdelay $0x1  }
0x6ce: {  	[tilespmem:v39+s23+$0x0] =	vst.idx.msk $0xffff, v38  }
0x6cf: {  	v38 =	vld [tilespmem:s1+$0x70];
	_ =	sdelay $0x1  }
0x6d0: {  	v37 =	vadd.s32 v24, v37;
	_ =	sdelay $0x1  }
0x6d1: {  	s22 =	sadd.s32 $0x6, s0  }
0x6d2: {  	v39 =	vmov s22;
	v38 =	vadd.f32 v38, v33  }
0x6d3: {  	v39 =	vshrl.u32 v39, $0x3  }
0x6d4: {  	[tilespmem:v37+s23+$0x0] =	vst.idx.msk $0xffff, v38;
	v37 =	vshll.u32 v39, v1  }
0x6d5: {  	v38 =	vld [tilespmem:s1+$0x80];
	v37 =	vbroadcast v37, $0x0;
	_ =	sdelay $0x1  }
0x6d6: {  	v39 =	vadd.s32 v25, v37;
	_ =	sdelay $0x2  }
0x6d7: {  	v38 =	vadd.f32 v38, v35;
	_ =	sdelay $0x1  }
0x6d8: {  	[tilespmem:v39+s23+$0x0] =	vst.idx.msk $0xffff, v38  }
0x6d9: {  	v38 =	vld [tilespmem:s1+$0x90];
	_ =	sdelay $0x1  }
0x6da: {  	v39 =	vadd.s32 v26, v37;
	_ =	sdelay $0x2  }
0x6db: {  	v38 =	vadd.f32 v38, v36;
	_ =	sdelay $0x1  }
0x6dc: {  	[tilespmem:v39+s23+$0x0] =	vst.idx.msk $0xffff, v38  }
0x6dd: {  	v38 =	vld [tilespmem:s1+$0xA0];
	_ =	sdelay $0x1  }
0x6de: {  	v39 =	vadd.s32 v27, v37;
	_ =	sdelay $0x2  }
0x6df: {  	v38 =	vadd.f32 v38, v34;
	_ =	sdelay $0x1  }
0x6e0: {  	[tilespmem:v39+s23+$0x0] =	vst.idx.msk $0xffff, v38  }
0x6e1: {  	v38 =	vld [tilespmem:s1+$0xB0];
	_ =	sdelay $0x1  }
0x6e2: {  	v37 =	vadd.s32 v28, v37;
	_ =	sdelay $0x1  }
0x6e3: {  	s22 =	sadd.s32 $0x7, s0;
	s0 =	smov.u32 s16  }
0x6e4: {  	v39 =	vmov s22;
	v38 =	vadd.f32 v38, v33  }
0x6e5: {  	v39 =	vshrl.u32 v39, $0x3  }
0x6e6: {  	[tilespmem:v37+s23+$0x0] =	vst.idx.msk $0xffff, v38;
	v37 =	vshll.u32 v39, v1  }
0x6e7: {  	v38 =	vld [tilespmem:s1+$0xC0];
	v37 =	vbroadcast v37, $0x0;
	_ =	sdelay $0x1  }
0x6e8: {  	v39 =	vadd.s32 v29, v37;
	_ =	sdelay $0x2  }
0x6e9: {  	v38 =	vadd.f32 v38, v35;
	_ =	sdelay $0x1  }
0x6ea: {  	[tilespmem:v39+s23+$0x0] =	vst.idx.msk $0xffff, v38  }
0x6eb: {  	v38 =	vld [tilespmem:s1+$0xD0];
	_ =	sdelay $0x1  }
0x6ec: {  	v39 =	vadd.s32 v30, v37;
	_ =	sdelay $0x2  }
0x6ed: {  	v38 =	vadd.f32 v38, v36;
	_ =	sdelay $0x1  }
0x6ee: {  	[tilespmem:v39+s23+$0x0] =	vst.idx.msk $0xffff, v38  }
0x6ef: {  	v38 =	vld [tilespmem:s1+$0xE0];
	_ =	sdelay $0x1  }
0x6f0: {  	v39 =	vadd.s32 v31, v37;
	_ =	sdelay $0x2  }
0x6f1: {  	v38 =	vadd.f32 v38, v34;
	_ =	sdelay $0x1  }
0x6f2: {  	[tilespmem:v39+s23+$0x0] =	vst.idx.msk $0xffff, v38  }
0x6f3: {  	v38 =	vld [tilespmem:s1+$0xF0];
	_ =	sdelay $0x1  }
.Ltmp6:
0x6f4: {  	v37 =	vadd.s32 v32, v37;
	(pc) =	sbr.rel @p0 .LBB2_15-.Ltmp6, $3  }
0x6f5: {  	_ =	sdelay $0x1  }
0x6f6: {  	v39 =	vmov s0;
	v38 =	vadd.f32 v38, v33  }
0x6f7: {  	v39 =	vshrl.u32 v39, $0x3  }
0x6f8: {  	_ =	sdelay $0x3  }
0x6f9: {  	v39 =	vshll.u32 v39, v1;
	[tilespmem:v37+s23+$0x0] =	vst.idx.msk $0xffff, v38;
	s1 =	sadd.s32 $0x200, s1  }
0x6fa: {  	v37 =	vld [tilespmem:s1+$0xFFFFFF00];
	v45 =	vbroadcast v39, $0x0;
	_ =	sdelay $0x1  }
0x6fb: {  	v39 =	vadd.s32 v0, v45;
	_ =	sdelay $0x2  }
0x6fc: {  	v37 =	vadd.f32 v37, v35;
	_ =	sdelay $0x1  }
0x6fd: {  	[tilespmem:v39+s23+$0x0] =	vst.idx.msk $0xffff, v37  }
0x6fe: {  	v37 =	vld [tilespmem:s1+$0xFFFFFF10];
	_ =	sdelay $0x1  }
0x6ff: {  	v46 =	vadd.s32 v2, v45;
	_ =	sdelay $0x2  }
0x700: {  	v37 =	vadd.f32 v37, v36;
	_ =	sdelay $0x1  }
0x701: {  	[tilespmem:v46+s23+$0x0] =	vst.idx.msk $0xffff, v37  }
0x702: {  	v37 =	vld [tilespmem:s1+$0xFFFFFF20];
	_ =	sdelay $0x1  }
0x703: {  	v47 =	vadd.s32 v3, v45;
	_ =	sdelay $0x2  }
0x704: {  	v37 =	vadd.f32 v37, v34;
	_ =	sdelay $0x1  }
0x705: {  	[tilespmem:v47+s23+$0x0] =	vst.idx.msk $0xffff, v37  }
0x706: {  	v37 =	vld [tilespmem:s1+$0xFFFFFF30];
	_ =	sdelay $0x1  }
0x707: {  	v38 =	vadd.s32 v4, v45;
	_ =	sdelay $0x1  }
0x708: {  	s14 =	sadd.s32 $0x1, s0  }
0x709: {  	v48 =	vmov s14;
	v37 =	vadd.f32 v37, v33  }
0x70a: {  	v39 =	vshrl.u32 v48, $0x3  }
0x70b: {  	v49 =	vshll.u32 v39, v1;
	[tilespmem:v38+s23+$0x0] =	vst.idx.msk $0xffff, v37  }
0x70c: {  	v37 =	vbroadcast v49, $0x0;
	v38 =	vld [tilespmem:s1+$0xFFFFFF40];
	_ =	sdelay $0x1  }
0x70d: {  	v50 =	vadd.s32 v5, v37;
	_ =	sdelay $0x2  }
0x70e: {  	v38 =	vadd.f32 v38, v35;
	_ =	sdelay $0x1  }
0x70f: {  	[tilespmem:v50+s23+$0x0] =	vst.idx.msk $0xffff, v38  }
0x710: {  	v38 =	vld [tilespmem:s1+$0xFFFFFF50];
	_ =	sdelay $0x1  }
0x711: {  	v51 =	vadd.s32 v6, v37;
	_ =	sdelay $0x2  }
0x712: {  	v38 =	vadd.f32 v38, v36;
	_ =	sdelay $0x1  }
0x713: {  	[tilespmem:v51+s23+$0x0] =	vst.idx.msk $0xffff, v38  }
0x714: {  	v38 =	vld [tilespmem:s1+$0xFFFFFF60];
	_ =	sdelay $0x1  }
0x715: {  	v52 =	vadd.s32 v7, v37;
	_ =	sdelay $0x2  }
0x716: {  	v38 =	vadd.f32 v38, v34;
	_ =	sdelay $0x1  }
0x717: {  	[tilespmem:v52+s23+$0x0] =	vst.idx.msk $0xffff, v38  }
0x718: {  	v38 =	vld [tilespmem:s1+$0xFFFFFF70];
	_ =	sdelay $0x1  }
0x719: {  	v37 =	vadd.s32 v8, v37;
	_ =	sdelay $0x1  }
0x71a: {  	s22 =	sadd.s32 $0x2, s0  }
0x71b: {  	v53 =	vmov s22;
	v38 =	vadd.f32 v38, v33  }
0x71c: {  	v39 =	vshrl.u32 v53, $0x3  }
0x71d: {  	v54 =	vshll.u32 v39, v1;
	[tilespmem:v37+s23+$0x0] =	vst.idx.msk $0xffff, v38  }
0x71e: {  	v37 =	vbroadcast v54, $0x0;
	v38 =	vld [tilespmem:s1+$0xFFFFFF80];
	_ =	sdelay $0x1  }
0x71f: {  	v55 =	vadd.s32 v9, v37;
	_ =	sdelay $0x2  }
0x720: {  	v38 =	vadd.f32 v38, v35;
	_ =	sdelay $0x1  }
0x721: {  	[tilespmem:v55+s23+$0x0] =	vst.idx.msk $0xffff, v38  }
0x722: {  	v38 =	vld [tilespmem:s1+$0xFFFFFF90];
	_ =	sdelay $0x1  }
0x723: {  	v56 =	vadd.s32 v10, v37;
	_ =	sdelay $0x2  }
0x724: {  	v38 =	vadd.f32 v38, v36;
	_ =	sdelay $0x1  }
0x725: {  	[tilespmem:v56+s23+$0x0] =	vst.idx.msk $0xffff, v38  }
0x726: {  	v38 =	vld [tilespmem:s1+$0xFFFFFFA0];
	_ =	sdelay $0x1  }
0x727: {  	v57 =	vadd.s32 v11, v37;
	_ =	sdelay $0x2  }
0x728: {  	v38 =	vadd.f32 v38, v34;
	_ =	sdelay $0x1  }
0x729: {  	[tilespmem:v57+s23+$0x0] =	vst.idx.msk $0xffff, v38  }
0x72a: {  	v38 =	vld [tilespmem:s1+$0xFFFFFFB0];
	_ =	sdelay $0x1  }
0x72b: {  	v37 =	vadd.s32 v12, v37;
	_ =	sdelay $0x1  }
0x72c: {  	s31 =	sadd.s32 $0x3, s0  }
0x72d: {  	v58 =	vmov s31;
	v38 =	vadd.f32 v38, v33  }
0x72e: {  	v39 =	vshrl.u32 v58, $0x3  }
0x72f: {  	v59 =	vshll.u32 v39, v1;
	[tilespmem:v37+s23+$0x0] =	vst.idx.msk $0xffff, v38  }
0x730: {  	v37 =	vbroadcast v59, $0x0;
	v38 =	vld [tilespmem:s1+$0xFFFFFFC0];
	_ =	sdelay $0x1  }
0x731: {  	v60 =	vadd.s32 v13, v37;
	_ =	sdelay $0x2  }
0x732: {  	v38 =	vadd.f32 v38, v35;
	_ =	sdelay $0x1  }
0x733: {  	[tilespmem:v60+s23+$0x0] =	vst.idx.msk $0xffff, v38  }
0x734: {  	v38 =	vld [tilespmem:s1+$0xFFFFFFD0];
	_ =	sdelay $0x1  }
0x735: {  	v61 =	vadd.s32 v14, v37;
	_ =	sdelay $0x2  }
0x736: {  	v38 =	vadd.f32 v38, v36;
	_ =	sdelay $0x1  }
0x737: {  	[tilespmem:v61+s23+$0x0] =	vst.idx.msk $0xffff, v38  }
0x738: {  	v38 =	vld [tilespmem:s1+$0xFFFFFFE0];
	_ =	sdelay $0x1  }
0x739: {  	v62 =	vadd.s32 v15, v37;
	_ =	sdelay $0x2  }
0x73a: {  	v38 =	vadd.f32 v38, v34;
	_ =	sdelay $0x1  }
0x73b: {  	[tilespmem:v62+s23+$0x0] =	vst.idx.msk $0xffff, v38  }
0x73c: {  	v38 =	vld [tilespmem:s1+$0xFFFFFFF0];
	_ =	sdelay $0x1  }
0x73d: {  	v37 =	vadd.s32 v16, v37;
	_ =	sdelay $0x1  }
0x73e: {  	s16 =	sadd.s32 $0x4, s0  }
0x73f: {  	v63 =	vmov s16;
	v38 =	vadd.f32 v38, v33  }
0x740: {  	v39 =	vshrl.u32 v63, $0x3  }
0x741: {  	v41 =	vshll.u32 v39, v1;
	[tilespmem:v37+s23+$0x0] =	vst.idx.msk $0xffff, v38  }
0x742: {  	v37 =	vbroadcast v41, $0x0;
	v38 =	vld [tilespmem:s1+$0x0];
	_ =	sdelay $0x1  }
0x743: {  	v42 =	vadd.s32 v17, v37;
	_ =	sdelay $0x2  }
0x744: {  	v38 =	vadd.f32 v38, v35;
	_ =	sdelay $0x1  }
0x745: {  	[tilespmem:v42+s23+$0x0] =	vst.idx.msk $0xffff, v38  }
0x746: {  	v38 =	vld [tilespmem:s1+$0x10];
	_ =	sdelay $0x1  }
0x747: {  	v43 =	vadd.s32 v18, v37;
	_ =	sdelay $0x2  }
0x748: {  	v38 =	vadd.f32 v38, v36;
	_ =	sdelay $0x1  }
0x749: {  	[tilespmem:v43+s23+$0x0] =	vst.idx.msk $0xffff, v38  }
0x74a: {  	v38 =	vld [tilespmem:s1+$0x20];
	_ =	sdelay $0x1  }
0x74b: {  	v44 =	vadd.s32 v19, v37;
	_ =	sdelay $0x2  }
0x74c: {  	v38 =	vadd.f32 v38, v34;
	_ =	sdelay $0x1  }
0x74d: {  	[tilespmem:v44+s23+$0x0] =	vst.idx.msk $0xffff, v38  }
0x74e: {  	v38 =	vld [tilespmem:s1+$0x30];
	_ =	sdelay $0x1  }
0x74f: {  	v37 =	vadd.s32 v20, v37;
	_ =	sdelay $0x1  }
0x750: {  	s22 =	sadd.s32 $0x5, s0  }
0x751: {  	v45 =	vmov s22;
	v38 =	vadd.f32 v38, v33  }
0x752: {  	v39 =	vshrl.u32 v45, $0x3  }
0x753: {  	v46 =	vshll.u32 v39, v1;
	[tilespmem:v37+s23+$0x0] =	vst.idx.msk $0xffff, v38  }
0x754: {  	v37 =	vbroadcast v46, $0x0;
	v38 =	vld [tilespmem:s1+$0x40];
	_ =	sdelay $0x1  }
0x755: {  	v47 =	vadd.s32 v21, v37;
	_ =	sdelay $0x2  }
0x756: {  	v38 =	vadd.f32 v38, v35;
	_ =	sdelay $0x1  }
0x757: {  	[tilespmem:v47+s23+$0x0] =	vst.idx.msk $0xffff, v38  }
0x758: {  	v38 =	vld [tilespmem:s1+$0x50];
	_ =	sdelay $0x1  }
0x759: {  	v48 =	vadd.s32 v22, v37;
	_ =	sdelay $0x2  }
0x75a: {  	v38 =	vadd.f32 v38, v36;
	_ =	sdelay $0x1  }
0x75b: {  	[tilespmem:v48+s23+$0x0] =	vst.idx.msk $0xffff, v38  }
0x75c: {  	v38 =	vld [tilespmem:s1+$0x60];
	_ =	sdelay $0x1  }
0x75d: {  	v49 =	vadd.s32 v23, v37;
	_ =	sdelay $0x2  }
0x75e: {  	v38 =	vadd.f32 v38, v34;
	_ =	sdelay $0x1  }
0x75f: {  	[tilespmem:v49+s23+$0x0] =	vst.idx.msk $0xffff, v38  }
0x760: {  	v38 =	vld [tilespmem:s1+$0x70];
	_ =	sdelay $0x1  }
0x761: {  	v37 =	vadd.s32 v24, v37;
	_ =	sdelay $0x1  }
0x762: {  	s31 =	sadd.s32 $0x6, s0  }
0x763: {  	v50 =	vmov s31;
	v38 =	vadd.f32 v38, v33  }
0x764: {  	v39 =	vshrl.u32 v50, $0x3  }
0x765: {  	v51 =	vshll.u32 v39, v1;
	[tilespmem:v37+s23+$0x0] =	vst.idx.msk $0xffff, v38  }
0x766: {  	v37 =	vbroadcast v51, $0x0;
	v38 =	vld [tilespmem:s1+$0x80];
	_ =	sdelay $0x1  }
0x767: {  	v52 =	vadd.s32 v25, v37;
	_ =	sdelay $0x2  }
0x768: {  	v38 =	vadd.f32 v38, v35;
	_ =	sdelay $0x1  }
0x769: {  	[tilespmem:v52+s23+$0x0] =	vst.idx.msk $0xffff, v38  }
0x76a: {  	v38 =	vld [tilespmem:s1+$0x90];
	_ =	sdelay $0x1  }
0x76b: {  	v53 =	vadd.s32 v26, v37;
	_ =	sdelay $0x2  }
0x76c: {  	v38 =	vadd.f32 v38, v36;
	_ =	sdelay $0x1  }
0x76d: {  	[tilespmem:v53+s23+$0x0] =	vst.idx.msk $0xffff, v38  }
0x76e: {  	v38 =	vld [tilespmem:s1+$0xA0];
	_ =	sdelay $0x1  }
0x76f: {  	v54 =	vadd.s32 v27, v37;
	_ =	sdelay $0x2  }
0x770: {  	v38 =	vadd.f32 v38, v34;
	_ =	sdelay $0x1  }
0x771: {  	[tilespmem:v54+s23+$0x0] =	vst.idx.msk $0xffff, v38  }
0x772: {  	v38 =	vld [tilespmem:s1+$0xB0];
	_ =	sdelay $0x1  }
0x773: {  	v37 =	vadd.s32 v28, v37;
	_ =	sdelay $0x1  }
0x774: {  	s16 =	sadd.s32 $0x7, s0  }
0x775: {  	v55 =	vmov s16;
	v38 =	vadd.f32 v38, v33  }
0x776: {  	v39 =	vshrl.u32 v55, $0x3  }
0x777: {  	v56 =	vshll.u32 v39, v1;
	[tilespmem:v37+s23+$0x0] =	vst.idx.msk $0xffff, v38  }
0x778: {  	v37 =	vbroadcast v56, $0x0;
	v38 =	vld [tilespmem:s1+$0xC0];
	_ =	sdelay $0x1  }
0x779: {  	v57 =	vadd.s32 v29, v37;
	_ =	sdelay $0x2  }
0x77a: {  	v58 =	vadd.f32 v38, v35;
	_ =	sdelay $0x1  }
0x77b: {  	[tilespmem:v57+s23+$0x0] =	vst.idx.msk $0xffff, v58  }
0x77c: {  	v35 =	vld [tilespmem:s1+$0xD0];
	_ =	sdelay $0x1  }
0x77d: {  	v59 =	vadd.s32 v30, v37;
	_ =	sdelay $0x2  }
0x77e: {  	v35 =	vadd.f32 v35, v36;
	_ =	sdelay $0x1  }
0x77f: {  	[tilespmem:v59+s23+$0x0] =	vst.idx.msk $0xffff, v35  }
0x780: {  	v35 =	vld [tilespmem:s1+$0xE0];
	_ =	sdelay $0x1  }
0x781: {  	v60 =	vadd.s32 v31, v37;
	_ =	sdelay $0x2  }
0x782: {  	v61 =	vadd.f32 v35, v34;
	_ =	sdelay $0x1  }
0x783: {  	[tilespmem:v60+s23+$0x0] =	vst.idx.msk $0xffff, v61  }
0x784: {  	v34 =	vld [tilespmem:s1+$0xF0];
	_ =	sdelay $0x1  }
0x785: {  	v62 =	vadd.s32 v32, v37;
	_ =	sdelay $0x1  }
0x786: {  	s22 =	sshll.u32 s30, $0x12  }
0x787: {  	s0 =	sor.u32 s8, s22;
	v63 =	vadd.f32 v34, v33  }
0x788: {  	s0 =	sshrl.u32 s0, $0x3  }
0x789: {  	s31 =	simm.s32 $0xF800;
	s1 =	sadd.s32 s2, s0;
	[tilespmem:v62+s23+$0x0] =	vst.idx.msk $0xffff, v63  }
0x78a: {  	[hbm4b:s1+s3] =	stream.linear.scatter [tilespmem:s31], [sflag:$0x4], $0x80, $0x38;
	[tilespmem:$0x11A00] =	vst v63  }
0x78b: {  	s14 =	simm.s32 $0xF888;
	s16 =	sadd.s32 $0x10, s1  }
0x78c: {  	[hbm4b:s16+s3] =	stream.linear.scatter [tilespmem:s14], [sflag:$0x4], $0x80, $0x38;
	[tilespmem:$0x11A00] =	vst v63  }
0x78d: {  	s22 =	simm.s32 $0xF910;
	s0 =	simm.s32 $0x440;
	s31 =	sadd.s32 $0x20, s1  }
0x78e: {  	[hbm4b:s31+s3] =	stream.linear.scatter [tilespmem:s22], [sflag:$0x4], $0x80, $0x38;
	[tilespmem:$0x11A00] =	vst v63  }
0x78f: {  	s30 =	sadd.s32 $0x70, s1;
	s14 =	simm.s32 $0xF998;
	s16 =	sadd.s32 $0x30, s1  }
0x790: {  	[hbm4b:s16+s3] =	stream.linear.scatter [tilespmem:s14], [sflag:$0x4], $0x80, $0x38;
	[tilespmem:$0x11A00] =	vst v63  }
0x791: {  	s22 =	simm.s32 $0xFA20;
	s31 =	sadd.s32 $0x40, s1;
	s14 =	simm.s32 $0xFAA8  }
0x792: {  	[hbm4b:s31+s3] =	stream.linear.scatter [tilespmem:s22], [sflag:$0x4], $0x80, $0x38;
	[tilespmem:$0x11A00] =	vst v63  }
0x793: {  	s16 =	sadd.s32 $0x50, s1;
	s22 =	simm.s32 $0xFB30;
	s31 =	sadd.s32 $0x60, s1  }
0x794: {  	[hbm4b:s16+s3] =	stream.linear.scatter [tilespmem:s14], [sflag:$0x4], $0x80, $0x38;
	[tilespmem:$0x11A00] =	vst v63  }
0x795: {  	s1 =	sadd.s32 $0x1000, s1;
	s14 =	simm.s32 $0x2200;
	s16 =	simm.s32 $0xFBB8  }
0x796: {  	[hbm4b:s31+s3] =	stream.linear.scatter [tilespmem:s22], [sflag:$0x4], $0x80, $0x38;
	[tilespmem:$0x11A00] =	vst v63  }
.LBB2_17:
0x797: {  	[hbm4b:s30+s3] =	stream.linear.scatter [tilespmem:s16], [sflag:$0x4], $0x80, $0x38;
	[tilespmem:$0x11A00] =	vst v63  }
0x798: {  	s16 =	smov.u32 s0;
	s0 =	smov.u32 s14  }
0x799: {  	s22 =	sadd.s32 $0x1100, s14;
	s0 =	sshra.s32 s0, $0x2;
	s30 =	sadd.s32 $0xF800, s16  }
0x79a: {  	[hbm4b:s1+s3] =	stream.linear.scatter [tilespmem:s30], [sflag:$0x4], $0x80, $0x38;
	[tilespmem:$0x11A00] =	vst v63  }
0x79b: {  	p0 =	sne.s32 s14, $0x7700;
	s14 =	sadd.s32 $0xF888, s16;
	s30 =	sadd.s32 $0x10, s1  }
0x79c: {  	[hbm4b:s30+s3] =	stream.linear.scatter [tilespmem:s14], [sflag:$0x4], $0x80, $0x38;
	[tilespmem:$0x11A00] =	vst v63  }
0x79d: {  	s14 =	sadd.s32 $0xF910, s16;
	s30 =	sadd.s32 $0x20, s1  }
0x79e: {  	[hbm4b:s30+s3] =	stream.linear.scatter [tilespmem:s14], [sflag:$0x4], $0x80, $0x38;
	[tilespmem:$0x11A00] =	vst v63  }
0x79f: {  	s14 =	sadd.s32 $0xF998, s16;
	s30 =	sadd.s32 $0x30, s1  }
0x7a0: {  	[hbm4b:s30+s3] =	stream.linear.scatter [tilespmem:s14], [sflag:$0x4], $0x80, $0x38;
	[tilespmem:$0x11A00] =	vst v63  }
0x7a1: {  	s14 =	sadd.s32 $0xFA20, s16;
	s30 =	sadd.s32 $0x40, s1  }
0x7a2: {  	[hbm4b:s30+s3] =	stream.linear.scatter [tilespmem:s14], [sflag:$0x4], $0x80, $0x38;
	[tilespmem:$0x11A00] =	vst v63  }
.Ltmp7:
0x7a3: {  	s14 =	sadd.s32 $0xFAA8, s16;
	s30 =	sadd.s32 $0x50, s1;
	(pc) =	sbr.rel @p0 .LBB2_17-.Ltmp7, $4  }
0x7a4: {  	[hbm4b:s30+s3] =	stream.linear.scatter [tilespmem:s14], [sflag:$0x4], $0x80, $0x38;
	[tilespmem:$0x11A00] =	vst v63  }
0x7a5: {  	s14 =	sadd.s32 $0xFB30, s16;
	s30 =	sadd.s32 $0x60, s1;
	s16 =	sadd.s32 $0xFBB8, s16  }
0x7a6: {  	[hbm4b:s30+s3] =	stream.linear.scatter [tilespmem:s14], [sflag:$0x4], $0x80, $0x38;
	[tilespmem:$0x11A00] =	vst v63  }
0x7a7: {  	s30 =	sadd.s32 $0x70, s1;
	s1 =	sadd.s32 $0x1000, s1;
	s14 =	smov.u32 s22  }
0x7a8: {  	[hbm4b:s30+s3] =	stream.linear.scatter [tilespmem:s16], [sflag:$0x4], $0x80, $0x38;
	[tilespmem:$0x11A00] =	vst v63  }
0x7a9: {  	s14 =	sadd.s32 $0xF800, s0  }
0x7aa: {  	[hbm4b:s1+s3] =	stream.linear.scatter [tilespmem:s14], [sflag:$0x4], $0x80, $0x38;
	[tilespmem:$0x11A00] =	vst v63  }
0x7ab: {  	s30 =	sadd.s32 $0xF888, s0;
	s31 =	sadd.s32 $0x10, s1  }
0x7ac: {  	[hbm4b:s31+s3] =	stream.linear.scatter [tilespmem:s30], [sflag:$0x4], $0x80, $0x38;
	[tilespmem:$0x11A00] =	vst v63  }
0x7ad: {  	s16 =	sadd.s32 $0xF910, s0;
	s22 =	sadd.s32 $0x20, s1  }
0x7ae: {  	[hbm4b:s22+s3] =	stream.linear.scatter [tilespmem:s16], [sflag:$0x4], $0x80, $0x38;
	[tilespmem:$0x11A00] =	vst v63  }
0x7af: {  	s30 =	sadd.s32 $0xF998, s0;
	s31 =	sadd.s32 $0x30, s1  }
0x7b0: {  	[hbm4b:s31+s3] =	stream.linear.scatter [tilespmem:s30], [sflag:$0x4], $0x80, $0x38;
	[tilespmem:$0x11A00] =	vst v63  }
0x7b1: {  	s29 =	sadd.s32 $0x1, s29;
	s16 =	sadd.s32 $0xFA20, s0;
	s22 =	sadd.s32 $0x40, s1  }
0x7b2: {  	[hbm4b:s22+s3] =	stream.linear.scatter [tilespmem:s16], [sflag:$0x4], $0x80, $0x38;
	[tilespmem:$0x11A00] =	vst v63  }
0x7b3: {  	p0 =	sne.s32 s29, $0x62;
	s30 =	sadd.s32 $0xFAA8, s0;
	s31 =	sadd.s32 $0x50, s1  }
0x7b4: {  	[hbm4b:s31+s3] =	stream.linear.scatter [tilespmem:s30], [sflag:$0x4], $0x80, $0x38;
	[tilespmem:$0x11A00] =	vst v63  }
.Ltmp8:
0x7b5: {  	_ = 	snop;
	(pc) =	sbr.rel @p0 .LBB2_10-.Ltmp8, $4  }
0x7b6: {  	s16 =	sadd.s32 $0xFB30, s0;
	s22 =	sadd.s32 $0x60, s1  }
0x7b7: {  	[hbm4b:s22+s3] =	stream.linear.scatter [tilespmem:s16], [sflag:$0x4], $0x80, $0x38;
	[tilespmem:$0x11A00] =	vst v63  }
0x7b8: {  	s30 =	sadd.s32 $0xFBB8, s0;
	s31 =	sadd.s32 $0x70, s1  }
0x7b9: {  	[hbm4b:s31+s3] =	stream.linear.scatter [tilespmem:s30], [sflag:$0x4], $0x80, $0x38;
	[tilespmem:$0x11A00] =	vst v63  }
0x7ba: {  	_ =	swait.ge [sflag:s18], $0x2000  }
0x7bb: {  	[sflag:s18] =	ssyncset.done $0x0  }
0x7bc: {  	[sflag:s18] =	ssyncadd.s32 $0xFFFFE000  }
0x7bd: {  	[tilespmem:s19], [sflag:$0x2] =	stream.indirect.gather [hbm4b:s5+s13], $0x40, s26, s13, $0xb8;
	[tilespmem:$0x11A00] =	vst v63  }
0x7be: {  	s0 =	simm.s32 $0x0;
	_ =	swait.ge [sflag:s24], $0x2000  }
0x7bf: {  	v33 =	vmov s0;
	[sflag:s24] =	ssyncset.done $0x0  }
0x7c0: {  	v33 =	vshrl.u32 v33, $0x3;
	[sflag:s24] =	ssyncadd.s32 $0xFFFFE000  }
0x7c1: {  	s1 =	simm.s32 $0x9700;
	v33 =	vshll.u32 v33, v1;
	v35 =	vld [tilespmem:$0x9580]  }
0x7c2: {  	v38 =	vbroadcast v33, $0x0;
	v37 =	vld [tilespmem:s1+$0xFFFFFF00];
	_ =	sdelay $0x1  }
0x7c3: {  	v39 =	vadd.s32 v0, v38;
	_ =	sdelay $0x2  }
0x7c4: {  	v36 =	vld [tilespmem:$0x9590];
	v37 =	vadd.f32 v37, v35  }
0x7c5: {  	v34 =	vld [tilespmem:$0x95A0]  }
0x7c6: {  	v33 =	vld [tilespmem:$0x95B0];
	[tilespmem:v39+s20+$0x0] =	vst.idx.msk $0xffff, v37  }
0x7c7: {  	v37 =	vld [tilespmem:s1+$0xFFFFFF10];
	_ =	sdelay $0x1  }
0x7c8: {  	v48 =	vadd.s32 v2, v38;
	_ =	sdelay $0x2  }
0x7c9: {  	v37 =	vadd.f32 v37, v36;
	_ =	sdelay $0x1  }
0x7ca: {  	[tilespmem:v48+s20+$0x0] =	vst.idx.msk $0xffff, v37  }
0x7cb: {  	v37 =	vld [tilespmem:s1+$0xFFFFFF20];
	_ =	sdelay $0x1  }
0x7cc: {  	v49 =	vadd.s32 v3, v38;
	_ =	sdelay $0x2  }
0x7cd: {  	v37 =	vadd.f32 v37, v34;
	_ =	sdelay $0x1  }
0x7ce: {  	[tilespmem:v49+s20+$0x0] =	vst.idx.msk $0xffff, v37  }
0x7cf: {  	v37 =	vld [tilespmem:s1+$0xFFFFFF30];
	_ =	sdelay $0x1  }
0x7d0: {  	v38 =	vadd.s32 v4, v38;
	_ =	sdelay $0x1  }
0x7d1: {  	s31 =	simm.s32 $0x1  }
0x7d2: {  	v50 =	vmov s31;
	v37 =	vadd.f32 v37, v33  }
0x7d3: {  	v39 =	vshrl.u32 v50, $0x3  }
0x7d4: {  	v51 =	vshll.u32 v39, v1;
	[tilespmem:v38+s20+$0x0] =	vst.idx.msk $0xffff, v37  }
0x7d5: {  	v37 =	vbroadcast v51, $0x0;
	v38 =	vld [tilespmem:s1+$0xFFFFFF40];
	_ =	sdelay $0x1  }
0x7d6: {  	v52 =	vadd.s32 v5, v37;
	_ =	sdelay $0x2  }
0x7d7: {  	v38 =	vadd.f32 v38, v35;
	_ =	sdelay $0x1  }
0x7d8: {  	[tilespmem:v52+s20+$0x0] =	vst.idx.msk $0xffff, v38  }
0x7d9: {  	v38 =	vld [tilespmem:s1+$0xFFFFFF50];
	_ =	sdelay $0x1  }
0x7da: {  	v53 =	vadd.s32 v6, v37;
	_ =	sdelay $0x2  }
0x7db: {  	v38 =	vadd.f32 v38, v36;
	_ =	sdelay $0x1  }
0x7dc: {  	[tilespmem:v53+s20+$0x0] =	vst.idx.msk $0xffff, v38  }
0x7dd: {  	v38 =	vld [tilespmem:s1+$0xFFFFFF60];
	_ =	sdelay $0x1  }
0x7de: {  	v54 =	vadd.s32 v7, v37;
	_ =	sdelay $0x2  }
0x7df: {  	v38 =	vadd.f32 v38, v34;
	_ =	sdelay $0x1  }
0x7e0: {  	[tilespmem:v54+s20+$0x0] =	vst.idx.msk $0xffff, v38  }
0x7e1: {  	v38 =	vld [tilespmem:s1+$0xFFFFFF70];
	_ =	sdelay $0x1  }
0x7e2: {  	v37 =	vadd.s32 v8, v37;
	_ =	sdelay $0x1  }
0x7e3: {  	s14 =	simm.s32 $0x2  }
0x7e4: {  	v55 =	vmov s14;
	v38 =	vadd.f32 v38, v33  }
0x7e5: {  	v39 =	vshrl.u32 v55, $0x3  }
0x7e6: {  	v56 =	vshll.u32 v39, v1;
	[tilespmem:v37+s20+$0x0] =	vst.idx.msk $0xffff, v38  }
0x7e7: {  	v37 =	vbroadcast v56, $0x0;
	v38 =	vld [tilespmem:s1+$0xFFFFFF80];
	_ =	sdelay $0x1  }
0x7e8: {  	v57 =	vadd.s32 v9, v37;
	_ =	sdelay $0x2  }
0x7e9: {  	v38 =	vadd.f32 v38, v35;
	_ =	sdelay $0x1  }
0x7ea: {  	[tilespmem:v57+s20+$0x0] =	vst.idx.msk $0xffff, v38  }
0x7eb: {  	v38 =	vld [tilespmem:s1+$0xFFFFFF90];
	_ =	sdelay $0x1  }
0x7ec: {  	v58 =	vadd.s32 v10, v37;
	_ =	sdelay $0x2  }
0x7ed: {  	v38 =	vadd.f32 v38, v36;
	_ =	sdelay $0x1  }
0x7ee: {  	[tilespmem:v58+s20+$0x0] =	vst.idx.msk $0xffff, v38  }
0x7ef: {  	v38 =	vld [tilespmem:s1+$0xFFFFFFA0];
	_ =	sdelay $0x1  }
0x7f0: {  	v59 =	vadd.s32 v11, v37;
	_ =	sdelay $0x2  }
0x7f1: {  	v38 =	vadd.f32 v38, v34;
	_ =	sdelay $0x1  }
0x7f2: {  	[tilespmem:v59+s20+$0x0] =	vst.idx.msk $0xffff, v38  }
0x7f3: {  	v38 =	vld [tilespmem:s1+$0xFFFFFFB0];
	_ =	sdelay $0x1  }
0x7f4: {  	v37 =	vadd.s32 v12, v37;
	_ =	sdelay $0x1  }
0x7f5: {  	s16 =	simm.s32 $0x3  }
0x7f6: {  	v60 =	vmov s16;
	v38 =	vadd.f32 v38, v33  }
0x7f7: {  	v39 =	vshrl.u32 v60, $0x3  }
0x7f8: {  	v61 =	vshll.u32 v39, v1;
	[tilespmem:v37+s20+$0x0] =	vst.idx.msk $0xffff, v38  }
0x7f9: {  	v37 =	vbroadcast v61, $0x0;
	v38 =	vld [tilespmem:s1+$0xFFFFFFC0];
	_ =	sdelay $0x1  }
0x7fa: {  	v62 =	vadd.s32 v13, v37;
	_ =	sdelay $0x2  }
0x7fb: {  	v38 =	vadd.f32 v38, v35;
	_ =	sdelay $0x1  }
0x7fc: {  	[tilespmem:v62+s20+$0x0] =	vst.idx.msk $0xffff, v38  }
0x7fd: {  	v38 =	vld [tilespmem:s1+$0xFFFFFFD0];
	_ =	sdelay $0x1  }
0x7fe: {  	v63 =	vadd.s32 v14, v37;
	_ =	sdelay $0x2  }
0x7ff: {  	v38 =	vadd.f32 v38, v36;
	_ =	sdelay $0x1  }
0x800: {  	[tilespmem:v63+s20+$0x0] =	vst.idx.msk $0xffff, v38  }
0x801: {  	v38 =	vld [tilespmem:s1+$0xFFFFFFE0];
	_ =	sdelay $0x1  }
0x802: {  	v42 =	vadd.s32 v15, v37;
	_ =	sdelay $0x2  }
0x803: {  	v38 =	vadd.f32 v38, v34;
	_ =	sdelay $0x1  }
0x804: {  	[tilespmem:v42+s20+$0x0] =	vst.idx.msk $0xffff, v38  }
0x805: {  	v38 =	vld [tilespmem:s1+$0xFFFFFFF0];
	_ =	sdelay $0x1  }
0x806: {  	v37 =	vadd.s32 v16, v37;
	_ =	sdelay $0x1  }
0x807: {  	s22 =	simm.s32 $0x4  }
0x808: {  	v43 =	vmov s22;
	v38 =	vadd.f32 v38, v33  }
0x809: {  	v39 =	vshrl.u32 v43, $0x3  }
0x80a: {  	v44 =	vshll.u32 v39, v1;
	[tilespmem:v37+s20+$0x0] =	vst.idx.msk $0xffff, v38  }
0x80b: {  	v37 =	vbroadcast v44, $0x0;
	v38 =	vld [tilespmem:s1+$0x0];
	_ =	sdelay $0x1  }
0x80c: {  	v45 =	vadd.s32 v17, v37;
	_ =	sdelay $0x2  }
0x80d: {  	v38 =	vadd.f32 v38, v35;
	_ =	sdelay $0x1  }
0x80e: {  	[tilespmem:v45+s20+$0x0] =	vst.idx.msk $0xffff, v38  }
0x80f: {  	v38 =	vld [tilespmem:s1+$0x10];
	_ =	sdelay $0x1  }
0x810: {  	v46 =	vadd.s32 v18, v37;
	_ =	sdelay $0x2  }
0x811: {  	v38 =	vadd.f32 v38, v36;
	_ =	sdelay $0x1  }
0x812: {  	[tilespmem:v46+s20+$0x0] =	vst.idx.msk $0xffff, v38  }
0x813: {  	v38 =	vld [tilespmem:s1+$0x20];
	_ =	sdelay $0x1  }
0x814: {  	v47 =	vadd.s32 v19, v37;
	_ =	sdelay $0x2  }
0x815: {  	v38 =	vadd.f32 v38, v34;
	_ =	sdelay $0x1  }
0x816: {  	[tilespmem:v47+s20+$0x0] =	vst.idx.msk $0xffff, v38  }
0x817: {  	v38 =	vld [tilespmem:s1+$0x30];
	_ =	sdelay $0x1  }
0x818: {  	v37 =	vadd.s32 v20, v37;
	_ =	sdelay $0x1  }
0x819: {  	s29 =	simm.s32 $0x5  }
0x81a: {  	v48 =	vmov s29;
	v38 =	vadd.f32 v38, v33  }
0x81b: {  	v39 =	vshrl.u32 v48, $0x3  }
0x81c: {  	v49 =	vshll.u32 v39, v1;
	[tilespmem:v37+s20+$0x0] =	vst.idx.msk $0xffff, v38  }
0x81d: {  	v37 =	vbroadcast v49, $0x0;
	v38 =	vld [tilespmem:s1+$0x40];
	_ =	sdelay $0x1  }
0x81e: {  	v50 =	vadd.s32 v21, v37;
	_ =	sdelay $0x2  }
0x81f: {  	v38 =	vadd.f32 v38, v35;
	_ =	sdelay $0x1  }
0x820: {  	[tilespmem:v50+s20+$0x0] =	vst.idx.msk $0xffff, v38  }
0x821: {  	v38 =	vld [tilespmem:s1+$0x50];
	_ =	sdelay $0x1  }
0x822: {  	v51 =	vadd.s32 v22, v37;
	_ =	sdelay $0x2  }
0x823: {  	v38 =	vadd.f32 v38, v36;
	_ =	sdelay $0x1  }
0x824: {  	[tilespmem:v51+s20+$0x0] =	vst.idx.msk $0xffff, v38  }
0x825: {  	v38 =	vld [tilespmem:s1+$0x60];
	_ =	sdelay $0x1  }
0x826: {  	v52 =	vadd.s32 v23, v37;
	_ =	sdelay $0x2  }
0x827: {  	v38 =	vadd.f32 v38, v34;
	_ =	sdelay $0x1  }
0x828: {  	[tilespmem:v52+s20+$0x0] =	vst.idx.msk $0xffff, v38  }
0x829: {  	v38 =	vld [tilespmem:s1+$0x70];
	_ =	sdelay $0x1  }
0x82a: {  	v37 =	vadd.s32 v24, v37;
	_ =	sdelay $0x1  }
0x82b: {  	s30 =	simm.s32 $0x6  }
0x82c: {  	v53 =	vmov s30;
	v38 =	vadd.f32 v38, v33  }
0x82d: {  	v39 =	vshrl.u32 v53, $0x3  }
0x82e: {  	v54 =	vshll.u32 v39, v1;
	[tilespmem:v37+s20+$0x0] =	vst.idx.msk $0xffff, v38  }
0x82f: {  	v37 =	vbroadcast v54, $0x0;
	v38 =	vld [tilespmem:s1+$0x80];
	_ =	sdelay $0x1  }
0x830: {  	v55 =	vadd.s32 v25, v37;
	_ =	sdelay $0x2  }
0x831: {  	v38 =	vadd.f32 v38, v35;
	_ =	sdelay $0x1  }
0x832: {  	[tilespmem:v55+s20+$0x0] =	vst.idx.msk $0xffff, v38  }
0x833: {  	v38 =	vld [tilespmem:s1+$0x90];
	_ =	sdelay $0x1  }
0x834: {  	v56 =	vadd.s32 v26, v37;
	_ =	sdelay $0x2  }
0x835: {  	v38 =	vadd.f32 v38, v36;
	_ =	sdelay $0x1  }
0x836: {  	[tilespmem:v56+s20+$0x0] =	vst.idx.msk $0xffff, v38  }
0x837: {  	v38 =	vld [tilespmem:s1+$0xA0];
	_ =	sdelay $0x1  }
0x838: {  	v57 =	vadd.s32 v27, v37;
	_ =	sdelay $0x2  }
0x839: {  	v38 =	vadd.f32 v38, v34;
	_ =	sdelay $0x1  }
0x83a: {  	[tilespmem:v57+s20+$0x0] =	vst.idx.msk $0xffff, v38  }
0x83b: {  	v38 =	vld [tilespmem:s1+$0xB0];
	_ =	sdelay $0x1  }
0x83c: {  	v37 =	vadd.s32 v28, v37;
	_ =	sdelay $0x1  }
0x83d: {  	s31 =	simm.s32 $0x7  }
0x83e: {  	v58 =	vmov s31;
	v38 =	vadd.f32 v38, v33  }
0x83f: {  	v39 =	vshrl.u32 v58, $0x3  }
0x840: {  	v59 =	vshll.u32 v39, v1;
	[tilespmem:v37+s20+$0x0] =	vst.idx.msk $0xffff, v38  }
0x841: {  	v37 =	vbroadcast v59, $0x0;
	v38 =	vld [tilespmem:s1+$0xC0];
	_ =	sdelay $0x1  }
0x842: {  	v60 =	vadd.s32 v29, v37;
	_ =	sdelay $0x2  }
0x843: {  	v38 =	vadd.f32 v38, v35;
	_ =	sdelay $0x1  }
0x844: {  	[tilespmem:v60+s20+$0x0] =	vst.idx.msk $0xffff, v38  }
0x845: {  	v38 =	vld [tilespmem:s1+$0xD0];
	_ =	sdelay $0x1  }
0x846: {  	v61 =	vadd.s32 v30, v37;
	_ =	sdelay $0x2  }
0x847: {  	v38 =	vadd.f32 v38, v36;
	_ =	sdelay $0x1  }
0x848: {  	[tilespmem:v61+s20+$0x0] =	vst.idx.msk $0xffff, v38  }
0x849: {  	v38 =	vld [tilespmem:s1+$0xE0];
	_ =	sdelay $0x1  }
0x84a: {  	v62 =	vadd.s32 v31, v37;
	_ =	sdelay $0x2  }
0x84b: {  	v38 =	vadd.f32 v38, v34;
	_ =	sdelay $0x1  }
0x84c: {  	[tilespmem:v62+s20+$0x0] =	vst.idx.msk $0xffff, v38  }
0x84d: {  	v38 =	vld [tilespmem:s1+$0xF0];
	_ =	sdelay $0x1  }
0x84e: {  	v37 =	vadd.s32 v32, v37  }
0x84f: {  	s0 =	simm.s32 $0x8  }
0x850: {  	v63 =	vmov s0  }
0x851: {  	s14 =	simm.s32 $0x10;
	v39 =	vshrl.u32 v63, $0x3;
	v38 =	vadd.f32 v38, v33  }
.LBB2_20:
0x852: {  	p0 =	slt.u32 s14, $0x78  }
0x853: {  	v39 =	vshll.u32 v39, v1;
	[tilespmem:v37+s20+$0x0] =	vst.idx.msk $0xffff, v38;
	s1 =	sadd.s32 $0x200, s1;
	s16 =	smov.u32 s14;
	s14 =	sadd.s32 $0x8, s14  }
0x854: {  	v37 =	vld [tilespmem:s1+$0xFFFFFF00];
	v38 =	vbroadcast v39, $0x0;
	_ =	sdelay $0x1  }
0x855: {  	v39 =	vadd.s32 v0, v38;
	_ =	sdelay $0x2  }
0x856: {  	v37 =	vadd.f32 v37, v35;
	_ =	sdelay $0x1  }
0x857: {  	[tilespmem:v39+s20+$0x0] =	vst.idx.msk $0xffff, v37  }
0x858: {  	v37 =	vld [tilespmem:s1+$0xFFFFFF10];
	_ =	sdelay $0x1  }
0x859: {  	v39 =	vadd.s32 v2, v38;
	_ =	sdelay $0x2  }
0x85a: {  	v37 =	vadd.f32 v37, v36;
	_ =	sdelay $0x1  }
0x85b: {  	[tilespmem:v39+s20+$0x0] =	vst.idx.msk $0xffff, v37  }
0x85c: {  	v37 =	vld [tilespmem:s1+$0xFFFFFF20];
	_ =	sdelay $0x1  }
0x85d: {  	v39 =	vadd.s32 v3, v38;
	_ =	sdelay $0x2  }
0x85e: {  	v37 =	vadd.f32 v37, v34;
	_ =	sdelay $0x1  }
0x85f: {  	[tilespmem:v39+s20+$0x0] =	vst.idx.msk $0xffff, v37  }
0x860: {  	v37 =	vld [tilespmem:s1+$0xFFFFFF30];
	_ =	sdelay $0x1  }
0x861: {  	v38 =	vadd.s32 v4, v38;
	_ =	sdelay $0x1  }
0x862: {  	s22 =	sadd.s32 $0x1, s0  }
0x863: {  	v39 =	vmov s22;
	v37 =	vadd.f32 v37, v33  }
0x864: {  	v39 =	vshrl.u32 v39, $0x3  }
0x865: {  	[tilespmem:v38+s20+$0x0] =	vst.idx.msk $0xffff, v37;
	v37 =	vshll.u32 v39, v1  }
0x866: {  	v38 =	vld [tilespmem:s1+$0xFFFFFF40];
	v37 =	vbroadcast v37, $0x0;
	_ =	sdelay $0x1  }
0x867: {  	v39 =	vadd.s32 v5, v37;
	_ =	sdelay $0x2  }
0x868: {  	v38 =	vadd.f32 v38, v35;
	_ =	sdelay $0x1  }
0x869: {  	[tilespmem:v39+s20+$0x0] =	vst.idx.msk $0xffff, v38  }
0x86a: {  	v38 =	vld [tilespmem:s1+$0xFFFFFF50];
	_ =	sdelay $0x1  }
0x86b: {  	v39 =	vadd.s32 v6, v37;
	_ =	sdelay $0x2  }
0x86c: {  	v38 =	vadd.f32 v38, v36;
	_ =	sdelay $0x1  }
0x86d: {  	[tilespmem:v39+s20+$0x0] =	vst.idx.msk $0xffff, v38  }
0x86e: {  	v38 =	vld [tilespmem:s1+$0xFFFFFF60];
	_ =	sdelay $0x1  }
0x86f: {  	v39 =	vadd.s32 v7, v37;
	_ =	sdelay $0x2  }
0x870: {  	v38 =	vadd.f32 v38, v34;
	_ =	sdelay $0x1  }
0x871: {  	[tilespmem:v39+s20+$0x0] =	vst.idx.msk $0xffff, v38  }
0x872: {  	v38 =	vld [tilespmem:s1+$0xFFFFFF70];
	_ =	sdelay $0x1  }
0x873: {  	v37 =	vadd.s32 v8, v37;
	_ =	sdelay $0x1  }
0x874: {  	s22 =	sadd.s32 $0x2, s0  }
0x875: {  	v39 =	vmov s22;
	v38 =	vadd.f32 v38, v33  }
0x876: {  	v39 =	vshrl.u32 v39, $0x3  }
0x877: {  	[tilespmem:v37+s20+$0x0] =	vst.idx.msk $0xffff, v38;
	v37 =	vshll.u32 v39, v1  }
0x878: {  	v38 =	vld [tilespmem:s1+$0xFFFFFF80];
	v37 =	vbroadcast v37, $0x0;
	_ =	sdelay $0x1  }
0x879: {  	v39 =	vadd.s32 v9, v37;
	_ =	sdelay $0x2  }
0x87a: {  	v38 =	vadd.f32 v38, v35;
	_ =	sdelay $0x1  }
0x87b: {  	[tilespmem:v39+s20+$0x0] =	vst.idx.msk $0xffff, v38  }
0x87c: {  	v38 =	vld [tilespmem:s1+$0xFFFFFF90];
	_ =	sdelay $0x1  }
0x87d: {  	v39 =	vadd.s32 v10, v37;
	_ =	sdelay $0x2  }
0x87e: {  	v38 =	vadd.f32 v38, v36;
	_ =	sdelay $0x1  }
0x87f: {  	[tilespmem:v39+s20+$0x0] =	vst.idx.msk $0xffff, v38  }
0x880: {  	v38 =	vld [tilespmem:s1+$0xFFFFFFA0];
	_ =	sdelay $0x1  }
0x881: {  	v39 =	vadd.s32 v11, v37;
	_ =	sdelay $0x2  }
0x882: {  	v38 =	vadd.f32 v38, v34;
	_ =	sdelay $0x1  }
0x883: {  	[tilespmem:v39+s20+$0x0] =	vst.idx.msk $0xffff, v38  }
0x884: {  	v38 =	vld [tilespmem:s1+$0xFFFFFFB0];
	_ =	sdelay $0x1  }
0x885: {  	v37 =	vadd.s32 v12, v37;
	_ =	sdelay $0x1  }
0x886: {  	s22 =	sadd.s32 $0x3, s0  }
0x887: {  	v39 =	vmov s22;
	v38 =	vadd.f32 v38, v33  }
0x888: {  	v39 =	vshrl.u32 v39, $0x3  }
0x889: {  	[tilespmem:v37+s20+$0x0] =	vst.idx.msk $0xffff, v38;
	v37 =	vshll.u32 v39, v1  }
0x88a: {  	v38 =	vld [tilespmem:s1+$0xFFFFFFC0];
	v37 =	vbroadcast v37, $0x0;
	_ =	sdelay $0x1  }
0x88b: {  	v39 =	vadd.s32 v13, v37;
	_ =	sdelay $0x2  }
0x88c: {  	v38 =	vadd.f32 v38, v35;
	_ =	sdelay $0x1  }
0x88d: {  	[tilespmem:v39+s20+$0x0] =	vst.idx.msk $0xffff, v38  }
0x88e: {  	v38 =	vld [tilespmem:s1+$0xFFFFFFD0];
	_ =	sdelay $0x1  }
0x88f: {  	v39 =	vadd.s32 v14, v37;
	_ =	sdelay $0x2  }
0x890: {  	v38 =	vadd.f32 v38, v36;
	_ =	sdelay $0x1  }
0x891: {  	[tilespmem:v39+s20+$0x0] =	vst.idx.msk $0xffff, v38  }
0x892: {  	v38 =	vld [tilespmem:s1+$0xFFFFFFE0];
	_ =	sdelay $0x1  }
0x893: {  	v39 =	vadd.s32 v15, v37;
	_ =	sdelay $0x2  }
0x894: {  	v38 =	vadd.f32 v38, v34;
	_ =	sdelay $0x1  }
0x895: {  	[tilespmem:v39+s20+$0x0] =	vst.idx.msk $0xffff, v38  }
0x896: {  	v38 =	vld [tilespmem:s1+$0xFFFFFFF0];
	_ =	sdelay $0x1  }
0x897: {  	v37 =	vadd.s32 v16, v37;
	_ =	sdelay $0x1  }
0x898: {  	s22 =	sadd.s32 $0x4, s0  }
0x899: {  	v39 =	vmov s22;
	v38 =	vadd.f32 v38, v33  }
0x89a: {  	v39 =	vshrl.u32 v39, $0x3  }
0x89b: {  	[tilespmem:v37+s20+$0x0] =	vst.idx.msk $0xffff, v38;
	v37 =	vshll.u32 v39, v1  }
0x89c: {  	v38 =	vld [tilespmem:s1+$0x0];
	v37 =	vbroadcast v37, $0x0;
	_ =	sdelay $0x1  }
0x89d: {  	v39 =	vadd.s32 v17, v37;
	_ =	sdelay $0x2  }
0x89e: {  	v38 =	vadd.f32 v38, v35;
	_ =	sdelay $0x1  }
0x89f: {  	[tilespmem:v39+s20+$0x0] =	vst.idx.msk $0xffff, v38  }
0x8a0: {  	v38 =	vld [tilespmem:s1+$0x10];
	_ =	sdelay $0x1  }
0x8a1: {  	v39 =	vadd.s32 v18, v37;
	_ =	sdelay $0x2  }
0x8a2: {  	v38 =	vadd.f32 v38, v36;
	_ =	sdelay $0x1  }
0x8a3: {  	[tilespmem:v39+s20+$0x0] =	vst.idx.msk $0xffff, v38  }
0x8a4: {  	v38 =	vld [tilespmem:s1+$0x20];
	_ =	sdelay $0x1  }
0x8a5: {  	v39 =	vadd.s32 v19, v37;
	_ =	sdelay $0x2  }
0x8a6: {  	v38 =	vadd.f32 v38, v34;
	_ =	sdelay $0x1  }
0x8a7: {  	[tilespmem:v39+s20+$0x0] =	vst.idx.msk $0xffff, v38  }
0x8a8: {  	v38 =	vld [tilespmem:s1+$0x30];
	_ =	sdelay $0x1  }
0x8a9: {  	v37 =	vadd.s32 v20, v37;
	_ =	sdelay $0x1  }
0x8aa: {  	s22 =	sadd.s32 $0x5, s0  }
0x8ab: {  	v39 =	vmov s22;
	v38 =	vadd.f32 v38, v33  }
0x8ac: {  	v39 =	vshrl.u32 v39, $0x3  }
0x8ad: {  	[tilespmem:v37+s20+$0x0] =	vst.idx.msk $0xffff, v38;
	v37 =	vshll.u32 v39, v1  }
0x8ae: {  	v38 =	vld [tilespmem:s1+$0x40];
	v37 =	vbroadcast v37, $0x0;
	_ =	sdelay $0x1  }
0x8af: {  	v39 =	vadd.s32 v21, v37;
	_ =	sdelay $0x2  }
0x8b0: {  	v38 =	vadd.f32 v38, v35;
	_ =	sdelay $0x1  }
0x8b1: {  	[tilespmem:v39+s20+$0x0] =	vst.idx.msk $0xffff, v38  }
0x8b2: {  	v38 =	vld [tilespmem:s1+$0x50];
	_ =	sdelay $0x1  }
0x8b3: {  	v39 =	vadd.s32 v22, v37;
	_ =	sdelay $0x2  }
0x8b4: {  	v38 =	vadd.f32 v38, v36;
	_ =	sdelay $0x1  }
0x8b5: {  	[tilespmem:v39+s20+$0x0] =	vst.idx.msk $0xffff, v38  }
0x8b6: {  	v38 =	vld [tilespmem:s1+$0x60];
	_ =	sdelay $0x1  }
0x8b7: {  	v39 =	vadd.s32 v23, v37;
	_ =	sdelay $0x2  }
0x8b8: {  	v38 =	vadd.f32 v38, v34;
	_ =	sdelay $0x1  }
0x8b9: {  	[tilespmem:v39+s20+$0x0] =	vst.idx.msk $0xffff, v38  }
0x8ba: {  	v38 =	vld [tilespmem:s1+$0x70];
	_ =	sdelay $0x1  }
0x8bb: {  	v37 =	vadd.s32 v24, v37;
	_ =	sdelay $0x1  }
0x8bc: {  	s22 =	sadd.s32 $0x6, s0  }
0x8bd: {  	v39 =	vmov s22;
	v38 =	vadd.f32 v38, v33  }
0x8be: {  	v39 =	vshrl.u32 v39, $0x3  }
0x8bf: {  	[tilespmem:v37+s20+$0x0] =	vst.idx.msk $0xffff, v38;
	v37 =	vshll.u32 v39, v1  }
0x8c0: {  	v38 =	vld [tilespmem:s1+$0x80];
	v37 =	vbroadcast v37, $0x0;
	_ =	sdelay $0x1  }
0x8c1: {  	v39 =	vadd.s32 v25, v37;
	_ =	sdelay $0x2  }
0x8c2: {  	v38 =	vadd.f32 v38, v35;
	_ =	sdelay $0x1  }
0x8c3: {  	[tilespmem:v39+s20+$0x0] =	vst.idx.msk $0xffff, v38  }
0x8c4: {  	v38 =	vld [tilespmem:s1+$0x90];
	_ =	sdelay $0x1  }
0x8c5: {  	v39 =	vadd.s32 v26, v37;
	_ =	sdelay $0x2  }
0x8c6: {  	v38 =	vadd.f32 v38, v36;
	_ =	sdelay $0x1  }
0x8c7: {  	[tilespmem:v39+s20+$0x0] =	vst.idx.msk $0xffff, v38  }
0x8c8: {  	v38 =	vld [tilespmem:s1+$0xA0];
	_ =	sdelay $0x1  }
0x8c9: {  	v39 =	vadd.s32 v27, v37;
	_ =	sdelay $0x2  }
0x8ca: {  	v38 =	vadd.f32 v38, v34;
	_ =	sdelay $0x1  }
0x8cb: {  	[tilespmem:v39+s20+$0x0] =	vst.idx.msk $0xffff, v38  }
0x8cc: {  	v38 =	vld [tilespmem:s1+$0xB0];
	_ =	sdelay $0x1  }
0x8cd: {  	v37 =	vadd.s32 v28, v37;
	_ =	sdelay $0x1  }
0x8ce: {  	s22 =	sadd.s32 $0x7, s0;
	s0 =	smov.u32 s16  }
0x8cf: {  	v39 =	vmov s22;
	v38 =	vadd.f32 v38, v33  }
0x8d0: {  	v39 =	vshrl.u32 v39, $0x3  }
0x8d1: {  	[tilespmem:v37+s20+$0x0] =	vst.idx.msk $0xffff, v38;
	v37 =	vshll.u32 v39, v1  }
0x8d2: {  	v38 =	vld [tilespmem:s1+$0xC0];
	v37 =	vbroadcast v37, $0x0;
	_ =	sdelay $0x1  }
0x8d3: {  	v39 =	vadd.s32 v29, v37;
	_ =	sdelay $0x2  }
0x8d4: {  	v38 =	vadd.f32 v38, v35;
	_ =	sdelay $0x1  }
0x8d5: {  	[tilespmem:v39+s20+$0x0] =	vst.idx.msk $0xffff, v38  }
0x8d6: {  	v38 =	vld [tilespmem:s1+$0xD0];
	_ =	sdelay $0x1  }
0x8d7: {  	v39 =	vadd.s32 v30, v37;
	_ =	sdelay $0x2  }
0x8d8: {  	v38 =	vadd.f32 v38, v36;
	_ =	sdelay $0x1  }
0x8d9: {  	[tilespmem:v39+s20+$0x0] =	vst.idx.msk $0xffff, v38  }
0x8da: {  	v38 =	vld [tilespmem:s1+$0xE0];
	_ =	sdelay $0x1  }
0x8db: {  	v39 =	vadd.s32 v31, v37;
	_ =	sdelay $0x2  }
0x8dc: {  	v38 =	vadd.f32 v38, v34;
	_ =	sdelay $0x1  }
0x8dd: {  	[tilespmem:v39+s20+$0x0] =	vst.idx.msk $0xffff, v38  }
0x8de: {  	v38 =	vld [tilespmem:s1+$0xF0];
	_ =	sdelay $0x1  }
.Ltmp9:
0x8df: {  	v37 =	vadd.s32 v32, v37;
	(pc) =	sbr.rel @p0 .LBB2_20-.Ltmp9, $3  }
0x8e0: {  	_ =	sdelay $0x1  }
0x8e1: {  	v39 =	vmov s0;
	v38 =	vadd.f32 v38, v33  }
0x8e2: {  	v39 =	vshrl.u32 v39, $0x3  }
0x8e3: {  	_ =	sdelay $0x3  }
0x8e4: {  	v39 =	vshll.u32 v39, v1;
	[tilespmem:v37+s20+$0x0] =	vst.idx.msk $0xffff, v38;
	s1 =	sadd.s32 $0x200, s1  }
0x8e5: {  	v37 =	vld [tilespmem:s1+$0xFFFFFF00];
	v45 =	vbroadcast v39, $0x0;
	_ =	sdelay $0x1  }
0x8e6: {  	v39 =	vadd.s32 v0, v45;
	_ =	sdelay $0x2  }
0x8e7: {  	v37 =	vadd.f32 v37, v35;
	_ =	sdelay $0x1  }
0x8e8: {  	[tilespmem:v39+s20+$0x0] =	vst.idx.msk $0xffff, v37  }
0x8e9: {  	v37 =	vld [tilespmem:s1+$0xFFFFFF10];
	_ =	sdelay $0x1  }
0x8ea: {  	v46 =	vadd.s32 v2, v45;
	_ =	sdelay $0x2  }
0x8eb: {  	v37 =	vadd.f32 v37, v36;
	_ =	sdelay $0x1  }
0x8ec: {  	[tilespmem:v46+s20+$0x0] =	vst.idx.msk $0xffff, v37  }
0x8ed: {  	v37 =	vld [tilespmem:s1+$0xFFFFFF20];
	_ =	sdelay $0x1  }
0x8ee: {  	v47 =	vadd.s32 v3, v45;
	_ =	sdelay $0x2  }
0x8ef: {  	v37 =	vadd.f32 v37, v34;
	_ =	sdelay $0x1  }
0x8f0: {  	[tilespmem:v47+s20+$0x0] =	vst.idx.msk $0xffff, v37  }
0x8f1: {  	v37 =	vld [tilespmem:s1+$0xFFFFFF30];
	_ =	sdelay $0x1  }
0x8f2: {  	v38 =	vadd.s32 v4, v45;
	_ =	sdelay $0x1  }
0x8f3: {  	s14 =	sadd.s32 $0x1, s0  }
0x8f4: {  	v48 =	vmov s14;
	v37 =	vadd.f32 v37, v33  }
0x8f5: {  	v39 =	vshrl.u32 v48, $0x3  }
0x8f6: {  	v49 =	vshll.u32 v39, v1;
	[tilespmem:v38+s20+$0x0] =	vst.idx.msk $0xffff, v37  }
0x8f7: {  	v37 =	vbroadcast v49, $0x0;
	v38 =	vld [tilespmem:s1+$0xFFFFFF40];
	_ =	sdelay $0x1  }
0x8f8: {  	v50 =	vadd.s32 v5, v37;
	_ =	sdelay $0x2  }
0x8f9: {  	v38 =	vadd.f32 v38, v35;
	_ =	sdelay $0x1  }
0x8fa: {  	[tilespmem:v50+s20+$0x0] =	vst.idx.msk $0xffff, v38  }
0x8fb: {  	v38 =	vld [tilespmem:s1+$0xFFFFFF50];
	_ =	sdelay $0x1  }
0x8fc: {  	v51 =	vadd.s32 v6, v37;
	_ =	sdelay $0x2  }
0x8fd: {  	v38 =	vadd.f32 v38, v36;
	_ =	sdelay $0x1  }
0x8fe: {  	[tilespmem:v51+s20+$0x0] =	vst.idx.msk $0xffff, v38  }
0x8ff: {  	v38 =	vld [tilespmem:s1+$0xFFFFFF60];
	_ =	sdelay $0x1  }
0x900: {  	v52 =	vadd.s32 v7, v37;
	_ =	sdelay $0x2  }
0x901: {  	v38 =	vadd.f32 v38, v34;
	_ =	sdelay $0x1  }
0x902: {  	[tilespmem:v52+s20+$0x0] =	vst.idx.msk $0xffff, v38  }
0x903: {  	v38 =	vld [tilespmem:s1+$0xFFFFFF70];
	_ =	sdelay $0x1  }
0x904: {  	v37 =	vadd.s32 v8, v37;
	_ =	sdelay $0x1  }
0x905: {  	s22 =	sadd.s32 $0x2, s0  }
0x906: {  	v53 =	vmov s22;
	v38 =	vadd.f32 v38, v33  }
0x907: {  	v39 =	vshrl.u32 v53, $0x3  }
0x908: {  	v54 =	vshll.u32 v39, v1;
	[tilespmem:v37+s20+$0x0] =	vst.idx.msk $0xffff, v38  }
0x909: {  	v37 =	vbroadcast v54, $0x0;
	v38 =	vld [tilespmem:s1+$0xFFFFFF80];
	_ =	sdelay $0x1  }
0x90a: {  	v55 =	vadd.s32 v9, v37;
	_ =	sdelay $0x2  }
0x90b: {  	v38 =	vadd.f32 v38, v35;
	_ =	sdelay $0x1  }
0x90c: {  	[tilespmem:v55+s20+$0x0] =	vst.idx.msk $0xffff, v38  }
0x90d: {  	v38 =	vld [tilespmem:s1+$0xFFFFFF90];
	_ =	sdelay $0x1  }
0x90e: {  	v56 =	vadd.s32 v10, v37;
	_ =	sdelay $0x2  }
0x90f: {  	v38 =	vadd.f32 v38, v36;
	_ =	sdelay $0x1  }
0x910: {  	[tilespmem:v56+s20+$0x0] =	vst.idx.msk $0xffff, v38  }
0x911: {  	v38 =	vld [tilespmem:s1+$0xFFFFFFA0];
	_ =	sdelay $0x1  }
0x912: {  	v57 =	vadd.s32 v11, v37;
	_ =	sdelay $0x2  }
0x913: {  	v38 =	vadd.f32 v38, v34;
	_ =	sdelay $0x1  }
0x914: {  	[tilespmem:v57+s20+$0x0] =	vst.idx.msk $0xffff, v38  }
0x915: {  	v38 =	vld [tilespmem:s1+$0xFFFFFFB0];
	_ =	sdelay $0x1  }
0x916: {  	v37 =	vadd.s32 v12, v37;
	_ =	sdelay $0x1  }
0x917: {  	s30 =	sadd.s32 $0x3, s0  }
0x918: {  	v58 =	vmov s30;
	v38 =	vadd.f32 v38, v33  }
0x919: {  	v39 =	vshrl.u32 v58, $0x3  }
0x91a: {  	v59 =	vshll.u32 v39, v1;
	[tilespmem:v37+s20+$0x0] =	vst.idx.msk $0xffff, v38  }
0x91b: {  	v37 =	vbroadcast v59, $0x0;
	v38 =	vld [tilespmem:s1+$0xFFFFFFC0];
	_ =	sdelay $0x1  }
0x91c: {  	v60 =	vadd.s32 v13, v37;
	_ =	sdelay $0x2  }
0x91d: {  	v38 =	vadd.f32 v38, v35;
	_ =	sdelay $0x1  }
0x91e: {  	[tilespmem:v60+s20+$0x0] =	vst.idx.msk $0xffff, v38  }
0x91f: {  	v38 =	vld [tilespmem:s1+$0xFFFFFFD0];
	_ =	sdelay $0x1  }
0x920: {  	v61 =	vadd.s32 v14, v37;
	_ =	sdelay $0x2  }
0x921: {  	v38 =	vadd.f32 v38, v36;
	_ =	sdelay $0x1  }
0x922: {  	[tilespmem:v61+s20+$0x0] =	vst.idx.msk $0xffff, v38  }
0x923: {  	v38 =	vld [tilespmem:s1+$0xFFFFFFE0];
	_ =	sdelay $0x1  }
0x924: {  	v62 =	vadd.s32 v15, v37;
	_ =	sdelay $0x2  }
0x925: {  	v38 =	vadd.f32 v38, v34;
	_ =	sdelay $0x1  }
0x926: {  	[tilespmem:v62+s20+$0x0] =	vst.idx.msk $0xffff, v38  }
0x927: {  	v38 =	vld [tilespmem:s1+$0xFFFFFFF0];
	_ =	sdelay $0x1  }
0x928: {  	v37 =	vadd.s32 v16, v37;
	_ =	sdelay $0x1  }
0x929: {  	s31 =	sadd.s32 $0x4, s0  }
0x92a: {  	v63 =	vmov s31;
	v38 =	vadd.f32 v38, v33  }
0x92b: {  	v39 =	vshrl.u32 v63, $0x3  }
0x92c: {  	v41 =	vshll.u32 v39, v1;
	[tilespmem:v37+s20+$0x0] =	vst.idx.msk $0xffff, v38  }
0x92d: {  	v37 =	vbroadcast v41, $0x0;
	v38 =	vld [tilespmem:s1+$0x0];
	_ =	sdelay $0x1  }
0x92e: {  	v42 =	vadd.s32 v17, v37;
	_ =	sdelay $0x2  }
0x92f: {  	v38 =	vadd.f32 v38, v35;
	_ =	sdelay $0x1  }
0x930: {  	[tilespmem:v42+s20+$0x0] =	vst.idx.msk $0xffff, v38  }
0x931: {  	v38 =	vld [tilespmem:s1+$0x10];
	_ =	sdelay $0x1  }
0x932: {  	v43 =	vadd.s32 v18, v37;
	_ =	sdelay $0x2  }
0x933: {  	v38 =	vadd.f32 v38, v36;
	_ =	sdelay $0x1  }
0x934: {  	[tilespmem:v43+s20+$0x0] =	vst.idx.msk $0xffff, v38  }
0x935: {  	v38 =	vld [tilespmem:s1+$0x20];
	_ =	sdelay $0x1  }
0x936: {  	v44 =	vadd.s32 v19, v37;
	_ =	sdelay $0x2  }
0x937: {  	v38 =	vadd.f32 v38, v34;
	_ =	sdelay $0x1  }
0x938: {  	[tilespmem:v44+s20+$0x0] =	vst.idx.msk $0xffff, v38  }
0x939: {  	v38 =	vld [tilespmem:s1+$0x30];
	_ =	sdelay $0x1  }
0x93a: {  	v37 =	vadd.s32 v20, v37;
	_ =	sdelay $0x1  }
0x93b: {  	s16 =	sadd.s32 $0x5, s0  }
0x93c: {  	v45 =	vmov s16;
	v38 =	vadd.f32 v38, v33  }
0x93d: {  	v39 =	vshrl.u32 v45, $0x3  }
0x93e: {  	v46 =	vshll.u32 v39, v1;
	[tilespmem:v37+s20+$0x0] =	vst.idx.msk $0xffff, v38  }
0x93f: {  	v37 =	vbroadcast v46, $0x0;
	v38 =	vld [tilespmem:s1+$0x40];
	_ =	sdelay $0x1  }
0x940: {  	v47 =	vadd.s32 v21, v37;
	_ =	sdelay $0x2  }
0x941: {  	v38 =	vadd.f32 v38, v35;
	_ =	sdelay $0x1  }
0x942: {  	[tilespmem:v47+s20+$0x0] =	vst.idx.msk $0xffff, v38  }
0x943: {  	v38 =	vld [tilespmem:s1+$0x50];
	_ =	sdelay $0x1  }
0x944: {  	v48 =	vadd.s32 v22, v37;
	_ =	sdelay $0x2  }
0x945: {  	v38 =	vadd.f32 v38, v36;
	_ =	sdelay $0x1  }
0x946: {  	[tilespmem:v48+s20+$0x0] =	vst.idx.msk $0xffff, v38  }
0x947: {  	v38 =	vld [tilespmem:s1+$0x60];
	_ =	sdelay $0x1  }
0x948: {  	v49 =	vadd.s32 v23, v37;
	_ =	sdelay $0x2  }
0x949: {  	v38 =	vadd.f32 v38, v34;
	_ =	sdelay $0x1  }
0x94a: {  	[tilespmem:v49+s20+$0x0] =	vst.idx.msk $0xffff, v38  }
0x94b: {  	v38 =	vld [tilespmem:s1+$0x70];
	_ =	sdelay $0x1  }
0x94c: {  	v37 =	vadd.s32 v24, v37;
	_ =	sdelay $0x1  }
0x94d: {  	s22 =	sadd.s32 $0x6, s0  }
0x94e: {  	v50 =	vmov s22;
	v38 =	vadd.f32 v38, v33  }
0x94f: {  	v39 =	vshrl.u32 v50, $0x3  }
0x950: {  	v51 =	vshll.u32 v39, v1;
	[tilespmem:v37+s20+$0x0] =	vst.idx.msk $0xffff, v38  }
0x951: {  	v37 =	vbroadcast v51, $0x0;
	v38 =	vld [tilespmem:s1+$0x80];
	_ =	sdelay $0x1  }
0x952: {  	v52 =	vadd.s32 v25, v37;
	_ =	sdelay $0x2  }
0x953: {  	v38 =	vadd.f32 v38, v35;
	_ =	sdelay $0x1  }
0x954: {  	[tilespmem:v52+s20+$0x0] =	vst.idx.msk $0xffff, v38  }
0x955: {  	v38 =	vld [tilespmem:s1+$0x90];
	_ =	sdelay $0x1  }
0x956: {  	v53 =	vadd.s32 v26, v37;
	_ =	sdelay $0x2  }
0x957: {  	v38 =	vadd.f32 v38, v36;
	_ =	sdelay $0x1  }
0x958: {  	[tilespmem:v53+s20+$0x0] =	vst.idx.msk $0xffff, v38  }
0x959: {  	v38 =	vld [tilespmem:s1+$0xA0];
	_ =	sdelay $0x1  }
0x95a: {  	v54 =	vadd.s32 v27, v37;
	_ =	sdelay $0x2  }
0x95b: {  	v38 =	vadd.f32 v38, v34;
	_ =	sdelay $0x1  }
0x95c: {  	[tilespmem:v54+s20+$0x0] =	vst.idx.msk $0xffff, v38  }
0x95d: {  	v38 =	vld [tilespmem:s1+$0xB0];
	_ =	sdelay $0x1  }
0x95e: {  	v37 =	vadd.s32 v28, v37;
	_ =	sdelay $0x1  }
0x95f: {  	s30 =	sadd.s32 $0x7, s0  }
0x960: {  	v55 =	vmov s30;
	v38 =	vadd.f32 v38, v33  }
0x961: {  	v39 =	vshrl.u32 v55, $0x3  }
0x962: {  	v56 =	vshll.u32 v39, v1;
	[tilespmem:v37+s20+$0x0] =	vst.idx.msk $0xffff, v38  }
0x963: {  	v37 =	vbroadcast v56, $0x0;
	v38 =	vld [tilespmem:s1+$0xC0];
	_ =	sdelay $0x1  }
0x964: {  	v57 =	vadd.s32 v29, v37;
	_ =	sdelay $0x2  }
0x965: {  	v58 =	vadd.f32 v38, v35;
	_ =	sdelay $0x1  }
0x966: {  	[tilespmem:v57+s20+$0x0] =	vst.idx.msk $0xffff, v58  }
0x967: {  	v35 =	vld [tilespmem:s1+$0xD0];
	_ =	sdelay $0x1  }
0x968: {  	v59 =	vadd.s32 v30, v37;
	_ =	sdelay $0x2  }
0x969: {  	v35 =	vadd.f32 v35, v36;
	_ =	sdelay $0x1  }
0x96a: {  	[tilespmem:v59+s20+$0x0] =	vst.idx.msk $0xffff, v35  }
0x96b: {  	v35 =	vld [tilespmem:s1+$0xE0];
	_ =	sdelay $0x1  }
0x96c: {  	v60 =	vadd.s32 v31, v37;
	_ =	sdelay $0x2  }
0x96d: {  	v61 =	vadd.f32 v35, v34;
	_ =	sdelay $0x1  }
0x96e: {  	[tilespmem:v60+s20+$0x0] =	vst.idx.msk $0xffff, v61  }
0x96f: {  	v34 =	vld [tilespmem:s1+$0xF0];
	_ =	sdelay $0x1  }
0x970: {  	v62 =	vadd.s32 v32, v37;
	_ =	sdelay $0x2  }
0x971: {  	v63 =	vadd.f32 v34, v33;
	_ =	sdelay $0x1  }
0x972: {  	s31 =	simm.s32 $0xD600;
	[tilespmem:v62+s20+$0x0] =	vst.idx.msk $0xffff, v63  }
0x973: {  	[hbm4b:s10+s3] =	stream.linear.scatter [tilespmem:s31], [sflag:$0x3], $0x80, $0x38;
	[tilespmem:$0x11A00] =	vst v63  }
0x974: {  	s14 =	sadd.s32 $0x10, s10;
	s1 =	simm.s32 $0xD688  }
0x975: {  	[hbm4b:s14+s3] =	stream.linear.scatter [tilespmem:s1], [sflag:$0x3], $0x80, $0x38;
	[tilespmem:$0x11A00] =	vst v63  }
0x976: {  	s29 =	sadd.s32 $0x70, s10;
	s16 =	simm.s32 $0xD710;
	s22 =	sadd.s32 $0x20, s10  }
0x977: {  	[hbm4b:s22+s3] =	stream.linear.scatter [tilespmem:s16], [sflag:$0x3], $0x80, $0x38;
	[tilespmem:$0x11A00] =	vst v63  }
0x978: {  	s0 =	simm.s32 $0x440;
	s30 =	simm.s32 $0xD798;
	s31 =	sadd.s32 $0x30, s10  }
0x979: {  	[hbm4b:s31+s3] =	stream.linear.scatter [tilespmem:s30], [sflag:$0x3], $0x80, $0x38;
	[tilespmem:$0x11A00] =	vst v63  }
0x97a: {  	s1 =	simm.s32 $0xD820;
	s14 =	sadd.s32 $0x40, s10;
	s16 =	simm.s32 $0xD8A8  }
0x97b: {  	[hbm4b:s14+s3] =	stream.linear.scatter [tilespmem:s1], [sflag:$0x3], $0x80, $0x38;
	[tilespmem:$0x11A00] =	vst v63  }
0x97c: {  	s22 =	sadd.s32 $0x50, s10;
	s30 =	simm.s32 $0xD930;
	s31 =	sadd.s32 $0x60, s10  }
0x97d: {  	[hbm4b:s22+s3] =	stream.linear.scatter [tilespmem:s16], [sflag:$0x3], $0x80, $0x38;
	[tilespmem:$0x11A00] =	vst v63  }
0x97e: {  	s14 =	simm.s32 $0x2200;
	s1 =	sadd.s32 $0x1000, s10;
	s16 =	simm.s32 $0xD9B8  }
0x97f: {  	[hbm4b:s31+s3] =	stream.linear.scatter [tilespmem:s30], [sflag:$0x3], $0x80, $0x38;
	[tilespmem:$0x11A00] =	vst v63  }
.LBB2_22:
0x980: {  	[hbm4b:s29+s3] =	stream.linear.scatter [tilespmem:s16], [sflag:$0x3], $0x80, $0x38;
	[tilespmem:$0x11A00] =	vst v63  }
0x981: {  	s16 =	smov.u32 s0;
	s0 =	smov.u32 s14  }
0x982: {  	s22 =	sadd.s32 $0x1100, s14;
	s0 =	sshra.s32 s0, $0x2;
	s29 =	sadd.s32 $0xD600, s16  }
0x983: {  	[hbm4b:s1+s3] =	stream.linear.scatter [tilespmem:s29], [sflag:$0x3], $0x80, $0x38;
	[tilespmem:$0x11A00] =	vst v63  }
0x984: {  	p0 =	sne.s32 s14, $0x7700;
	s14 =	sadd.s32 $0xD688, s16;
	s29 =	sadd.s32 $0x10, s1  }
0x985: {  	[hbm4b:s29+s3] =	stream.linear.scatter [tilespmem:s14], [sflag:$0x3], $0x80, $0x38;
	[tilespmem:$0x11A00] =	vst v63  }
0x986: {  	s14 =	sadd.s32 $0xD710, s16;
	s29 =	sadd.s32 $0x20, s1  }
0x987: {  	[hbm4b:s29+s3] =	stream.linear.scatter [tilespmem:s14], [sflag:$0x3], $0x80, $0x38;
	[tilespmem:$0x11A00] =	vst v63  }
0x988: {  	s14 =	sadd.s32 $0xD798, s16;
	s29 =	sadd.s32 $0x30, s1  }
0x989: {  	[hbm4b:s29+s3] =	stream.linear.scatter [tilespmem:s14], [sflag:$0x3], $0x80, $0x38;
	[tilespmem:$0x11A00] =	vst v63  }
0x98a: {  	s14 =	sadd.s32 $0xD820, s16;
	s29 =	sadd.s32 $0x40, s1  }
0x98b: {  	[hbm4b:s29+s3] =	stream.linear.scatter [tilespmem:s14], [sflag:$0x3], $0x80, $0x38;
	[tilespmem:$0x11A00] =	vst v63  }
.Ltmp10:
0x98c: {  	s14 =	sadd.s32 $0xD8A8, s16;
	s29 =	sadd.s32 $0x50, s1;
	(pc) =	sbr.rel @p0 .LBB2_22-.Ltmp10, $4  }
0x98d: {  	[hbm4b:s29+s3] =	stream.linear.scatter [tilespmem:s14], [sflag:$0x3], $0x80, $0x38;
	[tilespmem:$0x11A00] =	vst v63  }
0x98e: {  	s14 =	sadd.s32 $0xD930, s16;
	s29 =	sadd.s32 $0x60, s1;
	s16 =	sadd.s32 $0xD9B8, s16  }
0x98f: {  	[hbm4b:s29+s3] =	stream.linear.scatter [tilespmem:s14], [sflag:$0x3], $0x80, $0x38;
	[tilespmem:$0x11A00] =	vst v63  }
0x990: {  	s29 =	sadd.s32 $0x70, s1;
	s1 =	sadd.s32 $0x1000, s1;
	s14 =	smov.u32 s22  }
0x991: {  	[hbm4b:s29+s3] =	stream.linear.scatter [tilespmem:s16], [sflag:$0x3], $0x80, $0x38;
	[tilespmem:$0x11A00] =	vst v63  }
0x992: {  	s14 =	sadd.s32 $0xD600, s0  }
0x993: {  	[hbm4b:s1+s3] =	stream.linear.scatter [tilespmem:s14], [sflag:$0x3], $0x80, $0x38;
	[tilespmem:$0x11A00] =	vst v63  }
0x994: {  	s22 =	sadd.s32 $0xD688, s0;
	s29 =	sadd.s32 $0x10, s1  }
0x995: {  	[hbm4b:s29+s3] =	stream.linear.scatter [tilespmem:s22], [sflag:$0x3], $0x80, $0x38;
	[tilespmem:$0x11A00] =	vst v63  }
0x996: {  	s30 =	sadd.s32 $0xD710, s0;
	s31 =	sadd.s32 $0x20, s1  }
0x997: {  	[hbm4b:s31+s3] =	stream.linear.scatter [tilespmem:s30], [sflag:$0x3], $0x80, $0x38;
	[tilespmem:$0x11A00] =	vst v63  }
0x998: {  	s22 =	sadd.s32 $0xD798, s0;
	s29 =	sadd.s32 $0x30, s1  }
0x999: {  	[hbm4b:s29+s3] =	stream.linear.scatter [tilespmem:s22], [sflag:$0x3], $0x80, $0x38;
	[tilespmem:$0x11A00] =	vst v63  }
0x99a: {  	s30 =	sadd.s32 $0xD820, s0;
	s31 =	sadd.s32 $0x40, s1  }
0x99b: {  	[hbm4b:s31+s3] =	stream.linear.scatter [tilespmem:s30], [sflag:$0x3], $0x80, $0x38;
	[tilespmem:$0x11A00] =	vst v63  }
0x99c: {  	s22 =	sadd.s32 $0xD8A8, s0;
	s29 =	sadd.s32 $0x50, s1  }
0x99d: {  	[hbm4b:s29+s3] =	stream.linear.scatter [tilespmem:s22], [sflag:$0x3], $0x80, $0x38;
	[tilespmem:$0x11A00] =	vst v63  }
0x99e: {  	s30 =	sadd.s32 $0xD930, s0;
	s31 =	sadd.s32 $0x60, s1  }
0x99f: {  	[hbm4b:s31+s3] =	stream.linear.scatter [tilespmem:s30], [sflag:$0x3], $0x80, $0x38;
	[tilespmem:$0x11A00] =	vst v63  }
0x9a0: {  	s22 =	sadd.s32 $0xD9B8, s0;
	s29 =	sadd.s32 $0x70, s1  }
0x9a1: {  	[hbm4b:s29+s3] =	stream.linear.scatter [tilespmem:s22], [sflag:$0x3], $0x80, $0x38;
	[tilespmem:$0x11A00] =	vst v63  }
0x9a2: {  	_ =	swait.ge [sflag:s21], $0x2000  }
0x9a3: {  	[sflag:s21] =	ssyncset.done $0x0  }
0x9a4: {  	[sflag:s21] =	ssyncadd.s32 $0xFFFFE000  }
0x9a5: {  	s30 =	simm.s32 $0x0;
	_ =	swait.ge [sflag:s25], $0x2000  }
0x9a6: {  	v33 =	vmov s30;
	[sflag:s25] =	ssyncset.done $0x0  }
0x9a7: {  	v33 =	vshrl.u32 v33, $0x3;
	[sflag:s25] =	ssyncadd.s32 $0xFFFFE000  }
0x9a8: {  	s1 =	simm.s32 $0xB700;
	v33 =	vshll.u32 v33, v1;
	v35 =	vld [tilespmem:$0x95C0]  }
0x9a9: {  	v38 =	vbroadcast v33, $0x0;
	v37 =	vld [tilespmem:s1+$0xFFFFFF00];
	_ =	sdelay $0x1  }
0x9aa: {  	v39 =	vadd.s32 v0, v38;
	_ =	sdelay $0x2  }
0x9ab: {  	v36 =	vld [tilespmem:$0x95D0];
	v37 =	vadd.f32 v37, v35  }
0x9ac: {  	v34 =	vld [tilespmem:$0x95E0]  }
0x9ad: {  	v33 =	vld [tilespmem:$0x95F0];
	[tilespmem:v39+s23+$0x0] =	vst.idx.msk $0xffff, v37  }
0x9ae: {  	v37 =	vld [tilespmem:s1+$0xFFFFFF10];
	_ =	sdelay $0x1  }
0x9af: {  	v48 =	vadd.s32 v2, v38;
	_ =	sdelay $0x2  }
0x9b0: {  	v37 =	vadd.f32 v37, v36;
	_ =	sdelay $0x1  }
0x9b1: {  	[tilespmem:v48+s23+$0x0] =	vst.idx.msk $0xffff, v37  }
0x9b2: {  	v37 =	vld [tilespmem:s1+$0xFFFFFF20];
	_ =	sdelay $0x1  }
0x9b3: {  	v49 =	vadd.s32 v3, v38;
	_ =	sdelay $0x2  }
0x9b4: {  	v37 =	vadd.f32 v37, v34;
	_ =	sdelay $0x1  }
0x9b5: {  	[tilespmem:v49+s23+$0x0] =	vst.idx.msk $0xffff, v37  }
0x9b6: {  	v37 =	vld [tilespmem:s1+$0xFFFFFF30];
	_ =	sdelay $0x1  }
0x9b7: {  	v38 =	vadd.s32 v4, v38;
	_ =	sdelay $0x1  }
0x9b8: {  	s31 =	simm.s32 $0x1  }
0x9b9: {  	v50 =	vmov s31;
	v37 =	vadd.f32 v37, v33  }
0x9ba: {  	v39 =	vshrl.u32 v50, $0x3  }
0x9bb: {  	v51 =	vshll.u32 v39, v1;
	[tilespmem:v38+s23+$0x0] =	vst.idx.msk $0xffff, v37  }
0x9bc: {  	v37 =	vbroadcast v51, $0x0;
	v38 =	vld [tilespmem:s1+$0xFFFFFF40];
	_ =	sdelay $0x1  }
0x9bd: {  	v52 =	vadd.s32 v5, v37;
	_ =	sdelay $0x2  }
0x9be: {  	v38 =	vadd.f32 v38, v35;
	_ =	sdelay $0x1  }
0x9bf: {  	[tilespmem:v52+s23+$0x0] =	vst.idx.msk $0xffff, v38  }
0x9c0: {  	v38 =	vld [tilespmem:s1+$0xFFFFFF50];
	_ =	sdelay $0x1  }
0x9c1: {  	v53 =	vadd.s32 v6, v37;
	_ =	sdelay $0x2  }
0x9c2: {  	v38 =	vadd.f32 v38, v36;
	_ =	sdelay $0x1  }
0x9c3: {  	[tilespmem:v53+s23+$0x0] =	vst.idx.msk $0xffff, v38  }
0x9c4: {  	v38 =	vld [tilespmem:s1+$0xFFFFFF60];
	_ =	sdelay $0x1  }
0x9c5: {  	v54 =	vadd.s32 v7, v37;
	_ =	sdelay $0x2  }
0x9c6: {  	v38 =	vadd.f32 v38, v34;
	_ =	sdelay $0x1  }
0x9c7: {  	[tilespmem:v54+s23+$0x0] =	vst.idx.msk $0xffff, v38  }
0x9c8: {  	v38 =	vld [tilespmem:s1+$0xFFFFFF70];
	_ =	sdelay $0x1  }
0x9c9: {  	v37 =	vadd.s32 v8, v37;
	_ =	sdelay $0x1  }
0x9ca: {  	s14 =	simm.s32 $0x2  }
0x9cb: {  	v55 =	vmov s14;
	v38 =	vadd.f32 v38, v33  }
0x9cc: {  	v39 =	vshrl.u32 v55, $0x3  }
0x9cd: {  	v56 =	vshll.u32 v39, v1;
	[tilespmem:v37+s23+$0x0] =	vst.idx.msk $0xffff, v38  }
0x9ce: {  	v37 =	vbroadcast v56, $0x0;
	v38 =	vld [tilespmem:s1+$0xFFFFFF80];
	_ =	sdelay $0x1  }
0x9cf: {  	v57 =	vadd.s32 v9, v37;
	_ =	sdelay $0x2  }
0x9d0: {  	v38 =	vadd.f32 v38, v35;
	_ =	sdelay $0x1  }
0x9d1: {  	[tilespmem:v57+s23+$0x0] =	vst.idx.msk $0xffff, v38  }
0x9d2: {  	v38 =	vld [tilespmem:s1+$0xFFFFFF90];
	_ =	sdelay $0x1  }
0x9d3: {  	v58 =	vadd.s32 v10, v37;
	_ =	sdelay $0x2  }
0x9d4: {  	v38 =	vadd.f32 v38, v36;
	_ =	sdelay $0x1  }
0x9d5: {  	[tilespmem:v58+s23+$0x0] =	vst.idx.msk $0xffff, v38  }
0x9d6: {  	v38 =	vld [tilespmem:s1+$0xFFFFFFA0];
	_ =	sdelay $0x1  }
0x9d7: {  	v59 =	vadd.s32 v11, v37;
	_ =	sdelay $0x2  }
0x9d8: {  	v38 =	vadd.f32 v38, v34;
	_ =	sdelay $0x1  }
0x9d9: {  	[tilespmem:v59+s23+$0x0] =	vst.idx.msk $0xffff, v38  }
0x9da: {  	v38 =	vld [tilespmem:s1+$0xFFFFFFB0];
	_ =	sdelay $0x1  }
0x9db: {  	v37 =	vadd.s32 v12, v37;
	_ =	sdelay $0x1  }
0x9dc: {  	s16 =	simm.s32 $0x3  }
0x9dd: {  	v60 =	vmov s16;
	v38 =	vadd.f32 v38, v33  }
0x9de: {  	v39 =	vshrl.u32 v60, $0x3  }
0x9df: {  	v61 =	vshll.u32 v39, v1;
	[tilespmem:v37+s23+$0x0] =	vst.idx.msk $0xffff, v38  }
0x9e0: {  	v37 =	vbroadcast v61, $0x0;
	v38 =	vld [tilespmem:s1+$0xFFFFFFC0];
	_ =	sdelay $0x1  }
0x9e1: {  	v62 =	vadd.s32 v13, v37;
	_ =	sdelay $0x2  }
0x9e2: {  	v38 =	vadd.f32 v38, v35;
	_ =	sdelay $0x1  }
0x9e3: {  	[tilespmem:v62+s23+$0x0] =	vst.idx.msk $0xffff, v38  }
0x9e4: {  	v38 =	vld [tilespmem:s1+$0xFFFFFFD0];
	_ =	sdelay $0x1  }
0x9e5: {  	v63 =	vadd.s32 v14, v37;
	_ =	sdelay $0x2  }
0x9e6: {  	v38 =	vadd.f32 v38, v36;
	_ =	sdelay $0x1  }
0x9e7: {  	[tilespmem:v63+s23+$0x0] =	vst.idx.msk $0xffff, v38  }
0x9e8: {  	v38 =	vld [tilespmem:s1+$0xFFFFFFE0];
	_ =	sdelay $0x1  }
0x9e9: {  	v42 =	vadd.s32 v15, v37;
	_ =	sdelay $0x2  }
0x9ea: {  	v38 =	vadd.f32 v38, v34;
	_ =	sdelay $0x1  }
0x9eb: {  	[tilespmem:v42+s23+$0x0] =	vst.idx.msk $0xffff, v38  }
0x9ec: {  	v38 =	vld [tilespmem:s1+$0xFFFFFFF0];
	_ =	sdelay $0x1  }
0x9ed: {  	v37 =	vadd.s32 v16, v37;
	_ =	sdelay $0x1  }
0x9ee: {  	s22 =	simm.s32 $0x4  }
0x9ef: {  	v43 =	vmov s22;
	v38 =	vadd.f32 v38, v33  }
0x9f0: {  	v39 =	vshrl.u32 v43, $0x3  }
0x9f1: {  	v44 =	vshll.u32 v39, v1;
	[tilespmem:v37+s23+$0x0] =	vst.idx.msk $0xffff, v38  }
0x9f2: {  	v37 =	vbroadcast v44, $0x0;
	v38 =	vld [tilespmem:s1+$0x0];
	_ =	sdelay $0x1  }
0x9f3: {  	v45 =	vadd.s32 v17, v37;
	_ =	sdelay $0x2  }
0x9f4: {  	v38 =	vadd.f32 v38, v35;
	_ =	sdelay $0x1  }
0x9f5: {  	[tilespmem:v45+s23+$0x0] =	vst.idx.msk $0xffff, v38  }
0x9f6: {  	v38 =	vld [tilespmem:s1+$0x10];
	_ =	sdelay $0x1  }
0x9f7: {  	v46 =	vadd.s32 v18, v37;
	_ =	sdelay $0x2  }
0x9f8: {  	v38 =	vadd.f32 v38, v36;
	_ =	sdelay $0x1  }
0x9f9: {  	[tilespmem:v46+s23+$0x0] =	vst.idx.msk $0xffff, v38  }
0x9fa: {  	v38 =	vld [tilespmem:s1+$0x20];
	_ =	sdelay $0x1  }
0x9fb: {  	v47 =	vadd.s32 v19, v37;
	_ =	sdelay $0x2  }
0x9fc: {  	v38 =	vadd.f32 v38, v34;
	_ =	sdelay $0x1  }
0x9fd: {  	[tilespmem:v47+s23+$0x0] =	vst.idx.msk $0xffff, v38  }
0x9fe: {  	v38 =	vld [tilespmem:s1+$0x30];
	_ =	sdelay $0x1  }
0x9ff: {  	v37 =	vadd.s32 v20, v37;
	_ =	sdelay $0x1  }
0xa00: {  	s29 =	simm.s32 $0x5  }
0xa01: {  	v48 =	vmov s29;
	v38 =	vadd.f32 v38, v33  }
0xa02: {  	v39 =	vshrl.u32 v48, $0x3  }
0xa03: {  	v49 =	vshll.u32 v39, v1;
	[tilespmem:v37+s23+$0x0] =	vst.idx.msk $0xffff, v38  }
0xa04: {  	v37 =	vbroadcast v49, $0x0;
	v38 =	vld [tilespmem:s1+$0x40];
	_ =	sdelay $0x1  }
0xa05: {  	v50 =	vadd.s32 v21, v37;
	_ =	sdelay $0x2  }
0xa06: {  	v38 =	vadd.f32 v38, v35;
	_ =	sdelay $0x1  }
0xa07: {  	[tilespmem:v50+s23+$0x0] =	vst.idx.msk $0xffff, v38  }
0xa08: {  	v38 =	vld [tilespmem:s1+$0x50];
	_ =	sdelay $0x1  }
0xa09: {  	v51 =	vadd.s32 v22, v37;
	_ =	sdelay $0x2  }
0xa0a: {  	v38 =	vadd.f32 v38, v36;
	_ =	sdelay $0x1  }
0xa0b: {  	[tilespmem:v51+s23+$0x0] =	vst.idx.msk $0xffff, v38  }
0xa0c: {  	v38 =	vld [tilespmem:s1+$0x60];
	_ =	sdelay $0x1  }
0xa0d: {  	v52 =	vadd.s32 v23, v37;
	_ =	sdelay $0x2  }
0xa0e: {  	v38 =	vadd.f32 v38, v34;
	_ =	sdelay $0x1  }
0xa0f: {  	[tilespmem:v52+s23+$0x0] =	vst.idx.msk $0xffff, v38  }
0xa10: {  	v38 =	vld [tilespmem:s1+$0x70];
	_ =	sdelay $0x1  }
0xa11: {  	v37 =	vadd.s32 v24, v37;
	_ =	sdelay $0x1  }
0xa12: {  	s30 =	simm.s32 $0x6  }
0xa13: {  	v53 =	vmov s30;
	v38 =	vadd.f32 v38, v33  }
0xa14: {  	v39 =	vshrl.u32 v53, $0x3  }
0xa15: {  	v54 =	vshll.u32 v39, v1;
	[tilespmem:v37+s23+$0x0] =	vst.idx.msk $0xffff, v38  }
0xa16: {  	v37 =	vbroadcast v54, $0x0;
	v38 =	vld [tilespmem:s1+$0x80];
	_ =	sdelay $0x1  }
0xa17: {  	v55 =	vadd.s32 v25, v37;
	_ =	sdelay $0x2  }
0xa18: {  	v38 =	vadd.f32 v38, v35;
	_ =	sdelay $0x1  }
0xa19: {  	[tilespmem:v55+s23+$0x0] =	vst.idx.msk $0xffff, v38  }
0xa1a: {  	v38 =	vld [tilespmem:s1+$0x90];
	_ =	sdelay $0x1  }
0xa1b: {  	v56 =	vadd.s32 v26, v37;
	_ =	sdelay $0x2  }
0xa1c: {  	v38 =	vadd.f32 v38, v36;
	_ =	sdelay $0x1  }
0xa1d: {  	[tilespmem:v56+s23+$0x0] =	vst.idx.msk $0xffff, v38  }
0xa1e: {  	v38 =	vld [tilespmem:s1+$0xA0];
	_ =	sdelay $0x1  }
0xa1f: {  	v57 =	vadd.s32 v27, v37;
	_ =	sdelay $0x2  }
0xa20: {  	v38 =	vadd.f32 v38, v34;
	_ =	sdelay $0x1  }
0xa21: {  	[tilespmem:v57+s23+$0x0] =	vst.idx.msk $0xffff, v38  }
0xa22: {  	v38 =	vld [tilespmem:s1+$0xB0];
	_ =	sdelay $0x1  }
0xa23: {  	v37 =	vadd.s32 v28, v37;
	_ =	sdelay $0x1  }
0xa24: {  	s31 =	simm.s32 $0x7  }
0xa25: {  	v58 =	vmov s31;
	v38 =	vadd.f32 v38, v33  }
0xa26: {  	v39 =	vshrl.u32 v58, $0x3  }
0xa27: {  	v59 =	vshll.u32 v39, v1;
	[tilespmem:v37+s23+$0x0] =	vst.idx.msk $0xffff, v38  }
0xa28: {  	v37 =	vbroadcast v59, $0x0;
	v38 =	vld [tilespmem:s1+$0xC0];
	_ =	sdelay $0x1  }
0xa29: {  	v60 =	vadd.s32 v29, v37;
	_ =	sdelay $0x2  }
0xa2a: {  	v38 =	vadd.f32 v38, v35;
	_ =	sdelay $0x1  }
0xa2b: {  	[tilespmem:v60+s23+$0x0] =	vst.idx.msk $0xffff, v38  }
0xa2c: {  	v38 =	vld [tilespmem:s1+$0xD0];
	_ =	sdelay $0x1  }
0xa2d: {  	v61 =	vadd.s32 v30, v37;
	_ =	sdelay $0x2  }
0xa2e: {  	v38 =	vadd.f32 v38, v36;
	_ =	sdelay $0x1  }
0xa2f: {  	[tilespmem:v61+s23+$0x0] =	vst.idx.msk $0xffff, v38  }
0xa30: {  	v38 =	vld [tilespmem:s1+$0xE0];
	_ =	sdelay $0x1  }
0xa31: {  	v62 =	vadd.s32 v31, v37;
	_ =	sdelay $0x2  }
0xa32: {  	v38 =	vadd.f32 v38, v34;
	_ =	sdelay $0x1  }
0xa33: {  	[tilespmem:v62+s23+$0x0] =	vst.idx.msk $0xffff, v38  }
0xa34: {  	v38 =	vld [tilespmem:s1+$0xF0];
	_ =	sdelay $0x1  }
0xa35: {  	v37 =	vadd.s32 v32, v37  }
0xa36: {  	s0 =	simm.s32 $0x8  }
0xa37: {  	v63 =	vmov s0  }
0xa38: {  	s14 =	simm.s32 $0x10;
	v39 =	vshrl.u32 v63, $0x3;
	v38 =	vadd.f32 v38, v33  }
.LBB2_24:
0xa39: {  	p0 =	slt.u32 s14, $0x78  }
0xa3a: {  	v39 =	vshll.u32 v39, v1;
	[tilespmem:v37+s23+$0x0] =	vst.idx.msk $0xffff, v38;
	s1 =	sadd.s32 $0x200, s1;
	s16 =	smov.u32 s14;
	s14 =	sadd.s32 $0x8, s14  }
0xa3b: {  	v37 =	vld [tilespmem:s1+$0xFFFFFF00];
	v38 =	vbroadcast v39, $0x0;
	_ =	sdelay $0x1  }
0xa3c: {  	v39 =	vadd.s32 v0, v38;
	_ =	sdelay $0x2  }
0xa3d: {  	v37 =	vadd.f32 v37, v35;
	_ =	sdelay $0x1  }
0xa3e: {  	[tilespmem:v39+s23+$0x0] =	vst.idx.msk $0xffff, v37  }
0xa3f: {  	v37 =	vld [tilespmem:s1+$0xFFFFFF10];
	_ =	sdelay $0x1  }
0xa40: {  	v39 =	vadd.s32 v2, v38;
	_ =	sdelay $0x2  }
0xa41: {  	v37 =	vadd.f32 v37, v36;
	_ =	sdelay $0x1  }
0xa42: {  	[tilespmem:v39+s23+$0x0] =	vst.idx.msk $0xffff, v37  }
0xa43: {  	v37 =	vld [tilespmem:s1+$0xFFFFFF20];
	_ =	sdelay $0x1  }
0xa44: {  	v39 =	vadd.s32 v3, v38;
	_ =	sdelay $0x2  }
0xa45: {  	v37 =	vadd.f32 v37, v34;
	_ =	sdelay $0x1  }
0xa46: {  	[tilespmem:v39+s23+$0x0] =	vst.idx.msk $0xffff, v37  }
0xa47: {  	v37 =	vld [tilespmem:s1+$0xFFFFFF30];
	_ =	sdelay $0x1  }
0xa48: {  	v38 =	vadd.s32 v4, v38;
	_ =	sdelay $0x1  }
0xa49: {  	s22 =	sadd.s32 $0x1, s0  }
0xa4a: {  	v39 =	vmov s22;
	v37 =	vadd.f32 v37, v33  }
0xa4b: {  	v39 =	vshrl.u32 v39, $0x3  }
0xa4c: {  	[tilespmem:v38+s23+$0x0] =	vst.idx.msk $0xffff, v37;
	v37 =	vshll.u32 v39, v1  }
0xa4d: {  	v38 =	vld [tilespmem:s1+$0xFFFFFF40];
	v37 =	vbroadcast v37, $0x0;
	_ =	sdelay $0x1  }
0xa4e: {  	v39 =	vadd.s32 v5, v37;
	_ =	sdelay $0x2  }
0xa4f: {  	v38 =	vadd.f32 v38, v35;
	_ =	sdelay $0x1  }
0xa50: {  	[tilespmem:v39+s23+$0x0] =	vst.idx.msk $0xffff, v38  }
0xa51: {  	v38 =	vld [tilespmem:s1+$0xFFFFFF50];
	_ =	sdelay $0x1  }
0xa52: {  	v39 =	vadd.s32 v6, v37;
	_ =	sdelay $0x2  }
0xa53: {  	v38 =	vadd.f32 v38, v36;
	_ =	sdelay $0x1  }
0xa54: {  	[tilespmem:v39+s23+$0x0] =	vst.idx.msk $0xffff, v38  }
0xa55: {  	v38 =	vld [tilespmem:s1+$0xFFFFFF60];
	_ =	sdelay $0x1  }
0xa56: {  	v39 =	vadd.s32 v7, v37;
	_ =	sdelay $0x2  }
0xa57: {  	v38 =	vadd.f32 v38, v34;
	_ =	sdelay $0x1  }
0xa58: {  	[tilespmem:v39+s23+$0x0] =	vst.idx.msk $0xffff, v38  }
0xa59: {  	v38 =	vld [tilespmem:s1+$0xFFFFFF70];
	_ =	sdelay $0x1  }
0xa5a: {  	v37 =	vadd.s32 v8, v37;
	_ =	sdelay $0x1  }
0xa5b: {  	s22 =	sadd.s32 $0x2, s0  }
0xa5c: {  	v39 =	vmov s22;
	v38 =	vadd.f32 v38, v33  }
0xa5d: {  	v39 =	vshrl.u32 v39, $0x3  }
0xa5e: {  	[tilespmem:v37+s23+$0x0] =	vst.idx.msk $0xffff, v38;
	v37 =	vshll.u32 v39, v1  }
0xa5f: {  	v38 =	vld [tilespmem:s1+$0xFFFFFF80];
	v37 =	vbroadcast v37, $0x0;
	_ =	sdelay $0x1  }
0xa60: {  	v39 =	vadd.s32 v9, v37;
	_ =	sdelay $0x2  }
0xa61: {  	v38 =	vadd.f32 v38, v35;
	_ =	sdelay $0x1  }
0xa62: {  	[tilespmem:v39+s23+$0x0] =	vst.idx.msk $0xffff, v38  }
0xa63: {  	v38 =	vld [tilespmem:s1+$0xFFFFFF90];
	_ =	sdelay $0x1  }
0xa64: {  	v39 =	vadd.s32 v10, v37;
	_ =	sdelay $0x2  }
0xa65: {  	v38 =	vadd.f32 v38, v36;
	_ =	sdelay $0x1  }
0xa66: {  	[tilespmem:v39+s23+$0x0] =	vst.idx.msk $0xffff, v38  }
0xa67: {  	v38 =	vld [tilespmem:s1+$0xFFFFFFA0];
	_ =	sdelay $0x1  }
0xa68: {  	v39 =	vadd.s32 v11, v37;
	_ =	sdelay $0x2  }
0xa69: {  	v38 =	vadd.f32 v38, v34;
	_ =	sdelay $0x1  }
0xa6a: {  	[tilespmem:v39+s23+$0x0] =	vst.idx.msk $0xffff, v38  }
0xa6b: {  	v38 =	vld [tilespmem:s1+$0xFFFFFFB0];
	_ =	sdelay $0x1  }
0xa6c: {  	v37 =	vadd.s32 v12, v37;
	_ =	sdelay $0x1  }
0xa6d: {  	s22 =	sadd.s32 $0x3, s0  }
0xa6e: {  	v39 =	vmov s22;
	v38 =	vadd.f32 v38, v33  }
0xa6f: {  	v39 =	vshrl.u32 v39, $0x3  }
0xa70: {  	[tilespmem:v37+s23+$0x0] =	vst.idx.msk $0xffff, v38;
	v37 =	vshll.u32 v39, v1  }
0xa71: {  	v38 =	vld [tilespmem:s1+$0xFFFFFFC0];
	v37 =	vbroadcast v37, $0x0;
	_ =	sdelay $0x1  }
0xa72: {  	v39 =	vadd.s32 v13, v37;
	_ =	sdelay $0x2  }
0xa73: {  	v38 =	vadd.f32 v38, v35;
	_ =	sdelay $0x1  }
0xa74: {  	[tilespmem:v39+s23+$0x0] =	vst.idx.msk $0xffff, v38  }
0xa75: {  	v38 =	vld [tilespmem:s1+$0xFFFFFFD0];
	_ =	sdelay $0x1  }
0xa76: {  	v39 =	vadd.s32 v14, v37;
	_ =	sdelay $0x2  }
0xa77: {  	v38 =	vadd.f32 v38, v36;
	_ =	sdelay $0x1  }
0xa78: {  	[tilespmem:v39+s23+$0x0] =	vst.idx.msk $0xffff, v38  }
0xa79: {  	v38 =	vld [tilespmem:s1+$0xFFFFFFE0];
	_ =	sdelay $0x1  }
0xa7a: {  	v39 =	vadd.s32 v15, v37;
	_ =	sdelay $0x2  }
0xa7b: {  	v38 =	vadd.f32 v38, v34;
	_ =	sdelay $0x1  }
0xa7c: {  	[tilespmem:v39+s23+$0x0] =	vst.idx.msk $0xffff, v38  }
0xa7d: {  	v38 =	vld [tilespmem:s1+$0xFFFFFFF0];
	_ =	sdelay $0x1  }
0xa7e: {  	v37 =	vadd.s32 v16, v37;
	_ =	sdelay $0x1  }
0xa7f: {  	s22 =	sadd.s32 $0x4, s0  }
0xa80: {  	v39 =	vmov s22;
	v38 =	vadd.f32 v38, v33  }
0xa81: {  	v39 =	vshrl.u32 v39, $0x3  }
0xa82: {  	[tilespmem:v37+s23+$0x0] =	vst.idx.msk $0xffff, v38;
	v37 =	vshll.u32 v39, v1  }
0xa83: {  	v38 =	vld [tilespmem:s1+$0x0];
	v37 =	vbroadcast v37, $0x0;
	_ =	sdelay $0x1  }
0xa84: {  	v39 =	vadd.s32 v17, v37;
	_ =	sdelay $0x2  }
0xa85: {  	v38 =	vadd.f32 v38, v35;
	_ =	sdelay $0x1  }
0xa86: {  	[tilespmem:v39+s23+$0x0] =	vst.idx.msk $0xffff, v38  }
0xa87: {  	v38 =	vld [tilespmem:s1+$0x10];
	_ =	sdelay $0x1  }
0xa88: {  	v39 =	vadd.s32 v18, v37;
	_ =	sdelay $0x2  }
0xa89: {  	v38 =	vadd.f32 v38, v36;
	_ =	sdelay $0x1  }
0xa8a: {  	[tilespmem:v39+s23+$0x0] =	vst.idx.msk $0xffff, v38  }
0xa8b: {  	v38 =	vld [tilespmem:s1+$0x20];
	_ =	sdelay $0x1  }
0xa8c: {  	v39 =	vadd.s32 v19, v37;
	_ =	sdelay $0x2  }
0xa8d: {  	v38 =	vadd.f32 v38, v34;
	_ =	sdelay $0x1  }
0xa8e: {  	[tilespmem:v39+s23+$0x0] =	vst.idx.msk $0xffff, v38  }
0xa8f: {  	v38 =	vld [tilespmem:s1+$0x30];
	_ =	sdelay $0x1  }
0xa90: {  	v37 =	vadd.s32 v20, v37;
	_ =	sdelay $0x1  }
0xa91: {  	s22 =	sadd.s32 $0x5, s0  }
0xa92: {  	v39 =	vmov s22;
	v38 =	vadd.f32 v38, v33  }
0xa93: {  	v39 =	vshrl.u32 v39, $0x3  }
0xa94: {  	[tilespmem:v37+s23+$0x0] =	vst.idx.msk $0xffff, v38;
	v37 =	vshll.u32 v39, v1  }
0xa95: {  	v38 =	vld [tilespmem:s1+$0x40];
	v37 =	vbroadcast v37, $0x0;
	_ =	sdelay $0x1  }
0xa96: {  	v39 =	vadd.s32 v21, v37;
	_ =	sdelay $0x2  }
0xa97: {  	v38 =	vadd.f32 v38, v35;
	_ =	sdelay $0x1  }
0xa98: {  	[tilespmem:v39+s23+$0x0] =	vst.idx.msk $0xffff, v38  }
0xa99: {  	v38 =	vld [tilespmem:s1+$0x50];
	_ =	sdelay $0x1  }
0xa9a: {  	v39 =	vadd.s32 v22, v37;
	_ =	sdelay $0x2  }
0xa9b: {  	v38 =	vadd.f32 v38, v36;
	_ =	sdelay $0x1  }
0xa9c: {  	[tilespmem:v39+s23+$0x0] =	vst.idx.msk $0xffff, v38  }
0xa9d: {  	v38 =	vld [tilespmem:s1+$0x60];
	_ =	sdelay $0x1  }
0xa9e: {  	v39 =	vadd.s32 v23, v37;
	_ =	sdelay $0x2  }
0xa9f: {  	v38 =	vadd.f32 v38, v34;
	_ =	sdelay $0x1  }
0xaa0: {  	[tilespmem:v39+s23+$0x0] =	vst.idx.msk $0xffff, v38  }
0xaa1: {  	v38 =	vld [tilespmem:s1+$0x70];
	_ =	sdelay $0x1  }
0xaa2: {  	v37 =	vadd.s32 v24, v37;
	_ =	sdelay $0x1  }
0xaa3: {  	s22 =	sadd.s32 $0x6, s0  }
0xaa4: {  	v39 =	vmov s22;
	v38 =	vadd.f32 v38, v33  }
0xaa5: {  	v39 =	vshrl.u32 v39, $0x3  }
0xaa6: {  	[tilespmem:v37+s23+$0x0] =	vst.idx.msk $0xffff, v38;
	v37 =	vshll.u32 v39, v1  }
0xaa7: {  	v38 =	vld [tilespmem:s1+$0x80];
	v37 =	vbroadcast v37, $0x0;
	_ =	sdelay $0x1  }
0xaa8: {  	v39 =	vadd.s32 v25, v37;
	_ =	sdelay $0x2  }
0xaa9: {  	v38 =	vadd.f32 v38, v35;
	_ =	sdelay $0x1  }
0xaaa: {  	[tilespmem:v39+s23+$0x0] =	vst.idx.msk $0xffff, v38  }
0xaab: {  	v38 =	vld [tilespmem:s1+$0x90];
	_ =	sdelay $0x1  }
0xaac: {  	v39 =	vadd.s32 v26, v37;
	_ =	sdelay $0x2  }
0xaad: {  	v38 =	vadd.f32 v38, v36;
	_ =	sdelay $0x1  }
0xaae: {  	[tilespmem:v39+s23+$0x0] =	vst.idx.msk $0xffff, v38  }
0xaaf: {  	v38 =	vld [tilespmem:s1+$0xA0];
	_ =	sdelay $0x1  }
0xab0: {  	v39 =	vadd.s32 v27, v37;
	_ =	sdelay $0x2  }
0xab1: {  	v38 =	vadd.f32 v38, v34;
	_ =	sdelay $0x1  }
0xab2: {  	[tilespmem:v39+s23+$0x0] =	vst.idx.msk $0xffff, v38  }
0xab3: {  	v38 =	vld [tilespmem:s1+$0xB0];
	_ =	sdelay $0x1  }
0xab4: {  	v37 =	vadd.s32 v28, v37;
	_ =	sdelay $0x1  }
0xab5: {  	s22 =	sadd.s32 $0x7, s0;
	s0 =	smov.u32 s16  }
0xab6: {  	v39 =	vmov s22;
	v38 =	vadd.f32 v38, v33  }
0xab7: {  	v39 =	vshrl.u32 v39, $0x3  }
0xab8: {  	[tilespmem:v37+s23+$0x0] =	vst.idx.msk $0xffff, v38;
	v37 =	vshll.u32 v39, v1  }
0xab9: {  	v38 =	vld [tilespmem:s1+$0xC0];
	v37 =	vbroadcast v37, $0x0;
	_ =	sdelay $0x1  }
0xaba: {  	v39 =	vadd.s32 v29, v37;
	_ =	sdelay $0x2  }
0xabb: {  	v38 =	vadd.f32 v38, v35;
	_ =	sdelay $0x1  }
0xabc: {  	[tilespmem:v39+s23+$0x0] =	vst.idx.msk $0xffff, v38  }
0xabd: {  	v38 =	vld [tilespmem:s1+$0xD0];
	_ =	sdelay $0x1  }
0xabe: {  	v39 =	vadd.s32 v30, v37;
	_ =	sdelay $0x2  }
0xabf: {  	v38 =	vadd.f32 v38, v36;
	_ =	sdelay $0x1  }
0xac0: {  	[tilespmem:v39+s23+$0x0] =	vst.idx.msk $0xffff, v38  }
0xac1: {  	v38 =	vld [tilespmem:s1+$0xE0];
	_ =	sdelay $0x1  }
0xac2: {  	v39 =	vadd.s32 v31, v37;
	_ =	sdelay $0x2  }
0xac3: {  	v38 =	vadd.f32 v38, v34;
	_ =	sdelay $0x1  }
0xac4: {  	[tilespmem:v39+s23+$0x0] =	vst.idx.msk $0xffff, v38  }
0xac5: {  	v38 =	vld [tilespmem:s1+$0xF0];
	_ =	sdelay $0x1  }
.Ltmp11:
0xac6: {  	v37 =	vadd.s32 v32, v37;
	(pc) =	sbr.rel @p0 .LBB2_24-.Ltmp11, $3  }
0xac7: {  	_ =	sdelay $0x1  }
0xac8: {  	v39 =	vmov s0;
	v38 =	vadd.f32 v38, v33  }
0xac9: {  	v39 =	vshrl.u32 v39, $0x3  }
0xaca: {  	_ =	sdelay $0x3  }
0xacb: {  	v39 =	vshll.u32 v39, v1;
	[tilespmem:v37+s23+$0x0] =	vst.idx.msk $0xffff, v38;
	s1 =	sadd.s32 $0x200, s1  }
0xacc: {  	v37 =	vld [tilespmem:s1+$0xFFFFFF00];
	v45 =	vbroadcast v39, $0x0;
	_ =	sdelay $0x1  }
0xacd: {  	v39 =	vadd.s32 v0, v45;
	_ =	sdelay $0x2  }
0xace: {  	v37 =	vadd.f32 v37, v35;
	_ =	sdelay $0x1  }
0xacf: {  	[tilespmem:v39+s23+$0x0] =	vst.idx.msk $0xffff, v37  }
0xad0: {  	v37 =	vld [tilespmem:s1+$0xFFFFFF10];
	_ =	sdelay $0x1  }
0xad1: {  	v46 =	vadd.s32 v2, v45;
	_ =	sdelay $0x2  }
0xad2: {  	v37 =	vadd.f32 v37, v36;
	_ =	sdelay $0x1  }
0xad3: {  	[tilespmem:v46+s23+$0x0] =	vst.idx.msk $0xffff, v37  }
0xad4: {  	v37 =	vld [tilespmem:s1+$0xFFFFFF20];
	_ =	sdelay $0x1  }
0xad5: {  	v47 =	vadd.s32 v3, v45;
	_ =	sdelay $0x2  }
0xad6: {  	v37 =	vadd.f32 v37, v34;
	_ =	sdelay $0x1  }
0xad7: {  	[tilespmem:v47+s23+$0x0] =	vst.idx.msk $0xffff, v37  }
0xad8: {  	v37 =	vld [tilespmem:s1+$0xFFFFFF30];
	_ =	sdelay $0x1  }
0xad9: {  	v38 =	vadd.s32 v4, v45;
	_ =	sdelay $0x1  }
0xada: {  	s14 =	sadd.s32 $0x1, s0  }
0xadb: {  	v48 =	vmov s14;
	v37 =	vadd.f32 v37, v33  }
0xadc: {  	v39 =	vshrl.u32 v48, $0x3  }
0xadd: {  	v49 =	vshll.u32 v39, v1;
	[tilespmem:v38+s23+$0x0] =	vst.idx.msk $0xffff, v37  }
0xade: {  	v37 =	vbroadcast v49, $0x0;
	v38 =	vld [tilespmem:s1+$0xFFFFFF40];
	_ =	sdelay $0x1  }
0xadf: {  	v50 =	vadd.s32 v5, v37;
	_ =	sdelay $0x2  }
0xae0: {  	v38 =	vadd.f32 v38, v35;
	_ =	sdelay $0x1  }
0xae1: {  	[tilespmem:v50+s23+$0x0] =	vst.idx.msk $0xffff, v38  }
0xae2: {  	v38 =	vld [tilespmem:s1+$0xFFFFFF50];
	_ =	sdelay $0x1  }
0xae3: {  	v51 =	vadd.s32 v6, v37;
	_ =	sdelay $0x2  }
0xae4: {  	v38 =	vadd.f32 v38, v36;
	_ =	sdelay $0x1  }
0xae5: {  	[tilespmem:v51+s23+$0x0] =	vst.idx.msk $0xffff, v38  }
0xae6: {  	v38 =	vld [tilespmem:s1+$0xFFFFFF60];
	_ =	sdelay $0x1  }
0xae7: {  	v52 =	vadd.s32 v7, v37;
	_ =	sdelay $0x2  }
0xae8: {  	v38 =	vadd.f32 v38, v34;
	_ =	sdelay $0x1  }
0xae9: {  	[tilespmem:v52+s23+$0x0] =	vst.idx.msk $0xffff, v38  }
0xaea: {  	v38 =	vld [tilespmem:s1+$0xFFFFFF70];
	_ =	sdelay $0x1  }
0xaeb: {  	v37 =	vadd.s32 v8, v37;
	_ =	sdelay $0x1  }
0xaec: {  	s22 =	sadd.s32 $0x2, s0  }
0xaed: {  	v53 =	vmov s22;
	v38 =	vadd.f32 v38, v33  }
0xaee: {  	v39 =	vshrl.u32 v53, $0x3  }
0xaef: {  	v54 =	vshll.u32 v39, v1;
	[tilespmem:v37+s23+$0x0] =	vst.idx.msk $0xffff, v38  }
0xaf0: {  	v37 =	vbroadcast v54, $0x0;
	v38 =	vld [tilespmem:s1+$0xFFFFFF80];
	_ =	sdelay $0x1  }
0xaf1: {  	v55 =	vadd.s32 v9, v37;
	_ =	sdelay $0x2  }
0xaf2: {  	v38 =	vadd.f32 v38, v35;
	_ =	sdelay $0x1  }
0xaf3: {  	[tilespmem:v55+s23+$0x0] =	vst.idx.msk $0xffff, v38  }
0xaf4: {  	v38 =	vld [tilespmem:s1+$0xFFFFFF90];
	_ =	sdelay $0x1  }
0xaf5: {  	v56 =	vadd.s32 v10, v37;
	_ =	sdelay $0x2  }
0xaf6: {  	v38 =	vadd.f32 v38, v36;
	_ =	sdelay $0x1  }
0xaf7: {  	[tilespmem:v56+s23+$0x0] =	vst.idx.msk $0xffff, v38  }
0xaf8: {  	v38 =	vld [tilespmem:s1+$0xFFFFFFA0];
	_ =	sdelay $0x1  }
0xaf9: {  	v57 =	vadd.s32 v11, v37;
	_ =	sdelay $0x2  }
0xafa: {  	v38 =	vadd.f32 v38, v34;
	_ =	sdelay $0x1  }
0xafb: {  	[tilespmem:v57+s23+$0x0] =	vst.idx.msk $0xffff, v38  }
0xafc: {  	v38 =	vld [tilespmem:s1+$0xFFFFFFB0];
	_ =	sdelay $0x1  }
0xafd: {  	v37 =	vadd.s32 v12, v37;
	_ =	sdelay $0x1  }
0xafe: {  	s30 =	sadd.s32 $0x3, s0  }
0xaff: {  	v58 =	vmov s30;
	v38 =	vadd.f32 v38, v33  }
0xb00: {  	v39 =	vshrl.u32 v58, $0x3  }
0xb01: {  	v59 =	vshll.u32 v39, v1;
	[tilespmem:v37+s23+$0x0] =	vst.idx.msk $0xffff, v38  }
0xb02: {  	v37 =	vbroadcast v59, $0x0;
	v38 =	vld [tilespmem:s1+$0xFFFFFFC0];
	_ =	sdelay $0x1  }
0xb03: {  	v60 =	vadd.s32 v13, v37;
	_ =	sdelay $0x2  }
0xb04: {  	v38 =	vadd.f32 v38, v35;
	_ =	sdelay $0x1  }
0xb05: {  	[tilespmem:v60+s23+$0x0] =	vst.idx.msk $0xffff, v38  }
0xb06: {  	v38 =	vld [tilespmem:s1+$0xFFFFFFD0];
	_ =	sdelay $0x1  }
0xb07: {  	v61 =	vadd.s32 v14, v37;
	_ =	sdelay $0x2  }
0xb08: {  	v38 =	vadd.f32 v38, v36;
	_ =	sdelay $0x1  }
0xb09: {  	[tilespmem:v61+s23+$0x0] =	vst.idx.msk $0xffff, v38  }
0xb0a: {  	v38 =	vld [tilespmem:s1+$0xFFFFFFE0];
	_ =	sdelay $0x1  }
0xb0b: {  	v62 =	vadd.s32 v15, v37;
	_ =	sdelay $0x2  }
0xb0c: {  	v38 =	vadd.f32 v38, v34;
	_ =	sdelay $0x1  }
0xb0d: {  	[tilespmem:v62+s23+$0x0] =	vst.idx.msk $0xffff, v38  }
0xb0e: {  	v38 =	vld [tilespmem:s1+$0xFFFFFFF0];
	_ =	sdelay $0x1  }
0xb0f: {  	v37 =	vadd.s32 v16, v37;
	_ =	sdelay $0x1  }
0xb10: {  	s31 =	sadd.s32 $0x4, s0  }
0xb11: {  	v63 =	vmov s31;
	v38 =	vadd.f32 v38, v33  }
0xb12: {  	v39 =	vshrl.u32 v63, $0x3  }
0xb13: {  	v41 =	vshll.u32 v39, v1;
	[tilespmem:v37+s23+$0x0] =	vst.idx.msk $0xffff, v38  }
0xb14: {  	v37 =	vbroadcast v41, $0x0;
	v38 =	vld [tilespmem:s1+$0x0];
	_ =	sdelay $0x1  }
0xb15: {  	v42 =	vadd.s32 v17, v37;
	_ =	sdelay $0x2  }
0xb16: {  	v38 =	vadd.f32 v38, v35;
	_ =	sdelay $0x1  }
0xb17: {  	[tilespmem:v42+s23+$0x0] =	vst.idx.msk $0xffff, v38  }
0xb18: {  	v38 =	vld [tilespmem:s1+$0x10];
	_ =	sdelay $0x1  }
0xb19: {  	v43 =	vadd.s32 v18, v37;
	_ =	sdelay $0x2  }
0xb1a: {  	v38 =	vadd.f32 v38, v36;
	_ =	sdelay $0x1  }
0xb1b: {  	[tilespmem:v43+s23+$0x0] =	vst.idx.msk $0xffff, v38  }
0xb1c: {  	v38 =	vld [tilespmem:s1+$0x20];
	_ =	sdelay $0x1  }
0xb1d: {  	v44 =	vadd.s32 v19, v37;
	_ =	sdelay $0x2  }
0xb1e: {  	v38 =	vadd.f32 v38, v34;
	_ =	sdelay $0x1  }
0xb1f: {  	[tilespmem:v44+s23+$0x0] =	vst.idx.msk $0xffff, v38  }
0xb20: {  	v38 =	vld [tilespmem:s1+$0x30];
	_ =	sdelay $0x1  }
0xb21: {  	v37 =	vadd.s32 v20, v37;
	_ =	sdelay $0x1  }
0xb22: {  	s16 =	sadd.s32 $0x5, s0  }
0xb23: {  	v45 =	vmov s16;
	v38 =	vadd.f32 v38, v33  }
0xb24: {  	v39 =	vshrl.u32 v45, $0x3  }
0xb25: {  	v46 =	vshll.u32 v39, v1;
	[tilespmem:v37+s23+$0x0] =	vst.idx.msk $0xffff, v38  }
0xb26: {  	v37 =	vbroadcast v46, $0x0;
	v38 =	vld [tilespmem:s1+$0x40];
	_ =	sdelay $0x1  }
0xb27: {  	v47 =	vadd.s32 v21, v37;
	_ =	sdelay $0x2  }
0xb28: {  	v38 =	vadd.f32 v38, v35;
	_ =	sdelay $0x1  }
0xb29: {  	[tilespmem:v47+s23+$0x0] =	vst.idx.msk $0xffff, v38  }
0xb2a: {  	v38 =	vld [tilespmem:s1+$0x50];
	_ =	sdelay $0x1  }
0xb2b: {  	v48 =	vadd.s32 v22, v37;
	_ =	sdelay $0x2  }
0xb2c: {  	v38 =	vadd.f32 v38, v36;
	_ =	sdelay $0x1  }
0xb2d: {  	[tilespmem:v48+s23+$0x0] =	vst.idx.msk $0xffff, v38  }
0xb2e: {  	v38 =	vld [tilespmem:s1+$0x60];
	_ =	sdelay $0x1  }
0xb2f: {  	v49 =	vadd.s32 v23, v37;
	_ =	sdelay $0x2  }
0xb30: {  	v38 =	vadd.f32 v38, v34;
	_ =	sdelay $0x1  }
0xb31: {  	[tilespmem:v49+s23+$0x0] =	vst.idx.msk $0xffff, v38  }
0xb32: {  	v38 =	vld [tilespmem:s1+$0x70];
	_ =	sdelay $0x1  }
0xb33: {  	v37 =	vadd.s32 v24, v37;
	_ =	sdelay $0x1  }
0xb34: {  	s22 =	sadd.s32 $0x6, s0  }
0xb35: {  	v50 =	vmov s22;
	v38 =	vadd.f32 v38, v33  }
0xb36: {  	v39 =	vshrl.u32 v50, $0x3  }
0xb37: {  	v51 =	vshll.u32 v39, v1;
	[tilespmem:v37+s23+$0x0] =	vst.idx.msk $0xffff, v38  }
0xb38: {  	v37 =	vbroadcast v51, $0x0;
	v38 =	vld [tilespmem:s1+$0x80];
	_ =	sdelay $0x1  }
0xb39: {  	v52 =	vadd.s32 v25, v37;
	_ =	sdelay $0x2  }
0xb3a: {  	v38 =	vadd.f32 v38, v35;
	_ =	sdelay $0x1  }
0xb3b: {  	[tilespmem:v52+s23+$0x0] =	vst.idx.msk $0xffff, v38  }
0xb3c: {  	v38 =	vld [tilespmem:s1+$0x90];
	_ =	sdelay $0x1  }
0xb3d: {  	v53 =	vadd.s32 v26, v37;
	_ =	sdelay $0x2  }
0xb3e: {  	v38 =	vadd.f32 v38, v36;
	_ =	sdelay $0x1  }
0xb3f: {  	[tilespmem:v53+s23+$0x0] =	vst.idx.msk $0xffff, v38  }
0xb40: {  	v38 =	vld [tilespmem:s1+$0xA0];
	_ =	sdelay $0x1  }
0xb41: {  	v54 =	vadd.s32 v27, v37;
	_ =	sdelay $0x2  }
0xb42: {  	v38 =	vadd.f32 v38, v34;
	_ =	sdelay $0x1  }
0xb43: {  	[tilespmem:v54+s23+$0x0] =	vst.idx.msk $0xffff, v38  }
0xb44: {  	v38 =	vld [tilespmem:s1+$0xB0];
	_ =	sdelay $0x1  }
0xb45: {  	v37 =	vadd.s32 v28, v37;
	_ =	sdelay $0x1  }
0xb46: {  	s30 =	sadd.s32 $0x7, s0  }
0xb47: {  	v55 =	vmov s30;
	v38 =	vadd.f32 v38, v33  }
0xb48: {  	v39 =	vshrl.u32 v55, $0x3  }
0xb49: {  	v56 =	vshll.u32 v39, v1;
	[tilespmem:v37+s23+$0x0] =	vst.idx.msk $0xffff, v38  }
0xb4a: {  	v37 =	vbroadcast v56, $0x0;
	v38 =	vld [tilespmem:s1+$0xC0];
	_ =	sdelay $0x1  }
0xb4b: {  	v57 =	vadd.s32 v29, v37;
	_ =	sdelay $0x2  }
0xb4c: {  	v58 =	vadd.f32 v38, v35;
	_ =	sdelay $0x1  }
0xb4d: {  	[tilespmem:v57+s23+$0x0] =	vst.idx.msk $0xffff, v58  }
0xb4e: {  	v35 =	vld [tilespmem:s1+$0xD0];
	_ =	sdelay $0x1  }
0xb4f: {  	v59 =	vadd.s32 v30, v37;
	_ =	sdelay $0x2  }
0xb50: {  	v35 =	vadd.f32 v35, v36;
	_ =	sdelay $0x1  }
0xb51: {  	[tilespmem:v59+s23+$0x0] =	vst.idx.msk $0xffff, v35  }
0xb52: {  	v35 =	vld [tilespmem:s1+$0xE0];
	_ =	sdelay $0x1  }
0xb53: {  	v60 =	vadd.s32 v31, v37;
	_ =	sdelay $0x2  }
0xb54: {  	v61 =	vadd.f32 v35, v34;
	_ =	sdelay $0x1  }
0xb55: {  	[tilespmem:v60+s23+$0x0] =	vst.idx.msk $0xffff, v61  }
0xb56: {  	v34 =	vld [tilespmem:s1+$0xF0];
	_ =	sdelay $0x1  }
0xb57: {  	v62 =	vadd.s32 v32, v37;
	_ =	sdelay $0x2  }
0xb58: {  	v63 =	vadd.f32 v34, v33;
	_ =	sdelay $0x1  }
0xb59: {  	s31 =	simm.s32 $0xF800;
	[tilespmem:v62+s23+$0x0] =	vst.idx.msk $0xffff, v63  }
0xb5a: {  	[hbm4b:s11+s3] =	stream.linear.scatter [tilespmem:s31], [sflag:$0x4], $0x80, $0x38;
	[tilespmem:$0x11A00] =	vst v63  }
0xb5b: {  	s14 =	sadd.s32 $0x10, s11;
	s1 =	simm.s32 $0xF888  }
0xb5c: {  	[hbm4b:s14+s3] =	stream.linear.scatter [tilespmem:s1], [sflag:$0x4], $0x80, $0x38;
	[tilespmem:$0x11A00] =	vst v63  }
0xb5d: {  	s29 =	sadd.s32 $0x70, s11;
	s16 =	simm.s32 $0xF910;
	s22 =	sadd.s32 $0x20, s11  }
0xb5e: {  	[hbm4b:s22+s3] =	stream.linear.scatter [tilespmem:s16], [sflag:$0x4], $0x80, $0x38;
	[tilespmem:$0x11A00] =	vst v63  }
0xb5f: {  	s0 =	simm.s32 $0x440;
	s30 =	simm.s32 $0xF998;
	s31 =	sadd.s32 $0x30, s11  }
0xb60: {  	[hbm4b:s31+s3] =	stream.linear.scatter [tilespmem:s30], [sflag:$0x4], $0x80, $0x38;
	[tilespmem:$0x11A00] =	vst v63  }
0xb61: {  	s1 =	simm.s32 $0xFA20;
	s14 =	sadd.s32 $0x40, s11;
	s16 =	simm.s32 $0xFAA8  }
0xb62: {  	[hbm4b:s14+s3] =	stream.linear.scatter [tilespmem:s1], [sflag:$0x4], $0x80, $0x38;
	[tilespmem:$0x11A00] =	vst v63  }
0xb63: {  	s22 =	sadd.s32 $0x50, s11;
	s30 =	simm.s32 $0xFB30;
	s31 =	sadd.s32 $0x60, s11  }
0xb64: {  	[hbm4b:s22+s3] =	stream.linear.scatter [tilespmem:s16], [sflag:$0x4], $0x80, $0x38;
	[tilespmem:$0x11A00] =	vst v63  }
0xb65: {  	s14 =	simm.s32 $0x2200;
	s1 =	sadd.s32 $0x1000, s11;
	s16 =	simm.s32 $0xFBB8  }
0xb66: {  	[hbm4b:s31+s3] =	stream.linear.scatter [tilespmem:s30], [sflag:$0x4], $0x80, $0x38;
	[tilespmem:$0x11A00] =	vst v63  }
.LBB2_26:
0xb67: {  	[hbm4b:s29+s3] =	stream.linear.scatter [tilespmem:s16], [sflag:$0x4], $0x80, $0x38;
	[tilespmem:$0x11A00] =	vst v63  }
0xb68: {  	s16 =	smov.u32 s0;
	s0 =	smov.u32 s14  }
0xb69: {  	s22 =	sadd.s32 $0x1100, s14;
	s0 =	sshra.s32 s0, $0x2;
	s29 =	sadd.s32 $0xF800, s16  }
0xb6a: {  	[hbm4b:s1+s3] =	stream.linear.scatter [tilespmem:s29], [sflag:$0x4], $0x80, $0x38;
	[tilespmem:$0x11A00] =	vst v63  }
0xb6b: {  	p0 =	sne.s32 s14, $0x7700;
	s14 =	sadd.s32 $0xF888, s16;
	s29 =	sadd.s32 $0x10, s1  }
0xb6c: {  	[hbm4b:s29+s3] =	stream.linear.scatter [tilespmem:s14], [sflag:$0x4], $0x80, $0x38;
	[tilespmem:$0x11A00] =	vst v63  }
0xb6d: {  	s14 =	sadd.s32 $0xF910, s16;
	s29 =	sadd.s32 $0x20, s1  }
0xb6e: {  	[hbm4b:s29+s3] =	stream.linear.scatter [tilespmem:s14], [sflag:$0x4], $0x80, $0x38;
	[tilespmem:$0x11A00] =	vst v63  }
0xb6f: {  	s14 =	sadd.s32 $0xF998, s16;
	s29 =	sadd.s32 $0x30, s1  }
0xb70: {  	[hbm4b:s29+s3] =	stream.linear.scatter [tilespmem:s14], [sflag:$0x4], $0x80, $0x38;
	[tilespmem:$0x11A00] =	vst v63  }
0xb71: {  	s14 =	sadd.s32 $0xFA20, s16;
	s29 =	sadd.s32 $0x40, s1  }
0xb72: {  	[hbm4b:s29+s3] =	stream.linear.scatter [tilespmem:s14], [sflag:$0x4], $0x80, $0x38;
	[tilespmem:$0x11A00] =	vst v63  }
.Ltmp12:
0xb73: {  	s14 =	sadd.s32 $0xFAA8, s16;
	s29 =	sadd.s32 $0x50, s1;
	(pc) =	sbr.rel @p0 .LBB2_26-.Ltmp12, $4  }
0xb74: {  	[hbm4b:s29+s3] =	stream.linear.scatter [tilespmem:s14], [sflag:$0x4], $0x80, $0x38;
	[tilespmem:$0x11A00] =	vst v63  }
0xb75: {  	s14 =	sadd.s32 $0xFB30, s16;
	s29 =	sadd.s32 $0x60, s1;
	s16 =	sadd.s32 $0xFBB8, s16  }
0xb76: {  	[hbm4b:s29+s3] =	stream.linear.scatter [tilespmem:s14], [sflag:$0x4], $0x80, $0x38;
	[tilespmem:$0x11A00] =	vst v63  }
0xb77: {  	s29 =	sadd.s32 $0x70, s1;
	s1 =	sadd.s32 $0x1000, s1;
	s14 =	smov.u32 s22  }
0xb78: {  	[hbm4b:s29+s3] =	stream.linear.scatter [tilespmem:s16], [sflag:$0x4], $0x80, $0x38;
	[tilespmem:$0x11A00] =	vst v63  }
0xb79: {  	s14 =	sadd.s32 $0xF800, s0  }
0xb7a: {  	[hbm4b:s1+s3] =	stream.linear.scatter [tilespmem:s14], [sflag:$0x4], $0x80, $0x38;
	[tilespmem:$0x11A00] =	vst v63  }
0xb7b: {  	s30 =	sadd.s32 $0xF888, s0;
	s31 =	sadd.s32 $0x10, s1  }
0xb7c: {  	[hbm4b:s31+s3] =	stream.linear.scatter [tilespmem:s30], [sflag:$0x4], $0x80, $0x38;
	[tilespmem:$0x11A00] =	vst v63  }
0xb7d: {  	s22 =	sadd.s32 $0xF910, s0;
	s29 =	sadd.s32 $0x20, s1  }
0xb7e: {  	[hbm4b:s29+s3] =	stream.linear.scatter [tilespmem:s22], [sflag:$0x4], $0x80, $0x38;
	[tilespmem:$0x11A00] =	vst v63  }
0xb7f: {  	s30 =	sadd.s32 $0xF998, s0;
	s31 =	sadd.s32 $0x30, s1  }
0xb80: {  	[hbm4b:s31+s3] =	stream.linear.scatter [tilespmem:s30], [sflag:$0x4], $0x80, $0x38;
	[tilespmem:$0x11A00] =	vst v63  }
0xb81: {  	s22 =	sadd.s32 $0xFA20, s0;
	s29 =	sadd.s32 $0x40, s1  }
0xb82: {  	[hbm4b:s29+s3] =	stream.linear.scatter [tilespmem:s22], [sflag:$0x4], $0x80, $0x38;
	[tilespmem:$0x11A00] =	vst v63  }
0xb83: {  	s30 =	sadd.s32 $0xFAA8, s0;
	s31 =	sadd.s32 $0x50, s1  }
0xb84: {  	[hbm4b:s31+s3] =	stream.linear.scatter [tilespmem:s30], [sflag:$0x4], $0x80, $0x38;
	[tilespmem:$0x11A00] =	vst v63  }
0xb85: {  	s22 =	sadd.s32 $0xFB30, s0;
	s29 =	sadd.s32 $0x60, s1  }
0xb86: {  	[hbm4b:s29+s3] =	stream.linear.scatter [tilespmem:s22], [sflag:$0x4], $0x80, $0x38;
	[tilespmem:$0x11A00] =	vst v63  }
0xb87: {  	s28 =	sadd.s32 $0x1, s28;
	s30 =	sadd.s32 $0xFBB8, s0;
	s31 =	sadd.s32 $0x70, s1  }
0xb88: {  	[hbm4b:s31+s3] =	stream.linear.scatter [tilespmem:s30], [sflag:$0x4], $0x80, $0x38;
	[tilespmem:$0x11A00] =	vst v63  }
0xb89: {  	p0 =	sne.s32 s28, s12;
	_ =	swait.ge [sflag:s24], $0x2000  }
.Ltmp13:
0xb8a: {  	[sflag:s24] =	ssyncset.done $0x0;
	(pc) =	sbr.rel @p0 .LBB2_1-.Ltmp13, $4  }
0xb8b: {  	[sflag:s24] =	ssyncadd.s32 $0xFFFFE000  }
0xb8c: {  	_ =	swait.ge [sflag:s25], $0x2000  }
0xb8d: {  	[sflag:s25] =	ssyncset.done $0x0  }
0xb8e: {  	[sflag:s25] =	ssyncadd.s32 $0xFFFFE000  }
0xb8f: {  	_ =	sfence.sel $0x180000  }
0xb90: {  	[bflag:$0x0] =	sbarrier.arrive $0xFFFF  }
0xb91: {  	_ =	strace $0x90000047  }
0xb92: {  	s0 =	stileid.u32;
	[bflag:$0x2] =	sbarrier.arrive $0xFFFF  }
0xb93: {  	p0 =	sne.s32 s0, $0x0;
	s0 =	rddreg [dreg:$0x2]  }
0xb94: {  	s0 =	sadd.s32 @!p0 $0x100000, s0  }
0xb95: {  	[sflag:s0] =	ssyncadd.tile.s32 @!p0 $0x1;
	_ =	shalt  }
.Lfunc_end2:
_tile_overlayer_lowered:
.L_overlay_start_2:
0xb96: {  	(tag) =	ssettag $0x2  }
0xb97: {  	s0 =	rddreg [dreg:$0x0];
	s2 =	stileid.u32  }
0xb98: {  	s1 =	rddreg [dreg:$0x1];
	p0 =	sne.s32 s2, $0x0  }
0xb99: {  	s3 =	rddreg [dreg:$0x2];
	[bflag:$0x3] =	sbarrier.arrive $0xFFFF;
	s2 =	simm.s32 @!p0 $0x1C05  }
0xb9a: {  	[timem:s3], [sflag:s2] =	dma.local @!p0 [hbm:s0], s1  }
0xb9b: {  	s0 =	simm.s32 @!p0 $0x5  }
0xb9c: {  	_ =	swait.ge @!p0 [sflag:s0], s1  }
0xb9d: {  	s1 =	ssub.s32 @!p0 $0x0, s1;
	[sflag:s0] =	ssyncset.done @!p0 $0x0  }
0xb9e: {  	[sflag:s0] =	ssyncadd.s32 @!p0 s1  }
0xb9f: {  	[bflag:$0x3] =	sbarrier.arrive $0xFFFF  }
0xba0: {  	_ =	shalt  }

</sc_bundles>
